<compile_context>
chip_gen: v7x
topology: tpu7x:2x2x1
jax: 0.10.2.dev20260603
libtpu: 0.0.44.dev20260713+nightly
codegen_flags: <defaults>
</compile_context>

<pallas_src>
import jax
import jax.numpy as jnp
from jax import lax
from jax.experimental import pallas as pl
from jax.experimental.pallas import tpu as pltpu
from jax.experimental.pallas import tpu_sc as plsc

N = 10000
E = 320000
D = 128

NC = 2
NS = 16
HD = D // NC
EPT = E // NS
CH = 80
NCHUNK = EPT // CH
HCHUNK = NCHUNK // 2
NBUF = 5
LA = 2
NI = 10
IA = 4
ROUNDS = NCHUNK // NI
CLAG = 3
TPX = N // NS
NP = 10240
TPN = NP // NS
SCH = 128
CW = 16


def _make_agg_body(with_counts):
    def body(x_hbm, edge_hbm, zrow_hbm, zcnt_hbm, ones_hbm,
             outp_hbm, outc_hbm, *scratch):
        rows = scratch[0:NBUF]
        iring = scratch[NBUF:NBUF + NI]
        ones_v, x_sh, agg_sh, cnt_sh = scratch[NBUF + NI:NBUF + NI + 4]
        k = NBUF + NI + 4
        gsem = scratch[k:k + NBUF]
        ssem = scratch[k + NBUF:k + 2 * NBUF]
        isem = scratch[k + 2 * NBUF:k + 2 * NBUF + NI]
        csem = scratch[k + 2 * NBUF + NI]

        cid = lax.axis_index("c")
        sid = lax.axis_index("s")
        base = pl.multiple_of(sid * TPN, 8)
        xbase = sid * TPX
        lo = cid * HCHUNK

        def gissue(e, b):
            pltpu.async_copy(x_sh.at[iring[e].at[0]], rows[b], gsem[b])

        if with_counts:
            pltpu.sync_copy(ones_hbm, ones_v)

        @pl.when(cid == 0)
        def _():
            pltpu.sync_copy(x_hbm.at[pl.ds(xbase, TPX), pl.ds(0, HD)],
                            x_sh.at[pl.ds(xbase, TPX)])

        @pl.when(cid == 1)
        def _():
            pltpu.sync_copy(x_hbm.at[pl.ds(xbase, TPX), pl.ds(HD, HD)],
                            x_sh.at[pl.ds(xbase, TPX)])
        pltpu.sync_copy(zrow_hbm, agg_sh.at[pl.ds(base, TPN)])
        if with_counts:
            pltpu.sync_copy(zcnt_hbm, cnt_sh.at[pl.ds(base, TPN)])
        plsc.subcore_barrier()

        ebase = sid * EPT

        def iload(e, c):
            off = ebase + c * CH
            pltpu.async_copy(edge_hbm.at[0, pl.ds(off, CH)], iring[e].at[0],
                             isem[e])
            pltpu.async_copy(edge_hbm.at[1, pl.ds(off, CH)], iring[e].at[1],
                             isem[e])

        def iwait(e):
            pltpu.make_async_copy(edge_hbm.at[0, pl.ds(0, CH)], iring[e].at[0],
                                  isem[e]).wait()
            pltpu.make_async_copy(edge_hbm.at[1, pl.ds(0, CH)], iring[e].at[1],
                                  isem[e]).wait()

        def gwait(b):
            pltpu.make_async_copy(x_sh.at[iring[0].at[0]], rows[b],
                                  gsem[b]).wait()

        def swait(b):
            pltpu.make_async_copy(rows[b], agg_sh.at[iring[0].at[1]],
                                  ssem[b]).wait()

        def cwait():
            pltpu.make_async_copy(ones_v, cnt_sh.at[iring[0].at[1]],
                                  csem).wait()

        for c in range(IA):
            iload(c, c)
        for b in range(LA):
            iwait(b)
            gissue(b, b)

        @pl.loop(0, ROUNDS)
        def _(g):
            for u in range(NI):
                j = g * NI + u
                bb = (u + LA) % NBUF
                e2 = (u + LA) % NI
                e3 = (u + IA) % NI
                jj = j + LA
                jjj = j + IA

                @pl.when(jjj < NCHUNK)
                def _():
                    iload(e3, jjj)

                @pl.when(jj >= NBUF)
                def _():
                    swait(bb)

                @pl.when(jj < NCHUNK)
                def _():
                    iwait(e2)
                    gissue(e2, bb)

                gwait(u % NBUF)
                pltpu.async_copy(rows[u % NBUF], agg_sh.at[iring[u].at[1]],
                                 ssem[u % NBUF], add=True)

                if with_counts:
                    @pl.when((j >= lo) & (j < lo + HCHUNK))
                    def _():
                        @pl.when(j >= lo + CLAG)
                        def _():
                            cwait()
                        pltpu.async_copy(ones_v, cnt_sh.at[iring[u].at[1]],
                                         csem, add=True)

        for kk in range(NCHUNK - (NBUF - LA), NCHUNK):
            swait(kk % NBUF)
        if with_counts:
            @pl.loop(0, CLAG)
            def _(t):
                cwait()
        plsc.subcore_barrier()

        @pl.when(cid == 0)
        def _():
            pltpu.sync_copy(agg_sh.at[pl.ds(base, TPN)],
                            outp_hbm.at[pl.ds(base, TPN), pl.ds(0, HD)])
            if with_counts:
                pltpu.sync_copy(cnt_sh.at[pl.ds(base, TPN)],
                                outc_hbm.at[pl.ds(base, TPN), pl.ds(0, CW)])

        @pl.when(cid == 1)
        def _():
            pltpu.sync_copy(agg_sh.at[pl.ds(base, TPN)],
                            outp_hbm.at[pl.ds(base, TPN), pl.ds(HD, HD)])
            if with_counts:
                pltpu.sync_copy(cnt_sh.at[pl.ds(base, TPN)],
                                outc_hbm.at[pl.ds(base, TPN), pl.ds(CW, CW)])

    return body


def _sc_aggregate(x, edge, zrow, zcnt, ones, with_counts):
    mesh = plsc.VectorSubcoreMesh(core_axis_name="c", subcore_axis_name="s")
    return pl.kernel(
        _make_agg_body(with_counts),
        out_type=[
            jax.ShapeDtypeStruct((NP, D), jnp.float32),
            jax.ShapeDtypeStruct((NP, D), jnp.float32),
        ],
        mesh=mesh,
        compiler_params=pltpu.CompilerParams(use_tc_tiling_on_sc=False),
        scratch_types=(
            [pltpu.VMEM((CH, HD), jnp.float32) for _ in range(NBUF)]
            + [pltpu.VMEM((2, CH), jnp.int32) for _ in range(NI)]
            + [
                pltpu.VMEM((CH, CW), jnp.float32),
                pltpu.VMEM_SHARED((N, HD), jnp.float32),
                pltpu.VMEM_SHARED((NP, HD), jnp.float32),
                pltpu.VMEM_SHARED((NP, CW), jnp.float32),
            ]
            + [pltpu.SemaphoreType.DMA for _ in range(2 * NBUF + NI + 1)]
        ),
    )(x, edge, zrow, zcnt, ones)


ROWS_BLK = 2000


def _combine_body(p_ref, c_ref, x_ref, wlT_ref, wrT_ref, b_ref, o_ref):
    cnt = c_ref[:, 0:1] + c_ref[:, CW:CW + 1]
    recip = 1.0 / jnp.maximum(cnt, 1.0)
    mean = p_ref[...] * recip
    h = (jnp.dot(mean, wlT_ref[...], preferred_element_type=jnp.float32)
         + jnp.dot(x_ref[...], wrT_ref[...], preferred_element_type=jnp.float32)
         + b_ref[...])
    o_ref[...] = jnp.maximum(h, 0.0)


def _tc_combine(p, c, x, wlT, wrT, b):
    grid = (N // ROWS_BLK,)
    return pl.pallas_call(
        _combine_body,
        grid=grid,
        in_specs=[
            pl.BlockSpec((ROWS_BLK, D), lambda i: (i, 0)),
            pl.BlockSpec((ROWS_BLK, D), lambda i: (i, 0)),
            pl.BlockSpec((ROWS_BLK, D), lambda i: (i, 0)),
            pl.BlockSpec((D, D), lambda i: (0, 0)),
            pl.BlockSpec((D, D), lambda i: (0, 0)),
            pl.BlockSpec((1, D), lambda i: (0, 0)),
        ],
        out_specs=pl.BlockSpec((ROWS_BLK, D), lambda i: (i, 0)),
        out_shape=jax.ShapeDtypeStruct((N, D), jnp.float32),
    )(p, c, x, wlT, wrT, b)


def kernel(x, edge_index, Wl1, Wr1, b1, Wl2, Wr2, b2):
    edge = edge_index.astype(jnp.int32)
    zrow = jnp.zeros((TPN, HD), jnp.float32)
    zcnt = jnp.zeros((TPN, CW), jnp.float32)
    ones = jnp.ones((CH, CW), jnp.float32)

    p1, c1 = _sc_aggregate(x, edge, zrow, zcnt, ones, True)
    h1 = _tc_combine(p1, c1, x, Wl1.T, Wr1.T, b1.reshape(1, D))
    p2, _ = _sc_aggregate(h1, edge, zrow, zcnt, ones, False)
    h2 = _tc_combine(p2, c1, h1, Wl2.T, Wr2.T, b2.reshape(1, D))
    return h2

# --- scband reference (transcript-rebuilt; emitter-appended) ---
"""Pipeline reference for scband-graph-sagemodel-48687749267968 (READ-ONLY COPY).

The authoritative reference and input builder live on the scoring server;
editing this copy changes nothing except your own understanding.
"""

import jax, jax.numpy as jnp
import numpy as np

N_NODES = 10000
N_EDGES = 320000
D = 128
H = 128


def _sage_conv(x, edge_index, Wl, Wr, b):
    # PyG SAGEConv with mean aggregation:
    #   out = lin_l(mean_{j in N(i)} x_j) + lin_r(x_i)
    src = edge_index[0]
    dst = edge_index[1]
    msgs = jnp.take(x, src, axis=0)
    agg = jax.ops.segment_sum(msgs, dst, num_segments=N_NODES)
    cnt = jax.ops.segment_sum(jnp.ones((msgs.shape[0],), dtype=x.dtype), dst, num_segments=N_NODES)
    mean = agg / jnp.clip(cnt, 1.0, None)[:, None]
    return mean @ Wl.T + b + x @ Wr.T


def setup_inputs(seed: int = 0) -> dict:
    key = jax.random.key(seed)
    ks = jax.random.split(key, 8)
    x = jax.random.normal(ks[0], (N_NODES, D), dtype=jnp.float32)
    edge_index = jax.random.randint(ks[1], (2, N_EDGES), 0, N_NODES, dtype=jnp.int64)
    s1 = 1.0 / np.sqrt(D)
    s2 = 1.0 / np.sqrt(H)
    Wl1 = jax.random.uniform(ks[2], (H, D), jnp.float32, -s1, s1)
    Wr1 = jax.random.uniform(ks[3], (H, D), jnp.float32, -s1, s1)
    b1 = jnp.zeros((H,), dtype=jnp.float32)
    Wl2 = jax.random.uniform(ks[4], (H, H), jnp.float32, -s2, s2)
    Wr2 = jax.random.uniform(ks[5], (H, H), jnp.float32, -s2, s2)
    b2 = jnp.zeros((H,), dtype=jnp.float32)
    return {"x": x, "edge_index": edge_index, "Wl1": Wl1, "Wr1": Wr1, "b1": b1,
            "Wl2": Wl2, "Wr2": Wr2, "b2": b2}


def reference(x, edge_index, Wl1, Wr1, b1, Wl2, Wr2, b2):
    # layer 1 + relu (dropout p=0.0 / eval mode -> identity)
    h = _sage_conv(x, edge_index, Wl1, Wr1, b1)
    h = jax.nn.relu(h)
    # layer 2 + relu
    h = _sage_conv(h, edge_index, Wl2, Wr2, b2)
    h = jax.nn.relu(h)
    return h

if __name__ == "__main__":
    import jax
    _d = setup_inputs()
    print(jax.jit(kernel)(*tuple(_d.values())))

</pallas_src>

<mosaic_0001>
#map = affine_map<(d0, d1) -> (0, 0)>
module attributes {stable_mosaic.version = 14 : i64} {
  func.func @body(%arg0: i32, %arg1: i32, %arg2: memref<10000x128xf32, #tpu.memory_space<hbm>>, %arg3: memref<2x320000xi32, #tpu.memory_space<hbm>>, %arg4: memref<640x64xf32, #tpu.memory_space<hbm>>, %arg5: memref<640x16xf32, #tpu.memory_space<hbm>>, %arg6: memref<80x16xf32, #tpu.memory_space<hbm>>, %arg7: memref<10240x128xf32, #tpu.memory_space<hbm>>, %arg8: memref<10240x128xf32, #tpu.memory_space<hbm>>, %arg9: memref<80x64xf32, #tpu.memory_space<vmem>>, %arg10: memref<80x64xf32, #tpu.memory_space<vmem>>, %arg11: memref<80x64xf32, #tpu.memory_space<vmem>>, %arg12: memref<80x64xf32, #tpu.memory_space<vmem>>, %arg13: memref<80x64xf32, #tpu.memory_space<vmem>>, %arg14: memref<2x80xi32, #tpu.memory_space<vmem>>, %arg15: memref<2x80xi32, #tpu.memory_space<vmem>>, %arg16: memref<2x80xi32, #tpu.memory_space<vmem>>, %arg17: memref<2x80xi32, #tpu.memory_space<vmem>>, %arg18: memref<2x80xi32, #tpu.memory_space<vmem>>, %arg19: memref<2x80xi32, #tpu.memory_space<vmem>>, %arg20: memref<2x80xi32, #tpu.memory_space<vmem>>, %arg21: memref<2x80xi32, #tpu.memory_space<vmem>>, %arg22: memref<2x80xi32, #tpu.memory_space<vmem>>, %arg23: memref<2x80xi32, #tpu.memory_space<vmem>>, %arg24: memref<80x16xf32, #tpu.memory_space<vmem>>, %arg25: memref<10000x64xf32, #tpu.memory_space<vmem_shared>>, %arg26: memref<10240x64xf32, #tpu.memory_space<vmem_shared>>, %arg27: memref<10240x16xf32, #tpu.memory_space<vmem_shared>>, %arg28: memref<!tpu.dma_semaphore, #tpu.memory_space<semaphore_mem>>, %arg29: memref<!tpu.dma_semaphore, #tpu.memory_space<semaphore_mem>>, %arg30: memref<!tpu.dma_semaphore, #tpu.memory_space<semaphore_mem>>, %arg31: memref<!tpu.dma_semaphore, #tpu.memory_space<semaphore_mem>>, %arg32: memref<!tpu.dma_semaphore, #tpu.memory_space<semaphore_mem>>, %arg33: memref<!tpu.dma_semaphore, #tpu.memory_space<semaphore_mem>>, %arg34: memref<!tpu.dma_semaphore, #tpu.memory_space<semaphore_mem>>, %arg35: memref<!tpu.dma_semaphore, #tpu.memory_space<semaphore_mem>>, %arg36: memref<!tpu.dma_semaphore, #tpu.memory_space<semaphore_mem>>, %arg37: memref<!tpu.dma_semaphore, #tpu.memory_space<semaphore_mem>>, %arg38: memref<!tpu.dma_semaphore, #tpu.memory_space<semaphore_mem>>, %arg39: memref<!tpu.dma_semaphore, #tpu.memory_space<semaphore_mem>>, %arg40: memref<!tpu.dma_semaphore, #tpu.memory_space<semaphore_mem>>, %arg41: memref<!tpu.dma_semaphore, #tpu.memory_space<semaphore_mem>>, %arg42: memref<!tpu.dma_semaphore, #tpu.memory_space<semaphore_mem>>, %arg43: memref<!tpu.dma_semaphore, #tpu.memory_space<semaphore_mem>>, %arg44: memref<!tpu.dma_semaphore, #tpu.memory_space<semaphore_mem>>, %arg45: memref<!tpu.dma_semaphore, #tpu.memory_space<semaphore_mem>>, %arg46: memref<!tpu.dma_semaphore, #tpu.memory_space<semaphore_mem>>, %arg47: memref<!tpu.dma_semaphore, #tpu.memory_space<semaphore_mem>>, %arg48: memref<!tpu.dma_semaphore, #tpu.memory_space<semaphore_mem>>) attributes {dimension_semantics = [#tpu.dimension_semantics<core_parallel>, #tpu.dimension_semantics<subcore_parallel>], iteration_bounds = array<i64: 2, 16>, scalar_prefetch = 0 : i64, scratch_operands = 40 : i64, tpu.core_type = #tpu.core_type<sc_vector_subcore>, window_params = [{transform_indices = #map}, {transform_indices = #map}, {transform_indices = #map}, {transform_indices = #map}, {transform_indices = #map}, {transform_indices = #map}, {transform_indices = #map}]} {
    %mul3A = arith.constant 640 : i32
    %mul3A_0 = arith.muli %arg1, %mul3A : i32
    %multiple_of3A = tpu.assume_multiple %mul3A_0, 8 : i32
    %mul3A_1 = arith.constant 625 : i32
    %mul3A_2 = arith.muli %arg1, %mul3A_1 : i32
    %mul3A_3 = arith.constant 125 : i32
    %mul3A_4 = arith.muli %arg0, %mul3A_3 : i32
    %eq3A = arith.constant 0 : i32
    %eq3A_5 = arith.cmpi eq, %arg0, %eq3A : i32
    %convert_element_type3A = arith.extui %eq3A_5 : i1 to i32
    %cond3A = arith.constant 0 : i32
    %cond3A_6 = arith.cmpi ne, %convert_element_type3A, %cond3A : i32
    scf.if %cond3A_6 {
      "tpu.region"() ({
        %run_scoped3A = tpu.sem_alloc : memref<!tpu.dma_semaphore, #tpu.memory_space<semaphore_mem>>
        %dma_start3A_221 = arith.constant 0 : i32
        %dma_start3A_222 = tpu.memref_slice %arg25[%mul3A_2, %dma_start3A_221] : memref<10000x64xf32, #tpu.memory_space<vmem_shared>> -> memref<625x64xf32, #tpu.memory_space<vmem_shared>>
        %dma_start3A_223 = arith.constant 0 : i32
        %dma_start3A_224 = tpu.memref_slice %arg2[%mul3A_2, %dma_start3A_223] : memref<10000x128xf32, #tpu.memory_space<hbm>> -> memref<625x64xf32, #tpu.memory_space<hbm>>
        tpu.enqueue_dma source(%dma_start3A_224 : memref<625x64xf32, #tpu.memory_space<hbm>>) target(%dma_start3A_222 : memref<625x64xf32, #tpu.memory_space<vmem_shared>>) target_semaphore(%run_scoped3A : memref<!tpu.dma_semaphore, #tpu.memory_space<semaphore_mem>>)
        %dma_wait3A_225 = arith.constant 0 : i32
        %dma_wait3A_226 = tpu.memref_slice %arg25[%mul3A_2, %dma_wait3A_225] : memref<10000x64xf32, #tpu.memory_space<vmem_shared>> -> memref<625x64xf32, #tpu.memory_space<vmem_shared>>
        %dma_wait3A_227 = arith.constant 0 : i32
        %dma_wait3A_228 = tpu.memref_slice %arg2[%mul3A_2, %dma_wait3A_227] : memref<10000x128xf32, #tpu.memory_space<hbm>> -> memref<625x64xf32, #tpu.memory_space<hbm>>
        tpu.wait_dma2 semaphore(%run_scoped3A : memref<!tpu.dma_semaphore, #tpu.memory_space<semaphore_mem>>) src(%dma_wait3A_228 : memref<625x64xf32, #tpu.memory_space<hbm>>) dst(%dma_wait3A_226 : memref<625x64xf32, #tpu.memory_space<vmem_shared>>)
        tpu.yield
      }) : () -> ()
    } else {
    }
    %eq3A_7 = arith.constant 1 : i32
    %eq3A_8 = arith.cmpi eq, %arg0, %eq3A_7 : i32
    %convert_element_type3A_9 = arith.extui %eq3A_8 : i1 to i32
    %cond3A_10 = arith.constant 0 : i32
    %cond3A_11 = arith.cmpi ne, %convert_element_type3A_9, %cond3A_10 : i32
    scf.if %cond3A_11 {
      "tpu.region"() ({
        %run_scoped3A = tpu.sem_alloc : memref<!tpu.dma_semaphore, #tpu.memory_space<semaphore_mem>>
        %dma_start3A_221 = arith.constant 0 : i32
        %dma_start3A_222 = tpu.memref_slice %arg25[%mul3A_2, %dma_start3A_221] : memref<10000x64xf32, #tpu.memory_space<vmem_shared>> -> memref<625x64xf32, #tpu.memory_space<vmem_shared>>
        %dma_start3A_223 = arith.constant 64 : i32
        %dma_start3A_224 = tpu.memref_slice %arg2[%mul3A_2, %dma_start3A_223] : memref<10000x128xf32, #tpu.memory_space<hbm>> -> memref<625x64xf32, #tpu.memory_space<hbm>>
        tpu.enqueue_dma source(%dma_start3A_224 : memref<625x64xf32, #tpu.memory_space<hbm>>) target(%dma_start3A_222 : memref<625x64xf32, #tpu.memory_space<vmem_shared>>) target_semaphore(%run_scoped3A : memref<!tpu.dma_semaphore, #tpu.memory_space<semaphore_mem>>)
        %dma_wait3A_225 = arith.constant 0 : i32
        %dma_wait3A_226 = tpu.memref_slice %arg25[%mul3A_2, %dma_wait3A_225] : memref<10000x64xf32, #tpu.memory_space<vmem_shared>> -> memref<625x64xf32, #tpu.memory_space<vmem_shared>>
        %dma_wait3A_227 = arith.constant 64 : i32
        %dma_wait3A_228 = tpu.memref_slice %arg2[%mul3A_2, %dma_wait3A_227] : memref<10000x128xf32, #tpu.memory_space<hbm>> -> memref<625x64xf32, #tpu.memory_space<hbm>>
        tpu.wait_dma2 semaphore(%run_scoped3A : memref<!tpu.dma_semaphore, #tpu.memory_space<semaphore_mem>>) src(%dma_wait3A_228 : memref<625x64xf32, #tpu.memory_space<hbm>>) dst(%dma_wait3A_226 : memref<625x64xf32, #tpu.memory_space<vmem_shared>>)
        tpu.yield
      }) : () -> ()
    } else {
    }
    "tpu.region"() ({
      %run_scoped3A = tpu.sem_alloc : memref<!tpu.dma_semaphore, #tpu.memory_space<semaphore_mem>>
      %dma_start3A_221 = arith.constant 0 : i32
      %dma_start3A_222 = tpu.memref_slice %arg26[%multiple_of3A, %dma_start3A_221] : memref<10240x64xf32, #tpu.memory_space<vmem_shared>> -> memref<640x64xf32, #tpu.memory_space<vmem_shared>>
      tpu.enqueue_dma source(%arg4 : memref<640x64xf32, #tpu.memory_space<hbm>>) target(%dma_start3A_222 : memref<640x64xf32, #tpu.memory_space<vmem_shared>>) target_semaphore(%run_scoped3A : memref<!tpu.dma_semaphore, #tpu.memory_space<semaphore_mem>>)
      %dma_wait3A_223 = arith.constant 0 : i32
      %dma_wait3A_224 = tpu.memref_slice %arg26[%multiple_of3A, %dma_wait3A_223] : memref<10240x64xf32, #tpu.memory_space<vmem_shared>> -> memref<640x64xf32, #tpu.memory_space<vmem_shared>>
      tpu.wait_dma2 semaphore(%run_scoped3A : memref<!tpu.dma_semaphore, #tpu.memory_space<semaphore_mem>>) src(%arg4 : memref<640x64xf32, #tpu.memory_space<hbm>>) dst(%dma_wait3A_224 : memref<640x64xf32, #tpu.memory_space<vmem_shared>>)
      tpu.yield
    }) : () -> ()
    %barrier3A = arith.constant 0 : index
    tpu.barrier barrier_id(%barrier3A)
    %mul3A_12 = arith.constant 20000 : i32
    %mul3A_13 = arith.muli %arg1, %mul3A_12 : i32
    %add3A = arith.constant 0 : i32
    %add3A_14 = arith.addi %mul3A_13, %add3A : i32
    %dma_start3A = arith.constant 0 : i32
    %dma_start3A_15 = arith.constant 0 : i32
    %dma_start3A_16 = arith.constant 0 : i32
    %dma_start3A_17 = tpu.memref_slice %arg14[%dma_start3A_15, %dma_start3A_16] : memref<2x80xi32, #tpu.memory_space<vmem>> -> memref<1x80xi32, #tpu.memory_space<vmem>>
    %dma_start3A_18 = tpu.memref_squeeze %dma_start3A_17 : memref<1x80xi32, #tpu.memory_space<vmem>> -> memref<80xi32, #tpu.memory_space<vmem>>
    %dma_start3A_19 = tpu.memref_slice %arg3[%dma_start3A, %add3A_14] : memref<2x320000xi32, #tpu.memory_space<hbm>> -> memref<1x80xi32, #tpu.memory_space<hbm>>
    %dma_start3A_20 = tpu.memref_squeeze %dma_start3A_19 : memref<1x80xi32, #tpu.memory_space<hbm>> -> memref<80xi32, #tpu.memory_space<hbm>>
    %dma_start3A_21 = arith.constant 0 : i32
    %dma_start3A_22 = tpu.memref_slice %arg14[%dma_start3A_15, %dma_start3A_21] : memref<2x80xi32, #tpu.memory_space<vmem>> -> memref<1x80xi32, #tpu.memory_space<vmem>>
    %dma_start3A_23 = tpu.memref_squeeze %dma_start3A_22 : memref<1x80xi32, #tpu.memory_space<vmem>> -> memref<80xi32, #tpu.memory_space<vmem>>
    %dma_start3A_24 = tpu.memref_slice %arg3[%dma_start3A, %add3A_14] : memref<2x320000xi32, #tpu.memory_space<hbm>> -> memref<1x80xi32, #tpu.memory_space<hbm>>
    %dma_start3A_25 = tpu.memref_squeeze %dma_start3A_24 : memref<1x80xi32, #tpu.memory_space<hbm>> -> memref<80xi32, #tpu.memory_space<hbm>>
    tpu.enqueue_dma source(%dma_start3A_25 : memref<80xi32, #tpu.memory_space<hbm>>) target(%dma_start3A_23 : memref<80xi32, #tpu.memory_space<vmem>>) target_semaphore(%arg38 : memref<!tpu.dma_semaphore, #tpu.memory_space<semaphore_mem>>)
    %dma_start3A_26 = arith.constant 1 : i32
    %dma_start3A_27 = arith.constant 1 : i32
    %dma_start3A_28 = arith.constant 0 : i32
    %dma_start3A_29 = tpu.memref_slice %arg14[%dma_start3A_27, %dma_start3A_28] : memref<2x80xi32, #tpu.memory_space<vmem>> -> memref<1x80xi32, #tpu.memory_space<vmem>>
    %dma_start3A_30 = tpu.memref_squeeze %dma_start3A_29 : memref<1x80xi32, #tpu.memory_space<vmem>> -> memref<80xi32, #tpu.memory_space<vmem>>
    %dma_start3A_31 = tpu.memref_slice %arg3[%dma_start3A_26, %add3A_14] : memref<2x320000xi32, #tpu.memory_space<hbm>> -> memref<1x80xi32, #tpu.memory_space<hbm>>
    %dma_start3A_32 = tpu.memref_squeeze %dma_start3A_31 : memref<1x80xi32, #tpu.memory_space<hbm>> -> memref<80xi32, #tpu.memory_space<hbm>>
    %dma_start3A_33 = arith.constant 0 : i32
    %dma_start3A_34 = tpu.memref_slice %arg14[%dma_start3A_27, %dma_start3A_33] : memref<2x80xi32, #tpu.memory_space<vmem>> -> memref<1x80xi32, #tpu.memory_space<vmem>>
    %dma_start3A_35 = tpu.memref_squeeze %dma_start3A_34 : memref<1x80xi32, #tpu.memory_space<vmem>> -> memref<80xi32, #tpu.memory_space<vmem>>
    %dma_start3A_36 = tpu.memref_slice %arg3[%dma_start3A_26, %add3A_14] : memref<2x320000xi32, #tpu.memory_space<hbm>> -> memref<1x80xi32, #tpu.memory_space<hbm>>
    %dma_start3A_37 = tpu.memref_squeeze %dma_start3A_36 : memref<1x80xi32, #tpu.memory_space<hbm>> -> memref<80xi32, #tpu.memory_space<hbm>>
    tpu.enqueue_dma source(%dma_start3A_37 : memref<80xi32, #tpu.memory_space<hbm>>) target(%dma_start3A_35 : memref<80xi32, #tpu.memory_space<vmem>>) target_semaphore(%arg38 : memref<!tpu.dma_semaphore, #tpu.memory_space<semaphore_mem>>)
    %add3A_38 = arith.constant 80 : i32
    %add3A_39 = arith.addi %mul3A_13, %add3A_38 : i32
    %dma_start3A_40 = arith.constant 0 : i32
    %dma_start3A_41 = arith.constant 0 : i32
    %dma_start3A_42 = arith.constant 0 : i32
    %dma_start3A_43 = tpu.memref_slice %arg15[%dma_start3A_41, %dma_start3A_42] : memref<2x80xi32, #tpu.memory_space<vmem>> -> memref<1x80xi32, #tpu.memory_space<vmem>>
    %dma_start3A_44 = tpu.memref_squeeze %dma_start3A_43 : memref<1x80xi32, #tpu.memory_space<vmem>> -> memref<80xi32, #tpu.memory_space<vmem>>
    %dma_start3A_45 = tpu.memref_slice %arg3[%dma_start3A_40, %add3A_39] : memref<2x320000xi32, #tpu.memory_space<hbm>> -> memref<1x80xi32, #tpu.memory_space<hbm>>
    %dma_start3A_46 = tpu.memref_squeeze %dma_start3A_45 : memref<1x80xi32, #tpu.memory_space<hbm>> -> memref<80xi32, #tpu.memory_space<hbm>>
    %dma_start3A_47 = arith.constant 0 : i32
    %dma_start3A_48 = tpu.memref_slice %arg15[%dma_start3A_41, %dma_start3A_47] : memref<2x80xi32, #tpu.memory_space<vmem>> -> memref<1x80xi32, #tpu.memory_space<vmem>>
    %dma_start3A_49 = tpu.memref_squeeze %dma_start3A_48 : memref<1x80xi32, #tpu.memory_space<vmem>> -> memref<80xi32, #tpu.memory_space<vmem>>
    %dma_start3A_50 = tpu.memref_slice %arg3[%dma_start3A_40, %add3A_39] : memref<2x320000xi32, #tpu.memory_space<hbm>> -> memref<1x80xi32, #tpu.memory_space<hbm>>
    %dma_start3A_51 = tpu.memref_squeeze %dma_start3A_50 : memref<1x80xi32, #tpu.memory_space<hbm>> -> memref<80xi32, #tpu.memory_space<hbm>>
    tpu.enqueue_dma source(%dma_start3A_51 : memref<80xi32, #tpu.memory_space<hbm>>) target(%dma_start3A_49 : memref<80xi32, #tpu.memory_space<vmem>>) target_semaphore(%arg39 : memref<!tpu.dma_semaphore, #tpu.memory_space<semaphore_mem>>)
    %dma_start3A_52 = arith.constant 1 : i32
    %dma_start3A_53 = arith.constant 1 : i32
    %dma_start3A_54 = arith.constant 0 : i32
    %dma_start3A_55 = tpu.memref_slice %arg15[%dma_start3A_53, %dma_start3A_54] : memref<2x80xi32, #tpu.memory_space<vmem>> -> memref<1x80xi32, #tpu.memory_space<vmem>>
    %dma_start3A_56 = tpu.memref_squeeze %dma_start3A_55 : memref<1x80xi32, #tpu.memory_space<vmem>> -> memref<80xi32, #tpu.memory_space<vmem>>
    %dma_start3A_57 = tpu.memref_slice %arg3[%dma_start3A_52, %add3A_39] : memref<2x320000xi32, #tpu.memory_space<hbm>> -> memref<1x80xi32, #tpu.memory_space<hbm>>
    %dma_start3A_58 = tpu.memref_squeeze %dma_start3A_57 : memref<1x80xi32, #tpu.memory_space<hbm>> -> memref<80xi32, #tpu.memory_space<hbm>>
    %dma_start3A_59 = arith.constant 0 : i32
    %dma_start3A_60 = tpu.memref_slice %arg15[%dma_start3A_53, %dma_start3A_59] : memref<2x80xi32, #tpu.memory_space<vmem>> -> memref<1x80xi32, #tpu.memory_space<vmem>>
    %dma_start3A_61 = tpu.memref_squeeze %dma_start3A_60 : memref<1x80xi32, #tpu.memory_space<vmem>> -> memref<80xi32, #tpu.memory_space<vmem>>
    %dma_start3A_62 = tpu.memref_slice %arg3[%dma_start3A_52, %add3A_39] : memref<2x320000xi32, #tpu.memory_space<hbm>> -> memref<1x80xi32, #tpu.memory_space<hbm>>
    %dma_start3A_63 = tpu.memref_squeeze %dma_start3A_62 : memref<1x80xi32, #tpu.memory_space<hbm>> -> memref<80xi32, #tpu.memory_space<hbm>>
    tpu.enqueue_dma source(%dma_start3A_63 : memref<80xi32, #tpu.memory_space<hbm>>) target(%dma_start3A_61 : memref<80xi32, #tpu.memory_space<vmem>>) target_semaphore(%arg39 : memref<!tpu.dma_semaphore, #tpu.memory_space<semaphore_mem>>)
    %add3A_64 = arith.constant 160 : i32
    %add3A_65 = arith.addi %mul3A_13, %add3A_64 : i32
    %dma_start3A_66 = arith.constant 0 : i32
    %dma_start3A_67 = arith.constant 0 : i32
    %dma_start3A_68 = arith.constant 0 : i32
    %dma_start3A_69 = tpu.memref_slice %arg16[%dma_start3A_67, %dma_start3A_68] : memref<2x80xi32, #tpu.memory_space<vmem>> -> memref<1x80xi32, #tpu.memory_space<vmem>>
    %dma_start3A_70 = tpu.memref_squeeze %dma_start3A_69 : memref<1x80xi32, #tpu.memory_space<vmem>> -> memref<80xi32, #tpu.memory_space<vmem>>
    %dma_start3A_71 = tpu.memref_slice %arg3[%dma_start3A_66, %add3A_65] : memref<2x320000xi32, #tpu.memory_space<hbm>> -> memref<1x80xi32, #tpu.memory_space<hbm>>
    %dma_start3A_72 = tpu.memref_squeeze %dma_start3A_71 : memref<1x80xi32, #tpu.memory_space<hbm>> -> memref<80xi32, #tpu.memory_space<hbm>>
    %dma_start3A_73 = arith.constant 0 : i32
    %dma_start3A_74 = tpu.memref_slice %arg16[%dma_start3A_67, %dma_start3A_73] : memref<2x80xi32, #tpu.memory_space<vmem>> -> memref<1x80xi32, #tpu.memory_space<vmem>>
    %dma_start3A_75 = tpu.memref_squeeze %dma_start3A_74 : memref<1x80xi32, #tpu.memory_space<vmem>> -> memref<80xi32, #tpu.memory_space<vmem>>
    %dma_start3A_76 = tpu.memref_slice %arg3[%dma_start3A_66, %add3A_65] : memref<2x320000xi32, #tpu.memory_space<hbm>> -> memref<1x80xi32, #tpu.memory_space<hbm>>
    %dma_start3A_77 = tpu.memref_squeeze %dma_start3A_76 : memref<1x80xi32, #tpu.memory_space<hbm>> -> memref<80xi32, #tpu.memory_space<hbm>>
    tpu.enqueue_dma source(%dma_start3A_77 : memref<80xi32, #tpu.memory_space<hbm>>) target(%dma_start3A_75 : memref<80xi32, #tpu.memory_space<vmem>>) target_semaphore(%arg40 : memref<!tpu.dma_semaphore, #tpu.memory_space<semaphore_mem>>)
    %dma_start3A_78 = arith.constant 1 : i32
    %dma_start3A_79 = arith.constant 1 : i32
    %dma_start3A_80 = arith.constant 0 : i32
    %dma_start3A_81 = tpu.memref_slice %arg16[%dma_start3A_79, %dma_start3A_80] : memref<2x80xi32, #tpu.memory_space<vmem>> -> memref<1x80xi32, #tpu.memory_space<vmem>>
    %dma_start3A_82 = tpu.memref_squeeze %dma_start3A_81 : memref<1x80xi32, #tpu.memory_space<vmem>> -> memref<80xi32, #tpu.memory_space<vmem>>
    %dma_start3A_83 = tpu.memref_slice %arg3[%dma_start3A_78, %add3A_65] : memref<2x320000xi32, #tpu.memory_space<hbm>> -> memref<1x80xi32, #tpu.memory_space<hbm>>
    %dma_start3A_84 = tpu.memref_squeeze %dma_start3A_83 : memref<1x80xi32, #tpu.memory_space<hbm>> -> memref<80xi32, #tpu.memory_space<hbm>>
    %dma_start3A_85 = arith.constant 0 : i32
    %dma_start3A_86 = tpu.memref_slice %arg16[%dma_start3A_79, %dma_start3A_85] : memref<2x80xi32, #tpu.memory_space<vmem>> -> memref<1x80xi32, #tpu.memory_space<vmem>>
    %dma_start3A_87 = tpu.memref_squeeze %dma_start3A_86 : memref<1x80xi32, #tpu.memory_space<vmem>> -> memref<80xi32, #tpu.memory_space<vmem>>
    %dma_start3A_88 = tpu.memref_slice %arg3[%dma_start3A_78, %add3A_65] : memref<2x320000xi32, #tpu.memory_space<hbm>> -> memref<1x80xi32, #tpu.memory_space<hbm>>
    %dma_start3A_89 = tpu.memref_squeeze %dma_start3A_88 : memref<1x80xi32, #tpu.memory_space<hbm>> -> memref<80xi32, #tpu.memory_space<hbm>>
    tpu.enqueue_dma source(%dma_start3A_89 : memref<80xi32, #tpu.memory_space<hbm>>) target(%dma_start3A_87 : memref<80xi32, #tpu.memory_space<vmem>>) target_semaphore(%arg40 : memref<!tpu.dma_semaphore, #tpu.memory_space<semaphore_mem>>)
    %add3A_90 = arith.constant 240 : i32
    %add3A_91 = arith.addi %mul3A_13, %add3A_90 : i32
    %dma_start3A_92 = arith.constant 0 : i32
    %dma_start3A_93 = arith.constant 0 : i32
    %dma_start3A_94 = arith.constant 0 : i32
    %dma_start3A_95 = tpu.memref_slice %arg17[%dma_start3A_93, %dma_start3A_94] : memref<2x80xi32, #tpu.memory_space<vmem>> -> memref<1x80xi32, #tpu.memory_space<vmem>>
    %dma_start3A_96 = tpu.memref_squeeze %dma_start3A_95 : memref<1x80xi32, #tpu.memory_space<vmem>> -> memref<80xi32, #tpu.memory_space<vmem>>
    %dma_start3A_97 = tpu.memref_slice %arg3[%dma_start3A_92, %add3A_91] : memref<2x320000xi32, #tpu.memory_space<hbm>> -> memref<1x80xi32, #tpu.memory_space<hbm>>
    %dma_start3A_98 = tpu.memref_squeeze %dma_start3A_97 : memref<1x80xi32, #tpu.memory_space<hbm>> -> memref<80xi32, #tpu.memory_space<hbm>>
    %dma_start3A_99 = arith.constant 0 : i32
    %dma_start3A_100 = tpu.memref_slice %arg17[%dma_start3A_93, %dma_start3A_99] : memref<2x80xi32, #tpu.memory_space<vmem>> -> memref<1x80xi32, #tpu.memory_space<vmem>>
    %dma_start3A_101 = tpu.memref_squeeze %dma_start3A_100 : memref<1x80xi32, #tpu.memory_space<vmem>> -> memref<80xi32, #tpu.memory_space<vmem>>
    %dma_start3A_102 = tpu.memref_slice %arg3[%dma_start3A_92, %add3A_91] : memref<2x320000xi32, #tpu.memory_space<hbm>> -> memref<1x80xi32, #tpu.memory_space<hbm>>
    %dma_start3A_103 = tpu.memref_squeeze %dma_start3A_102 : memref<1x80xi32, #tpu.memory_space<hbm>> -> memref<80xi32, #tpu.memory_space<hbm>>
    tpu.enqueue_dma source(%dma_start3A_103 : memref<80xi32, #tpu.memory_space<hbm>>) target(%dma_start3A_101 : memref<80xi32, #tpu.memory_space<vmem>>) target_semaphore(%arg41 : memref<!tpu.dma_semaphore, #tpu.memory_space<semaphore_mem>>)
    %dma_start3A_104 = arith.constant 1 : i32
    %dma_start3A_105 = arith.constant 1 : i32
    %dma_start3A_106 = arith.constant 0 : i32
    %dma_start3A_107 = tpu.memref_slice %arg17[%dma_start3A_105, %dma_start3A_106] : memref<2x80xi32, #tpu.memory_space<vmem>> -> memref<1x80xi32, #tpu.memory_space<vmem>>
    %dma_start3A_108 = tpu.memref_squeeze %dma_start3A_107 : memref<1x80xi32, #tpu.memory_space<vmem>> -> memref<80xi32, #tpu.memory_space<vmem>>
    %dma_start3A_109 = tpu.memref_slice %arg3[%dma_start3A_104, %add3A_91] : memref<2x320000xi32, #tpu.memory_space<hbm>> -> memref<1x80xi32, #tpu.memory_space<hbm>>
    %dma_start3A_110 = tpu.memref_squeeze %dma_start3A_109 : memref<1x80xi32, #tpu.memory_space<hbm>> -> memref<80xi32, #tpu.memory_space<hbm>>
    %dma_start3A_111 = arith.constant 0 : i32
    %dma_start3A_112 = tpu.memref_slice %arg17[%dma_start3A_105, %dma_start3A_111] : memref<2x80xi32, #tpu.memory_space<vmem>> -> memref<1x80xi32, #tpu.memory_space<vmem>>
    %dma_start3A_113 = tpu.memref_squeeze %dma_start3A_112 : memref<1x80xi32, #tpu.memory_space<vmem>> -> memref<80xi32, #tpu.memory_space<vmem>>
    %dma_start3A_114 = tpu.memref_slice %arg3[%dma_start3A_104, %add3A_91] : memref<2x320000xi32, #tpu.memory_space<hbm>> -> memref<1x80xi32, #tpu.memory_space<hbm>>
    %dma_start3A_115 = tpu.memref_squeeze %dma_start3A_114 : memref<1x80xi32, #tpu.memory_space<hbm>> -> memref<80xi32, #tpu.memory_space<hbm>>
    tpu.enqueue_dma source(%dma_start3A_115 : memref<80xi32, #tpu.memory_space<hbm>>) target(%dma_start3A_113 : memref<80xi32, #tpu.memory_space<vmem>>) target_semaphore(%arg41 : memref<!tpu.dma_semaphore, #tpu.memory_space<semaphore_mem>>)
    %dma_wait3A = arith.constant 0 : i32
    %dma_wait3A_116 = arith.constant 0 : i32
    %dma_wait3A_117 = arith.constant 0 : i32
    %dma_wait3A_118 = tpu.memref_slice %arg14[%dma_wait3A_116, %dma_wait3A_117] : memref<2x80xi32, #tpu.memory_space<vmem>> -> memref<1x80xi32, #tpu.memory_space<vmem>>
    %dma_wait3A_119 = tpu.memref_squeeze %dma_wait3A_118 : memref<1x80xi32, #tpu.memory_space<vmem>> -> memref<80xi32, #tpu.memory_space<vmem>>
    %dma_wait3A_120 = arith.constant 0 : i32
    %dma_wait3A_121 = tpu.memref_slice %arg3[%dma_wait3A, %dma_wait3A_120] : memref<2x320000xi32, #tpu.memory_space<hbm>> -> memref<1x80xi32, #tpu.memory_space<hbm>>
    %dma_wait3A_122 = tpu.memref_squeeze %dma_wait3A_121 : memref<1x80xi32, #tpu.memory_space<hbm>> -> memref<80xi32, #tpu.memory_space<hbm>>
    %dma_wait3A_123 = arith.constant 0 : i32
    %dma_wait3A_124 = tpu.memref_slice %arg14[%dma_wait3A_116, %dma_wait3A_123] : memref<2x80xi32, #tpu.memory_space<vmem>> -> memref<1x80xi32, #tpu.memory_space<vmem>>
    %dma_wait3A_125 = tpu.memref_squeeze %dma_wait3A_124 : memref<1x80xi32, #tpu.memory_space<vmem>> -> memref<80xi32, #tpu.memory_space<vmem>>
    %dma_wait3A_126 = arith.constant 0 : i32
    %dma_wait3A_127 = tpu.memref_slice %arg3[%dma_wait3A, %dma_wait3A_126] : memref<2x320000xi32, #tpu.memory_space<hbm>> -> memref<1x80xi32, #tpu.memory_space<hbm>>
    %dma_wait3A_128 = tpu.memref_squeeze %dma_wait3A_127 : memref<1x80xi32, #tpu.memory_space<hbm>> -> memref<80xi32, #tpu.memory_space<hbm>>
    tpu.wait_dma2 semaphore(%arg38 : memref<!tpu.dma_semaphore, #tpu.memory_space<semaphore_mem>>) src(%dma_wait3A_128 : memref<80xi32, #tpu.memory_space<hbm>>) dst(%dma_wait3A_125 : memref<80xi32, #tpu.memory_space<vmem>>)
    %dma_wait3A_129 = arith.constant 1 : i32
    %dma_wait3A_130 = arith.constant 1 : i32
    %dma_wait3A_131 = arith.constant 0 : i32
    %dma_wait3A_132 = tpu.memref_slice %arg14[%dma_wait3A_130, %dma_wait3A_131] : memref<2x80xi32, #tpu.memory_space<vmem>> -> memref<1x80xi32, #tpu.memory_space<vmem>>
    %dma_wait3A_133 = tpu.memref_squeeze %dma_wait3A_132 : memref<1x80xi32, #tpu.memory_space<vmem>> -> memref<80xi32, #tpu.memory_space<vmem>>
    %dma_wait3A_134 = arith.constant 0 : i32
    %dma_wait3A_135 = tpu.memref_slice %arg3[%dma_wait3A_129, %dma_wait3A_134] : memref<2x320000xi32, #tpu.memory_space<hbm>> -> memref<1x80xi32, #tpu.memory_space<hbm>>
    %dma_wait3A_136 = tpu.memref_squeeze %dma_wait3A_135 : memref<1x80xi32, #tpu.memory_space<hbm>> -> memref<80xi32, #tpu.memory_space<hbm>>
    %dma_wait3A_137 = arith.constant 0 : i32
    %dma_wait3A_138 = tpu.memref_slice %arg14[%dma_wait3A_130, %dma_wait3A_137] : memref<2x80xi32, #tpu.memory_space<vmem>> -> memref<1x80xi32, #tpu.memory_space<vmem>>
    %dma_wait3A_139 = tpu.memref_squeeze %dma_wait3A_138 : memref<1x80xi32, #tpu.memory_space<vmem>> -> memref<80xi32, #tpu.memory_space<vmem>>
    %dma_wait3A_140 = arith.constant 0 : i32
    %dma_wait3A_141 = tpu.memref_slice %arg3[%dma_wait3A_129, %dma_wait3A_140] : memref<2x320000xi32, #tpu.memory_space<hbm>> -> memref<1x80xi32, #tpu.memory_space<hbm>>
    %dma_wait3A_142 = tpu.memref_squeeze %dma_wait3A_141 : memref<1x80xi32, #tpu.memory_space<hbm>> -> memref<80xi32, #tpu.memory_space<hbm>>
    tpu.wait_dma2 semaphore(%arg38 : memref<!tpu.dma_semaphore, #tpu.memory_space<semaphore_mem>>) src(%dma_wait3A_142 : memref<80xi32, #tpu.memory_space<hbm>>) dst(%dma_wait3A_139 : memref<80xi32, #tpu.memory_space<vmem>>)
    %dma_start3A_143 = arith.constant 0 : i32
    %dma_start3A_144 = arith.constant 0 : i32
    %dma_start3A_145 = tpu.memref_slice %arg14[%dma_start3A_143, %dma_start3A_144] : memref<2x80xi32, #tpu.memory_space<vmem>> -> memref<1x80xi32, #tpu.memory_space<vmem>>
    %dma_start3A_146 = tpu.memref_squeeze %dma_start3A_145 : memref<1x80xi32, #tpu.memory_space<vmem>> -> memref<80xi32, #tpu.memory_space<vmem>>
    %dma_start3A_147 = arith.constant 0 : i32
    %dma_start3A_148 = arith.constant 0 : i32
    %dma_start3A_149 = tpu.memref_slice %arg25[%dma_start3A_147, %dma_start3A_148] : memref<10000x64xf32, #tpu.memory_space<vmem_shared>> -> memref<10000x64xf32, #tpu.memory_space<vmem_shared>>
    tpu.enqueue_indirect_dma source(%dma_start3A_149 : memref<10000x64xf32, #tpu.memory_space<vmem_shared>>) target(%arg9 : memref<80x64xf32, #tpu.memory_space<vmem>>) offsets(%dma_start3A_146 : memref<80xi32, #tpu.memory_space<vmem>>) semaphore(%arg28 : memref<!tpu.dma_semaphore, #tpu.memory_space<semaphore_mem>>)
    %dma_wait3A_150 = arith.constant 0 : i32
    %dma_wait3A_151 = arith.constant 0 : i32
    %dma_wait3A_152 = arith.constant 0 : i32
    %dma_wait3A_153 = tpu.memref_slice %arg15[%dma_wait3A_151, %dma_wait3A_152] : memref<2x80xi32, #tpu.memory_space<vmem>> -> memref<1x80xi32, #tpu.memory_space<vmem>>
    %dma_wait3A_154 = tpu.memref_squeeze %dma_wait3A_153 : memref<1x80xi32, #tpu.memory_space<vmem>> -> memref<80xi32, #tpu.memory_space<vmem>>
    %dma_wait3A_155 = arith.constant 0 : i32
    %dma_wait3A_156 = tpu.memref_slice %arg3[%dma_wait3A_150, %dma_wait3A_155] : memref<2x320000xi32, #tpu.memory_space<hbm>> -> memref<1x80xi32, #tpu.memory_space<hbm>>
    %dma_wait3A_157 = tpu.memref_squeeze %dma_wait3A_156 : memref<1x80xi32, #tpu.memory_space<hbm>> -> memref<80xi32, #tpu.memory_space<hbm>>
    %dma_wait3A_158 = arith.constant 0 : i32
    %dma_wait3A_159 = tpu.memref_slice %arg15[%dma_wait3A_151, %dma_wait3A_158] : memref<2x80xi32, #tpu.memory_space<vmem>> -> memref<1x80xi32, #tpu.memory_space<vmem>>
    %dma_wait3A_160 = tpu.memref_squeeze %dma_wait3A_159 : memref<1x80xi32, #tpu.memory_space<vmem>> -> memref<80xi32, #tpu.memory_space<vmem>>
    %dma_wait3A_161 = arith.constant 0 : i32
    %dma_wait3A_162 = tpu.memref_slice %arg3[%dma_wait3A_150, %dma_wait3A_161] : memref<2x320000xi32, #tpu.memory_space<hbm>> -> memref<1x80xi32, #tpu.memory_space<hbm>>
    %dma_wait3A_163 = tpu.memref_squeeze %dma_wait3A_162 : memref<1x80xi32, #tpu.memory_space<hbm>> -> memref<80xi32, #tpu.memory_space<hbm>>
    tpu.wait_dma2 semaphore(%arg39 : memref<!tpu.dma_semaphore, #tpu.memory_space<semaphore_mem>>) src(%dma_wait3A_163 : memref<80xi32, #tpu.memory_space<hbm>>) dst(%dma_wait3A_160 : memref<80xi32, #tpu.memory_space<vmem>>)
    %dma_wait3A_164 = arith.constant 1 : i32
    %dma_wait3A_165 = arith.constant 1 : i32
    %dma_wait3A_166 = arith.constant 0 : i32
    %dma_wait3A_167 = tpu.memref_slice %arg15[%dma_wait3A_165, %dma_wait3A_166] : memref<2x80xi32, #tpu.memory_space<vmem>> -> memref<1x80xi32, #tpu.memory_space<vmem>>
    %dma_wait3A_168 = tpu.memref_squeeze %dma_wait3A_167 : memref<1x80xi32, #tpu.memory_space<vmem>> -> memref<80xi32, #tpu.memory_space<vmem>>
    %dma_wait3A_169 = arith.constant 0 : i32
    %dma_wait3A_170 = tpu.memref_slice %arg3[%dma_wait3A_164, %dma_wait3A_169] : memref<2x320000xi32, #tpu.memory_space<hbm>> -> memref<1x80xi32, #tpu.memory_space<hbm>>
    %dma_wait3A_171 = tpu.memref_squeeze %dma_wait3A_170 : memref<1x80xi32, #tpu.memory_space<hbm>> -> memref<80xi32, #tpu.memory_space<hbm>>
    %dma_wait3A_172 = arith.constant 0 : i32
    %dma_wait3A_173 = tpu.memref_slice %arg15[%dma_wait3A_165, %dma_wait3A_172] : memref<2x80xi32, #tpu.memory_space<vmem>> -> memref<1x80xi32, #tpu.memory_space<vmem>>
    %dma_wait3A_174 = tpu.memref_squeeze %dma_wait3A_173 : memref<1x80xi32, #tpu.memory_space<vmem>> -> memref<80xi32, #tpu.memory_space<vmem>>
    %dma_wait3A_175 = arith.constant 0 : i32
    %dma_wait3A_176 = tpu.memref_slice %arg3[%dma_wait3A_164, %dma_wait3A_175] : memref<2x320000xi32, #tpu.memory_space<hbm>> -> memref<1x80xi32, #tpu.memory_space<hbm>>
    %dma_wait3A_177 = tpu.memref_squeeze %dma_wait3A_176 : memref<1x80xi32, #tpu.memory_space<hbm>> -> memref<80xi32, #tpu.memory_space<hbm>>
    tpu.wait_dma2 semaphore(%arg39 : memref<!tpu.dma_semaphore, #tpu.memory_space<semaphore_mem>>) src(%dma_wait3A_177 : memref<80xi32, #tpu.memory_space<hbm>>) dst(%dma_wait3A_174 : memref<80xi32, #tpu.memory_space<vmem>>)
    %dma_start3A_178 = arith.constant 0 : i32
    %dma_start3A_179 = arith.constant 0 : i32
    %dma_start3A_180 = tpu.memref_slice %arg15[%dma_start3A_178, %dma_start3A_179] : memref<2x80xi32, #tpu.memory_space<vmem>> -> memref<1x80xi32, #tpu.memory_space<vmem>>
    %dma_start3A_181 = tpu.memref_squeeze %dma_start3A_180 : memref<1x80xi32, #tpu.memory_space<vmem>> -> memref<80xi32, #tpu.memory_space<vmem>>
    %dma_start3A_182 = arith.constant 0 : i32
    %dma_start3A_183 = arith.constant 0 : i32
    %dma_start3A_184 = tpu.memref_slice %arg25[%dma_start3A_182, %dma_start3A_183] : memref<10000x64xf32, #tpu.memory_space<vmem_shared>> -> memref<10000x64xf32, #tpu.memory_space<vmem_shared>>
    tpu.enqueue_indirect_dma source(%dma_start3A_184 : memref<10000x64xf32, #tpu.memory_space<vmem_shared>>) target(%arg10 : memref<80x64xf32, #tpu.memory_space<vmem>>) offsets(%dma_start3A_181 : memref<80xi32, #tpu.memory_space<vmem>>) semaphore(%arg29 : memref<!tpu.dma_semaphore, #tpu.memory_space<semaphore_mem>>)
    %scan3A = arith.constant 0 : i32
    %scan3A_185 = arith.constant 25 : i32
    %scan3A_186 = arith.addi %scan3A, %scan3A_185 : i32
    %scan3A_187 = arith.constant 1 : i32
    scf.for %scan3A_221 = %scan3A to %scan3A_186 step %scan3A_187  : i32 {
      %mul3A_222 = arith.constant 1 : i32
      %mul3A_223 = arith.muli %scan3A_221, %mul3A_222 : i32
      %add3A_224 = arith.constant 0 : i32
      %add3A_225 = arith.addi %add3A_224, %mul3A_223 : i32
      %mul3A_226 = arith.constant 10 : i32
      %mul3A_227 = arith.muli %add3A_225, %mul3A_226 : i32
      %add3A_228 = arith.constant 0 : i32
      %add3A_229 = arith.addi %mul3A_227, %add3A_228 : i32
      %add3A_230 = arith.constant 2 : i32
      %add3A_231 = arith.addi %add3A_229, %add3A_230 : i32
      %add3A_232 = arith.constant 4 : i32
      %add3A_233 = arith.addi %add3A_229, %add3A_232 : i32
      %lt3A = arith.constant 250 : i32
      %lt3A_234 = arith.cmpi slt, %add3A_233, %lt3A : i32
      %convert_element_type3A_235 = arith.extui %lt3A_234 : i1 to i32
      %cond3A_236 = arith.constant 0 : i32
      %cond3A_237 = arith.cmpi ne, %convert_element_type3A_235, %cond3A_236 : i32
      scf.if %cond3A_237 {
        %mul3A_594 = arith.constant 80 : i32
        %mul3A_595 = arith.muli %add3A_233, %mul3A_594 : i32
        %add3A_596 = arith.addi %mul3A_13, %mul3A_595 : i32
        %dma_start3A_597 = arith.constant 0 : i32
        %dma_start3A_598 = arith.constant 0 : i32
        %dma_start3A_599 = arith.constant 0 : i32
        %dma_start3A_600 = tpu.memref_slice %arg18[%dma_start3A_598, %dma_start3A_599] : memref<2x80xi32, #tpu.memory_space<vmem>> -> memref<1x80xi32, #tpu.memory_space<vmem>>
        %dma_start3A_601 = tpu.memref_squeeze %dma_start3A_600 : memref<1x80xi32, #tpu.memory_space<vmem>> -> memref<80xi32, #tpu.memory_space<vmem>>
        %dma_start3A_602 = tpu.memref_slice %arg3[%dma_start3A_597, %add3A_596] : memref<2x320000xi32, #tpu.memory_space<hbm>> -> memref<1x80xi32, #tpu.memory_space<hbm>>
        %dma_start3A_603 = tpu.memref_squeeze %dma_start3A_602 : memref<1x80xi32, #tpu.memory_space<hbm>> -> memref<80xi32, #tpu.memory_space<hbm>>
        %dma_start3A_604 = arith.constant 0 : i32
        %dma_start3A_605 = tpu.memref_slice %arg18[%dma_start3A_598, %dma_start3A_604] : memref<2x80xi32, #tpu.memory_space<vmem>> -> memref<1x80xi32, #tpu.memory_space<vmem>>
        %dma_start3A_606 = tpu.memref_squeeze %dma_start3A_605 : memref<1x80xi32, #tpu.memory_space<vmem>> -> memref<80xi32, #tpu.memory_space<vmem>>
        %dma_start3A_607 = tpu.memref_slice %arg3[%dma_start3A_597, %add3A_596] : memref<2x320000xi32, #tpu.memory_space<hbm>> -> memref<1x80xi32, #tpu.memory_space<hbm>>
        %dma_start3A_608 = tpu.memref_squeeze %dma_start3A_607 : memref<1x80xi32, #tpu.memory_space<hbm>> -> memref<80xi32, #tpu.memory_space<hbm>>
        tpu.enqueue_dma source(%dma_start3A_608 : memref<80xi32, #tpu.memory_space<hbm>>) target(%dma_start3A_606 : memref<80xi32, #tpu.memory_space<vmem>>) target_semaphore(%arg42 : memref<!tpu.dma_semaphore, #tpu.memory_space<semaphore_mem>>)
        %dma_start3A_609 = arith.constant 1 : i32
        %dma_start3A_610 = arith.constant 1 : i32
        %dma_start3A_611 = arith.constant 0 : i32
        %dma_start3A_612 = tpu.memref_slice %arg18[%dma_start3A_610, %dma_start3A_611] : memref<2x80xi32, #tpu.memory_space<vmem>> -> memref<1x80xi32, #tpu.memory_space<vmem>>
        %dma_start3A_613 = tpu.memref_squeeze %dma_start3A_612 : memref<1x80xi32, #tpu.memory_space<vmem>> -> memref<80xi32, #tpu.memory_space<vmem>>
        %dma_start3A_614 = tpu.memref_slice %arg3[%dma_start3A_609, %add3A_596] : memref<2x320000xi32, #tpu.memory_space<hbm>> -> memref<1x80xi32, #tpu.memory_space<hbm>>
        %dma_start3A_615 = tpu.memref_squeeze %dma_start3A_614 : memref<1x80xi32, #tpu.memory_space<hbm>> -> memref<80xi32, #tpu.memory_space<hbm>>
        %dma_start3A_616 = arith.constant 0 : i32
        %dma_start3A_617 = tpu.memref_slice %arg18[%dma_start3A_610, %dma_start3A_616] : memref<2x80xi32, #tpu.memory_space<vmem>> -> memref<1x80xi32, #tpu.memory_space<vmem>>
        %dma_start3A_618 = tpu.memref_squeeze %dma_start3A_617 : memref<1x80xi32, #tpu.memory_space<vmem>> -> memref<80xi32, #tpu.memory_space<vmem>>
        %dma_start3A_619 = tpu.memref_slice %arg3[%dma_start3A_609, %add3A_596] : memref<2x320000xi32, #tpu.memory_space<hbm>> -> memref<1x80xi32, #tpu.memory_space<hbm>>
        %dma_start3A_620 = tpu.memref_squeeze %dma_start3A_619 : memref<1x80xi32, #tpu.memory_space<hbm>> -> memref<80xi32, #tpu.memory_space<hbm>>
        tpu.enqueue_dma source(%dma_start3A_620 : memref<80xi32, #tpu.memory_space<hbm>>) target(%dma_start3A_618 : memref<80xi32, #tpu.memory_space<vmem>>) target_semaphore(%arg42 : memref<!tpu.dma_semaphore, #tpu.memory_space<semaphore_mem>>)
      } else {
      }
      %ge3A = arith.constant 5 : i32
      %ge3A_238 = arith.cmpi sge, %add3A_231, %ge3A : i32
      %convert_element_type3A_239 = arith.extui %ge3A_238 : i1 to i32
      %cond3A_240 = arith.constant 0 : i32
      %cond3A_241 = arith.cmpi ne, %convert_element_type3A_239, %cond3A_240 : i32
      scf.if %cond3A_241 {
        %dma_wait3A_594 = arith.constant 1 : i32
        %dma_wait3A_595 = arith.constant 0 : i32
        %dma_wait3A_596 = tpu.memref_slice %arg14[%dma_wait3A_594, %dma_wait3A_595] : memref<2x80xi32, #tpu.memory_space<vmem>> -> memref<1x80xi32, #tpu.memory_space<vmem>>
        %dma_wait3A_597 = tpu.memref_squeeze %dma_wait3A_596 : memref<1x80xi32, #tpu.memory_space<vmem>> -> memref<80xi32, #tpu.memory_space<vmem>>
        %dma_wait3A_598 = arith.constant 0 : i32
        %dma_wait3A_599 = arith.constant 0 : i32
        %dma_wait3A_600 = tpu.memref_slice %arg26[%dma_wait3A_598, %dma_wait3A_599] : memref<10240x64xf32, #tpu.memory_space<vmem_shared>> -> memref<10240x64xf32, #tpu.memory_space<vmem_shared>>
        tpu.wait_indirect_dma semaphore(%arg35 : memref<!tpu.dma_semaphore, #tpu.memory_space<semaphore_mem>>) src(%arg11 : memref<80x64xf32, #tpu.memory_space<vmem>>) dst(%dma_wait3A_600 : memref<10240x64xf32, #tpu.memory_space<vmem_shared>>)
      } else {
      }
      %lt3A_242 = arith.constant 250 : i32
      %lt3A_243 = arith.cmpi slt, %add3A_231, %lt3A_242 : i32
      %convert_element_type3A_244 = arith.extui %lt3A_243 : i1 to i32
      %cond3A_245 = arith.constant 0 : i32
      %cond3A_246 = arith.cmpi ne, %convert_element_type3A_244, %cond3A_245 : i32
      scf.if %cond3A_246 {
        %dma_wait3A_594 = arith.constant 0 : i32
        %dma_wait3A_595 = arith.constant 0 : i32
        %dma_wait3A_596 = arith.constant 0 : i32
        %dma_wait3A_597 = tpu.memref_slice %arg16[%dma_wait3A_595, %dma_wait3A_596] : memref<2x80xi32, #tpu.memory_space<vmem>> -> memref<1x80xi32, #tpu.memory_space<vmem>>
        %dma_wait3A_598 = tpu.memref_squeeze %dma_wait3A_597 : memref<1x80xi32, #tpu.memory_space<vmem>> -> memref<80xi32, #tpu.memory_space<vmem>>
        %dma_wait3A_599 = arith.constant 0 : i32
        %dma_wait3A_600 = tpu.memref_slice %arg3[%dma_wait3A_594, %dma_wait3A_599] : memref<2x320000xi32, #tpu.memory_space<hbm>> -> memref<1x80xi32, #tpu.memory_space<hbm>>
        %dma_wait3A_601 = tpu.memref_squeeze %dma_wait3A_600 : memref<1x80xi32, #tpu.memory_space<hbm>> -> memref<80xi32, #tpu.memory_space<hbm>>
        %dma_wait3A_602 = arith.constant 0 : i32
        %dma_wait3A_603 = tpu.memref_slice %arg16[%dma_wait3A_595, %dma_wait3A_602] : memref<2x80xi32, #tpu.memory_space<vmem>> -> memref<1x80xi32, #tpu.memory_space<vmem>>
        %dma_wait3A_604 = tpu.memref_squeeze %dma_wait3A_603 : memref<1x80xi32, #tpu.memory_space<vmem>> -> memref<80xi32, #tpu.memory_space<vmem>>
        %dma_wait3A_605 = arith.constant 0 : i32
        %dma_wait3A_606 = tpu.memref_slice %arg3[%dma_wait3A_594, %dma_wait3A_605] : memref<2x320000xi32, #tpu.memory_space<hbm>> -> memref<1x80xi32, #tpu.memory_space<hbm>>
        %dma_wait3A_607 = tpu.memref_squeeze %dma_wait3A_606 : memref<1x80xi32, #tpu.memory_space<hbm>> -> memref<80xi32, #tpu.memory_space<hbm>>
        tpu.wait_dma2 semaphore(%arg40 : memref<!tpu.dma_semaphore, #tpu.memory_space<semaphore_mem>>) src(%dma_wait3A_607 : memref<80xi32, #tpu.memory_space<hbm>>) dst(%dma_wait3A_604 : memref<80xi32, #tpu.memory_space<vmem>>)
        %dma_wait3A_608 = arith.constant 1 : i32
        %dma_wait3A_609 = arith.constant 1 : i32
        %dma_wait3A_610 = arith.constant 0 : i32
        %dma_wait3A_611 = tpu.memref_slice %arg16[%dma_wait3A_609, %dma_wait3A_610] : memref<2x80xi32, #tpu.memory_space<vmem>> -> memref<1x80xi32, #tpu.memory_space<vmem>>
        %dma_wait3A_612 = tpu.memref_squeeze %dma_wait3A_611 : memref<1x80xi32, #tpu.memory_space<vmem>> -> memref<80xi32, #tpu.memory_space<vmem>>
        %dma_wait3A_613 = arith.constant 0 : i32
        %dma_wait3A_614 = tpu.memref_slice %arg3[%dma_wait3A_608, %dma_wait3A_613] : memref<2x320000xi32, #tpu.memory_space<hbm>> -> memref<1x80xi32, #tpu.memory_space<hbm>>
        %dma_wait3A_615 = tpu.memref_squeeze %dma_wait3A_614 : memref<1x80xi32, #tpu.memory_space<hbm>> -> memref<80xi32, #tpu.memory_space<hbm>>
        %dma_wait3A_616 = arith.constant 0 : i32
        %dma_wait3A_617 = tpu.memref_slice %arg16[%dma_wait3A_609, %dma_wait3A_616] : memref<2x80xi32, #tpu.memory_space<vmem>> -> memref<1x80xi32, #tpu.memory_space<vmem>>
        %dma_wait3A_618 = tpu.memref_squeeze %dma_wait3A_617 : memref<1x80xi32, #tpu.memory_space<vmem>> -> memref<80xi32, #tpu.memory_space<vmem>>
        %dma_wait3A_619 = arith.constant 0 : i32
        %dma_wait3A_620 = tpu.memref_slice %arg3[%dma_wait3A_608, %dma_wait3A_619] : memref<2x320000xi32, #tpu.memory_space<hbm>> -> memref<1x80xi32, #tpu.memory_space<hbm>>
        %dma_wait3A_621 = tpu.memref_squeeze %dma_wait3A_620 : memref<1x80xi32, #tpu.memory_space<hbm>> -> memref<80xi32, #tpu.memory_space<hbm>>
        tpu.wait_dma2 semaphore(%arg40 : memref<!tpu.dma_semaphore, #tpu.memory_space<semaphore_mem>>) src(%dma_wait3A_621 : memref<80xi32, #tpu.memory_space<hbm>>) dst(%dma_wait3A_618 : memref<80xi32, #tpu.memory_space<vmem>>)
        %dma_start3A_622 = arith.constant 0 : i32
        %dma_start3A_623 = arith.constant 0 : i32
        %dma_start3A_624 = tpu.memref_slice %arg16[%dma_start3A_622, %dma_start3A_623] : memref<2x80xi32, #tpu.memory_space<vmem>> -> memref<1x80xi32, #tpu.memory_space<vmem>>
        %dma_start3A_625 = tpu.memref_squeeze %dma_start3A_624 : memref<1x80xi32, #tpu.memory_space<vmem>> -> memref<80xi32, #tpu.memory_space<vmem>>
        %dma_start3A_626 = arith.constant 0 : i32
        %dma_start3A_627 = arith.constant 0 : i32
        %dma_start3A_628 = tpu.memref_slice %arg25[%dma_start3A_626, %dma_start3A_627] : memref<10000x64xf32, #tpu.memory_space<vmem_shared>> -> memref<10000x64xf32, #tpu.memory_space<vmem_shared>>
        tpu.enqueue_indirect_dma source(%dma_start3A_628 : memref<10000x64xf32, #tpu.memory_space<vmem_shared>>) target(%arg11 : memref<80x64xf32, #tpu.memory_space<vmem>>) offsets(%dma_start3A_625 : memref<80xi32, #tpu.memory_space<vmem>>) semaphore(%arg30 : memref<!tpu.dma_semaphore, #tpu.memory_space<semaphore_mem>>)
      } else {
      }
      %dma_wait3A_247 = arith.constant 0 : i32
      %dma_wait3A_248 = arith.constant 0 : i32
      %dma_wait3A_249 = tpu.memref_slice %arg14[%dma_wait3A_247, %dma_wait3A_248] : memref<2x80xi32, #tpu.memory_space<vmem>> -> memref<1x80xi32, #tpu.memory_space<vmem>>
      %dma_wait3A_250 = tpu.memref_squeeze %dma_wait3A_249 : memref<1x80xi32, #tpu.memory_space<vmem>> -> memref<80xi32, #tpu.memory_space<vmem>>
      %dma_wait3A_251 = arith.constant 0 : i32
      %dma_wait3A_252 = arith.constant 0 : i32
      %dma_wait3A_253 = tpu.memref_slice %arg25[%dma_wait3A_251, %dma_wait3A_252] : memref<10000x64xf32, #tpu.memory_space<vmem_shared>> -> memref<10000x64xf32, #tpu.memory_space<vmem_shared>>
      tpu.wait_indirect_dma semaphore(%arg28 : memref<!tpu.dma_semaphore, #tpu.memory_space<semaphore_mem>>) src(%dma_wait3A_253 : memref<10000x64xf32, #tpu.memory_space<vmem_shared>>) dst(%arg9 : memref<80x64xf32, #tpu.memory_space<vmem>>)
      %dma_start3A_254 = arith.constant 1 : i32
      %dma_start3A_255 = arith.constant 0 : i32
      %dma_start3A_256 = tpu.memref_slice %arg14[%dma_start3A_254, %dma_start3A_255] : memref<2x80xi32, #tpu.memory_space<vmem>> -> memref<1x80xi32, #tpu.memory_space<vmem>>
      %dma_start3A_257 = tpu.memref_squeeze %dma_start3A_256 : memref<1x80xi32, #tpu.memory_space<vmem>> -> memref<80xi32, #tpu.memory_space<vmem>>
      %dma_start3A_258 = arith.constant 0 : i32
      %dma_start3A_259 = arith.constant 0 : i32
      %dma_start3A_260 = tpu.memref_slice %arg26[%dma_start3A_258, %dma_start3A_259] : memref<10240x64xf32, #tpu.memory_space<vmem_shared>> -> memref<10240x64xf32, #tpu.memory_space<vmem_shared>>
      tpu.enqueue_indirect_dma source(%arg9 : memref<80x64xf32, #tpu.memory_space<vmem>>) target(%dma_start3A_260 : memref<10240x64xf32, #tpu.memory_space<vmem_shared>>) offsets(%dma_start3A_257 : memref<80xi32, #tpu.memory_space<vmem>>) semaphore(%arg33 : memref<!tpu.dma_semaphore, #tpu.memory_space<semaphore_mem>>) {add = true}
      %mul3A_261 = arith.constant 10 : i32
      %mul3A_262 = arith.muli %add3A_225, %mul3A_261 : i32
      %add3A_263 = arith.constant 1 : i32
      %add3A_264 = arith.addi %mul3A_262, %add3A_263 : i32
      %add3A_265 = arith.constant 2 : i32
      %add3A_266 = arith.addi %add3A_264, %add3A_265 : i32
      %add3A_267 = arith.constant 4 : i32
      %add3A_268 = arith.addi %add3A_264, %add3A_267 : i32
      %lt3A_269 = arith.constant 250 : i32
      %lt3A_270 = arith.cmpi slt, %add3A_268, %lt3A_269 : i32
      %convert_element_type3A_271 = arith.extui %lt3A_270 : i1 to i32
      %cond3A_272 = arith.constant 0 : i32
      %cond3A_273 = arith.cmpi ne, %convert_element_type3A_271, %cond3A_272 : i32
      scf.if %cond3A_273 {
        %mul3A_594 = arith.constant 80 : i32
        %mul3A_595 = arith.muli %add3A_268, %mul3A_594 : i32
        %add3A_596 = arith.addi %mul3A_13, %mul3A_595 : i32
        %dma_start3A_597 = arith.constant 0 : i32
        %dma_start3A_598 = arith.constant 0 : i32
        %dma_start3A_599 = arith.constant 0 : i32
        %dma_start3A_600 = tpu.memref_slice %arg19[%dma_start3A_598, %dma_start3A_599] : memref<2x80xi32, #tpu.memory_space<vmem>> -> memref<1x80xi32, #tpu.memory_space<vmem>>
        %dma_start3A_601 = tpu.memref_squeeze %dma_start3A_600 : memref<1x80xi32, #tpu.memory_space<vmem>> -> memref<80xi32, #tpu.memory_space<vmem>>
        %dma_start3A_602 = tpu.memref_slice %arg3[%dma_start3A_597, %add3A_596] : memref<2x320000xi32, #tpu.memory_space<hbm>> -> memref<1x80xi32, #tpu.memory_space<hbm>>
        %dma_start3A_603 = tpu.memref_squeeze %dma_start3A_602 : memref<1x80xi32, #tpu.memory_space<hbm>> -> memref<80xi32, #tpu.memory_space<hbm>>
        %dma_start3A_604 = arith.constant 0 : i32
        %dma_start3A_605 = tpu.memref_slice %arg19[%dma_start3A_598, %dma_start3A_604] : memref<2x80xi32, #tpu.memory_space<vmem>> -> memref<1x80xi32, #tpu.memory_space<vmem>>
        %dma_start3A_606 = tpu.memref_squeeze %dma_start3A_605 : memref<1x80xi32, #tpu.memory_space<vmem>> -> memref<80xi32, #tpu.memory_space<vmem>>
        %dma_start3A_607 = tpu.memref_slice %arg3[%dma_start3A_597, %add3A_596] : memref<2x320000xi32, #tpu.memory_space<hbm>> -> memref<1x80xi32, #tpu.memory_space<hbm>>
        %dma_start3A_608 = tpu.memref_squeeze %dma_start3A_607 : memref<1x80xi32, #tpu.memory_space<hbm>> -> memref<80xi32, #tpu.memory_space<hbm>>
        tpu.enqueue_dma source(%dma_start3A_608 : memref<80xi32, #tpu.memory_space<hbm>>) target(%dma_start3A_606 : memref<80xi32, #tpu.memory_space<vmem>>) target_semaphore(%arg43 : memref<!tpu.dma_semaphore, #tpu.memory_space<semaphore_mem>>)
        %dma_start3A_609 = arith.constant 1 : i32
        %dma_start3A_610 = arith.constant 1 : i32
        %dma_start3A_611 = arith.constant 0 : i32
        %dma_start3A_612 = tpu.memref_slice %arg19[%dma_start3A_610, %dma_start3A_611] : memref<2x80xi32, #tpu.memory_space<vmem>> -> memref<1x80xi32, #tpu.memory_space<vmem>>
        %dma_start3A_613 = tpu.memref_squeeze %dma_start3A_612 : memref<1x80xi32, #tpu.memory_space<vmem>> -> memref<80xi32, #tpu.memory_space<vmem>>
        %dma_start3A_614 = tpu.memref_slice %arg3[%dma_start3A_609, %add3A_596] : memref<2x320000xi32, #tpu.memory_space<hbm>> -> memref<1x80xi32, #tpu.memory_space<hbm>>
        %dma_start3A_615 = tpu.memref_squeeze %dma_start3A_614 : memref<1x80xi32, #tpu.memory_space<hbm>> -> memref<80xi32, #tpu.memory_space<hbm>>
        %dma_start3A_616 = arith.constant 0 : i32
        %dma_start3A_617 = tpu.memref_slice %arg19[%dma_start3A_610, %dma_start3A_616] : memref<2x80xi32, #tpu.memory_space<vmem>> -> memref<1x80xi32, #tpu.memory_space<vmem>>
        %dma_start3A_618 = tpu.memref_squeeze %dma_start3A_617 : memref<1x80xi32, #tpu.memory_space<vmem>> -> memref<80xi32, #tpu.memory_space<vmem>>
        %dma_start3A_619 = tpu.memref_slice %arg3[%dma_start3A_609, %add3A_596] : memref<2x320000xi32, #tpu.memory_space<hbm>> -> memref<1x80xi32, #tpu.memory_space<hbm>>
        %dma_start3A_620 = tpu.memref_squeeze %dma_start3A_619 : memref<1x80xi32, #tpu.memory_space<hbm>> -> memref<80xi32, #tpu.memory_space<hbm>>
        tpu.enqueue_dma source(%dma_start3A_620 : memref<80xi32, #tpu.memory_space<hbm>>) target(%dma_start3A_618 : memref<80xi32, #tpu.memory_space<vmem>>) target_semaphore(%arg43 : memref<!tpu.dma_semaphore, #tpu.memory_space<semaphore_mem>>)
      } else {
      }
      %ge3A_274 = arith.constant 5 : i32
      %ge3A_275 = arith.cmpi sge, %add3A_266, %ge3A_274 : i32
      %convert_element_type3A_276 = arith.extui %ge3A_275 : i1 to i32
      %cond3A_277 = arith.constant 0 : i32
      %cond3A_278 = arith.cmpi ne, %convert_element_type3A_276, %cond3A_277 : i32
      scf.if %cond3A_278 {
        %dma_wait3A_594 = arith.constant 1 : i32
        %dma_wait3A_595 = arith.constant 0 : i32
        %dma_wait3A_596 = tpu.memref_slice %arg14[%dma_wait3A_594, %dma_wait3A_595] : memref<2x80xi32, #tpu.memory_space<vmem>> -> memref<1x80xi32, #tpu.memory_space<vmem>>
        %dma_wait3A_597 = tpu.memref_squeeze %dma_wait3A_596 : memref<1x80xi32, #tpu.memory_space<vmem>> -> memref<80xi32, #tpu.memory_space<vmem>>
        %dma_wait3A_598 = arith.constant 0 : i32
        %dma_wait3A_599 = arith.constant 0 : i32
        %dma_wait3A_600 = tpu.memref_slice %arg26[%dma_wait3A_598, %dma_wait3A_599] : memref<10240x64xf32, #tpu.memory_space<vmem_shared>> -> memref<10240x64xf32, #tpu.memory_space<vmem_shared>>
        tpu.wait_indirect_dma semaphore(%arg36 : memref<!tpu.dma_semaphore, #tpu.memory_space<semaphore_mem>>) src(%arg12 : memref<80x64xf32, #tpu.memory_space<vmem>>) dst(%dma_wait3A_600 : memref<10240x64xf32, #tpu.memory_space<vmem_shared>>)
      } else {
      }
      %lt3A_279 = arith.constant 250 : i32
      %lt3A_280 = arith.cmpi slt, %add3A_266, %lt3A_279 : i32
      %convert_element_type3A_281 = arith.extui %lt3A_280 : i1 to i32
      %cond3A_282 = arith.constant 0 : i32
      %cond3A_283 = arith.cmpi ne, %convert_element_type3A_281, %cond3A_282 : i32
      scf.if %cond3A_283 {
        %dma_wait3A_594 = arith.constant 0 : i32
        %dma_wait3A_595 = arith.constant 0 : i32
        %dma_wait3A_596 = arith.constant 0 : i32
        %dma_wait3A_597 = tpu.memref_slice %arg17[%dma_wait3A_595, %dma_wait3A_596] : memref<2x80xi32, #tpu.memory_space<vmem>> -> memref<1x80xi32, #tpu.memory_space<vmem>>
        %dma_wait3A_598 = tpu.memref_squeeze %dma_wait3A_597 : memref<1x80xi32, #tpu.memory_space<vmem>> -> memref<80xi32, #tpu.memory_space<vmem>>
        %dma_wait3A_599 = arith.constant 0 : i32
        %dma_wait3A_600 = tpu.memref_slice %arg3[%dma_wait3A_594, %dma_wait3A_599] : memref<2x320000xi32, #tpu.memory_space<hbm>> -> memref<1x80xi32, #tpu.memory_space<hbm>>
        %dma_wait3A_601 = tpu.memref_squeeze %dma_wait3A_600 : memref<1x80xi32, #tpu.memory_space<hbm>> -> memref<80xi32, #tpu.memory_space<hbm>>
        %dma_wait3A_602 = arith.constant 0 : i32
        %dma_wait3A_603 = tpu.memref_slice %arg17[%dma_wait3A_595, %dma_wait3A_602] : memref<2x80xi32, #tpu.memory_space<vmem>> -> memref<1x80xi32, #tpu.memory_space<vmem>>
        %dma_wait3A_604 = tpu.memref_squeeze %dma_wait3A_603 : memref<1x80xi32, #tpu.memory_space<vmem>> -> memref<80xi32, #tpu.memory_space<vmem>>
        %dma_wait3A_605 = arith.constant 0 : i32
        %dma_wait3A_606 = tpu.memref_slice %arg3[%dma_wait3A_594, %dma_wait3A_605] : memref<2x320000xi32, #tpu.memory_space<hbm>> -> memref<1x80xi32, #tpu.memory_space<hbm>>
        %dma_wait3A_607 = tpu.memref_squeeze %dma_wait3A_606 : memref<1x80xi32, #tpu.memory_space<hbm>> -> memref<80xi32, #tpu.memory_space<hbm>>
        tpu.wait_dma2 semaphore(%arg41 : memref<!tpu.dma_semaphore, #tpu.memory_space<semaphore_mem>>) src(%dma_wait3A_607 : memref<80xi32, #tpu.memory_space<hbm>>) dst(%dma_wait3A_604 : memref<80xi32, #tpu.memory_space<vmem>>)
        %dma_wait3A_608 = arith.constant 1 : i32
        %dma_wait3A_609 = arith.constant 1 : i32
        %dma_wait3A_610 = arith.constant 0 : i32
        %dma_wait3A_611 = tpu.memref_slice %arg17[%dma_wait3A_609, %dma_wait3A_610] : memref<2x80xi32, #tpu.memory_space<vmem>> -> memref<1x80xi32, #tpu.memory_space<vmem>>
        %dma_wait3A_612 = tpu.memref_squeeze %dma_wait3A_611 : memref<1x80xi32, #tpu.memory_space<vmem>> -> memref<80xi32, #tpu.memory_space<vmem>>
        %dma_wait3A_613 = arith.constant 0 : i32
        %dma_wait3A_614 = tpu.memref_slice %arg3[%dma_wait3A_608, %dma_wait3A_613] : memref<2x320000xi32, #tpu.memory_space<hbm>> -> memref<1x80xi32, #tpu.memory_space<hbm>>
        %dma_wait3A_615 = tpu.memref_squeeze %dma_wait3A_614 : memref<1x80xi32, #tpu.memory_space<hbm>> -> memref<80xi32, #tpu.memory_space<hbm>>
        %dma_wait3A_616 = arith.constant 0 : i32
        %dma_wait3A_617 = tpu.memref_slice %arg17[%dma_wait3A_609, %dma_wait3A_616] : memref<2x80xi32, #tpu.memory_space<vmem>> -> memref<1x80xi32, #tpu.memory_space<vmem>>
        %dma_wait3A_618 = tpu.memref_squeeze %dma_wait3A_617 : memref<1x80xi32, #tpu.memory_space<vmem>> -> memref<80xi32, #tpu.memory_space<vmem>>
        %dma_wait3A_619 = arith.constant 0 : i32
        %dma_wait3A_620 = tpu.memref_slice %arg3[%dma_wait3A_608, %dma_wait3A_619] : memref<2x320000xi32, #tpu.memory_space<hbm>> -> memref<1x80xi32, #tpu.memory_space<hbm>>
        %dma_wait3A_621 = tpu.memref_squeeze %dma_wait3A_620 : memref<1x80xi32, #tpu.memory_space<hbm>> -> memref<80xi32, #tpu.memory_space<hbm>>
        tpu.wait_dma2 semaphore(%arg41 : memref<!tpu.dma_semaphore, #tpu.memory_space<semaphore_mem>>) src(%dma_wait3A_621 : memref<80xi32, #tpu.memory_space<hbm>>) dst(%dma_wait3A_618 : memref<80xi32, #tpu.memory_space<vmem>>)
        %dma_start3A_622 = arith.constant 0 : i32
        %dma_start3A_623 = arith.constant 0 : i32
        %dma_start3A_624 = tpu.memref_slice %arg17[%dma_start3A_622, %dma_start3A_623] : memref<2x80xi32, #tpu.memory_space<vmem>> -> memref<1x80xi32, #tpu.memory_space<vmem>>
        %dma_start3A_625 = tpu.memref_squeeze %dma_start3A_624 : memref<1x80xi32, #tpu.memory_space<vmem>> -> memref<80xi32, #tpu.memory_space<vmem>>
        %dma_start3A_626 = arith.constant 0 : i32
        %dma_start3A_627 = arith.constant 0 : i32
        %dma_start3A_628 = tpu.memref_slice %arg25[%dma_start3A_626, %dma_start3A_627] : memref<10000x64xf32, #tpu.memory_space<vmem_shared>> -> memref<10000x64xf32, #tpu.memory_space<vmem_shared>>
        tpu.enqueue_indirect_dma source(%dma_start3A_628 : memref<10000x64xf32, #tpu.memory_space<vmem_shared>>) target(%arg12 : memref<80x64xf32, #tpu.memory_space<vmem>>) offsets(%dma_start3A_625 : memref<80xi32, #tpu.memory_space<vmem>>) semaphore(%arg31 : memref<!tpu.dma_semaphore, #tpu.memory_space<semaphore_mem>>)
      } else {
      }
      %dma_wait3A_284 = arith.constant 0 : i32
      %dma_wait3A_285 = arith.constant 0 : i32
      %dma_wait3A_286 = tpu.memref_slice %arg14[%dma_wait3A_284, %dma_wait3A_285] : memref<2x80xi32, #tpu.memory_space<vmem>> -> memref<1x80xi32, #tpu.memory_space<vmem>>
      %dma_wait3A_287 = tpu.memref_squeeze %dma_wait3A_286 : memref<1x80xi32, #tpu.memory_space<vmem>> -> memref<80xi32, #tpu.memory_space<vmem>>
      %dma_wait3A_288 = arith.constant 0 : i32
      %dma_wait3A_289 = arith.constant 0 : i32
      %dma_wait3A_290 = tpu.memref_slice %arg25[%dma_wait3A_288, %dma_wait3A_289] : memref<10000x64xf32, #tpu.memory_space<vmem_shared>> -> memref<10000x64xf32, #tpu.memory_space<vmem_shared>>
      tpu.wait_indirect_dma semaphore(%arg29 : memref<!tpu.dma_semaphore, #tpu.memory_space<semaphore_mem>>) src(%dma_wait3A_290 : memref<10000x64xf32, #tpu.memory_space<vmem_shared>>) dst(%arg10 : memref<80x64xf32, #tpu.memory_space<vmem>>)
      %dma_start3A_291 = arith.constant 1 : i32
      %dma_start3A_292 = arith.constant 0 : i32
      %dma_start3A_293 = tpu.memref_slice %arg15[%dma_start3A_291, %dma_start3A_292] : memref<2x80xi32, #tpu.memory_space<vmem>> -> memref<1x80xi32, #tpu.memory_space<vmem>>
      %dma_start3A_294 = tpu.memref_squeeze %dma_start3A_293 : memref<1x80xi32, #tpu.memory_space<vmem>> -> memref<80xi32, #tpu.memory_space<vmem>>
      %dma_start3A_295 = arith.constant 0 : i32
      %dma_start3A_296 = arith.constant 0 : i32
      %dma_start3A_297 = tpu.memref_slice %arg26[%dma_start3A_295, %dma_start3A_296] : memref<10240x64xf32, #tpu.memory_space<vmem_shared>> -> memref<10240x64xf32, #tpu.memory_space<vmem_shared>>
      tpu.enqueue_indirect_dma source(%arg10 : memref<80x64xf32, #tpu.memory_space<vmem>>) target(%dma_start3A_297 : memref<10240x64xf32, #tpu.memory_space<vmem_shared>>) offsets(%dma_start3A_294 : memref<80xi32, #tpu.memory_space<vmem>>) semaphore(%arg34 : memref<!tpu.dma_semaphore, #tpu.memory_space<semaphore_mem>>) {add = true}
      %mul3A_298 = arith.constant 10 : i32
      %mul3A_299 = arith.muli %add3A_225, %mul3A_298 : i32
      %add3A_300 = arith.constant 2 : i32
      %add3A_301 = arith.addi %mul3A_299, %add3A_300 : i32
      %add3A_302 = arith.constant 2 : i32
      %add3A_303 = arith.addi %add3A_301, %add3A_302 : i32
      %add3A_304 = arith.constant 4 : i32
      %add3A_305 = arith.addi %add3A_301, %add3A_304 : i32
      %lt3A_306 = arith.constant 250 : i32
      %lt3A_307 = arith.cmpi slt, %add3A_305, %lt3A_306 : i32
      %convert_element_type3A_308 = arith.extui %lt3A_307 : i1 to i32
      %cond3A_309 = arith.constant 0 : i32
      %cond3A_310 = arith.cmpi ne, %convert_element_type3A_308, %cond3A_309 : i32
      scf.if %cond3A_310 {
        %mul3A_594 = arith.constant 80 : i32
        %mul3A_595 = arith.muli %add3A_305, %mul3A_594 : i32
        %add3A_596 = arith.addi %mul3A_13, %mul3A_595 : i32
        %dma_start3A_597 = arith.constant 0 : i32
        %dma_start3A_598 = arith.constant 0 : i32
        %dma_start3A_599 = arith.constant 0 : i32
        %dma_start3A_600 = tpu.memref_slice %arg20[%dma_start3A_598, %dma_start3A_599] : memref<2x80xi32, #tpu.memory_space<vmem>> -> memref<1x80xi32, #tpu.memory_space<vmem>>
        %dma_start3A_601 = tpu.memref_squeeze %dma_start3A_600 : memref<1x80xi32, #tpu.memory_space<vmem>> -> memref<80xi32, #tpu.memory_space<vmem>>
        %dma_start3A_602 = tpu.memref_slice %arg3[%dma_start3A_597, %add3A_596] : memref<2x320000xi32, #tpu.memory_space<hbm>> -> memref<1x80xi32, #tpu.memory_space<hbm>>
        %dma_start3A_603 = tpu.memref_squeeze %dma_start3A_602 : memref<1x80xi32, #tpu.memory_space<hbm>> -> memref<80xi32, #tpu.memory_space<hbm>>
        %dma_start3A_604 = arith.constant 0 : i32
        %dma_start3A_605 = tpu.memref_slice %arg20[%dma_start3A_598, %dma_start3A_604] : memref<2x80xi32, #tpu.memory_space<vmem>> -> memref<1x80xi32, #tpu.memory_space<vmem>>
        %dma_start3A_606 = tpu.memref_squeeze %dma_start3A_605 : memref<1x80xi32, #tpu.memory_space<vmem>> -> memref<80xi32, #tpu.memory_space<vmem>>
        %dma_start3A_607 = tpu.memref_slice %arg3[%dma_start3A_597, %add3A_596] : memref<2x320000xi32, #tpu.memory_space<hbm>> -> memref<1x80xi32, #tpu.memory_space<hbm>>
        %dma_start3A_608 = tpu.memref_squeeze %dma_start3A_607 : memref<1x80xi32, #tpu.memory_space<hbm>> -> memref<80xi32, #tpu.memory_space<hbm>>
        tpu.enqueue_dma source(%dma_start3A_608 : memref<80xi32, #tpu.memory_space<hbm>>) target(%dma_start3A_606 : memref<80xi32, #tpu.memory_space<vmem>>) target_semaphore(%arg44 : memref<!tpu.dma_semaphore, #tpu.memory_space<semaphore_mem>>)
        %dma_start3A_609 = arith.constant 1 : i32
        %dma_start3A_610 = arith.constant 1 : i32
        %dma_start3A_611 = arith.constant 0 : i32
        %dma_start3A_612 = tpu.memref_slice %arg20[%dma_start3A_610, %dma_start3A_611] : memref<2x80xi32, #tpu.memory_space<vmem>> -> memref<1x80xi32, #tpu.memory_space<vmem>>
        %dma_start3A_613 = tpu.memref_squeeze %dma_start3A_612 : memref<1x80xi32, #tpu.memory_space<vmem>> -> memref<80xi32, #tpu.memory_space<vmem>>
        %dma_start3A_614 = tpu.memref_slice %arg3[%dma_start3A_609, %add3A_596] : memref<2x320000xi32, #tpu.memory_space<hbm>> -> memref<1x80xi32, #tpu.memory_space<hbm>>
        %dma_start3A_615 = tpu.memref_squeeze %dma_start3A_614 : memref<1x80xi32, #tpu.memory_space<hbm>> -> memref<80xi32, #tpu.memory_space<hbm>>
        %dma_start3A_616 = arith.constant 0 : i32
        %dma_start3A_617 = tpu.memref_slice %arg20[%dma_start3A_610, %dma_start3A_616] : memref<2x80xi32, #tpu.memory_space<vmem>> -> memref<1x80xi32, #tpu.memory_space<vmem>>
        %dma_start3A_618 = tpu.memref_squeeze %dma_start3A_617 : memref<1x80xi32, #tpu.memory_space<vmem>> -> memref<80xi32, #tpu.memory_space<vmem>>
        %dma_start3A_619 = tpu.memref_slice %arg3[%dma_start3A_609, %add3A_596] : memref<2x320000xi32, #tpu.memory_space<hbm>> -> memref<1x80xi32, #tpu.memory_space<hbm>>
        %dma_start3A_620 = tpu.memref_squeeze %dma_start3A_619 : memref<1x80xi32, #tpu.memory_space<hbm>> -> memref<80xi32, #tpu.memory_space<hbm>>
        tpu.enqueue_dma source(%dma_start3A_620 : memref<80xi32, #tpu.memory_space<hbm>>) target(%dma_start3A_618 : memref<80xi32, #tpu.memory_space<vmem>>) target_semaphore(%arg44 : memref<!tpu.dma_semaphore, #tpu.memory_space<semaphore_mem>>)
      } else {
      }
      %ge3A_311 = arith.constant 5 : i32
      %ge3A_312 = arith.cmpi sge, %add3A_303, %ge3A_311 : i32
      %convert_element_type3A_313 = arith.extui %ge3A_312 : i1 to i32
      %cond3A_314 = arith.constant 0 : i32
      %cond3A_315 = arith.cmpi ne, %convert_element_type3A_313, %cond3A_314 : i32
      scf.if %cond3A_315 {
        %dma_wait3A_594 = arith.constant 1 : i32
        %dma_wait3A_595 = arith.constant 0 : i32
        %dma_wait3A_596 = tpu.memref_slice %arg14[%dma_wait3A_594, %dma_wait3A_595] : memref<2x80xi32, #tpu.memory_space<vmem>> -> memref<1x80xi32, #tpu.memory_space<vmem>>
        %dma_wait3A_597 = tpu.memref_squeeze %dma_wait3A_596 : memref<1x80xi32, #tpu.memory_space<vmem>> -> memref<80xi32, #tpu.memory_space<vmem>>
        %dma_wait3A_598 = arith.constant 0 : i32
        %dma_wait3A_599 = arith.constant 0 : i32
        %dma_wait3A_600 = tpu.memref_slice %arg26[%dma_wait3A_598, %dma_wait3A_599] : memref<10240x64xf32, #tpu.memory_space<vmem_shared>> -> memref<10240x64xf32, #tpu.memory_space<vmem_shared>>
        tpu.wait_indirect_dma semaphore(%arg37 : memref<!tpu.dma_semaphore, #tpu.memory_space<semaphore_mem>>) src(%arg13 : memref<80x64xf32, #tpu.memory_space<vmem>>) dst(%dma_wait3A_600 : memref<10240x64xf32, #tpu.memory_space<vmem_shared>>)
      } else {
      }
      %lt3A_316 = arith.constant 250 : i32
      %lt3A_317 = arith.cmpi slt, %add3A_303, %lt3A_316 : i32
      %convert_element_type3A_318 = arith.extui %lt3A_317 : i1 to i32
      %cond3A_319 = arith.constant 0 : i32
      %cond3A_320 = arith.cmpi ne, %convert_element_type3A_318, %cond3A_319 : i32
      scf.if %cond3A_320 {
        %dma_wait3A_594 = arith.constant 0 : i32
        %dma_wait3A_595 = arith.constant 0 : i32
        %dma_wait3A_596 = arith.constant 0 : i32
        %dma_wait3A_597 = tpu.memref_slice %arg18[%dma_wait3A_595, %dma_wait3A_596] : memref<2x80xi32, #tpu.memory_space<vmem>> -> memref<1x80xi32, #tpu.memory_space<vmem>>
        %dma_wait3A_598 = tpu.memref_squeeze %dma_wait3A_597 : memref<1x80xi32, #tpu.memory_space<vmem>> -> memref<80xi32, #tpu.memory_space<vmem>>
        %dma_wait3A_599 = arith.constant 0 : i32
        %dma_wait3A_600 = tpu.memref_slice %arg3[%dma_wait3A_594, %dma_wait3A_599] : memref<2x320000xi32, #tpu.memory_space<hbm>> -> memref<1x80xi32, #tpu.memory_space<hbm>>
        %dma_wait3A_601 = tpu.memref_squeeze %dma_wait3A_600 : memref<1x80xi32, #tpu.memory_space<hbm>> -> memref<80xi32, #tpu.memory_space<hbm>>
        %dma_wait3A_602 = arith.constant 0 : i32
        %dma_wait3A_603 = tpu.memref_slice %arg18[%dma_wait3A_595, %dma_wait3A_602] : memref<2x80xi32, #tpu.memory_space<vmem>> -> memref<1x80xi32, #tpu.memory_space<vmem>>
        %dma_wait3A_604 = tpu.memref_squeeze %dma_wait3A_603 : memref<1x80xi32, #tpu.memory_space<vmem>> -> memref<80xi32, #tpu.memory_space<vmem>>
        %dma_wait3A_605 = arith.constant 0 : i32
        %dma_wait3A_606 = tpu.memref_slice %arg3[%dma_wait3A_594, %dma_wait3A_605] : memref<2x320000xi32, #tpu.memory_space<hbm>> -> memref<1x80xi32, #tpu.memory_space<hbm>>
        %dma_wait3A_607 = tpu.memref_squeeze %dma_wait3A_606 : memref<1x80xi32, #tpu.memory_space<hbm>> -> memref<80xi32, #tpu.memory_space<hbm>>
        tpu.wait_dma2 semaphore(%arg42 : memref<!tpu.dma_semaphore, #tpu.memory_space<semaphore_mem>>) src(%dma_wait3A_607 : memref<80xi32, #tpu.memory_space<hbm>>) dst(%dma_wait3A_604 : memref<80xi32, #tpu.memory_space<vmem>>)
        %dma_wait3A_608 = arith.constant 1 : i32
        %dma_wait3A_609 = arith.constant 1 : i32
        %dma_wait3A_610 = arith.constant 0 : i32
        %dma_wait3A_611 = tpu.memref_slice %arg18[%dma_wait3A_609, %dma_wait3A_610] : memref<2x80xi32, #tpu.memory_space<vmem>> -> memref<1x80xi32, #tpu.memory_space<vmem>>
        %dma_wait3A_612 = tpu.memref_squeeze %dma_wait3A_611 : memref<1x80xi32, #tpu.memory_space<vmem>> -> memref<80xi32, #tpu.memory_space<vmem>>
        %dma_wait3A_613 = arith.constant 0 : i32
        %dma_wait3A_614 = tpu.memref_slice %arg3[%dma_wait3A_608, %dma_wait3A_613] : memref<2x320000xi32, #tpu.memory_space<hbm>> -> memref<1x80xi32, #tpu.memory_space<hbm>>
        %dma_wait3A_615 = tpu.memref_squeeze %dma_wait3A_614 : memref<1x80xi32, #tpu.memory_space<hbm>> -> memref<80xi32, #tpu.memory_space<hbm>>
        %dma_wait3A_616 = arith.constant 0 : i32
        %dma_wait3A_617 = tpu.memref_slice %arg18[%dma_wait3A_609, %dma_wait3A_616] : memref<2x80xi32, #tpu.memory_space<vmem>> -> memref<1x80xi32, #tpu.memory_space<vmem>>
        %dma_wait3A_618 = tpu.memref_squeeze %dma_wait3A_617 : memref<1x80xi32, #tpu.memory_space<vmem>> -> memref<80xi32, #tpu.memory_space<vmem>>
        %dma_wait3A_619 = arith.constant 0 : i32
        %dma_wait3A_620 = tpu.memref_slice %arg3[%dma_wait3A_608, %dma_wait3A_619] : memref<2x320000xi32, #tpu.memory_space<hbm>> -> memref<1x80xi32, #tpu.memory_space<hbm>>
        %dma_wait3A_621 = tpu.memref_squeeze %dma_wait3A_620 : memref<1x80xi32, #tpu.memory_space<hbm>> -> memref<80xi32, #tpu.memory_space<hbm>>
        tpu.wait_dma2 semaphore(%arg42 : memref<!tpu.dma_semaphore, #tpu.memory_space<semaphore_mem>>) src(%dma_wait3A_621 : memref<80xi32, #tpu.memory_space<hbm>>) dst(%dma_wait3A_618 : memref<80xi32, #tpu.memory_space<vmem>>)
        %dma_start3A_622 = arith.constant 0 : i32
        %dma_start3A_623 = arith.constant 0 : i32
        %dma_start3A_624 = tpu.memref_slice %arg18[%dma_start3A_622, %dma_start3A_623] : memref<2x80xi32, #tpu.memory_space<vmem>> -> memref<1x80xi32, #tpu.memory_space<vmem>>
        %dma_start3A_625 = tpu.memref_squeeze %dma_start3A_624 : memref<1x80xi32, #tpu.memory_space<vmem>> -> memref<80xi32, #tpu.memory_space<vmem>>
        %dma_start3A_626 = arith.constant 0 : i32
        %dma_start3A_627 = arith.constant 0 : i32
        %dma_start3A_628 = tpu.memref_slice %arg25[%dma_start3A_626, %dma_start3A_627] : memref<10000x64xf32, #tpu.memory_space<vmem_shared>> -> memref<10000x64xf32, #tpu.memory_space<vmem_shared>>
        tpu.enqueue_indirect_dma source(%dma_start3A_628 : memref<10000x64xf32, #tpu.memory_space<vmem_shared>>) target(%arg13 : memref<80x64xf32, #tpu.memory_space<vmem>>) offsets(%dma_start3A_625 : memref<80xi32, #tpu.memory_space<vmem>>) semaphore(%arg32 : memref<!tpu.dma_semaphore, #tpu.memory_space<semaphore_mem>>)
      } else {
      }
      %dma_wait3A_321 = arith.constant 0 : i32
      %dma_wait3A_322 = arith.constant 0 : i32
      %dma_wait3A_323 = tpu.memref_slice %arg14[%dma_wait3A_321, %dma_wait3A_322] : memref<2x80xi32, #tpu.memory_space<vmem>> -> memref<1x80xi32, #tpu.memory_space<vmem>>
      %dma_wait3A_324 = tpu.memref_squeeze %dma_wait3A_323 : memref<1x80xi32, #tpu.memory_space<vmem>> -> memref<80xi32, #tpu.memory_space<vmem>>
      %dma_wait3A_325 = arith.constant 0 : i32
      %dma_wait3A_326 = arith.constant 0 : i32
      %dma_wait3A_327 = tpu.memref_slice %arg25[%dma_wait3A_325, %dma_wait3A_326] : memref<10000x64xf32, #tpu.memory_space<vmem_shared>> -> memref<10000x64xf32, #tpu.memory_space<vmem_shared>>
      tpu.wait_indirect_dma semaphore(%arg30 : memref<!tpu.dma_semaphore, #tpu.memory_space<semaphore_mem>>) src(%dma_wait3A_327 : memref<10000x64xf32, #tpu.memory_space<vmem_shared>>) dst(%arg11 : memref<80x64xf32, #tpu.memory_space<vmem>>)
      %dma_start3A_328 = arith.constant 1 : i32
      %dma_start3A_329 = arith.constant 0 : i32
      %dma_start3A_330 = tpu.memref_slice %arg16[%dma_start3A_328, %dma_start3A_329] : memref<2x80xi32, #tpu.memory_space<vmem>> -> memref<1x80xi32, #tpu.memory_space<vmem>>
      %dma_start3A_331 = tpu.memref_squeeze %dma_start3A_330 : memref<1x80xi32, #tpu.memory_space<vmem>> -> memref<80xi32, #tpu.memory_space<vmem>>
      %dma_start3A_332 = arith.constant 0 : i32
      %dma_start3A_333 = arith.constant 0 : i32
      %dma_start3A_334 = tpu.memref_slice %arg26[%dma_start3A_332, %dma_start3A_333] : memref<10240x64xf32, #tpu.memory_space<vmem_shared>> -> memref<10240x64xf32, #tpu.memory_space<vmem_shared>>
      tpu.enqueue_indirect_dma source(%arg11 : memref<80x64xf32, #tpu.memory_space<vmem>>) target(%dma_start3A_334 : memref<10240x64xf32, #tpu.memory_space<vmem_shared>>) offsets(%dma_start3A_331 : memref<80xi32, #tpu.memory_space<vmem>>) semaphore(%arg35 : memref<!tpu.dma_semaphore, #tpu.memory_space<semaphore_mem>>) {add = true}
      %mul3A_335 = arith.constant 10 : i32
      %mul3A_336 = arith.muli %add3A_225, %mul3A_335 : i32
      %add3A_337 = arith.constant 3 : i32
      %add3A_338 = arith.addi %mul3A_336, %add3A_337 : i32
      %add3A_339 = arith.constant 2 : i32
      %add3A_340 = arith.addi %add3A_338, %add3A_339 : i32
      %add3A_341 = arith.constant 4 : i32
      %add3A_342 = arith.addi %add3A_338, %add3A_341 : i32
      %lt3A_343 = arith.constant 250 : i32
      %lt3A_344 = arith.cmpi slt, %add3A_342, %lt3A_343 : i32
      %convert_element_type3A_345 = arith.extui %lt3A_344 : i1 to i32
      %cond3A_346 = arith.constant 0 : i32
      %cond3A_347 = arith.cmpi ne, %convert_element_type3A_345, %cond3A_346 : i32
      scf.if %cond3A_347 {
        %mul3A_594 = arith.constant 80 : i32
        %mul3A_595 = arith.muli %add3A_342, %mul3A_594 : i32
        %add3A_596 = arith.addi %mul3A_13, %mul3A_595 : i32
        %dma_start3A_597 = arith.constant 0 : i32
        %dma_start3A_598 = arith.constant 0 : i32
        %dma_start3A_599 = arith.constant 0 : i32
        %dma_start3A_600 = tpu.memref_slice %arg21[%dma_start3A_598, %dma_start3A_599] : memref<2x80xi32, #tpu.memory_space<vmem>> -> memref<1x80xi32, #tpu.memory_space<vmem>>
        %dma_start3A_601 = tpu.memref_squeeze %dma_start3A_600 : memref<1x80xi32, #tpu.memory_space<vmem>> -> memref<80xi32, #tpu.memory_space<vmem>>
        %dma_start3A_602 = tpu.memref_slice %arg3[%dma_start3A_597, %add3A_596] : memref<2x320000xi32, #tpu.memory_space<hbm>> -> memref<1x80xi32, #tpu.memory_space<hbm>>
        %dma_start3A_603 = tpu.memref_squeeze %dma_start3A_602 : memref<1x80xi32, #tpu.memory_space<hbm>> -> memref<80xi32, #tpu.memory_space<hbm>>
        %dma_start3A_604 = arith.constant 0 : i32
        %dma_start3A_605 = tpu.memref_slice %arg21[%dma_start3A_598, %dma_start3A_604] : memref<2x80xi32, #tpu.memory_space<vmem>> -> memref<1x80xi32, #tpu.memory_space<vmem>>
        %dma_start3A_606 = tpu.memref_squeeze %dma_start3A_605 : memref<1x80xi32, #tpu.memory_space<vmem>> -> memref<80xi32, #tpu.memory_space<vmem>>
        %dma_start3A_607 = tpu.memref_slice %arg3[%dma_start3A_597, %add3A_596] : memref<2x320000xi32, #tpu.memory_space<hbm>> -> memref<1x80xi32, #tpu.memory_space<hbm>>
        %dma_start3A_608 = tpu.memref_squeeze %dma_start3A_607 : memref<1x80xi32, #tpu.memory_space<hbm>> -> memref<80xi32, #tpu.memory_space<hbm>>
        tpu.enqueue_dma source(%dma_start3A_608 : memref<80xi32, #tpu.memory_space<hbm>>) target(%dma_start3A_606 : memref<80xi32, #tpu.memory_space<vmem>>) target_semaphore(%arg45 : memref<!tpu.dma_semaphore, #tpu.memory_space<semaphore_mem>>)
        %dma_start3A_609 = arith.constant 1 : i32
        %dma_start3A_610 = arith.constant 1 : i32
        %dma_start3A_611 = arith.constant 0 : i32
        %dma_start3A_612 = tpu.memref_slice %arg21[%dma_start3A_610, %dma_start3A_611] : memref<2x80xi32, #tpu.memory_space<vmem>> -> memref<1x80xi32, #tpu.memory_space<vmem>>
        %dma_start3A_613 = tpu.memref_squeeze %dma_start3A_612 : memref<1x80xi32, #tpu.memory_space<vmem>> -> memref<80xi32, #tpu.memory_space<vmem>>
        %dma_start3A_614 = tpu.memref_slice %arg3[%dma_start3A_609, %add3A_596] : memref<2x320000xi32, #tpu.memory_space<hbm>> -> memref<1x80xi32, #tpu.memory_space<hbm>>
        %dma_start3A_615 = tpu.memref_squeeze %dma_start3A_614 : memref<1x80xi32, #tpu.memory_space<hbm>> -> memref<80xi32, #tpu.memory_space<hbm>>
        %dma_start3A_616 = arith.constant 0 : i32
        %dma_start3A_617 = tpu.memref_slice %arg21[%dma_start3A_610, %dma_start3A_616] : memref<2x80xi32, #tpu.memory_space<vmem>> -> memref<1x80xi32, #tpu.memory_space<vmem>>
        %dma_start3A_618 = tpu.memref_squeeze %dma_start3A_617 : memref<1x80xi32, #tpu.memory_space<vmem>> -> memref<80xi32, #tpu.memory_space<vmem>>
        %dma_start3A_619 = tpu.memref_slice %arg3[%dma_start3A_609, %add3A_596] : memref<2x320000xi32, #tpu.memory_space<hbm>> -> memref<1x80xi32, #tpu.memory_space<hbm>>
        %dma_start3A_620 = tpu.memref_squeeze %dma_start3A_619 : memref<1x80xi32, #tpu.memory_space<hbm>> -> memref<80xi32, #tpu.memory_space<hbm>>
        tpu.enqueue_dma source(%dma_start3A_620 : memref<80xi32, #tpu.memory_space<hbm>>) target(%dma_start3A_618 : memref<80xi32, #tpu.memory_space<vmem>>) target_semaphore(%arg45 : memref<!tpu.dma_semaphore, #tpu.memory_space<semaphore_mem>>)
      } else {
      }
      %ge3A_348 = arith.constant 5 : i32
      %ge3A_349 = arith.cmpi sge, %add3A_340, %ge3A_348 : i32
      %convert_element_type3A_350 = arith.extui %ge3A_349 : i1 to i32
      %cond3A_351 = arith.constant 0 : i32
      %cond3A_352 = arith.cmpi ne, %convert_element_type3A_350, %cond3A_351 : i32
      scf.if %cond3A_352 {
        %dma_wait3A_594 = arith.constant 1 : i32
        %dma_wait3A_595 = arith.constant 0 : i32
        %dma_wait3A_596 = tpu.memref_slice %arg14[%dma_wait3A_594, %dma_wait3A_595] : memref<2x80xi32, #tpu.memory_space<vmem>> -> memref<1x80xi32, #tpu.memory_space<vmem>>
        %dma_wait3A_597 = tpu.memref_squeeze %dma_wait3A_596 : memref<1x80xi32, #tpu.memory_space<vmem>> -> memref<80xi32, #tpu.memory_space<vmem>>
        %dma_wait3A_598 = arith.constant 0 : i32
        %dma_wait3A_599 = arith.constant 0 : i32
        %dma_wait3A_600 = tpu.memref_slice %arg26[%dma_wait3A_598, %dma_wait3A_599] : memref<10240x64xf32, #tpu.memory_space<vmem_shared>> -> memref<10240x64xf32, #tpu.memory_space<vmem_shared>>
        tpu.wait_indirect_dma semaphore(%arg33 : memref<!tpu.dma_semaphore, #tpu.memory_space<semaphore_mem>>) src(%arg9 : memref<80x64xf32, #tpu.memory_space<vmem>>) dst(%dma_wait3A_600 : memref<10240x64xf32, #tpu.memory_space<vmem_shared>>)
      } else {
      }
      %lt3A_353 = arith.constant 250 : i32
      %lt3A_354 = arith.cmpi slt, %add3A_340, %lt3A_353 : i32
      %convert_element_type3A_355 = arith.extui %lt3A_354 : i1 to i32
      %cond3A_356 = arith.constant 0 : i32
      %cond3A_357 = arith.cmpi ne, %convert_element_type3A_355, %cond3A_356 : i32
      scf.if %cond3A_357 {
        %dma_wait3A_594 = arith.constant 0 : i32
        %dma_wait3A_595 = arith.constant 0 : i32
        %dma_wait3A_596 = arith.constant 0 : i32
        %dma_wait3A_597 = tpu.memref_slice %arg19[%dma_wait3A_595, %dma_wait3A_596] : memref<2x80xi32, #tpu.memory_space<vmem>> -> memref<1x80xi32, #tpu.memory_space<vmem>>
        %dma_wait3A_598 = tpu.memref_squeeze %dma_wait3A_597 : memref<1x80xi32, #tpu.memory_space<vmem>> -> memref<80xi32, #tpu.memory_space<vmem>>
        %dma_wait3A_599 = arith.constant 0 : i32
        %dma_wait3A_600 = tpu.memref_slice %arg3[%dma_wait3A_594, %dma_wait3A_599] : memref<2x320000xi32, #tpu.memory_space<hbm>> -> memref<1x80xi32, #tpu.memory_space<hbm>>
        %dma_wait3A_601 = tpu.memref_squeeze %dma_wait3A_600 : memref<1x80xi32, #tpu.memory_space<hbm>> -> memref<80xi32, #tpu.memory_space<hbm>>
        %dma_wait3A_602 = arith.constant 0 : i32
        %dma_wait3A_603 = tpu.memref_slice %arg19[%dma_wait3A_595, %dma_wait3A_602] : memref<2x80xi32, #tpu.memory_space<vmem>> -> memref<1x80xi32, #tpu.memory_space<vmem>>
        %dma_wait3A_604 = tpu.memref_squeeze %dma_wait3A_603 : memref<1x80xi32, #tpu.memory_space<vmem>> -> memref<80xi32, #tpu.memory_space<vmem>>
        %dma_wait3A_605 = arith.constant 0 : i32
        %dma_wait3A_606 = tpu.memref_slice %arg3[%dma_wait3A_594, %dma_wait3A_605] : memref<2x320000xi32, #tpu.memory_space<hbm>> -> memref<1x80xi32, #tpu.memory_space<hbm>>
        %dma_wait3A_607 = tpu.memref_squeeze %dma_wait3A_606 : memref<1x80xi32, #tpu.memory_space<hbm>> -> memref<80xi32, #tpu.memory_space<hbm>>
        tpu.wait_dma2 semaphore(%arg43 : memref<!tpu.dma_semaphore, #tpu.memory_space<semaphore_mem>>) src(%dma_wait3A_607 : memref<80xi32, #tpu.memory_space<hbm>>) dst(%dma_wait3A_604 : memref<80xi32, #tpu.memory_space<vmem>>)
        %dma_wait3A_608 = arith.constant 1 : i32
        %dma_wait3A_609 = arith.constant 1 : i32
        %dma_wait3A_610 = arith.constant 0 : i32
        %dma_wait3A_611 = tpu.memref_slice %arg19[%dma_wait3A_609, %dma_wait3A_610] : memref<2x80xi32, #tpu.memory_space<vmem>> -> memref<1x80xi32, #tpu.memory_space<vmem>>
        %dma_wait3A_612 = tpu.memref_squeeze %dma_wait3A_611 : memref<1x80xi32, #tpu.memory_space<vmem>> -> memref<80xi32, #tpu.memory_space<vmem>>
        %dma_wait3A_613 = arith.constant 0 : i32
        %dma_wait3A_614 = tpu.memref_slice %arg3[%dma_wait3A_608, %dma_wait3A_613] : memref<2x320000xi32, #tpu.memory_space<hbm>> -> memref<1x80xi32, #tpu.memory_space<hbm>>
        %dma_wait3A_615 = tpu.memref_squeeze %dma_wait3A_614 : memref<1x80xi32, #tpu.memory_space<hbm>> -> memref<80xi32, #tpu.memory_space<hbm>>
        %dma_wait3A_616 = arith.constant 0 : i32
        %dma_wait3A_617 = tpu.memref_slice %arg19[%dma_wait3A_609, %dma_wait3A_616] : memref<2x80xi32, #tpu.memory_space<vmem>> -> memref<1x80xi32, #tpu.memory_space<vmem>>
        %dma_wait3A_618 = tpu.memref_squeeze %dma_wait3A_617 : memref<1x80xi32, #tpu.memory_space<vmem>> -> memref<80xi32, #tpu.memory_space<vmem>>
        %dma_wait3A_619 = arith.constant 0 : i32
        %dma_wait3A_620 = tpu.memref_slice %arg3[%dma_wait3A_608, %dma_wait3A_619] : memref<2x320000xi32, #tpu.memory_space<hbm>> -> memref<1x80xi32, #tpu.memory_space<hbm>>
        %dma_wait3A_621 = tpu.memref_squeeze %dma_wait3A_620 : memref<1x80xi32, #tpu.memory_space<hbm>> -> memref<80xi32, #tpu.memory_space<hbm>>
        tpu.wait_dma2 semaphore(%arg43 : memref<!tpu.dma_semaphore, #tpu.memory_space<semaphore_mem>>) src(%dma_wait3A_621 : memref<80xi32, #tpu.memory_space<hbm>>) dst(%dma_wait3A_618 : memref<80xi32, #tpu.memory_space<vmem>>)
        %dma_start3A_622 = arith.constant 0 : i32
        %dma_start3A_623 = arith.constant 0 : i32
        %dma_start3A_624 = tpu.memref_slice %arg19[%dma_start3A_622, %dma_start3A_623] : memref<2x80xi32, #tpu.memory_space<vmem>> -> memref<1x80xi32, #tpu.memory_space<vmem>>
        %dma_start3A_625 = tpu.memref_squeeze %dma_start3A_624 : memref<1x80xi32, #tpu.memory_space<vmem>> -> memref<80xi32, #tpu.memory_space<vmem>>
        %dma_start3A_626 = arith.constant 0 : i32
        %dma_start3A_627 = arith.constant 0 : i32
        %dma_start3A_628 = tpu.memref_slice %arg25[%dma_start3A_626, %dma_start3A_627] : memref<10000x64xf32, #tpu.memory_space<vmem_shared>> -> memref<10000x64xf32, #tpu.memory_space<vmem_shared>>
        tpu.enqueue_indirect_dma source(%dma_start3A_628 : memref<10000x64xf32, #tpu.memory_space<vmem_shared>>) target(%arg9 : memref<80x64xf32, #tpu.memory_space<vmem>>) offsets(%dma_start3A_625 : memref<80xi32, #tpu.memory_space<vmem>>) semaphore(%arg28 : memref<!tpu.dma_semaphore, #tpu.memory_space<semaphore_mem>>)
      } else {
      }
      %dma_wait3A_358 = arith.constant 0 : i32
      %dma_wait3A_359 = arith.constant 0 : i32
      %dma_wait3A_360 = tpu.memref_slice %arg14[%dma_wait3A_358, %dma_wait3A_359] : memref<2x80xi32, #tpu.memory_space<vmem>> -> memref<1x80xi32, #tpu.memory_space<vmem>>
      %dma_wait3A_361 = tpu.memref_squeeze %dma_wait3A_360 : memref<1x80xi32, #tpu.memory_space<vmem>> -> memref<80xi32, #tpu.memory_space<vmem>>
      %dma_wait3A_362 = arith.constant 0 : i32
      %dma_wait3A_363 = arith.constant 0 : i32
      %dma_wait3A_364 = tpu.memref_slice %arg25[%dma_wait3A_362, %dma_wait3A_363] : memref<10000x64xf32, #tpu.memory_space<vmem_shared>> -> memref<10000x64xf32, #tpu.memory_space<vmem_shared>>
      tpu.wait_indirect_dma semaphore(%arg31 : memref<!tpu.dma_semaphore, #tpu.memory_space<semaphore_mem>>) src(%dma_wait3A_364 : memref<10000x64xf32, #tpu.memory_space<vmem_shared>>) dst(%arg12 : memref<80x64xf32, #tpu.memory_space<vmem>>)
      %dma_start3A_365 = arith.constant 1 : i32
      %dma_start3A_366 = arith.constant 0 : i32
      %dma_start3A_367 = tpu.memref_slice %arg17[%dma_start3A_365, %dma_start3A_366] : memref<2x80xi32, #tpu.memory_space<vmem>> -> memref<1x80xi32, #tpu.memory_space<vmem>>
      %dma_start3A_368 = tpu.memref_squeeze %dma_start3A_367 : memref<1x80xi32, #tpu.memory_space<vmem>> -> memref<80xi32, #tpu.memory_space<vmem>>
      %dma_start3A_369 = arith.constant 0 : i32
      %dma_start3A_370 = arith.constant 0 : i32
      %dma_start3A_371 = tpu.memref_slice %arg26[%dma_start3A_369, %dma_start3A_370] : memref<10240x64xf32, #tpu.memory_space<vmem_shared>> -> memref<10240x64xf32, #tpu.memory_space<vmem_shared>>
      tpu.enqueue_indirect_dma source(%arg12 : memref<80x64xf32, #tpu.memory_space<vmem>>) target(%dma_start3A_371 : memref<10240x64xf32, #tpu.memory_space<vmem_shared>>) offsets(%dma_start3A_368 : memref<80xi32, #tpu.memory_space<vmem>>) semaphore(%arg36 : memref<!tpu.dma_semaphore, #tpu.memory_space<semaphore_mem>>) {add = true}
      %mul3A_372 = arith.constant 10 : i32
      %mul3A_373 = arith.muli %add3A_225, %mul3A_372 : i32
      %add3A_374 = arith.constant 4 : i32
      %add3A_375 = arith.addi %mul3A_373, %add3A_374 : i32
      %add3A_376 = arith.constant 2 : i32
      %add3A_377 = arith.addi %add3A_375, %add3A_376 : i32
      %add3A_378 = arith.constant 4 : i32
      %add3A_379 = arith.addi %add3A_375, %add3A_378 : i32
      %lt3A_380 = arith.constant 250 : i32
      %lt3A_381 = arith.cmpi slt, %add3A_379, %lt3A_380 : i32
      %convert_element_type3A_382 = arith.extui %lt3A_381 : i1 to i32
      %cond3A_383 = arith.constant 0 : i32
      %cond3A_384 = arith.cmpi ne, %convert_element_type3A_382, %cond3A_383 : i32
      scf.if %cond3A_384 {
        %mul3A_594 = arith.constant 80 : i32
        %mul3A_595 = arith.muli %add3A_379, %mul3A_594 : i32
        %add3A_596 = arith.addi %mul3A_13, %mul3A_595 : i32
        %dma_start3A_597 = arith.constant 0 : i32
        %dma_start3A_598 = arith.constant 0 : i32
        %dma_start3A_599 = arith.constant 0 : i32
        %dma_start3A_600 = tpu.memref_slice %arg22[%dma_start3A_598, %dma_start3A_599] : memref<2x80xi32, #tpu.memory_space<vmem>> -> memref<1x80xi32, #tpu.memory_space<vmem>>
        %dma_start3A_601 = tpu.memref_squeeze %dma_start3A_600 : memref<1x80xi32, #tpu.memory_space<vmem>> -> memref<80xi32, #tpu.memory_space<vmem>>
        %dma_start3A_602 = tpu.memref_slice %arg3[%dma_start3A_597, %add3A_596] : memref<2x320000xi32, #tpu.memory_space<hbm>> -> memref<1x80xi32, #tpu.memory_space<hbm>>
        %dma_start3A_603 = tpu.memref_squeeze %dma_start3A_602 : memref<1x80xi32, #tpu.memory_space<hbm>> -> memref<80xi32, #tpu.memory_space<hbm>>
        %dma_start3A_604 = arith.constant 0 : i32
        %dma_start3A_605 = tpu.memref_slice %arg22[%dma_start3A_598, %dma_start3A_604] : memref<2x80xi32, #tpu.memory_space<vmem>> -> memref<1x80xi32, #tpu.memory_space<vmem>>
        %dma_start3A_606 = tpu.memref_squeeze %dma_start3A_605 : memref<1x80xi32, #tpu.memory_space<vmem>> -> memref<80xi32, #tpu.memory_space<vmem>>
        %dma_start3A_607 = tpu.memref_slice %arg3[%dma_start3A_597, %add3A_596] : memref<2x320000xi32, #tpu.memory_space<hbm>> -> memref<1x80xi32, #tpu.memory_space<hbm>>
        %dma_start3A_608 = tpu.memref_squeeze %dma_start3A_607 : memref<1x80xi32, #tpu.memory_space<hbm>> -> memref<80xi32, #tpu.memory_space<hbm>>
        tpu.enqueue_dma source(%dma_start3A_608 : memref<80xi32, #tpu.memory_space<hbm>>) target(%dma_start3A_606 : memref<80xi32, #tpu.memory_space<vmem>>) target_semaphore(%arg46 : memref<!tpu.dma_semaphore, #tpu.memory_space<semaphore_mem>>)
        %dma_start3A_609 = arith.constant 1 : i32
        %dma_start3A_610 = arith.constant 1 : i32
        %dma_start3A_611 = arith.constant 0 : i32
        %dma_start3A_612 = tpu.memref_slice %arg22[%dma_start3A_610, %dma_start3A_611] : memref<2x80xi32, #tpu.memory_space<vmem>> -> memref<1x80xi32, #tpu.memory_space<vmem>>
        %dma_start3A_613 = tpu.memref_squeeze %dma_start3A_612 : memref<1x80xi32, #tpu.memory_space<vmem>> -> memref<80xi32, #tpu.memory_space<vmem>>
        %dma_start3A_614 = tpu.memref_slice %arg3[%dma_start3A_609, %add3A_596] : memref<2x320000xi32, #tpu.memory_space<hbm>> -> memref<1x80xi32, #tpu.memory_space<hbm>>
        %dma_start3A_615 = tpu.memref_squeeze %dma_start3A_614 : memref<1x80xi32, #tpu.memory_space<hbm>> -> memref<80xi32, #tpu.memory_space<hbm>>
        %dma_start3A_616 = arith.constant 0 : i32
        %dma_start3A_617 = tpu.memref_slice %arg22[%dma_start3A_610, %dma_start3A_616] : memref<2x80xi32, #tpu.memory_space<vmem>> -> memref<1x80xi32, #tpu.memory_space<vmem>>
        %dma_start3A_618 = tpu.memref_squeeze %dma_start3A_617 : memref<1x80xi32, #tpu.memory_space<vmem>> -> memref<80xi32, #tpu.memory_space<vmem>>
        %dma_start3A_619 = tpu.memref_slice %arg3[%dma_start3A_609, %add3A_596] : memref<2x320000xi32, #tpu.memory_space<hbm>> -> memref<1x80xi32, #tpu.memory_space<hbm>>
        %dma_start3A_620 = tpu.memref_squeeze %dma_start3A_619 : memref<1x80xi32, #tpu.memory_space<hbm>> -> memref<80xi32, #tpu.memory_space<hbm>>
        tpu.enqueue_dma source(%dma_start3A_620 : memref<80xi32, #tpu.memory_space<hbm>>) target(%dma_start3A_618 : memref<80xi32, #tpu.memory_space<vmem>>) target_semaphore(%arg46 : memref<!tpu.dma_semaphore, #tpu.memory_space<semaphore_mem>>)
      } else {
      }
      %ge3A_385 = arith.constant 5 : i32
      %ge3A_386 = arith.cmpi sge, %add3A_377, %ge3A_385 : i32
      %convert_element_type3A_387 = arith.extui %ge3A_386 : i1 to i32
      %cond3A_388 = arith.constant 0 : i32
      %cond3A_389 = arith.cmpi ne, %convert_element_type3A_387, %cond3A_388 : i32
      scf.if %cond3A_389 {
        %dma_wait3A_594 = arith.constant 1 : i32
        %dma_wait3A_595 = arith.constant 0 : i32
        %dma_wait3A_596 = tpu.memref_slice %arg14[%dma_wait3A_594, %dma_wait3A_595] : memref<2x80xi32, #tpu.memory_space<vmem>> -> memref<1x80xi32, #tpu.memory_space<vmem>>
        %dma_wait3A_597 = tpu.memref_squeeze %dma_wait3A_596 : memref<1x80xi32, #tpu.memory_space<vmem>> -> memref<80xi32, #tpu.memory_space<vmem>>
        %dma_wait3A_598 = arith.constant 0 : i32
        %dma_wait3A_599 = arith.constant 0 : i32
        %dma_wait3A_600 = tpu.memref_slice %arg26[%dma_wait3A_598, %dma_wait3A_599] : memref<10240x64xf32, #tpu.memory_space<vmem_shared>> -> memref<10240x64xf32, #tpu.memory_space<vmem_shared>>
        tpu.wait_indirect_dma semaphore(%arg34 : memref<!tpu.dma_semaphore, #tpu.memory_space<semaphore_mem>>) src(%arg10 : memref<80x64xf32, #tpu.memory_space<vmem>>) dst(%dma_wait3A_600 : memref<10240x64xf32, #tpu.memory_space<vmem_shared>>)
      } else {
      }
      %lt3A_390 = arith.constant 250 : i32
      %lt3A_391 = arith.cmpi slt, %add3A_377, %lt3A_390 : i32
      %convert_element_type3A_392 = arith.extui %lt3A_391 : i1 to i32
      %cond3A_393 = arith.constant 0 : i32
      %cond3A_394 = arith.cmpi ne, %convert_element_type3A_392, %cond3A_393 : i32
      scf.if %cond3A_394 {
        %dma_wait3A_594 = arith.constant 0 : i32
        %dma_wait3A_595 = arith.constant 0 : i32
        %dma_wait3A_596 = arith.constant 0 : i32
        %dma_wait3A_597 = tpu.memref_slice %arg20[%dma_wait3A_595, %dma_wait3A_596] : memref<2x80xi32, #tpu.memory_space<vmem>> -> memref<1x80xi32, #tpu.memory_space<vmem>>
        %dma_wait3A_598 = tpu.memref_squeeze %dma_wait3A_597 : memref<1x80xi32, #tpu.memory_space<vmem>> -> memref<80xi32, #tpu.memory_space<vmem>>
        %dma_wait3A_599 = arith.constant 0 : i32
        %dma_wait3A_600 = tpu.memref_slice %arg3[%dma_wait3A_594, %dma_wait3A_599] : memref<2x320000xi32, #tpu.memory_space<hbm>> -> memref<1x80xi32, #tpu.memory_space<hbm>>
        %dma_wait3A_601 = tpu.memref_squeeze %dma_wait3A_600 : memref<1x80xi32, #tpu.memory_space<hbm>> -> memref<80xi32, #tpu.memory_space<hbm>>
        %dma_wait3A_602 = arith.constant 0 : i32
        %dma_wait3A_603 = tpu.memref_slice %arg20[%dma_wait3A_595, %dma_wait3A_602] : memref<2x80xi32, #tpu.memory_space<vmem>> -> memref<1x80xi32, #tpu.memory_space<vmem>>
        %dma_wait3A_604 = tpu.memref_squeeze %dma_wait3A_603 : memref<1x80xi32, #tpu.memory_space<vmem>> -> memref<80xi32, #tpu.memory_space<vmem>>
        %dma_wait3A_605 = arith.constant 0 : i32
        %dma_wait3A_606 = tpu.memref_slice %arg3[%dma_wait3A_594, %dma_wait3A_605] : memref<2x320000xi32, #tpu.memory_space<hbm>> -> memref<1x80xi32, #tpu.memory_space<hbm>>
        %dma_wait3A_607 = tpu.memref_squeeze %dma_wait3A_606 : memref<1x80xi32, #tpu.memory_space<hbm>> -> memref<80xi32, #tpu.memory_space<hbm>>
        tpu.wait_dma2 semaphore(%arg44 : memref<!tpu.dma_semaphore, #tpu.memory_space<semaphore_mem>>) src(%dma_wait3A_607 : memref<80xi32, #tpu.memory_space<hbm>>) dst(%dma_wait3A_604 : memref<80xi32, #tpu.memory_space<vmem>>)
        %dma_wait3A_608 = arith.constant 1 : i32
        %dma_wait3A_609 = arith.constant 1 : i32
        %dma_wait3A_610 = arith.constant 0 : i32
        %dma_wait3A_611 = tpu.memref_slice %arg20[%dma_wait3A_609, %dma_wait3A_610] : memref<2x80xi32, #tpu.memory_space<vmem>> -> memref<1x80xi32, #tpu.memory_space<vmem>>
        %dma_wait3A_612 = tpu.memref_squeeze %dma_wait3A_611 : memref<1x80xi32, #tpu.memory_space<vmem>> -> memref<80xi32, #tpu.memory_space<vmem>>
        %dma_wait3A_613 = arith.constant 0 : i32
        %dma_wait3A_614 = tpu.memref_slice %arg3[%dma_wait3A_608, %dma_wait3A_613] : memref<2x320000xi32, #tpu.memory_space<hbm>> -> memref<1x80xi32, #tpu.memory_space<hbm>>
        %dma_wait3A_615 = tpu.memref_squeeze %dma_wait3A_614 : memref<1x80xi32, #tpu.memory_space<hbm>> -> memref<80xi32, #tpu.memory_space<hbm>>
        %dma_wait3A_616 = arith.constant 0 : i32
        %dma_wait3A_617 = tpu.memref_slice %arg20[%dma_wait3A_609, %dma_wait3A_616] : memref<2x80xi32, #tpu.memory_space<vmem>> -> memref<1x80xi32, #tpu.memory_space<vmem>>
        %dma_wait3A_618 = tpu.memref_squeeze %dma_wait3A_617 : memref<1x80xi32, #tpu.memory_space<vmem>> -> memref<80xi32, #tpu.memory_space<vmem>>
        %dma_wait3A_619 = arith.constant 0 : i32
        %dma_wait3A_620 = tpu.memref_slice %arg3[%dma_wait3A_608, %dma_wait3A_619] : memref<2x320000xi32, #tpu.memory_space<hbm>> -> memref<1x80xi32, #tpu.memory_space<hbm>>
        %dma_wait3A_621 = tpu.memref_squeeze %dma_wait3A_620 : memref<1x80xi32, #tpu.memory_space<hbm>> -> memref<80xi32, #tpu.memory_space<hbm>>
        tpu.wait_dma2 semaphore(%arg44 : memref<!tpu.dma_semaphore, #tpu.memory_space<semaphore_mem>>) src(%dma_wait3A_621 : memref<80xi32, #tpu.memory_space<hbm>>) dst(%dma_wait3A_618 : memref<80xi32, #tpu.memory_space<vmem>>)
        %dma_start3A_622 = arith.constant 0 : i32
        %dma_start3A_623 = arith.constant 0 : i32
        %dma_start3A_624 = tpu.memref_slice %arg20[%dma_start3A_622, %dma_start3A_623] : memref<2x80xi32, #tpu.memory_space<vmem>> -> memref<1x80xi32, #tpu.memory_space<vmem>>
        %dma_start3A_625 = tpu.memref_squeeze %dma_start3A_624 : memref<1x80xi32, #tpu.memory_space<vmem>> -> memref<80xi32, #tpu.memory_space<vmem>>
        %dma_start3A_626 = arith.constant 0 : i32
        %dma_start3A_627 = arith.constant 0 : i32
        %dma_start3A_628 = tpu.memref_slice %arg25[%dma_start3A_626, %dma_start3A_627] : memref<10000x64xf32, #tpu.memory_space<vmem_shared>> -> memref<10000x64xf32, #tpu.memory_space<vmem_shared>>
        tpu.enqueue_indirect_dma source(%dma_start3A_628 : memref<10000x64xf32, #tpu.memory_space<vmem_shared>>) target(%arg10 : memref<80x64xf32, #tpu.memory_space<vmem>>) offsets(%dma_start3A_625 : memref<80xi32, #tpu.memory_space<vmem>>) semaphore(%arg29 : memref<!tpu.dma_semaphore, #tpu.memory_space<semaphore_mem>>)
      } else {
      }
      %dma_wait3A_395 = arith.constant 0 : i32
      %dma_wait3A_396 = arith.constant 0 : i32
      %dma_wait3A_397 = tpu.memref_slice %arg14[%dma_wait3A_395, %dma_wait3A_396] : memref<2x80xi32, #tpu.memory_space<vmem>> -> memref<1x80xi32, #tpu.memory_space<vmem>>
      %dma_wait3A_398 = tpu.memref_squeeze %dma_wait3A_397 : memref<1x80xi32, #tpu.memory_space<vmem>> -> memref<80xi32, #tpu.memory_space<vmem>>
      %dma_wait3A_399 = arith.constant 0 : i32
      %dma_wait3A_400 = arith.constant 0 : i32
      %dma_wait3A_401 = tpu.memref_slice %arg25[%dma_wait3A_399, %dma_wait3A_400] : memref<10000x64xf32, #tpu.memory_space<vmem_shared>> -> memref<10000x64xf32, #tpu.memory_space<vmem_shared>>
      tpu.wait_indirect_dma semaphore(%arg32 : memref<!tpu.dma_semaphore, #tpu.memory_space<semaphore_mem>>) src(%dma_wait3A_401 : memref<10000x64xf32, #tpu.memory_space<vmem_shared>>) dst(%arg13 : memref<80x64xf32, #tpu.memory_space<vmem>>)
      %dma_start3A_402 = arith.constant 1 : i32
      %dma_start3A_403 = arith.constant 0 : i32
      %dma_start3A_404 = tpu.memref_slice %arg18[%dma_start3A_402, %dma_start3A_403] : memref<2x80xi32, #tpu.memory_space<vmem>> -> memref<1x80xi32, #tpu.memory_space<vmem>>
      %dma_start3A_405 = tpu.memref_squeeze %dma_start3A_404 : memref<1x80xi32, #tpu.memory_space<vmem>> -> memref<80xi32, #tpu.memory_space<vmem>>
      %dma_start3A_406 = arith.constant 0 : i32
      %dma_start3A_407 = arith.constant 0 : i32
      %dma_start3A_408 = tpu.memref_slice %arg26[%dma_start3A_406, %dma_start3A_407] : memref<10240x64xf32, #tpu.memory_space<vmem_shared>> -> memref<10240x64xf32, #tpu.memory_space<vmem_shared>>
      tpu.enqueue_indirect_dma source(%arg13 : memref<80x64xf32, #tpu.memory_space<vmem>>) target(%dma_start3A_408 : memref<10240x64xf32, #tpu.memory_space<vmem_shared>>) offsets(%dma_start3A_405 : memref<80xi32, #tpu.memory_space<vmem>>) semaphore(%arg37 : memref<!tpu.dma_semaphore, #tpu.memory_space<semaphore_mem>>) {add = true}
      %mul3A_409 = arith.constant 10 : i32
      %mul3A_410 = arith.muli %add3A_225, %mul3A_409 : i32
      %add3A_411 = arith.constant 5 : i32
      %add3A_412 = arith.addi %mul3A_410, %add3A_411 : i32
      %add3A_413 = arith.constant 2 : i32
      %add3A_414 = arith.addi %add3A_412, %add3A_413 : i32
      %add3A_415 = arith.constant 4 : i32
      %add3A_416 = arith.addi %add3A_412, %add3A_415 : i32
      %lt3A_417 = arith.constant 250 : i32
      %lt3A_418 = arith.cmpi slt, %add3A_416, %lt3A_417 : i32
      %convert_element_type3A_419 = arith.extui %lt3A_418 : i1 to i32
      %cond3A_420 = arith.constant 0 : i32
      %cond3A_421 = arith.cmpi ne, %convert_element_type3A_419, %cond3A_420 : i32
      scf.if %cond3A_421 {
        %mul3A_594 = arith.constant 80 : i32
        %mul3A_595 = arith.muli %add3A_416, %mul3A_594 : i32
        %add3A_596 = arith.addi %mul3A_13, %mul3A_595 : i32
        %dma_start3A_597 = arith.constant 0 : i32
        %dma_start3A_598 = arith.constant 0 : i32
        %dma_start3A_599 = arith.constant 0 : i32
        %dma_start3A_600 = tpu.memref_slice %arg23[%dma_start3A_598, %dma_start3A_599] : memref<2x80xi32, #tpu.memory_space<vmem>> -> memref<1x80xi32, #tpu.memory_space<vmem>>
        %dma_start3A_601 = tpu.memref_squeeze %dma_start3A_600 : memref<1x80xi32, #tpu.memory_space<vmem>> -> memref<80xi32, #tpu.memory_space<vmem>>
        %dma_start3A_602 = tpu.memref_slice %arg3[%dma_start3A_597, %add3A_596] : memref<2x320000xi32, #tpu.memory_space<hbm>> -> memref<1x80xi32, #tpu.memory_space<hbm>>
        %dma_start3A_603 = tpu.memref_squeeze %dma_start3A_602 : memref<1x80xi32, #tpu.memory_space<hbm>> -> memref<80xi32, #tpu.memory_space<hbm>>
        %dma_start3A_604 = arith.constant 0 : i32
        %dma_start3A_605 = tpu.memref_slice %arg23[%dma_start3A_598, %dma_start3A_604] : memref<2x80xi32, #tpu.memory_space<vmem>> -> memref<1x80xi32, #tpu.memory_space<vmem>>
        %dma_start3A_606 = tpu.memref_squeeze %dma_start3A_605 : memref<1x80xi32, #tpu.memory_space<vmem>> -> memref<80xi32, #tpu.memory_space<vmem>>
        %dma_start3A_607 = tpu.memref_slice %arg3[%dma_start3A_597, %add3A_596] : memref<2x320000xi32, #tpu.memory_space<hbm>> -> memref<1x80xi32, #tpu.memory_space<hbm>>
        %dma_start3A_608 = tpu.memref_squeeze %dma_start3A_607 : memref<1x80xi32, #tpu.memory_space<hbm>> -> memref<80xi32, #tpu.memory_space<hbm>>
        tpu.enqueue_dma source(%dma_start3A_608 : memref<80xi32, #tpu.memory_space<hbm>>) target(%dma_start3A_606 : memref<80xi32, #tpu.memory_space<vmem>>) target_semaphore(%arg47 : memref<!tpu.dma_semaphore, #tpu.memory_space<semaphore_mem>>)
        %dma_start3A_609 = arith.constant 1 : i32
        %dma_start3A_610 = arith.constant 1 : i32
        %dma_start3A_611 = arith.constant 0 : i32
        %dma_start3A_612 = tpu.memref_slice %arg23[%dma_start3A_610, %dma_start3A_611] : memref<2x80xi32, #tpu.memory_space<vmem>> -> memref<1x80xi32, #tpu.memory_space<vmem>>
        %dma_start3A_613 = tpu.memref_squeeze %dma_start3A_612 : memref<1x80xi32, #tpu.memory_space<vmem>> -> memref<80xi32, #tpu.memory_space<vmem>>
        %dma_start3A_614 = tpu.memref_slice %arg3[%dma_start3A_609, %add3A_596] : memref<2x320000xi32, #tpu.memory_space<hbm>> -> memref<1x80xi32, #tpu.memory_space<hbm>>
        %dma_start3A_615 = tpu.memref_squeeze %dma_start3A_614 : memref<1x80xi32, #tpu.memory_space<hbm>> -> memref<80xi32, #tpu.memory_space<hbm>>
        %dma_start3A_616 = arith.constant 0 : i32
        %dma_start3A_617 = tpu.memref_slice %arg23[%dma_start3A_610, %dma_start3A_616] : memref<2x80xi32, #tpu.memory_space<vmem>> -> memref<1x80xi32, #tpu.memory_space<vmem>>
        %dma_start3A_618 = tpu.memref_squeeze %dma_start3A_617 : memref<1x80xi32, #tpu.memory_space<vmem>> -> memref<80xi32, #tpu.memory_space<vmem>>
        %dma_start3A_619 = tpu.memref_slice %arg3[%dma_start3A_609, %add3A_596] : memref<2x320000xi32, #tpu.memory_space<hbm>> -> memref<1x80xi32, #tpu.memory_space<hbm>>
        %dma_start3A_620 = tpu.memref_squeeze %dma_start3A_619 : memref<1x80xi32, #tpu.memory_space<hbm>> -> memref<80xi32, #tpu.memory_space<hbm>>
        tpu.enqueue_dma source(%dma_start3A_620 : memref<80xi32, #tpu.memory_space<hbm>>) target(%dma_start3A_618 : memref<80xi32, #tpu.memory_space<vmem>>) target_semaphore(%arg47 : memref<!tpu.dma_semaphore, #tpu.memory_space<semaphore_mem>>)
      } else {
      }
      %ge3A_422 = arith.constant 5 : i32
      %ge3A_423 = arith.cmpi sge, %add3A_414, %ge3A_422 : i32
      %convert_element_type3A_424 = arith.extui %ge3A_423 : i1 to i32
      %cond3A_425 = arith.constant 0 : i32
      %cond3A_426 = arith.cmpi ne, %convert_element_type3A_424, %cond3A_425 : i32
      scf.if %cond3A_426 {
        %dma_wait3A_594 = arith.constant 1 : i32
        %dma_wait3A_595 = arith.constant 0 : i32
        %dma_wait3A_596 = tpu.memref_slice %arg14[%dma_wait3A_594, %dma_wait3A_595] : memref<2x80xi32, #tpu.memory_space<vmem>> -> memref<1x80xi32, #tpu.memory_space<vmem>>
        %dma_wait3A_597 = tpu.memref_squeeze %dma_wait3A_596 : memref<1x80xi32, #tpu.memory_space<vmem>> -> memref<80xi32, #tpu.memory_space<vmem>>
        %dma_wait3A_598 = arith.constant 0 : i32
        %dma_wait3A_599 = arith.constant 0 : i32
        %dma_wait3A_600 = tpu.memref_slice %arg26[%dma_wait3A_598, %dma_wait3A_599] : memref<10240x64xf32, #tpu.memory_space<vmem_shared>> -> memref<10240x64xf32, #tpu.memory_space<vmem_shared>>
        tpu.wait_indirect_dma semaphore(%arg35 : memref<!tpu.dma_semaphore, #tpu.memory_space<semaphore_mem>>) src(%arg11 : memref<80x64xf32, #tpu.memory_space<vmem>>) dst(%dma_wait3A_600 : memref<10240x64xf32, #tpu.memory_space<vmem_shared>>)
      } else {
      }
      %lt3A_427 = arith.constant 250 : i32
      %lt3A_428 = arith.cmpi slt, %add3A_414, %lt3A_427 : i32
      %convert_element_type3A_429 = arith.extui %lt3A_428 : i1 to i32
      %cond3A_430 = arith.constant 0 : i32
      %cond3A_431 = arith.cmpi ne, %convert_element_type3A_429, %cond3A_430 : i32
      scf.if %cond3A_431 {
        %dma_wait3A_594 = arith.constant 0 : i32
        %dma_wait3A_595 = arith.constant 0 : i32
        %dma_wait3A_596 = arith.constant 0 : i32
        %dma_wait3A_597 = tpu.memref_slice %arg21[%dma_wait3A_595, %dma_wait3A_596] : memref<2x80xi32, #tpu.memory_space<vmem>> -> memref<1x80xi32, #tpu.memory_space<vmem>>
        %dma_wait3A_598 = tpu.memref_squeeze %dma_wait3A_597 : memref<1x80xi32, #tpu.memory_space<vmem>> -> memref<80xi32, #tpu.memory_space<vmem>>
        %dma_wait3A_599 = arith.constant 0 : i32
        %dma_wait3A_600 = tpu.memref_slice %arg3[%dma_wait3A_594, %dma_wait3A_599] : memref<2x320000xi32, #tpu.memory_space<hbm>> -> memref<1x80xi32, #tpu.memory_space<hbm>>
        %dma_wait3A_601 = tpu.memref_squeeze %dma_wait3A_600 : memref<1x80xi32, #tpu.memory_space<hbm>> -> memref<80xi32, #tpu.memory_space<hbm>>
        %dma_wait3A_602 = arith.constant 0 : i32
        %dma_wait3A_603 = tpu.memref_slice %arg21[%dma_wait3A_595, %dma_wait3A_602] : memref<2x80xi32, #tpu.memory_space<vmem>> -> memref<1x80xi32, #tpu.memory_space<vmem>>
        %dma_wait3A_604 = tpu.memref_squeeze %dma_wait3A_603 : memref<1x80xi32, #tpu.memory_space<vmem>> -> memref<80xi32, #tpu.memory_space<vmem>>
        %dma_wait3A_605 = arith.constant 0 : i32
        %dma_wait3A_606 = tpu.memref_slice %arg3[%dma_wait3A_594, %dma_wait3A_605] : memref<2x320000xi32, #tpu.memory_space<hbm>> -> memref<1x80xi32, #tpu.memory_space<hbm>>
        %dma_wait3A_607 = tpu.memref_squeeze %dma_wait3A_606 : memref<1x80xi32, #tpu.memory_space<hbm>> -> memref<80xi32, #tpu.memory_space<hbm>>
        tpu.wait_dma2 semaphore(%arg45 : memref<!tpu.dma_semaphore, #tpu.memory_space<semaphore_mem>>) src(%dma_wait3A_607 : memref<80xi32, #tpu.memory_space<hbm>>) dst(%dma_wait3A_604 : memref<80xi32, #tpu.memory_space<vmem>>)
        %dma_wait3A_608 = arith.constant 1 : i32
        %dma_wait3A_609 = arith.constant 1 : i32
        %dma_wait3A_610 = arith.constant 0 : i32
        %dma_wait3A_611 = tpu.memref_slice %arg21[%dma_wait3A_609, %dma_wait3A_610] : memref<2x80xi32, #tpu.memory_space<vmem>> -> memref<1x80xi32, #tpu.memory_space<vmem>>
        %dma_wait3A_612 = tpu.memref_squeeze %dma_wait3A_611 : memref<1x80xi32, #tpu.memory_space<vmem>> -> memref<80xi32, #tpu.memory_space<vmem>>
        %dma_wait3A_613 = arith.constant 0 : i32
        %dma_wait3A_614 = tpu.memref_slice %arg3[%dma_wait3A_608, %dma_wait3A_613] : memref<2x320000xi32, #tpu.memory_space<hbm>> -> memref<1x80xi32, #tpu.memory_space<hbm>>
        %dma_wait3A_615 = tpu.memref_squeeze %dma_wait3A_614 : memref<1x80xi32, #tpu.memory_space<hbm>> -> memref<80xi32, #tpu.memory_space<hbm>>
        %dma_wait3A_616 = arith.constant 0 : i32
        %dma_wait3A_617 = tpu.memref_slice %arg21[%dma_wait3A_609, %dma_wait3A_616] : memref<2x80xi32, #tpu.memory_space<vmem>> -> memref<1x80xi32, #tpu.memory_space<vmem>>
        %dma_wait3A_618 = tpu.memref_squeeze %dma_wait3A_617 : memref<1x80xi32, #tpu.memory_space<vmem>> -> memref<80xi32, #tpu.memory_space<vmem>>
        %dma_wait3A_619 = arith.constant 0 : i32
        %dma_wait3A_620 = tpu.memref_slice %arg3[%dma_wait3A_608, %dma_wait3A_619] : memref<2x320000xi32, #tpu.memory_space<hbm>> -> memref<1x80xi32, #tpu.memory_space<hbm>>
        %dma_wait3A_621 = tpu.memref_squeeze %dma_wait3A_620 : memref<1x80xi32, #tpu.memory_space<hbm>> -> memref<80xi32, #tpu.memory_space<hbm>>
        tpu.wait_dma2 semaphore(%arg45 : memref<!tpu.dma_semaphore, #tpu.memory_space<semaphore_mem>>) src(%dma_wait3A_621 : memref<80xi32, #tpu.memory_space<hbm>>) dst(%dma_wait3A_618 : memref<80xi32, #tpu.memory_space<vmem>>)
        %dma_start3A_622 = arith.constant 0 : i32
        %dma_start3A_623 = arith.constant 0 : i32
        %dma_start3A_624 = tpu.memref_slice %arg21[%dma_start3A_622, %dma_start3A_623] : memref<2x80xi32, #tpu.memory_space<vmem>> -> memref<1x80xi32, #tpu.memory_space<vmem>>
        %dma_start3A_625 = tpu.memref_squeeze %dma_start3A_624 : memref<1x80xi32, #tpu.memory_space<vmem>> -> memref<80xi32, #tpu.memory_space<vmem>>
        %dma_start3A_626 = arith.constant 0 : i32
        %dma_start3A_627 = arith.constant 0 : i32
        %dma_start3A_628 = tpu.memref_slice %arg25[%dma_start3A_626, %dma_start3A_627] : memref<10000x64xf32, #tpu.memory_space<vmem_shared>> -> memref<10000x64xf32, #tpu.memory_space<vmem_shared>>
        tpu.enqueue_indirect_dma source(%dma_start3A_628 : memref<10000x64xf32, #tpu.memory_space<vmem_shared>>) target(%arg11 : memref<80x64xf32, #tpu.memory_space<vmem>>) offsets(%dma_start3A_625 : memref<80xi32, #tpu.memory_space<vmem>>) semaphore(%arg30 : memref<!tpu.dma_semaphore, #tpu.memory_space<semaphore_mem>>)
      } else {
      }
      %dma_wait3A_432 = arith.constant 0 : i32
      %dma_wait3A_433 = arith.constant 0 : i32
      %dma_wait3A_434 = tpu.memref_slice %arg14[%dma_wait3A_432, %dma_wait3A_433] : memref<2x80xi32, #tpu.memory_space<vmem>> -> memref<1x80xi32, #tpu.memory_space<vmem>>
      %dma_wait3A_435 = tpu.memref_squeeze %dma_wait3A_434 : memref<1x80xi32, #tpu.memory_space<vmem>> -> memref<80xi32, #tpu.memory_space<vmem>>
      %dma_wait3A_436 = arith.constant 0 : i32
      %dma_wait3A_437 = arith.constant 0 : i32
      %dma_wait3A_438 = tpu.memref_slice %arg25[%dma_wait3A_436, %dma_wait3A_437] : memref<10000x64xf32, #tpu.memory_space<vmem_shared>> -> memref<10000x64xf32, #tpu.memory_space<vmem_shared>>
      tpu.wait_indirect_dma semaphore(%arg28 : memref<!tpu.dma_semaphore, #tpu.memory_space<semaphore_mem>>) src(%dma_wait3A_438 : memref<10000x64xf32, #tpu.memory_space<vmem_shared>>) dst(%arg9 : memref<80x64xf32, #tpu.memory_space<vmem>>)
      %dma_start3A_439 = arith.constant 1 : i32
      %dma_start3A_440 = arith.constant 0 : i32
      %dma_start3A_441 = tpu.memref_slice %arg19[%dma_start3A_439, %dma_start3A_440] : memref<2x80xi32, #tpu.memory_space<vmem>> -> memref<1x80xi32, #tpu.memory_space<vmem>>
      %dma_start3A_442 = tpu.memref_squeeze %dma_start3A_441 : memref<1x80xi32, #tpu.memory_space<vmem>> -> memref<80xi32, #tpu.memory_space<vmem>>
      %dma_start3A_443 = arith.constant 0 : i32
      %dma_start3A_444 = arith.constant 0 : i32
      %dma_start3A_445 = tpu.memref_slice %arg26[%dma_start3A_443, %dma_start3A_444] : memref<10240x64xf32, #tpu.memory_space<vmem_shared>> -> memref<10240x64xf32, #tpu.memory_space<vmem_shared>>
      tpu.enqueue_indirect_dma source(%arg9 : memref<80x64xf32, #tpu.memory_space<vmem>>) target(%dma_start3A_445 : memref<10240x64xf32, #tpu.memory_space<vmem_shared>>) offsets(%dma_start3A_442 : memref<80xi32, #tpu.memory_space<vmem>>) semaphore(%arg33 : memref<!tpu.dma_semaphore, #tpu.memory_space<semaphore_mem>>) {add = true}
      %mul3A_446 = arith.constant 10 : i32
      %mul3A_447 = arith.muli %add3A_225, %mul3A_446 : i32
      %add3A_448 = arith.constant 6 : i32
      %add3A_449 = arith.addi %mul3A_447, %add3A_448 : i32
      %add3A_450 = arith.constant 2 : i32
      %add3A_451 = arith.addi %add3A_449, %add3A_450 : i32
      %add3A_452 = arith.constant 4 : i32
      %add3A_453 = arith.addi %add3A_449, %add3A_452 : i32
      %lt3A_454 = arith.constant 250 : i32
      %lt3A_455 = arith.cmpi slt, %add3A_453, %lt3A_454 : i32
      %convert_element_type3A_456 = arith.extui %lt3A_455 : i1 to i32
      %cond3A_457 = arith.constant 0 : i32
      %cond3A_458 = arith.cmpi ne, %convert_element_type3A_456, %cond3A_457 : i32
      scf.if %cond3A_458 {
        %mul3A_594 = arith.constant 80 : i32
        %mul3A_595 = arith.muli %add3A_453, %mul3A_594 : i32
        %add3A_596 = arith.addi %mul3A_13, %mul3A_595 : i32
        %dma_start3A_597 = arith.constant 0 : i32
        %dma_start3A_598 = arith.constant 0 : i32
        %dma_start3A_599 = arith.constant 0 : i32
        %dma_start3A_600 = tpu.memref_slice %arg14[%dma_start3A_598, %dma_start3A_599] : memref<2x80xi32, #tpu.memory_space<vmem>> -> memref<1x80xi32, #tpu.memory_space<vmem>>
        %dma_start3A_601 = tpu.memref_squeeze %dma_start3A_600 : memref<1x80xi32, #tpu.memory_space<vmem>> -> memref<80xi32, #tpu.memory_space<vmem>>
        %dma_start3A_602 = tpu.memref_slice %arg3[%dma_start3A_597, %add3A_596] : memref<2x320000xi32, #tpu.memory_space<hbm>> -> memref<1x80xi32, #tpu.memory_space<hbm>>
        %dma_start3A_603 = tpu.memref_squeeze %dma_start3A_602 : memref<1x80xi32, #tpu.memory_space<hbm>> -> memref<80xi32, #tpu.memory_space<hbm>>
        %dma_start3A_604 = arith.constant 0 : i32
        %dma_start3A_605 = tpu.memref_slice %arg14[%dma_start3A_598, %dma_start3A_604] : memref<2x80xi32, #tpu.memory_space<vmem>> -> memref<1x80xi32, #tpu.memory_space<vmem>>
        %dma_start3A_606 = tpu.memref_squeeze %dma_start3A_605 : memref<1x80xi32, #tpu.memory_space<vmem>> -> memref<80xi32, #tpu.memory_space<vmem>>
        %dma_start3A_607 = tpu.memref_slice %arg3[%dma_start3A_597, %add3A_596] : memref<2x320000xi32, #tpu.memory_space<hbm>> -> memref<1x80xi32, #tpu.memory_space<hbm>>
        %dma_start3A_608 = tpu.memref_squeeze %dma_start3A_607 : memref<1x80xi32, #tpu.memory_space<hbm>> -> memref<80xi32, #tpu.memory_space<hbm>>
        tpu.enqueue_dma source(%dma_start3A_608 : memref<80xi32, #tpu.memory_space<hbm>>) target(%dma_start3A_606 : memref<80xi32, #tpu.memory_space<vmem>>) target_semaphore(%arg38 : memref<!tpu.dma_semaphore, #tpu.memory_space<semaphore_mem>>)
        %dma_start3A_609 = arith.constant 1 : i32
        %dma_start3A_610 = arith.constant 1 : i32
        %dma_start3A_611 = arith.constant 0 : i32
        %dma_start3A_612 = tpu.memref_slice %arg14[%dma_start3A_610, %dma_start3A_611] : memref<2x80xi32, #tpu.memory_space<vmem>> -> memref<1x80xi32, #tpu.memory_space<vmem>>
        %dma_start3A_613 = tpu.memref_squeeze %dma_start3A_612 : memref<1x80xi32, #tpu.memory_space<vmem>> -> memref<80xi32, #tpu.memory_space<vmem>>
        %dma_start3A_614 = tpu.memref_slice %arg3[%dma_start3A_609, %add3A_596] : memref<2x320000xi32, #tpu.memory_space<hbm>> -> memref<1x80xi32, #tpu.memory_space<hbm>>
        %dma_start3A_615 = tpu.memref_squeeze %dma_start3A_614 : memref<1x80xi32, #tpu.memory_space<hbm>> -> memref<80xi32, #tpu.memory_space<hbm>>
        %dma_start3A_616 = arith.constant 0 : i32
        %dma_start3A_617 = tpu.memref_slice %arg14[%dma_start3A_610, %dma_start3A_616] : memref<2x80xi32, #tpu.memory_space<vmem>> -> memref<1x80xi32, #tpu.memory_space<vmem>>
        %dma_start3A_618 = tpu.memref_squeeze %dma_start3A_617 : memref<1x80xi32, #tpu.memory_space<vmem>> -> memref<80xi32, #tpu.memory_space<vmem>>
        %dma_start3A_619 = tpu.memref_slice %arg3[%dma_start3A_609, %add3A_596] : memref<2x320000xi32, #tpu.memory_space<hbm>> -> memref<1x80xi32, #tpu.memory_space<hbm>>
        %dma_start3A_620 = tpu.memref_squeeze %dma_start3A_619 : memref<1x80xi32, #tpu.memory_space<hbm>> -> memref<80xi32, #tpu.memory_space<hbm>>
        tpu.enqueue_dma source(%dma_start3A_620 : memref<80xi32, #tpu.memory_space<hbm>>) target(%dma_start3A_618 : memref<80xi32, #tpu.memory_space<vmem>>) target_semaphore(%arg38 : memref<!tpu.dma_semaphore, #tpu.memory_space<semaphore_mem>>)
      } else {
      }
      %ge3A_459 = arith.constant 5 : i32
      %ge3A_460 = arith.cmpi sge, %add3A_451, %ge3A_459 : i32
      %convert_element_type3A_461 = arith.extui %ge3A_460 : i1 to i32
      %cond3A_462 = arith.constant 0 : i32
      %cond3A_463 = arith.cmpi ne, %convert_element_type3A_461, %cond3A_462 : i32
      scf.if %cond3A_463 {
        %dma_wait3A_594 = arith.constant 1 : i32
        %dma_wait3A_595 = arith.constant 0 : i32
        %dma_wait3A_596 = tpu.memref_slice %arg14[%dma_wait3A_594, %dma_wait3A_595] : memref<2x80xi32, #tpu.memory_space<vmem>> -> memref<1x80xi32, #tpu.memory_space<vmem>>
        %dma_wait3A_597 = tpu.memref_squeeze %dma_wait3A_596 : memref<1x80xi32, #tpu.memory_space<vmem>> -> memref<80xi32, #tpu.memory_space<vmem>>
        %dma_wait3A_598 = arith.constant 0 : i32
        %dma_wait3A_599 = arith.constant 0 : i32
        %dma_wait3A_600 = tpu.memref_slice %arg26[%dma_wait3A_598, %dma_wait3A_599] : memref<10240x64xf32, #tpu.memory_space<vmem_shared>> -> memref<10240x64xf32, #tpu.memory_space<vmem_shared>>
        tpu.wait_indirect_dma semaphore(%arg36 : memref<!tpu.dma_semaphore, #tpu.memory_space<semaphore_mem>>) src(%arg12 : memref<80x64xf32, #tpu.memory_space<vmem>>) dst(%dma_wait3A_600 : memref<10240x64xf32, #tpu.memory_space<vmem_shared>>)
      } else {
      }
      %lt3A_464 = arith.constant 250 : i32
      %lt3A_465 = arith.cmpi slt, %add3A_451, %lt3A_464 : i32
      %convert_element_type3A_466 = arith.extui %lt3A_465 : i1 to i32
      %cond3A_467 = arith.constant 0 : i32
      %cond3A_468 = arith.cmpi ne, %convert_element_type3A_466, %cond3A_467 : i32
      scf.if %cond3A_468 {
        %dma_wait3A_594 = arith.constant 0 : i32
        %dma_wait3A_595 = arith.constant 0 : i32
        %dma_wait3A_596 = arith.constant 0 : i32
        %dma_wait3A_597 = tpu.memref_slice %arg22[%dma_wait3A_595, %dma_wait3A_596] : memref<2x80xi32, #tpu.memory_space<vmem>> -> memref<1x80xi32, #tpu.memory_space<vmem>>
        %dma_wait3A_598 = tpu.memref_squeeze %dma_wait3A_597 : memref<1x80xi32, #tpu.memory_space<vmem>> -> memref<80xi32, #tpu.memory_space<vmem>>
        %dma_wait3A_599 = arith.constant 0 : i32
        %dma_wait3A_600 = tpu.memref_slice %arg3[%dma_wait3A_594, %dma_wait3A_599] : memref<2x320000xi32, #tpu.memory_space<hbm>> -> memref<1x80xi32, #tpu.memory_space<hbm>>
        %dma_wait3A_601 = tpu.memref_squeeze %dma_wait3A_600 : memref<1x80xi32, #tpu.memory_space<hbm>> -> memref<80xi32, #tpu.memory_space<hbm>>
        %dma_wait3A_602 = arith.constant 0 : i32
        %dma_wait3A_603 = tpu.memref_slice %arg22[%dma_wait3A_595, %dma_wait3A_602] : memref<2x80xi32, #tpu.memory_space<vmem>> -> memref<1x80xi32, #tpu.memory_space<vmem>>
        %dma_wait3A_604 = tpu.memref_squeeze %dma_wait3A_603 : memref<1x80xi32, #tpu.memory_space<vmem>> -> memref<80xi32, #tpu.memory_space<vmem>>
        %dma_wait3A_605 = arith.constant 0 : i32
        %dma_wait3A_606 = tpu.memref_slice %arg3[%dma_wait3A_594, %dma_wait3A_605] : memref<2x320000xi32, #tpu.memory_space<hbm>> -> memref<1x80xi32, #tpu.memory_space<hbm>>
        %dma_wait3A_607 = tpu.memref_squeeze %dma_wait3A_606 : memref<1x80xi32, #tpu.memory_space<hbm>> -> memref<80xi32, #tpu.memory_space<hbm>>
        tpu.wait_dma2 semaphore(%arg46 : memref<!tpu.dma_semaphore, #tpu.memory_space<semaphore_mem>>) src(%dma_wait3A_607 : memref<80xi32, #tpu.memory_space<hbm>>) dst(%dma_wait3A_604 : memref<80xi32, #tpu.memory_space<vmem>>)
        %dma_wait3A_608 = arith.constant 1 : i32
        %dma_wait3A_609 = arith.constant 1 : i32
        %dma_wait3A_610 = arith.constant 0 : i32
        %dma_wait3A_611 = tpu.memref_slice %arg22[%dma_wait3A_609, %dma_wait3A_610] : memref<2x80xi32, #tpu.memory_space<vmem>> -> memref<1x80xi32, #tpu.memory_space<vmem>>
        %dma_wait3A_612 = tpu.memref_squeeze %dma_wait3A_611 : memref<1x80xi32, #tpu.memory_space<vmem>> -> memref<80xi32, #tpu.memory_space<vmem>>
        %dma_wait3A_613 = arith.constant 0 : i32
        %dma_wait3A_614 = tpu.memref_slice %arg3[%dma_wait3A_608, %dma_wait3A_613] : memref<2x320000xi32, #tpu.memory_space<hbm>> -> memref<1x80xi32, #tpu.memory_space<hbm>>
        %dma_wait3A_615 = tpu.memref_squeeze %dma_wait3A_614 : memref<1x80xi32, #tpu.memory_space<hbm>> -> memref<80xi32, #tpu.memory_space<hbm>>
        %dma_wait3A_616 = arith.constant 0 : i32
        %dma_wait3A_617 = tpu.memref_slice %arg22[%dma_wait3A_609, %dma_wait3A_616] : memref<2x80xi32, #tpu.memory_space<vmem>> -> memref<1x80xi32, #tpu.memory_space<vmem>>
        %dma_wait3A_618 = tpu.memref_squeeze %dma_wait3A_617 : memref<1x80xi32, #tpu.memory_space<vmem>> -> memref<80xi32, #tpu.memory_space<vmem>>
        %dma_wait3A_619 = arith.constant 0 : i32
        %dma_wait3A_620 = tpu.memref_slice %arg3[%dma_wait3A_608, %dma_wait3A_619] : memref<2x320000xi32, #tpu.memory_space<hbm>> -> memref<1x80xi32, #tpu.memory_space<hbm>>
        %dma_wait3A_621 = tpu.memref_squeeze %dma_wait3A_620 : memref<1x80xi32, #tpu.memory_space<hbm>> -> memref<80xi32, #tpu.memory_space<hbm>>
        tpu.wait_dma2 semaphore(%arg46 : memref<!tpu.dma_semaphore, #tpu.memory_space<semaphore_mem>>) src(%dma_wait3A_621 : memref<80xi32, #tpu.memory_space<hbm>>) dst(%dma_wait3A_618 : memref<80xi32, #tpu.memory_space<vmem>>)
        %dma_start3A_622 = arith.constant 0 : i32
        %dma_start3A_623 = arith.constant 0 : i32
        %dma_start3A_624 = tpu.memref_slice %arg22[%dma_start3A_622, %dma_start3A_623] : memref<2x80xi32, #tpu.memory_space<vmem>> -> memref<1x80xi32, #tpu.memory_space<vmem>>
        %dma_start3A_625 = tpu.memref_squeeze %dma_start3A_624 : memref<1x80xi32, #tpu.memory_space<vmem>> -> memref<80xi32, #tpu.memory_space<vmem>>
        %dma_start3A_626 = arith.constant 0 : i32
        %dma_start3A_627 = arith.constant 0 : i32
        %dma_start3A_628 = tpu.memref_slice %arg25[%dma_start3A_626, %dma_start3A_627] : memref<10000x64xf32, #tpu.memory_space<vmem_shared>> -> memref<10000x64xf32, #tpu.memory_space<vmem_shared>>
        tpu.enqueue_indirect_dma source(%dma_start3A_628 : memref<10000x64xf32, #tpu.memory_space<vmem_shared>>) target(%arg12 : memref<80x64xf32, #tpu.memory_space<vmem>>) offsets(%dma_start3A_625 : memref<80xi32, #tpu.memory_space<vmem>>) semaphore(%arg31 : memref<!tpu.dma_semaphore, #tpu.memory_space<semaphore_mem>>)
      } else {
      }
      %dma_wait3A_469 = arith.constant 0 : i32
      %dma_wait3A_470 = arith.constant 0 : i32
      %dma_wait3A_471 = tpu.memref_slice %arg14[%dma_wait3A_469, %dma_wait3A_470] : memref<2x80xi32, #tpu.memory_space<vmem>> -> memref<1x80xi32, #tpu.memory_space<vmem>>
      %dma_wait3A_472 = tpu.memref_squeeze %dma_wait3A_471 : memref<1x80xi32, #tpu.memory_space<vmem>> -> memref<80xi32, #tpu.memory_space<vmem>>
      %dma_wait3A_473 = arith.constant 0 : i32
      %dma_wait3A_474 = arith.constant 0 : i32
      %dma_wait3A_475 = tpu.memref_slice %arg25[%dma_wait3A_473, %dma_wait3A_474] : memref<10000x64xf32, #tpu.memory_space<vmem_shared>> -> memref<10000x64xf32, #tpu.memory_space<vmem_shared>>
      tpu.wait_indirect_dma semaphore(%arg29 : memref<!tpu.dma_semaphore, #tpu.memory_space<semaphore_mem>>) src(%dma_wait3A_475 : memref<10000x64xf32, #tpu.memory_space<vmem_shared>>) dst(%arg10 : memref<80x64xf32, #tpu.memory_space<vmem>>)
      %dma_start3A_476 = arith.constant 1 : i32
      %dma_start3A_477 = arith.constant 0 : i32
      %dma_start3A_478 = tpu.memref_slice %arg20[%dma_start3A_476, %dma_start3A_477] : memref<2x80xi32, #tpu.memory_space<vmem>> -> memref<1x80xi32, #tpu.memory_space<vmem>>
      %dma_start3A_479 = tpu.memref_squeeze %dma_start3A_478 : memref<1x80xi32, #tpu.memory_space<vmem>> -> memref<80xi32, #tpu.memory_space<vmem>>
      %dma_start3A_480 = arith.constant 0 : i32
      %dma_start3A_481 = arith.constant 0 : i32
      %dma_start3A_482 = tpu.memref_slice %arg26[%dma_start3A_480, %dma_start3A_481] : memref<10240x64xf32, #tpu.memory_space<vmem_shared>> -> memref<10240x64xf32, #tpu.memory_space<vmem_shared>>
      tpu.enqueue_indirect_dma source(%arg10 : memref<80x64xf32, #tpu.memory_space<vmem>>) target(%dma_start3A_482 : memref<10240x64xf32, #tpu.memory_space<vmem_shared>>) offsets(%dma_start3A_479 : memref<80xi32, #tpu.memory_space<vmem>>) semaphore(%arg34 : memref<!tpu.dma_semaphore, #tpu.memory_space<semaphore_mem>>) {add = true}
      %mul3A_483 = arith.constant 10 : i32
      %mul3A_484 = arith.muli %add3A_225, %mul3A_483 : i32
      %add3A_485 = arith.constant 7 : i32
      %add3A_486 = arith.addi %mul3A_484, %add3A_485 : i32
      %add3A_487 = arith.constant 2 : i32
      %add3A_488 = arith.addi %add3A_486, %add3A_487 : i32
      %add3A_489 = arith.constant 4 : i32
      %add3A_490 = arith.addi %add3A_486, %add3A_489 : i32
      %lt3A_491 = arith.constant 250 : i32
      %lt3A_492 = arith.cmpi slt, %add3A_490, %lt3A_491 : i32
      %convert_element_type3A_493 = arith.extui %lt3A_492 : i1 to i32
      %cond3A_494 = arith.constant 0 : i32
      %cond3A_495 = arith.cmpi ne, %convert_element_type3A_493, %cond3A_494 : i32
      scf.if %cond3A_495 {
        %mul3A_594 = arith.constant 80 : i32
        %mul3A_595 = arith.muli %add3A_490, %mul3A_594 : i32
        %add3A_596 = arith.addi %mul3A_13, %mul3A_595 : i32
        %dma_start3A_597 = arith.constant 0 : i32
        %dma_start3A_598 = arith.constant 0 : i32
        %dma_start3A_599 = arith.constant 0 : i32
        %dma_start3A_600 = tpu.memref_slice %arg15[%dma_start3A_598, %dma_start3A_599] : memref<2x80xi32, #tpu.memory_space<vmem>> -> memref<1x80xi32, #tpu.memory_space<vmem>>
        %dma_start3A_601 = tpu.memref_squeeze %dma_start3A_600 : memref<1x80xi32, #tpu.memory_space<vmem>> -> memref<80xi32, #tpu.memory_space<vmem>>
        %dma_start3A_602 = tpu.memref_slice %arg3[%dma_start3A_597, %add3A_596] : memref<2x320000xi32, #tpu.memory_space<hbm>> -> memref<1x80xi32, #tpu.memory_space<hbm>>
        %dma_start3A_603 = tpu.memref_squeeze %dma_start3A_602 : memref<1x80xi32, #tpu.memory_space<hbm>> -> memref<80xi32, #tpu.memory_space<hbm>>
        %dma_start3A_604 = arith.constant 0 : i32
        %dma_start3A_605 = tpu.memref_slice %arg15[%dma_start3A_598, %dma_start3A_604] : memref<2x80xi32, #tpu.memory_space<vmem>> -> memref<1x80xi32, #tpu.memory_space<vmem>>
        %dma_start3A_606 = tpu.memref_squeeze %dma_start3A_605 : memref<1x80xi32, #tpu.memory_space<vmem>> -> memref<80xi32, #tpu.memory_space<vmem>>
        %dma_start3A_607 = tpu.memref_slice %arg3[%dma_start3A_597, %add3A_596] : memref<2x320000xi32, #tpu.memory_space<hbm>> -> memref<1x80xi32, #tpu.memory_space<hbm>>
        %dma_start3A_608 = tpu.memref_squeeze %dma_start3A_607 : memref<1x80xi32, #tpu.memory_space<hbm>> -> memref<80xi32, #tpu.memory_space<hbm>>
        tpu.enqueue_dma source(%dma_start3A_608 : memref<80xi32, #tpu.memory_space<hbm>>) target(%dma_start3A_606 : memref<80xi32, #tpu.memory_space<vmem>>) target_semaphore(%arg39 : memref<!tpu.dma_semaphore, #tpu.memory_space<semaphore_mem>>)
        %dma_start3A_609 = arith.constant 1 : i32
        %dma_start3A_610 = arith.constant 1 : i32
        %dma_start3A_611 = arith.constant 0 : i32
        %dma_start3A_612 = tpu.memref_slice %arg15[%dma_start3A_610, %dma_start3A_611] : memref<2x80xi32, #tpu.memory_space<vmem>> -> memref<1x80xi32, #tpu.memory_space<vmem>>
        %dma_start3A_613 = tpu.memref_squeeze %dma_start3A_612 : memref<1x80xi32, #tpu.memory_space<vmem>> -> memref<80xi32, #tpu.memory_space<vmem>>
        %dma_start3A_614 = tpu.memref_slice %arg3[%dma_start3A_609, %add3A_596] : memref<2x320000xi32, #tpu.memory_space<hbm>> -> memref<1x80xi32, #tpu.memory_space<hbm>>
        %dma_start3A_615 = tpu.memref_squeeze %dma_start3A_614 : memref<1x80xi32, #tpu.memory_space<hbm>> -> memref<80xi32, #tpu.memory_space<hbm>>
        %dma_start3A_616 = arith.constant 0 : i32
        %dma_start3A_617 = tpu.memref_slice %arg15[%dma_start3A_610, %dma_start3A_616] : memref<2x80xi32, #tpu.memory_space<vmem>> -> memref<1x80xi32, #tpu.memory_space<vmem>>
        %dma_start3A_618 = tpu.memref_squeeze %dma_start3A_617 : memref<1x80xi32, #tpu.memory_space<vmem>> -> memref<80xi32, #tpu.memory_space<vmem>>
        %dma_start3A_619 = tpu.memref_slice %arg3[%dma_start3A_609, %add3A_596] : memref<2x320000xi32, #tpu.memory_space<hbm>> -> memref<1x80xi32, #tpu.memory_space<hbm>>
        %dma_start3A_620 = tpu.memref_squeeze %dma_start3A_619 : memref<1x80xi32, #tpu.memory_space<hbm>> -> memref<80xi32, #tpu.memory_space<hbm>>
        tpu.enqueue_dma source(%dma_start3A_620 : memref<80xi32, #tpu.memory_space<hbm>>) target(%dma_start3A_618 : memref<80xi32, #tpu.memory_space<vmem>>) target_semaphore(%arg39 : memref<!tpu.dma_semaphore, #tpu.memory_space<semaphore_mem>>)
      } else {
      }
      %ge3A_496 = arith.constant 5 : i32
      %ge3A_497 = arith.cmpi sge, %add3A_488, %ge3A_496 : i32
      %convert_element_type3A_498 = arith.extui %ge3A_497 : i1 to i32
      %cond3A_499 = arith.constant 0 : i32
      %cond3A_500 = arith.cmpi ne, %convert_element_type3A_498, %cond3A_499 : i32
      scf.if %cond3A_500 {
        %dma_wait3A_594 = arith.constant 1 : i32
        %dma_wait3A_595 = arith.constant 0 : i32
        %dma_wait3A_596 = tpu.memref_slice %arg14[%dma_wait3A_594, %dma_wait3A_595] : memref<2x80xi32, #tpu.memory_space<vmem>> -> memref<1x80xi32, #tpu.memory_space<vmem>>
        %dma_wait3A_597 = tpu.memref_squeeze %dma_wait3A_596 : memref<1x80xi32, #tpu.memory_space<vmem>> -> memref<80xi32, #tpu.memory_space<vmem>>
        %dma_wait3A_598 = arith.constant 0 : i32
        %dma_wait3A_599 = arith.constant 0 : i32
        %dma_wait3A_600 = tpu.memref_slice %arg26[%dma_wait3A_598, %dma_wait3A_599] : memref<10240x64xf32, #tpu.memory_space<vmem_shared>> -> memref<10240x64xf32, #tpu.memory_space<vmem_shared>>
        tpu.wait_indirect_dma semaphore(%arg37 : memref<!tpu.dma_semaphore, #tpu.memory_space<semaphore_mem>>) src(%arg13 : memref<80x64xf32, #tpu.memory_space<vmem>>) dst(%dma_wait3A_600 : memref<10240x64xf32, #tpu.memory_space<vmem_shared>>)
      } else {
      }
      %lt3A_501 = arith.constant 250 : i32
      %lt3A_502 = arith.cmpi slt, %add3A_488, %lt3A_501 : i32
      %convert_element_type3A_503 = arith.extui %lt3A_502 : i1 to i32
      %cond3A_504 = arith.constant 0 : i32
      %cond3A_505 = arith.cmpi ne, %convert_element_type3A_503, %cond3A_504 : i32
      scf.if %cond3A_505 {
        %dma_wait3A_594 = arith.constant 0 : i32
        %dma_wait3A_595 = arith.constant 0 : i32
        %dma_wait3A_596 = arith.constant 0 : i32
        %dma_wait3A_597 = tpu.memref_slice %arg23[%dma_wait3A_595, %dma_wait3A_596] : memref<2x80xi32, #tpu.memory_space<vmem>> -> memref<1x80xi32, #tpu.memory_space<vmem>>
        %dma_wait3A_598 = tpu.memref_squeeze %dma_wait3A_597 : memref<1x80xi32, #tpu.memory_space<vmem>> -> memref<80xi32, #tpu.memory_space<vmem>>
        %dma_wait3A_599 = arith.constant 0 : i32
        %dma_wait3A_600 = tpu.memref_slice %arg3[%dma_wait3A_594, %dma_wait3A_599] : memref<2x320000xi32, #tpu.memory_space<hbm>> -> memref<1x80xi32, #tpu.memory_space<hbm>>
        %dma_wait3A_601 = tpu.memref_squeeze %dma_wait3A_600 : memref<1x80xi32, #tpu.memory_space<hbm>> -> memref<80xi32, #tpu.memory_space<hbm>>
        %dma_wait3A_602 = arith.constant 0 : i32
        %dma_wait3A_603 = tpu.memref_slice %arg23[%dma_wait3A_595, %dma_wait3A_602] : memref<2x80xi32, #tpu.memory_space<vmem>> -> memref<1x80xi32, #tpu.memory_space<vmem>>
        %dma_wait3A_604 = tpu.memref_squeeze %dma_wait3A_603 : memref<1x80xi32, #tpu.memory_space<vmem>> -> memref<80xi32, #tpu.memory_space<vmem>>
        %dma_wait3A_605 = arith.constant 0 : i32
        %dma_wait3A_606 = tpu.memref_slice %arg3[%dma_wait3A_594, %dma_wait3A_605] : memref<2x320000xi32, #tpu.memory_space<hbm>> -> memref<1x80xi32, #tpu.memory_space<hbm>>
        %dma_wait3A_607 = tpu.memref_squeeze %dma_wait3A_606 : memref<1x80xi32, #tpu.memory_space<hbm>> -> memref<80xi32, #tpu.memory_space<hbm>>
        tpu.wait_dma2 semaphore(%arg47 : memref<!tpu.dma_semaphore, #tpu.memory_space<semaphore_mem>>) src(%dma_wait3A_607 : memref<80xi32, #tpu.memory_space<hbm>>) dst(%dma_wait3A_604 : memref<80xi32, #tpu.memory_space<vmem>>)
        %dma_wait3A_608 = arith.constant 1 : i32
        %dma_wait3A_609 = arith.constant 1 : i32
        %dma_wait3A_610 = arith.constant 0 : i32
        %dma_wait3A_611 = tpu.memref_slice %arg23[%dma_wait3A_609, %dma_wait3A_610] : memref<2x80xi32, #tpu.memory_space<vmem>> -> memref<1x80xi32, #tpu.memory_space<vmem>>
        %dma_wait3A_612 = tpu.memref_squeeze %dma_wait3A_611 : memref<1x80xi32, #tpu.memory_space<vmem>> -> memref<80xi32, #tpu.memory_space<vmem>>
        %dma_wait3A_613 = arith.constant 0 : i32
        %dma_wait3A_614 = tpu.memref_slice %arg3[%dma_wait3A_608, %dma_wait3A_613] : memref<2x320000xi32, #tpu.memory_space<hbm>> -> memref<1x80xi32, #tpu.memory_space<hbm>>
        %dma_wait3A_615 = tpu.memref_squeeze %dma_wait3A_614 : memref<1x80xi32, #tpu.memory_space<hbm>> -> memref<80xi32, #tpu.memory_space<hbm>>
        %dma_wait3A_616 = arith.constant 0 : i32
        %dma_wait3A_617 = tpu.memref_slice %arg23[%dma_wait3A_609, %dma_wait3A_616] : memref<2x80xi32, #tpu.memory_space<vmem>> -> memref<1x80xi32, #tpu.memory_space<vmem>>
        %dma_wait3A_618 = tpu.memref_squeeze %dma_wait3A_617 : memref<1x80xi32, #tpu.memory_space<vmem>> -> memref<80xi32, #tpu.memory_space<vmem>>
        %dma_wait3A_619 = arith.constant 0 : i32
        %dma_wait3A_620 = tpu.memref_slice %arg3[%dma_wait3A_608, %dma_wait3A_619] : memref<2x320000xi32, #tpu.memory_space<hbm>> -> memref<1x80xi32, #tpu.memory_space<hbm>>
        %dma_wait3A_621 = tpu.memref_squeeze %dma_wait3A_620 : memref<1x80xi32, #tpu.memory_space<hbm>> -> memref<80xi32, #tpu.memory_space<hbm>>
        tpu.wait_dma2 semaphore(%arg47 : memref<!tpu.dma_semaphore, #tpu.memory_space<semaphore_mem>>) src(%dma_wait3A_621 : memref<80xi32, #tpu.memory_space<hbm>>) dst(%dma_wait3A_618 : memref<80xi32, #tpu.memory_space<vmem>>)
        %dma_start3A_622 = arith.constant 0 : i32
        %dma_start3A_623 = arith.constant 0 : i32
        %dma_start3A_624 = tpu.memref_slice %arg23[%dma_start3A_622, %dma_start3A_623] : memref<2x80xi32, #tpu.memory_space<vmem>> -> memref<1x80xi32, #tpu.memory_space<vmem>>
        %dma_start3A_625 = tpu.memref_squeeze %dma_start3A_624 : memref<1x80xi32, #tpu.memory_space<vmem>> -> memref<80xi32, #tpu.memory_space<vmem>>
        %dma_start3A_626 = arith.constant 0 : i32
        %dma_start3A_627 = arith.constant 0 : i32
        %dma_start3A_628 = tpu.memref_slice %arg25[%dma_start3A_626, %dma_start3A_627] : memref<10000x64xf32, #tpu.memory_space<vmem_shared>> -> memref<10000x64xf32, #tpu.memory_space<vmem_shared>>
        tpu.enqueue_indirect_dma source(%dma_start3A_628 : memref<10000x64xf32, #tpu.memory_space<vmem_shared>>) target(%arg13 : memref<80x64xf32, #tpu.memory_space<vmem>>) offsets(%dma_start3A_625 : memref<80xi32, #tpu.memory_space<vmem>>) semaphore(%arg32 : memref<!tpu.dma_semaphore, #tpu.memory_space<semaphore_mem>>)
      } else {
      }
      %dma_wait3A_506 = arith.constant 0 : i32
      %dma_wait3A_507 = arith.constant 0 : i32
      %dma_wait3A_508 = tpu.memref_slice %arg14[%dma_wait3A_506, %dma_wait3A_507] : memref<2x80xi32, #tpu.memory_space<vmem>> -> memref<1x80xi32, #tpu.memory_space<vmem>>
      %dma_wait3A_509 = tpu.memref_squeeze %dma_wait3A_508 : memref<1x80xi32, #tpu.memory_space<vmem>> -> memref<80xi32, #tpu.memory_space<vmem>>
      %dma_wait3A_510 = arith.constant 0 : i32
      %dma_wait3A_511 = arith.constant 0 : i32
      %dma_wait3A_512 = tpu.memref_slice %arg25[%dma_wait3A_510, %dma_wait3A_511] : memref<10000x64xf32, #tpu.memory_space<vmem_shared>> -> memref<10000x64xf32, #tpu.memory_space<vmem_shared>>
      tpu.wait_indirect_dma semaphore(%arg30 : memref<!tpu.dma_semaphore, #tpu.memory_space<semaphore_mem>>) src(%dma_wait3A_512 : memref<10000x64xf32, #tpu.memory_space<vmem_shared>>) dst(%arg11 : memref<80x64xf32, #tpu.memory_space<vmem>>)
      %dma_start3A_513 = arith.constant 1 : i32
      %dma_start3A_514 = arith.constant 0 : i32
      %dma_start3A_515 = tpu.memref_slice %arg21[%dma_start3A_513, %dma_start3A_514] : memref<2x80xi32, #tpu.memory_space<vmem>> -> memref<1x80xi32, #tpu.memory_space<vmem>>
      %dma_start3A_516 = tpu.memref_squeeze %dma_start3A_515 : memref<1x80xi32, #tpu.memory_space<vmem>> -> memref<80xi32, #tpu.memory_space<vmem>>
      %dma_start3A_517 = arith.constant 0 : i32
      %dma_start3A_518 = arith.constant 0 : i32
      %dma_start3A_519 = tpu.memref_slice %arg26[%dma_start3A_517, %dma_start3A_518] : memref<10240x64xf32, #tpu.memory_space<vmem_shared>> -> memref<10240x64xf32, #tpu.memory_space<vmem_shared>>
      tpu.enqueue_indirect_dma source(%arg11 : memref<80x64xf32, #tpu.memory_space<vmem>>) target(%dma_start3A_519 : memref<10240x64xf32, #tpu.memory_space<vmem_shared>>) offsets(%dma_start3A_516 : memref<80xi32, #tpu.memory_space<vmem>>) semaphore(%arg35 : memref<!tpu.dma_semaphore, #tpu.memory_space<semaphore_mem>>) {add = true}
      %mul3A_520 = arith.constant 10 : i32
      %mul3A_521 = arith.muli %add3A_225, %mul3A_520 : i32
      %add3A_522 = arith.constant 8 : i32
      %add3A_523 = arith.addi %mul3A_521, %add3A_522 : i32
      %add3A_524 = arith.constant 2 : i32
      %add3A_525 = arith.addi %add3A_523, %add3A_524 : i32
      %add3A_526 = arith.constant 4 : i32
      %add3A_527 = arith.addi %add3A_523, %add3A_526 : i32
      %lt3A_528 = arith.constant 250 : i32
      %lt3A_529 = arith.cmpi slt, %add3A_527, %lt3A_528 : i32
      %convert_element_type3A_530 = arith.extui %lt3A_529 : i1 to i32
      %cond3A_531 = arith.constant 0 : i32
      %cond3A_532 = arith.cmpi ne, %convert_element_type3A_530, %cond3A_531 : i32
      scf.if %cond3A_532 {
        %mul3A_594 = arith.constant 80 : i32
        %mul3A_595 = arith.muli %add3A_527, %mul3A_594 : i32
        %add3A_596 = arith.addi %mul3A_13, %mul3A_595 : i32
        %dma_start3A_597 = arith.constant 0 : i32
        %dma_start3A_598 = arith.constant 0 : i32
        %dma_start3A_599 = arith.constant 0 : i32
        %dma_start3A_600 = tpu.memref_slice %arg16[%dma_start3A_598, %dma_start3A_599] : memref<2x80xi32, #tpu.memory_space<vmem>> -> memref<1x80xi32, #tpu.memory_space<vmem>>
        %dma_start3A_601 = tpu.memref_squeeze %dma_start3A_600 : memref<1x80xi32, #tpu.memory_space<vmem>> -> memref<80xi32, #tpu.memory_space<vmem>>
        %dma_start3A_602 = tpu.memref_slice %arg3[%dma_start3A_597, %add3A_596] : memref<2x320000xi32, #tpu.memory_space<hbm>> -> memref<1x80xi32, #tpu.memory_space<hbm>>
        %dma_start3A_603 = tpu.memref_squeeze %dma_start3A_602 : memref<1x80xi32, #tpu.memory_space<hbm>> -> memref<80xi32, #tpu.memory_space<hbm>>
        %dma_start3A_604 = arith.constant 0 : i32
        %dma_start3A_605 = tpu.memref_slice %arg16[%dma_start3A_598, %dma_start3A_604] : memref<2x80xi32, #tpu.memory_space<vmem>> -> memref<1x80xi32, #tpu.memory_space<vmem>>
        %dma_start3A_606 = tpu.memref_squeeze %dma_start3A_605 : memref<1x80xi32, #tpu.memory_space<vmem>> -> memref<80xi32, #tpu.memory_space<vmem>>
        %dma_start3A_607 = tpu.memref_slice %arg3[%dma_start3A_597, %add3A_596] : memref<2x320000xi32, #tpu.memory_space<hbm>> -> memref<1x80xi32, #tpu.memory_space<hbm>>
        %dma_start3A_608 = tpu.memref_squeeze %dma_start3A_607 : memref<1x80xi32, #tpu.memory_space<hbm>> -> memref<80xi32, #tpu.memory_space<hbm>>
        tpu.enqueue_dma source(%dma_start3A_608 : memref<80xi32, #tpu.memory_space<hbm>>) target(%dma_start3A_606 : memref<80xi32, #tpu.memory_space<vmem>>) target_semaphore(%arg40 : memref<!tpu.dma_semaphore, #tpu.memory_space<semaphore_mem>>)
        %dma_start3A_609 = arith.constant 1 : i32
        %dma_start3A_610 = arith.constant 1 : i32
        %dma_start3A_611 = arith.constant 0 : i32
        %dma_start3A_612 = tpu.memref_slice %arg16[%dma_start3A_610, %dma_start3A_611] : memref<2x80xi32, #tpu.memory_space<vmem>> -> memref<1x80xi32, #tpu.memory_space<vmem>>
        %dma_start3A_613 = tpu.memref_squeeze %dma_start3A_612 : memref<1x80xi32, #tpu.memory_space<vmem>> -> memref<80xi32, #tpu.memory_space<vmem>>
        %dma_start3A_614 = tpu.memref_slice %arg3[%dma_start3A_609, %add3A_596] : memref<2x320000xi32, #tpu.memory_space<hbm>> -> memref<1x80xi32, #tpu.memory_space<hbm>>
        %dma_start3A_615 = tpu.memref_squeeze %dma_start3A_614 : memref<1x80xi32, #tpu.memory_space<hbm>> -> memref<80xi32, #tpu.memory_space<hbm>>
        %dma_start3A_616 = arith.constant 0 : i32
        %dma_start3A_617 = tpu.memref_slice %arg16[%dma_start3A_610, %dma_start3A_616] : memref<2x80xi32, #tpu.memory_space<vmem>> -> memref<1x80xi32, #tpu.memory_space<vmem>>
        %dma_start3A_618 = tpu.memref_squeeze %dma_start3A_617 : memref<1x80xi32, #tpu.memory_space<vmem>> -> memref<80xi32, #tpu.memory_space<vmem>>
        %dma_start3A_619 = tpu.memref_slice %arg3[%dma_start3A_609, %add3A_596] : memref<2x320000xi32, #tpu.memory_space<hbm>> -> memref<1x80xi32, #tpu.memory_space<hbm>>
        %dma_start3A_620 = tpu.memref_squeeze %dma_start3A_619 : memref<1x80xi32, #tpu.memory_space<hbm>> -> memref<80xi32, #tpu.memory_space<hbm>>
        tpu.enqueue_dma source(%dma_start3A_620 : memref<80xi32, #tpu.memory_space<hbm>>) target(%dma_start3A_618 : memref<80xi32, #tpu.memory_space<vmem>>) target_semaphore(%arg40 : memref<!tpu.dma_semaphore, #tpu.memory_space<semaphore_mem>>)
      } else {
      }
      %ge3A_533 = arith.constant 5 : i32
      %ge3A_534 = arith.cmpi sge, %add3A_525, %ge3A_533 : i32
      %convert_element_type3A_535 = arith.extui %ge3A_534 : i1 to i32
      %cond3A_536 = arith.constant 0 : i32
      %cond3A_537 = arith.cmpi ne, %convert_element_type3A_535, %cond3A_536 : i32
      scf.if %cond3A_537 {
        %dma_wait3A_594 = arith.constant 1 : i32
        %dma_wait3A_595 = arith.constant 0 : i32
        %dma_wait3A_596 = tpu.memref_slice %arg14[%dma_wait3A_594, %dma_wait3A_595] : memref<2x80xi32, #tpu.memory_space<vmem>> -> memref<1x80xi32, #tpu.memory_space<vmem>>
        %dma_wait3A_597 = tpu.memref_squeeze %dma_wait3A_596 : memref<1x80xi32, #tpu.memory_space<vmem>> -> memref<80xi32, #tpu.memory_space<vmem>>
        %dma_wait3A_598 = arith.constant 0 : i32
        %dma_wait3A_599 = arith.constant 0 : i32
        %dma_wait3A_600 = tpu.memref_slice %arg26[%dma_wait3A_598, %dma_wait3A_599] : memref<10240x64xf32, #tpu.memory_space<vmem_shared>> -> memref<10240x64xf32, #tpu.memory_space<vmem_shared>>
        tpu.wait_indirect_dma semaphore(%arg33 : memref<!tpu.dma_semaphore, #tpu.memory_space<semaphore_mem>>) src(%arg9 : memref<80x64xf32, #tpu.memory_space<vmem>>) dst(%dma_wait3A_600 : memref<10240x64xf32, #tpu.memory_space<vmem_shared>>)
      } else {
      }
      %lt3A_538 = arith.constant 250 : i32
      %lt3A_539 = arith.cmpi slt, %add3A_525, %lt3A_538 : i32
      %convert_element_type3A_540 = arith.extui %lt3A_539 : i1 to i32
      %cond3A_541 = arith.constant 0 : i32
      %cond3A_542 = arith.cmpi ne, %convert_element_type3A_540, %cond3A_541 : i32
      scf.if %cond3A_542 {
        %dma_wait3A_594 = arith.constant 0 : i32
        %dma_wait3A_595 = arith.constant 0 : i32
        %dma_wait3A_596 = arith.constant 0 : i32
        %dma_wait3A_597 = tpu.memref_slice %arg14[%dma_wait3A_595, %dma_wait3A_596] : memref<2x80xi32, #tpu.memory_space<vmem>> -> memref<1x80xi32, #tpu.memory_space<vmem>>
        %dma_wait3A_598 = tpu.memref_squeeze %dma_wait3A_597 : memref<1x80xi32, #tpu.memory_space<vmem>> -> memref<80xi32, #tpu.memory_space<vmem>>
        %dma_wait3A_599 = arith.constant 0 : i32
        %dma_wait3A_600 = tpu.memref_slice %arg3[%dma_wait3A_594, %dma_wait3A_599] : memref<2x320000xi32, #tpu.memory_space<hbm>> -> memref<1x80xi32, #tpu.memory_space<hbm>>
        %dma_wait3A_601 = tpu.memref_squeeze %dma_wait3A_600 : memref<1x80xi32, #tpu.memory_space<hbm>> -> memref<80xi32, #tpu.memory_space<hbm>>
        %dma_wait3A_602 = arith.constant 0 : i32
        %dma_wait3A_603 = tpu.memref_slice %arg14[%dma_wait3A_595, %dma_wait3A_602] : memref<2x80xi32, #tpu.memory_space<vmem>> -> memref<1x80xi32, #tpu.memory_space<vmem>>
        %dma_wait3A_604 = tpu.memref_squeeze %dma_wait3A_603 : memref<1x80xi32, #tpu.memory_space<vmem>> -> memref<80xi32, #tpu.memory_space<vmem>>
        %dma_wait3A_605 = arith.constant 0 : i32
        %dma_wait3A_606 = tpu.memref_slice %arg3[%dma_wait3A_594, %dma_wait3A_605] : memref<2x320000xi32, #tpu.memory_space<hbm>> -> memref<1x80xi32, #tpu.memory_space<hbm>>
        %dma_wait3A_607 = tpu.memref_squeeze %dma_wait3A_606 : memref<1x80xi32, #tpu.memory_space<hbm>> -> memref<80xi32, #tpu.memory_space<hbm>>
        tpu.wait_dma2 semaphore(%arg38 : memref<!tpu.dma_semaphore, #tpu.memory_space<semaphore_mem>>) src(%dma_wait3A_607 : memref<80xi32, #tpu.memory_space<hbm>>) dst(%dma_wait3A_604 : memref<80xi32, #tpu.memory_space<vmem>>)
        %dma_wait3A_608 = arith.constant 1 : i32
        %dma_wait3A_609 = arith.constant 1 : i32
        %dma_wait3A_610 = arith.constant 0 : i32
        %dma_wait3A_611 = tpu.memref_slice %arg14[%dma_wait3A_609, %dma_wait3A_610] : memref<2x80xi32, #tpu.memory_space<vmem>> -> memref<1x80xi32, #tpu.memory_space<vmem>>
        %dma_wait3A_612 = tpu.memref_squeeze %dma_wait3A_611 : memref<1x80xi32, #tpu.memory_space<vmem>> -> memref<80xi32, #tpu.memory_space<vmem>>
        %dma_wait3A_613 = arith.constant 0 : i32
        %dma_wait3A_614 = tpu.memref_slice %arg3[%dma_wait3A_608, %dma_wait3A_613] : memref<2x320000xi32, #tpu.memory_space<hbm>> -> memref<1x80xi32, #tpu.memory_space<hbm>>
        %dma_wait3A_615 = tpu.memref_squeeze %dma_wait3A_614 : memref<1x80xi32, #tpu.memory_space<hbm>> -> memref<80xi32, #tpu.memory_space<hbm>>
        %dma_wait3A_616 = arith.constant 0 : i32
        %dma_wait3A_617 = tpu.memref_slice %arg14[%dma_wait3A_609, %dma_wait3A_616] : memref<2x80xi32, #tpu.memory_space<vmem>> -> memref<1x80xi32, #tpu.memory_space<vmem>>
        %dma_wait3A_618 = tpu.memref_squeeze %dma_wait3A_617 : memref<1x80xi32, #tpu.memory_space<vmem>> -> memref<80xi32, #tpu.memory_space<vmem>>
        %dma_wait3A_619 = arith.constant 0 : i32
        %dma_wait3A_620 = tpu.memref_slice %arg3[%dma_wait3A_608, %dma_wait3A_619] : memref<2x320000xi32, #tpu.memory_space<hbm>> -> memref<1x80xi32, #tpu.memory_space<hbm>>
        %dma_wait3A_621 = tpu.memref_squeeze %dma_wait3A_620 : memref<1x80xi32, #tpu.memory_space<hbm>> -> memref<80xi32, #tpu.memory_space<hbm>>
        tpu.wait_dma2 semaphore(%arg38 : memref<!tpu.dma_semaphore, #tpu.memory_space<semaphore_mem>>) src(%dma_wait3A_621 : memref<80xi32, #tpu.memory_space<hbm>>) dst(%dma_wait3A_618 : memref<80xi32, #tpu.memory_space<vmem>>)
        %dma_start3A_622 = arith.constant 0 : i32
        %dma_start3A_623 = arith.constant 0 : i32
        %dma_start3A_624 = tpu.memref_slice %arg14[%dma_start3A_622, %dma_start3A_623] : memref<2x80xi32, #tpu.memory_space<vmem>> -> memref<1x80xi32, #tpu.memory_space<vmem>>
        %dma_start3A_625 = tpu.memref_squeeze %dma_start3A_624 : memref<1x80xi32, #tpu.memory_space<vmem>> -> memref<80xi32, #tpu.memory_space<vmem>>
        %dma_start3A_626 = arith.constant 0 : i32
        %dma_start3A_627 = arith.constant 0 : i32
        %dma_start3A_628 = tpu.memref_slice %arg25[%dma_start3A_626, %dma_start3A_627] : memref<10000x64xf32, #tpu.memory_space<vmem_shared>> -> memref<10000x64xf32, #tpu.memory_space<vmem_shared>>
        tpu.enqueue_indirect_dma source(%dma_start3A_628 : memref<10000x64xf32, #tpu.memory_space<vmem_shared>>) target(%arg9 : memref<80x64xf32, #tpu.memory_space<vmem>>) offsets(%dma_start3A_625 : memref<80xi32, #tpu.memory_space<vmem>>) semaphore(%arg28 : memref<!tpu.dma_semaphore, #tpu.memory_space<semaphore_mem>>)
      } else {
      }
      %dma_wait3A_543 = arith.constant 0 : i32
      %dma_wait3A_544 = arith.constant 0 : i32
      %dma_wait3A_545 = tpu.memref_slice %arg14[%dma_wait3A_543, %dma_wait3A_544] : memref<2x80xi32, #tpu.memory_space<vmem>> -> memref<1x80xi32, #tpu.memory_space<vmem>>
      %dma_wait3A_546 = tpu.memref_squeeze %dma_wait3A_545 : memref<1x80xi32, #tpu.memory_space<vmem>> -> memref<80xi32, #tpu.memory_space<vmem>>
      %dma_wait3A_547 = arith.constant 0 : i32
      %dma_wait3A_548 = arith.constant 0 : i32
      %dma_wait3A_549 = tpu.memref_slice %arg25[%dma_wait3A_547, %dma_wait3A_548] : memref<10000x64xf32, #tpu.memory_space<vmem_shared>> -> memref<10000x64xf32, #tpu.memory_space<vmem_shared>>
      tpu.wait_indirect_dma semaphore(%arg31 : memref<!tpu.dma_semaphore, #tpu.memory_space<semaphore_mem>>) src(%dma_wait3A_549 : memref<10000x64xf32, #tpu.memory_space<vmem_shared>>) dst(%arg12 : memref<80x64xf32, #tpu.memory_space<vmem>>)
      %dma_start3A_550 = arith.constant 1 : i32
      %dma_start3A_551 = arith.constant 0 : i32
      %dma_start3A_552 = tpu.memref_slice %arg22[%dma_start3A_550, %dma_start3A_551] : memref<2x80xi32, #tpu.memory_space<vmem>> -> memref<1x80xi32, #tpu.memory_space<vmem>>
      %dma_start3A_553 = tpu.memref_squeeze %dma_start3A_552 : memref<1x80xi32, #tpu.memory_space<vmem>> -> memref<80xi32, #tpu.memory_space<vmem>>
      %dma_start3A_554 = arith.constant 0 : i32
      %dma_start3A_555 = arith.constant 0 : i32
      %dma_start3A_556 = tpu.memref_slice %arg26[%dma_start3A_554, %dma_start3A_555] : memref<10240x64xf32, #tpu.memory_space<vmem_shared>> -> memref<10240x64xf32, #tpu.memory_space<vmem_shared>>
      tpu.enqueue_indirect_dma source(%arg12 : memref<80x64xf32, #tpu.memory_space<vmem>>) target(%dma_start3A_556 : memref<10240x64xf32, #tpu.memory_space<vmem_shared>>) offsets(%dma_start3A_553 : memref<80xi32, #tpu.memory_space<vmem>>) semaphore(%arg36 : memref<!tpu.dma_semaphore, #tpu.memory_space<semaphore_mem>>) {add = true}
      %mul3A_557 = arith.constant 10 : i32
      %mul3A_558 = arith.muli %add3A_225, %mul3A_557 : i32
      %add3A_559 = arith.constant 9 : i32
      %add3A_560 = arith.addi %mul3A_558, %add3A_559 : i32
      %add3A_561 = arith.constant 2 : i32
      %add3A_562 = arith.addi %add3A_560, %add3A_561 : i32
      %add3A_563 = arith.constant 4 : i32
      %add3A_564 = arith.addi %add3A_560, %add3A_563 : i32
      %lt3A_565 = arith.constant 250 : i32
      %lt3A_566 = arith.cmpi slt, %add3A_564, %lt3A_565 : i32
      %convert_element_type3A_567 = arith.extui %lt3A_566 : i1 to i32
      %cond3A_568 = arith.constant 0 : i32
      %cond3A_569 = arith.cmpi ne, %convert_element_type3A_567, %cond3A_568 : i32
      scf.if %cond3A_569 {
        %mul3A_594 = arith.constant 80 : i32
        %mul3A_595 = arith.muli %add3A_564, %mul3A_594 : i32
        %add3A_596 = arith.addi %mul3A_13, %mul3A_595 : i32
        %dma_start3A_597 = arith.constant 0 : i32
        %dma_start3A_598 = arith.constant 0 : i32
        %dma_start3A_599 = arith.constant 0 : i32
        %dma_start3A_600 = tpu.memref_slice %arg17[%dma_start3A_598, %dma_start3A_599] : memref<2x80xi32, #tpu.memory_space<vmem>> -> memref<1x80xi32, #tpu.memory_space<vmem>>
        %dma_start3A_601 = tpu.memref_squeeze %dma_start3A_600 : memref<1x80xi32, #tpu.memory_space<vmem>> -> memref<80xi32, #tpu.memory_space<vmem>>
        %dma_start3A_602 = tpu.memref_slice %arg3[%dma_start3A_597, %add3A_596] : memref<2x320000xi32, #tpu.memory_space<hbm>> -> memref<1x80xi32, #tpu.memory_space<hbm>>
        %dma_start3A_603 = tpu.memref_squeeze %dma_start3A_602 : memref<1x80xi32, #tpu.memory_space<hbm>> -> memref<80xi32, #tpu.memory_space<hbm>>
        %dma_start3A_604 = arith.constant 0 : i32
        %dma_start3A_605 = tpu.memref_slice %arg17[%dma_start3A_598, %dma_start3A_604] : memref<2x80xi32, #tpu.memory_space<vmem>> -> memref<1x80xi32, #tpu.memory_space<vmem>>
        %dma_start3A_606 = tpu.memref_squeeze %dma_start3A_605 : memref<1x80xi32, #tpu.memory_space<vmem>> -> memref<80xi32, #tpu.memory_space<vmem>>
        %dma_start3A_607 = tpu.memref_slice %arg3[%dma_start3A_597, %add3A_596] : memref<2x320000xi32, #tpu.memory_space<hbm>> -> memref<1x80xi32, #tpu.memory_space<hbm>>
        %dma_start3A_608 = tpu.memref_squeeze %dma_start3A_607 : memref<1x80xi32, #tpu.memory_space<hbm>> -> memref<80xi32, #tpu.memory_space<hbm>>
        tpu.enqueue_dma source(%dma_start3A_608 : memref<80xi32, #tpu.memory_space<hbm>>) target(%dma_start3A_606 : memref<80xi32, #tpu.memory_space<vmem>>) target_semaphore(%arg41 : memref<!tpu.dma_semaphore, #tpu.memory_space<semaphore_mem>>)
        %dma_start3A_609 = arith.constant 1 : i32
        %dma_start3A_610 = arith.constant 1 : i32
        %dma_start3A_611 = arith.constant 0 : i32
        %dma_start3A_612 = tpu.memref_slice %arg17[%dma_start3A_610, %dma_start3A_611] : memref<2x80xi32, #tpu.memory_space<vmem>> -> memref<1x80xi32, #tpu.memory_space<vmem>>
        %dma_start3A_613 = tpu.memref_squeeze %dma_start3A_612 : memref<1x80xi32, #tpu.memory_space<vmem>> -> memref<80xi32, #tpu.memory_space<vmem>>
        %dma_start3A_614 = tpu.memref_slice %arg3[%dma_start3A_609, %add3A_596] : memref<2x320000xi32, #tpu.memory_space<hbm>> -> memref<1x80xi32, #tpu.memory_space<hbm>>
        %dma_start3A_615 = tpu.memref_squeeze %dma_start3A_614 : memref<1x80xi32, #tpu.memory_space<hbm>> -> memref<80xi32, #tpu.memory_space<hbm>>
        %dma_start3A_616 = arith.constant 0 : i32
        %dma_start3A_617 = tpu.memref_slice %arg17[%dma_start3A_610, %dma_start3A_616] : memref<2x80xi32, #tpu.memory_space<vmem>> -> memref<1x80xi32, #tpu.memory_space<vmem>>
        %dma_start3A_618 = tpu.memref_squeeze %dma_start3A_617 : memref<1x80xi32, #tpu.memory_space<vmem>> -> memref<80xi32, #tpu.memory_space<vmem>>
        %dma_start3A_619 = tpu.memref_slice %arg3[%dma_start3A_609, %add3A_596] : memref<2x320000xi32, #tpu.memory_space<hbm>> -> memref<1x80xi32, #tpu.memory_space<hbm>>
        %dma_start3A_620 = tpu.memref_squeeze %dma_start3A_619 : memref<1x80xi32, #tpu.memory_space<hbm>> -> memref<80xi32, #tpu.memory_space<hbm>>
        tpu.enqueue_dma source(%dma_start3A_620 : memref<80xi32, #tpu.memory_space<hbm>>) target(%dma_start3A_618 : memref<80xi32, #tpu.memory_space<vmem>>) target_semaphore(%arg41 : memref<!tpu.dma_semaphore, #tpu.memory_space<semaphore_mem>>)
      } else {
      }
      %ge3A_570 = arith.constant 5 : i32
      %ge3A_571 = arith.cmpi sge, %add3A_562, %ge3A_570 : i32
      %convert_element_type3A_572 = arith.extui %ge3A_571 : i1 to i32
      %cond3A_573 = arith.constant 0 : i32
      %cond3A_574 = arith.cmpi ne, %convert_element_type3A_572, %cond3A_573 : i32
      scf.if %cond3A_574 {
        %dma_wait3A_594 = arith.constant 1 : i32
        %dma_wait3A_595 = arith.constant 0 : i32
        %dma_wait3A_596 = tpu.memref_slice %arg14[%dma_wait3A_594, %dma_wait3A_595] : memref<2x80xi32, #tpu.memory_space<vmem>> -> memref<1x80xi32, #tpu.memory_space<vmem>>
        %dma_wait3A_597 = tpu.memref_squeeze %dma_wait3A_596 : memref<1x80xi32, #tpu.memory_space<vmem>> -> memref<80xi32, #tpu.memory_space<vmem>>
        %dma_wait3A_598 = arith.constant 0 : i32
        %dma_wait3A_599 = arith.constant 0 : i32
        %dma_wait3A_600 = tpu.memref_slice %arg26[%dma_wait3A_598, %dma_wait3A_599] : memref<10240x64xf32, #tpu.memory_space<vmem_shared>> -> memref<10240x64xf32, #tpu.memory_space<vmem_shared>>
        tpu.wait_indirect_dma semaphore(%arg34 : memref<!tpu.dma_semaphore, #tpu.memory_space<semaphore_mem>>) src(%arg10 : memref<80x64xf32, #tpu.memory_space<vmem>>) dst(%dma_wait3A_600 : memref<10240x64xf32, #tpu.memory_space<vmem_shared>>)
      } else {
      }
      %lt3A_575 = arith.constant 250 : i32
      %lt3A_576 = arith.cmpi slt, %add3A_562, %lt3A_575 : i32
      %convert_element_type3A_577 = arith.extui %lt3A_576 : i1 to i32
      %cond3A_578 = arith.constant 0 : i32
      %cond3A_579 = arith.cmpi ne, %convert_element_type3A_577, %cond3A_578 : i32
      scf.if %cond3A_579 {
        %dma_wait3A_594 = arith.constant 0 : i32
        %dma_wait3A_595 = arith.constant 0 : i32
        %dma_wait3A_596 = arith.constant 0 : i32
        %dma_wait3A_597 = tpu.memref_slice %arg15[%dma_wait3A_595, %dma_wait3A_596] : memref<2x80xi32, #tpu.memory_space<vmem>> -> memref<1x80xi32, #tpu.memory_space<vmem>>
        %dma_wait3A_598 = tpu.memref_squeeze %dma_wait3A_597 : memref<1x80xi32, #tpu.memory_space<vmem>> -> memref<80xi32, #tpu.memory_space<vmem>>
        %dma_wait3A_599 = arith.constant 0 : i32
        %dma_wait3A_600 = tpu.memref_slice %arg3[%dma_wait3A_594, %dma_wait3A_599] : memref<2x320000xi32, #tpu.memory_space<hbm>> -> memref<1x80xi32, #tpu.memory_space<hbm>>
        %dma_wait3A_601 = tpu.memref_squeeze %dma_wait3A_600 : memref<1x80xi32, #tpu.memory_space<hbm>> -> memref<80xi32, #tpu.memory_space<hbm>>
        %dma_wait3A_602 = arith.constant 0 : i32
        %dma_wait3A_603 = tpu.memref_slice %arg15[%dma_wait3A_595, %dma_wait3A_602] : memref<2x80xi32, #tpu.memory_space<vmem>> -> memref<1x80xi32, #tpu.memory_space<vmem>>
        %dma_wait3A_604 = tpu.memref_squeeze %dma_wait3A_603 : memref<1x80xi32, #tpu.memory_space<vmem>> -> memref<80xi32, #tpu.memory_space<vmem>>
        %dma_wait3A_605 = arith.constant 0 : i32
        %dma_wait3A_606 = tpu.memref_slice %arg3[%dma_wait3A_594, %dma_wait3A_605] : memref<2x320000xi32, #tpu.memory_space<hbm>> -> memref<1x80xi32, #tpu.memory_space<hbm>>
        %dma_wait3A_607 = tpu.memref_squeeze %dma_wait3A_606 : memref<1x80xi32, #tpu.memory_space<hbm>> -> memref<80xi32, #tpu.memory_space<hbm>>
        tpu.wait_dma2 semaphore(%arg39 : memref<!tpu.dma_semaphore, #tpu.memory_space<semaphore_mem>>) src(%dma_wait3A_607 : memref<80xi32, #tpu.memory_space<hbm>>) dst(%dma_wait3A_604 : memref<80xi32, #tpu.memory_space<vmem>>)
        %dma_wait3A_608 = arith.constant 1 : i32
        %dma_wait3A_609 = arith.constant 1 : i32
        %dma_wait3A_610 = arith.constant 0 : i32
        %dma_wait3A_611 = tpu.memref_slice %arg15[%dma_wait3A_609, %dma_wait3A_610] : memref<2x80xi32, #tpu.memory_space<vmem>> -> memref<1x80xi32, #tpu.memory_space<vmem>>
        %dma_wait3A_612 = tpu.memref_squeeze %dma_wait3A_611 : memref<1x80xi32, #tpu.memory_space<vmem>> -> memref<80xi32, #tpu.memory_space<vmem>>
        %dma_wait3A_613 = arith.constant 0 : i32
        %dma_wait3A_614 = tpu.memref_slice %arg3[%dma_wait3A_608, %dma_wait3A_613] : memref<2x320000xi32, #tpu.memory_space<hbm>> -> memref<1x80xi32, #tpu.memory_space<hbm>>
        %dma_wait3A_615 = tpu.memref_squeeze %dma_wait3A_614 : memref<1x80xi32, #tpu.memory_space<hbm>> -> memref<80xi32, #tpu.memory_space<hbm>>
        %dma_wait3A_616 = arith.constant 0 : i32
        %dma_wait3A_617 = tpu.memref_slice %arg15[%dma_wait3A_609, %dma_wait3A_616] : memref<2x80xi32, #tpu.memory_space<vmem>> -> memref<1x80xi32, #tpu.memory_space<vmem>>
        %dma_wait3A_618 = tpu.memref_squeeze %dma_wait3A_617 : memref<1x80xi32, #tpu.memory_space<vmem>> -> memref<80xi32, #tpu.memory_space<vmem>>
        %dma_wait3A_619 = arith.constant 0 : i32
        %dma_wait3A_620 = tpu.memref_slice %arg3[%dma_wait3A_608, %dma_wait3A_619] : memref<2x320000xi32, #tpu.memory_space<hbm>> -> memref<1x80xi32, #tpu.memory_space<hbm>>
        %dma_wait3A_621 = tpu.memref_squeeze %dma_wait3A_620 : memref<1x80xi32, #tpu.memory_space<hbm>> -> memref<80xi32, #tpu.memory_space<hbm>>
        tpu.wait_dma2 semaphore(%arg39 : memref<!tpu.dma_semaphore, #tpu.memory_space<semaphore_mem>>) src(%dma_wait3A_621 : memref<80xi32, #tpu.memory_space<hbm>>) dst(%dma_wait3A_618 : memref<80xi32, #tpu.memory_space<vmem>>)
        %dma_start3A_622 = arith.constant 0 : i32
        %dma_start3A_623 = arith.constant 0 : i32
        %dma_start3A_624 = tpu.memref_slice %arg15[%dma_start3A_622, %dma_start3A_623] : memref<2x80xi32, #tpu.memory_space<vmem>> -> memref<1x80xi32, #tpu.memory_space<vmem>>
        %dma_start3A_625 = tpu.memref_squeeze %dma_start3A_624 : memref<1x80xi32, #tpu.memory_space<vmem>> -> memref<80xi32, #tpu.memory_space<vmem>>
        %dma_start3A_626 = arith.constant 0 : i32
        %dma_start3A_627 = arith.constant 0 : i32
        %dma_start3A_628 = tpu.memref_slice %arg25[%dma_start3A_626, %dma_start3A_627] : memref<10000x64xf32, #tpu.memory_space<vmem_shared>> -> memref<10000x64xf32, #tpu.memory_space<vmem_shared>>
        tpu.enqueue_indirect_dma source(%dma_start3A_628 : memref<10000x64xf32, #tpu.memory_space<vmem_shared>>) target(%arg10 : memref<80x64xf32, #tpu.memory_space<vmem>>) offsets(%dma_start3A_625 : memref<80xi32, #tpu.memory_space<vmem>>) semaphore(%arg29 : memref<!tpu.dma_semaphore, #tpu.memory_space<semaphore_mem>>)
      } else {
      }
      %dma_wait3A_580 = arith.constant 0 : i32
      %dma_wait3A_581 = arith.constant 0 : i32
      %dma_wait3A_582 = tpu.memref_slice %arg14[%dma_wait3A_580, %dma_wait3A_581] : memref<2x80xi32, #tpu.memory_space<vmem>> -> memref<1x80xi32, #tpu.memory_space<vmem>>
      %dma_wait3A_583 = tpu.memref_squeeze %dma_wait3A_582 : memref<1x80xi32, #tpu.memory_space<vmem>> -> memref<80xi32, #tpu.memory_space<vmem>>
      %dma_wait3A_584 = arith.constant 0 : i32
      %dma_wait3A_585 = arith.constant 0 : i32
      %dma_wait3A_586 = tpu.memref_slice %arg25[%dma_wait3A_584, %dma_wait3A_585] : memref<10000x64xf32, #tpu.memory_space<vmem_shared>> -> memref<10000x64xf32, #tpu.memory_space<vmem_shared>>
      tpu.wait_indirect_dma semaphore(%arg32 : memref<!tpu.dma_semaphore, #tpu.memory_space<semaphore_mem>>) src(%dma_wait3A_586 : memref<10000x64xf32, #tpu.memory_space<vmem_shared>>) dst(%arg13 : memref<80x64xf32, #tpu.memory_space<vmem>>)
      %dma_start3A_587 = arith.constant 1 : i32
      %dma_start3A_588 = arith.constant 0 : i32
      %dma_start3A_589 = tpu.memref_slice %arg23[%dma_start3A_587, %dma_start3A_588] : memref<2x80xi32, #tpu.memory_space<vmem>> -> memref<1x80xi32, #tpu.memory_space<vmem>>
      %dma_start3A_590 = tpu.memref_squeeze %dma_start3A_589 : memref<1x80xi32, #tpu.memory_space<vmem>> -> memref<80xi32, #tpu.memory_space<vmem>>
      %dma_start3A_591 = arith.constant 0 : i32
      %dma_start3A_592 = arith.constant 0 : i32
      %dma_start3A_593 = tpu.memref_slice %arg26[%dma_start3A_591, %dma_start3A_592] : memref<10240x64xf32, #tpu.memory_space<vmem_shared>> -> memref<10240x64xf32, #tpu.memory_space<vmem_shared>>
      tpu.enqueue_indirect_dma source(%arg13 : memref<80x64xf32, #tpu.memory_space<vmem>>) target(%dma_start3A_593 : memref<10240x64xf32, #tpu.memory_space<vmem_shared>>) offsets(%dma_start3A_590 : memref<80xi32, #tpu.memory_space<vmem>>) semaphore(%arg37 : memref<!tpu.dma_semaphore, #tpu.memory_space<semaphore_mem>>) {add = true}
    }
    %scan3A_188 = arith.constant 25 : i32
    %dma_wait3A_189 = arith.constant 1 : i32
    %dma_wait3A_190 = arith.constant 0 : i32
    %dma_wait3A_191 = tpu.memref_slice %arg14[%dma_wait3A_189, %dma_wait3A_190] : memref<2x80xi32, #tpu.memory_space<vmem>> -> memref<1x80xi32, #tpu.memory_space<vmem>>
    %dma_wait3A_192 = tpu.memref_squeeze %dma_wait3A_191 : memref<1x80xi32, #tpu.memory_space<vmem>> -> memref<80xi32, #tpu.memory_space<vmem>>
    %dma_wait3A_193 = arith.constant 0 : i32
    %dma_wait3A_194 = arith.constant 0 : i32
    %dma_wait3A_195 = tpu.memref_slice %arg26[%dma_wait3A_193, %dma_wait3A_194] : memref<10240x64xf32, #tpu.memory_space<vmem_shared>> -> memref<10240x64xf32, #tpu.memory_space<vmem_shared>>
    tpu.wait_indirect_dma semaphore(%arg35 : memref<!tpu.dma_semaphore, #tpu.memory_space<semaphore_mem>>) src(%arg11 : memref<80x64xf32, #tpu.memory_space<vmem>>) dst(%dma_wait3A_195 : memref<10240x64xf32, #tpu.memory_space<vmem_shared>>)
    %dma_wait3A_196 = arith.constant 1 : i32
    %dma_wait3A_197 = arith.constant 0 : i32
    %dma_wait3A_198 = tpu.memref_slice %arg14[%dma_wait3A_196, %dma_wait3A_197] : memref<2x80xi32, #tpu.memory_space<vmem>> -> memref<1x80xi32, #tpu.memory_space<vmem>>
    %dma_wait3A_199 = tpu.memref_squeeze %dma_wait3A_198 : memref<1x80xi32, #tpu.memory_space<vmem>> -> memref<80xi32, #tpu.memory_space<vmem>>
    %dma_wait3A_200 = arith.constant 0 : i32
    %dma_wait3A_201 = arith.constant 0 : i32
    %dma_wait3A_202 = tpu.memref_slice %arg26[%dma_wait3A_200, %dma_wait3A_201] : memref<10240x64xf32, #tpu.memory_space<vmem_shared>> -> memref<10240x64xf32, #tpu.memory_space<vmem_shared>>
    tpu.wait_indirect_dma semaphore(%arg36 : memref<!tpu.dma_semaphore, #tpu.memory_space<semaphore_mem>>) src(%arg12 : memref<80x64xf32, #tpu.memory_space<vmem>>) dst(%dma_wait3A_202 : memref<10240x64xf32, #tpu.memory_space<vmem_shared>>)
    %dma_wait3A_203 = arith.constant 1 : i32
    %dma_wait3A_204 = arith.constant 0 : i32
    %dma_wait3A_205 = tpu.memref_slice %arg14[%dma_wait3A_203, %dma_wait3A_204] : memref<2x80xi32, #tpu.memory_space<vmem>> -> memref<1x80xi32, #tpu.memory_space<vmem>>
    %dma_wait3A_206 = tpu.memref_squeeze %dma_wait3A_205 : memref<1x80xi32, #tpu.memory_space<vmem>> -> memref<80xi32, #tpu.memory_space<vmem>>
    %dma_wait3A_207 = arith.constant 0 : i32
    %dma_wait3A_208 = arith.constant 0 : i32
    %dma_wait3A_209 = tpu.memref_slice %arg26[%dma_wait3A_207, %dma_wait3A_208] : memref<10240x64xf32, #tpu.memory_space<vmem_shared>> -> memref<10240x64xf32, #tpu.memory_space<vmem_shared>>
    tpu.wait_indirect_dma semaphore(%arg37 : memref<!tpu.dma_semaphore, #tpu.memory_space<semaphore_mem>>) src(%arg13 : memref<80x64xf32, #tpu.memory_space<vmem>>) dst(%dma_wait3A_209 : memref<10240x64xf32, #tpu.memory_space<vmem_shared>>)
    %barrier3A_210 = arith.constant 0 : index
    tpu.barrier barrier_id(%barrier3A_210)
    %eq3A_211 = arith.constant 0 : i32
    %eq3A_212 = arith.cmpi eq, %arg0, %eq3A_211 : i32
    %convert_element_type3A_213 = arith.extui %eq3A_212 : i1 to i32
    %cond3A_214 = arith.constant 0 : i32
    %cond3A_215 = arith.cmpi ne, %convert_element_type3A_213, %cond3A_214 : i32
    scf.if %cond3A_215 {
      "tpu.region"() ({
        %run_scoped3A = tpu.sem_alloc : memref<!tpu.dma_semaphore, #tpu.memory_space<semaphore_mem>>
        %dma_start3A_221 = arith.constant 0 : i32
        %dma_start3A_222 = tpu.memref_slice %arg7[%multiple_of3A, %dma_start3A_221] : memref<10240x128xf32, #tpu.memory_space<hbm>> -> memref<640x64xf32, #tpu.memory_space<hbm>>
        %dma_start3A_223 = arith.constant 0 : i32
        %dma_start3A_224 = tpu.memref_slice %arg26[%multiple_of3A, %dma_start3A_223] : memref<10240x64xf32, #tpu.memory_space<vmem_shared>> -> memref<640x64xf32, #tpu.memory_space<vmem_shared>>
        tpu.enqueue_dma source(%dma_start3A_224 : memref<640x64xf32, #tpu.memory_space<vmem_shared>>) target(%dma_start3A_222 : memref<640x64xf32, #tpu.memory_space<hbm>>) target_semaphore(%run_scoped3A : memref<!tpu.dma_semaphore, #tpu.memory_space<semaphore_mem>>)
        %dma_wait3A_225 = arith.constant 0 : i32
        %dma_wait3A_226 = tpu.memref_slice %arg7[%multiple_of3A, %dma_wait3A_225] : memref<10240x128xf32, #tpu.memory_space<hbm>> -> memref<640x64xf32, #tpu.memory_space<hbm>>
        %dma_wait3A_227 = arith.constant 0 : i32
        %dma_wait3A_228 = tpu.memref_slice %arg26[%multiple_of3A, %dma_wait3A_227] : memref<10240x64xf32, #tpu.memory_space<vmem_shared>> -> memref<640x64xf32, #tpu.memory_space<vmem_shared>>
        tpu.wait_dma2 semaphore(%run_scoped3A : memref<!tpu.dma_semaphore, #tpu.memory_space<semaphore_mem>>) src(%dma_wait3A_228 : memref<640x64xf32, #tpu.memory_space<vmem_shared>>) dst(%dma_wait3A_226 : memref<640x64xf32, #tpu.memory_space<hbm>>)
        tpu.yield
      }) : () -> ()
    } else {
    }
    %eq3A_216 = arith.constant 1 : i32
    %eq3A_217 = arith.cmpi eq, %arg0, %eq3A_216 : i32
    %convert_element_type3A_218 = arith.extui %eq3A_217 : i1 to i32
    %cond3A_219 = arith.constant 0 : i32
    %cond3A_220 = arith.cmpi ne, %convert_element_type3A_218, %cond3A_219 : i32
    scf.if %cond3A_220 {
      "tpu.region"() ({
        %run_scoped3A = tpu.sem_alloc : memref<!tpu.dma_semaphore, #tpu.memory_space<semaphore_mem>>
        %dma_start3A_221 = arith.constant 64 : i32
        %dma_start3A_222 = tpu.memref_slice %arg7[%multiple_of3A, %dma_start3A_221] : memref<10240x128xf32, #tpu.memory_space<hbm>> -> memref<640x64xf32, #tpu.memory_space<hbm>>
        %dma_start3A_223 = arith.constant 0 : i32
        %dma_start3A_224 = tpu.memref_slice %arg26[%multiple_of3A, %dma_start3A_223] : memref<10240x64xf32, #tpu.memory_space<vmem_shared>> -> memref<640x64xf32, #tpu.memory_space<vmem_shared>>
        tpu.enqueue_dma source(%dma_start3A_224 : memref<640x64xf32, #tpu.memory_space<vmem_shared>>) target(%dma_start3A_222 : memref<640x64xf32, #tpu.memory_space<hbm>>) target_semaphore(%run_scoped3A : memref<!tpu.dma_semaphore, #tpu.memory_space<semaphore_mem>>)
        %dma_wait3A_225 = arith.constant 64 : i32
        %dma_wait3A_226 = tpu.memref_slice %arg7[%multiple_of3A, %dma_wait3A_225] : memref<10240x128xf32, #tpu.memory_space<hbm>> -> memref<640x64xf32, #tpu.memory_space<hbm>>
        %dma_wait3A_227 = arith.constant 0 : i32
        %dma_wait3A_228 = tpu.memref_slice %arg26[%multiple_of3A, %dma_wait3A_227] : memref<10240x64xf32, #tpu.memory_space<vmem_shared>> -> memref<640x64xf32, #tpu.memory_space<vmem_shared>>
        tpu.wait_dma2 semaphore(%run_scoped3A : memref<!tpu.dma_semaphore, #tpu.memory_space<semaphore_mem>>) src(%dma_wait3A_228 : memref<640x64xf32, #tpu.memory_space<vmem_shared>>) dst(%dma_wait3A_226 : memref<640x64xf32, #tpu.memory_space<hbm>>)
        tpu.yield
      }) : () -> ()
    } else {
    }
    return
  }
}

#map = affine_map<(d0, d1) -> (0, 0)>
module attributes {stable_mosaic.version = 14 : i64} {
  func.func @body(%arg0: i32, %arg1: i32, %arg2: memref<10000x128xf32, #tpu.memory_space<hbm>>, %arg3: memref<2x320000xi32, #tpu.memory_space<hbm>>, %arg4: memref<640x64xf32, #tpu.memory_space<hbm>>, %arg5: memref<640x16xf32, #tpu.memory_space<hbm>>, %arg6: memref<80x16xf32, #tpu.memory_space<hbm>>, %arg7: memref<10240x128xf32, #tpu.memory_space<hbm>>, %arg8: memref<10240x128xf32, #tpu.memory_space<hbm>>, %arg9: memref<80x64xf32, #tpu.memory_space<vmem>>, %arg10: memref<80x64xf32, #tpu.memory_space<vmem>>, %arg11: memref<80x64xf32, #tpu.memory_space<vmem>>, %arg12: memref<80x64xf32, #tpu.memory_space<vmem>>, %arg13: memref<80x64xf32, #tpu.memory_space<vmem>>, %arg14: memref<2x80xi32, #tpu.memory_space<vmem>>, %arg15: memref<2x80xi32, #tpu.memory_space<vmem>>, %arg16: memref<2x80xi32, #tpu.memory_space<vmem>>, %arg17: memref<2x80xi32, #tpu.memory_space<vmem>>, %arg18: memref<2x80xi32, #tpu.memory_space<vmem>>, %arg19: memref<2x80xi32, #tpu.memory_space<vmem>>, %arg20: memref<2x80xi32, #tpu.memory_space<vmem>>, %arg21: memref<2x80xi32, #tpu.memory_space<vmem>>, %arg22: memref<2x80xi32, #tpu.memory_space<vmem>>, %arg23: memref<2x80xi32, #tpu.memory_space<vmem>>, %arg24: memref<80x16xf32, #tpu.memory_space<vmem>>, %arg25: memref<10000x64xf32, #tpu.memory_space<vmem_shared>>, %arg26: memref<10240x64xf32, #tpu.memory_space<vmem_shared>>, %arg27: memref<10240x16xf32, #tpu.memory_space<vmem_shared>>, %arg28: memref<!tpu.dma_semaphore, #tpu.memory_space<semaphore_mem>>, %arg29: memref<!tpu.dma_semaphore, #tpu.memory_space<semaphore_mem>>, %arg30: memref<!tpu.dma_semaphore, #tpu.memory_space<semaphore_mem>>, %arg31: memref<!tpu.dma_semaphore, #tpu.memory_space<semaphore_mem>>, %arg32: memref<!tpu.dma_semaphore, #tpu.memory_space<semaphore_mem>>, %arg33: memref<!tpu.dma_semaphore, #tpu.memory_space<semaphore_mem>>, %arg34: memref<!tpu.dma_semaphore, #tpu.memory_space<semaphore_mem>>, %arg35: memref<!tpu.dma_semaphore, #tpu.memory_space<semaphore_mem>>, %arg36: memref<!tpu.dma_semaphore, #tpu.memory_space<semaphore_mem>>, %arg37: memref<!tpu.dma_semaphore, #tpu.memory_space<semaphore_mem>>, %arg38: memref<!tpu.dma_semaphore, #tpu.memory_space<semaphore_mem>>, %arg39: memref<!tpu.dma_semaphore, #tpu.memory_space<semaphore_mem>>, %arg40: memref<!tpu.dma_semaphore, #tpu.memory_space<semaphore_mem>>, %arg41: memref<!tpu.dma_semaphore, #tpu.memory_space<semaphore_mem>>, %arg42: memref<!tpu.dma_semaphore, #tpu.memory_space<semaphore_mem>>, %arg43: memref<!tpu.dma_semaphore, #tpu.memory_space<semaphore_mem>>, %arg44: memref<!tpu.dma_semaphore, #tpu.memory_space<semaphore_mem>>, %arg45: memref<!tpu.dma_semaphore, #tpu.memory_space<semaphore_mem>>, %arg46: memref<!tpu.dma_semaphore, #tpu.memory_space<semaphore_mem>>, %arg47: memref<!tpu.dma_semaphore, #tpu.memory_space<semaphore_mem>>, %arg48: memref<!tpu.dma_semaphore, #tpu.memory_space<semaphore_mem>>) attributes {dimension_semantics = [#tpu.dimension_semantics<core_parallel>, #tpu.dimension_semantics<subcore_parallel>], iteration_bounds = array<i64: 2, 16>, scalar_prefetch = 0 : i64, scratch_operands = 40 : i64, tpu.core_type = #tpu.core_type<sc_vector_subcore>, window_params = [{transform_indices = #map}, {transform_indices = #map}, {transform_indices = #map}, {transform_indices = #map}, {transform_indices = #map}, {transform_indices = #map}, {transform_indices = #map}]} {
    %mul3A = arith.constant 640 : i32
    %mul3A_0 = arith.muli %arg1, %mul3A : i32
    %multiple_of3A = tpu.assume_multiple %mul3A_0, 8 : i32
    %mul3A_1 = arith.constant 625 : i32
    %mul3A_2 = arith.muli %arg1, %mul3A_1 : i32
    %mul3A_3 = arith.constant 125 : i32
    %mul3A_4 = arith.muli %arg0, %mul3A_3 : i32
    "tpu.region"() ({
      %run_scoped3A = tpu.sem_alloc : memref<!tpu.dma_semaphore, #tpu.memory_space<semaphore_mem>>
      tpu.enqueue_dma source(%arg6 : memref<80x16xf32, #tpu.memory_space<hbm>>) target(%arg24 : memref<80x16xf32, #tpu.memory_space<vmem>>) target_semaphore(%run_scoped3A : memref<!tpu.dma_semaphore, #tpu.memory_space<semaphore_mem>>)
      tpu.wait_dma2 semaphore(%run_scoped3A : memref<!tpu.dma_semaphore, #tpu.memory_space<semaphore_mem>>) src(%arg6 : memref<80x16xf32, #tpu.memory_space<hbm>>) dst(%arg24 : memref<80x16xf32, #tpu.memory_space<vmem>>)
      tpu.yield
    }) : () -> ()
    %eq3A = arith.constant 0 : i32
    %eq3A_5 = arith.cmpi eq, %arg0, %eq3A : i32
    %convert_element_type3A = arith.extui %eq3A_5 : i1 to i32
    %cond3A = arith.constant 0 : i32
    %cond3A_6 = arith.cmpi ne, %convert_element_type3A, %cond3A : i32
    scf.if %cond3A_6 {
      "tpu.region"() ({
        %run_scoped3A = tpu.sem_alloc : memref<!tpu.dma_semaphore, #tpu.memory_space<semaphore_mem>>
        %dma_start3A_226 = arith.constant 0 : i32
        %dma_start3A_227 = tpu.memref_slice %arg25[%mul3A_2, %dma_start3A_226] : memref<10000x64xf32, #tpu.memory_space<vmem_shared>> -> memref<625x64xf32, #tpu.memory_space<vmem_shared>>
        %dma_start3A_228 = arith.constant 0 : i32
        %dma_start3A_229 = tpu.memref_slice %arg2[%mul3A_2, %dma_start3A_228] : memref<10000x128xf32, #tpu.memory_space<hbm>> -> memref<625x64xf32, #tpu.memory_space<hbm>>
        tpu.enqueue_dma source(%dma_start3A_229 : memref<625x64xf32, #tpu.memory_space<hbm>>) target(%dma_start3A_227 : memref<625x64xf32, #tpu.memory_space<vmem_shared>>) target_semaphore(%run_scoped3A : memref<!tpu.dma_semaphore, #tpu.memory_space<semaphore_mem>>)
        %dma_wait3A_230 = arith.constant 0 : i32
        %dma_wait3A_231 = tpu.memref_slice %arg25[%mul3A_2, %dma_wait3A_230] : memref<10000x64xf32, #tpu.memory_space<vmem_shared>> -> memref<625x64xf32, #tpu.memory_space<vmem_shared>>
        %dma_wait3A_232 = arith.constant 0 : i32
        %dma_wait3A_233 = tpu.memref_slice %arg2[%mul3A_2, %dma_wait3A_232] : memref<10000x128xf32, #tpu.memory_space<hbm>> -> memref<625x64xf32, #tpu.memory_space<hbm>>
        tpu.wait_dma2 semaphore(%run_scoped3A : memref<!tpu.dma_semaphore, #tpu.memory_space<semaphore_mem>>) src(%dma_wait3A_233 : memref<625x64xf32, #tpu.memory_space<hbm>>) dst(%dma_wait3A_231 : memref<625x64xf32, #tpu.memory_space<vmem_shared>>)
        tpu.yield
      }) : () -> ()
    } else {
    }
    %eq3A_7 = arith.constant 1 : i32
    %eq3A_8 = arith.cmpi eq, %arg0, %eq3A_7 : i32
    %convert_element_type3A_9 = arith.extui %eq3A_8 : i1 to i32
    %cond3A_10 = arith.constant 0 : i32
    %cond3A_11 = arith.cmpi ne, %convert_element_type3A_9, %cond3A_10 : i32
    scf.if %cond3A_11 {
      "tpu.region"() ({
        %run_scoped3A = tpu.sem_alloc : memref<!tpu.dma_semaphore, #tpu.memory_space<semaphore_mem>>
        %dma_start3A_226 = arith.constant 0 : i32
        %dma_start3A_227 = tpu.memref_slice %arg25[%mul3A_2, %dma_start3A_226] : memref<10000x64xf32, #tpu.memory_space<vmem_shared>> -> memref<625x64xf32, #tpu.memory_space<vmem_shared>>
        %dma_start3A_228 = arith.constant 64 : i32
        %dma_start3A_229 = tpu.memref_slice %arg2[%mul3A_2, %dma_start3A_228] : memref<10000x128xf32, #tpu.memory_space<hbm>> -> memref<625x64xf32, #tpu.memory_space<hbm>>
        tpu.enqueue_dma source(%dma_start3A_229 : memref<625x64xf32, #tpu.memory_space<hbm>>) target(%dma_start3A_227 : memref<625x64xf32, #tpu.memory_space<vmem_shared>>) target_semaphore(%run_scoped3A : memref<!tpu.dma_semaphore, #tpu.memory_space<semaphore_mem>>)
        %dma_wait3A_230 = arith.constant 0 : i32
        %dma_wait3A_231 = tpu.memref_slice %arg25[%mul3A_2, %dma_wait3A_230] : memref<10000x64xf32, #tpu.memory_space<vmem_shared>> -> memref<625x64xf32, #tpu.memory_space<vmem_shared>>
        %dma_wait3A_232 = arith.constant 64 : i32
        %dma_wait3A_233 = tpu.memref_slice %arg2[%mul3A_2, %dma_wait3A_232] : memref<10000x128xf32, #tpu.memory_space<hbm>> -> memref<625x64xf32, #tpu.memory_space<hbm>>
        tpu.wait_dma2 semaphore(%run_scoped3A : memref<!tpu.dma_semaphore, #tpu.memory_space<semaphore_mem>>) src(%dma_wait3A_233 : memref<625x64xf32, #tpu.memory_space<hbm>>) dst(%dma_wait3A_231 : memref<625x64xf32, #tpu.memory_space<vmem_shared>>)
        tpu.yield
      }) : () -> ()
    } else {
    }
    "tpu.region"() ({
      %run_scoped3A = tpu.sem_alloc : memref<!tpu.dma_semaphore, #tpu.memory_space<semaphore_mem>>
      %dma_start3A_226 = arith.constant 0 : i32
      %dma_start3A_227 = tpu.memref_slice %arg26[%multiple_of3A, %dma_start3A_226] : memref<10240x64xf32, #tpu.memory_space<vmem_shared>> -> memref<640x64xf32, #tpu.memory_space<vmem_shared>>
      tpu.enqueue_dma source(%arg4 : memref<640x64xf32, #tpu.memory_space<hbm>>) target(%dma_start3A_227 : memref<640x64xf32, #tpu.memory_space<vmem_shared>>) target_semaphore(%run_scoped3A : memref<!tpu.dma_semaphore, #tpu.memory_space<semaphore_mem>>)
      %dma_wait3A_228 = arith.constant 0 : i32
      %dma_wait3A_229 = tpu.memref_slice %arg26[%multiple_of3A, %dma_wait3A_228] : memref<10240x64xf32, #tpu.memory_space<vmem_shared>> -> memref<640x64xf32, #tpu.memory_space<vmem_shared>>
      tpu.wait_dma2 semaphore(%run_scoped3A : memref<!tpu.dma_semaphore, #tpu.memory_space<semaphore_mem>>) src(%arg4 : memref<640x64xf32, #tpu.memory_space<hbm>>) dst(%dma_wait3A_229 : memref<640x64xf32, #tpu.memory_space<vmem_shared>>)
      tpu.yield
    }) : () -> ()
    "tpu.region"() ({
      %run_scoped3A = tpu.sem_alloc : memref<!tpu.dma_semaphore, #tpu.memory_space<semaphore_mem>>
      %dma_start3A_226 = arith.constant 0 : i32
      %dma_start3A_227 = tpu.memref_slice %arg27[%multiple_of3A, %dma_start3A_226] : memref<10240x16xf32, #tpu.memory_space<vmem_shared>> -> memref<640x16xf32, #tpu.memory_space<vmem_shared>>
      tpu.enqueue_dma source(%arg5 : memref<640x16xf32, #tpu.memory_space<hbm>>) target(%dma_start3A_227 : memref<640x16xf32, #tpu.memory_space<vmem_shared>>) target_semaphore(%run_scoped3A : memref<!tpu.dma_semaphore, #tpu.memory_space<semaphore_mem>>)
      %dma_wait3A_228 = arith.constant 0 : i32
      %dma_wait3A_229 = tpu.memref_slice %arg27[%multiple_of3A, %dma_wait3A_228] : memref<10240x16xf32, #tpu.memory_space<vmem_shared>> -> memref<640x16xf32, #tpu.memory_space<vmem_shared>>
      tpu.wait_dma2 semaphore(%run_scoped3A : memref<!tpu.dma_semaphore, #tpu.memory_space<semaphore_mem>>) src(%arg5 : memref<640x16xf32, #tpu.memory_space<hbm>>) dst(%dma_wait3A_229 : memref<640x16xf32, #tpu.memory_space<vmem_shared>>)
      tpu.yield
    }) : () -> ()
    %barrier3A = arith.constant 0 : index
    tpu.barrier barrier_id(%barrier3A)
    %mul3A_12 = arith.constant 20000 : i32
    %mul3A_13 = arith.muli %arg1, %mul3A_12 : i32
    %add3A = arith.constant 0 : i32
    %add3A_14 = arith.addi %mul3A_13, %add3A : i32
    %dma_start3A = arith.constant 0 : i32
    %dma_start3A_15 = arith.constant 0 : i32
    %dma_start3A_16 = arith.constant 0 : i32
    %dma_start3A_17 = tpu.memref_slice %arg14[%dma_start3A_15, %dma_start3A_16] : memref<2x80xi32, #tpu.memory_space<vmem>> -> memref<1x80xi32, #tpu.memory_space<vmem>>
    %dma_start3A_18 = tpu.memref_squeeze %dma_start3A_17 : memref<1x80xi32, #tpu.memory_space<vmem>> -> memref<80xi32, #tpu.memory_space<vmem>>
    %dma_start3A_19 = tpu.memref_slice %arg3[%dma_start3A, %add3A_14] : memref<2x320000xi32, #tpu.memory_space<hbm>> -> memref<1x80xi32, #tpu.memory_space<hbm>>
    %dma_start3A_20 = tpu.memref_squeeze %dma_start3A_19 : memref<1x80xi32, #tpu.memory_space<hbm>> -> memref<80xi32, #tpu.memory_space<hbm>>
    %dma_start3A_21 = arith.constant 0 : i32
    %dma_start3A_22 = tpu.memref_slice %arg14[%dma_start3A_15, %dma_start3A_21] : memref<2x80xi32, #tpu.memory_space<vmem>> -> memref<1x80xi32, #tpu.memory_space<vmem>>
    %dma_start3A_23 = tpu.memref_squeeze %dma_start3A_22 : memref<1x80xi32, #tpu.memory_space<vmem>> -> memref<80xi32, #tpu.memory_space<vmem>>
    %dma_start3A_24 = tpu.memref_slice %arg3[%dma_start3A, %add3A_14] : memref<2x320000xi32, #tpu.memory_space<hbm>> -> memref<1x80xi32, #tpu.memory_space<hbm>>
    %dma_start3A_25 = tpu.memref_squeeze %dma_start3A_24 : memref<1x80xi32, #tpu.memory_space<hbm>> -> memref<80xi32, #tpu.memory_space<hbm>>
    tpu.enqueue_dma source(%dma_start3A_25 : memref<80xi32, #tpu.memory_space<hbm>>) target(%dma_start3A_23 : memref<80xi32, #tpu.memory_space<vmem>>) target_semaphore(%arg38 : memref<!tpu.dma_semaphore, #tpu.memory_space<semaphore_mem>>)
    %dma_start3A_26 = arith.constant 1 : i32
    %dma_start3A_27 = arith.constant 1 : i32
    %dma_start3A_28 = arith.constant 0 : i32
    %dma_start3A_29 = tpu.memref_slice %arg14[%dma_start3A_27, %dma_start3A_28] : memref<2x80xi32, #tpu.memory_space<vmem>> -> memref<1x80xi32, #tpu.memory_space<vmem>>
    %dma_start3A_30 = tpu.memref_squeeze %dma_start3A_29 : memref<1x80xi32, #tpu.memory_space<vmem>> -> memref<80xi32, #tpu.memory_space<vmem>>
    %dma_start3A_31 = tpu.memref_slice %arg3[%dma_start3A_26, %add3A_14] : memref<2x320000xi32, #tpu.memory_space<hbm>> -> memref<1x80xi32, #tpu.memory_space<hbm>>
    %dma_start3A_32 = tpu.memref_squeeze %dma_start3A_31 : memref<1x80xi32, #tpu.memory_space<hbm>> -> memref<80xi32, #tpu.memory_space<hbm>>
    %dma_start3A_33 = arith.constant 0 : i32
    %dma_start3A_34 = tpu.memref_slice %arg14[%dma_start3A_27, %dma_start3A_33] : memref<2x80xi32, #tpu.memory_space<vmem>> -> memref<1x80xi32, #tpu.memory_space<vmem>>
    %dma_start3A_35 = tpu.memref_squeeze %dma_start3A_34 : memref<1x80xi32, #tpu.memory_space<vmem>> -> memref<80xi32, #tpu.memory_space<vmem>>
    %dma_start3A_36 = tpu.memref_slice %arg3[%dma_start3A_26, %add3A_14] : memref<2x320000xi32, #tpu.memory_space<hbm>> -> memref<1x80xi32, #tpu.memory_space<hbm>>
    %dma_start3A_37 = tpu.memref_squeeze %dma_start3A_36 : memref<1x80xi32, #tpu.memory_space<hbm>> -> memref<80xi32, #tpu.memory_space<hbm>>
    tpu.enqueue_dma source(%dma_start3A_37 : memref<80xi32, #tpu.memory_space<hbm>>) target(%dma_start3A_35 : memref<80xi32, #tpu.memory_space<vmem>>) target_semaphore(%arg38 : memref<!tpu.dma_semaphore, #tpu.memory_space<semaphore_mem>>)
    %add3A_38 = arith.constant 80 : i32
    %add3A_39 = arith.addi %mul3A_13, %add3A_38 : i32
    %dma_start3A_40 = arith.constant 0 : i32
    %dma_start3A_41 = arith.constant 0 : i32
    %dma_start3A_42 = arith.constant 0 : i32
    %dma_start3A_43 = tpu.memref_slice %arg15[%dma_start3A_41, %dma_start3A_42] : memref<2x80xi32, #tpu.memory_space<vmem>> -> memref<1x80xi32, #tpu.memory_space<vmem>>
    %dma_start3A_44 = tpu.memref_squeeze %dma_start3A_43 : memref<1x80xi32, #tpu.memory_space<vmem>> -> memref<80xi32, #tpu.memory_space<vmem>>
    %dma_start3A_45 = tpu.memref_slice %arg3[%dma_start3A_40, %add3A_39] : memref<2x320000xi32, #tpu.memory_space<hbm>> -> memref<1x80xi32, #tpu.memory_space<hbm>>
    %dma_start3A_46 = tpu.memref_squeeze %dma_start3A_45 : memref<1x80xi32, #tpu.memory_space<hbm>> -> memref<80xi32, #tpu.memory_space<hbm>>
    %dma_start3A_47 = arith.constant 0 : i32
    %dma_start3A_48 = tpu.memref_slice %arg15[%dma_start3A_41, %dma_start3A_47] : memref<2x80xi32, #tpu.memory_space<vmem>> -> memref<1x80xi32, #tpu.memory_space<vmem>>
    %dma_start3A_49 = tpu.memref_squeeze %dma_start3A_48 : memref<1x80xi32, #tpu.memory_space<vmem>> -> memref<80xi32, #tpu.memory_space<vmem>>
    %dma_start3A_50 = tpu.memref_slice %arg3[%dma_start3A_40, %add3A_39] : memref<2x320000xi32, #tpu.memory_space<hbm>> -> memref<1x80xi32, #tpu.memory_space<hbm>>
    %dma_start3A_51 = tpu.memref_squeeze %dma_start3A_50 : memref<1x80xi32, #tpu.memory_space<hbm>> -> memref<80xi32, #tpu.memory_space<hbm>>
    tpu.enqueue_dma source(%dma_start3A_51 : memref<80xi32, #tpu.memory_space<hbm>>) target(%dma_start3A_49 : memref<80xi32, #tpu.memory_space<vmem>>) target_semaphore(%arg39 : memref<!tpu.dma_semaphore, #tpu.memory_space<semaphore_mem>>)
    %dma_start3A_52 = arith.constant 1 : i32
    %dma_start3A_53 = arith.constant 1 : i32
    %dma_start3A_54 = arith.constant 0 : i32
    %dma_start3A_55 = tpu.memref_slice %arg15[%dma_start3A_53, %dma_start3A_54] : memref<2x80xi32, #tpu.memory_space<vmem>> -> memref<1x80xi32, #tpu.memory_space<vmem>>
    %dma_start3A_56 = tpu.memref_squeeze %dma_start3A_55 : memref<1x80xi32, #tpu.memory_space<vmem>> -> memref<80xi32, #tpu.memory_space<vmem>>
    %dma_start3A_57 = tpu.memref_slice %arg3[%dma_start3A_52, %add3A_39] : memref<2x320000xi32, #tpu.memory_space<hbm>> -> memref<1x80xi32, #tpu.memory_space<hbm>>
    %dma_start3A_58 = tpu.memref_squeeze %dma_start3A_57 : memref<1x80xi32, #tpu.memory_space<hbm>> -> memref<80xi32, #tpu.memory_space<hbm>>
    %dma_start3A_59 = arith.constant 0 : i32
    %dma_start3A_60 = tpu.memref_slice %arg15[%dma_start3A_53, %dma_start3A_59] : memref<2x80xi32, #tpu.memory_space<vmem>> -> memref<1x80xi32, #tpu.memory_space<vmem>>
    %dma_start3A_61 = tpu.memref_squeeze %dma_start3A_60 : memref<1x80xi32, #tpu.memory_space<vmem>> -> memref<80xi32, #tpu.memory_space<vmem>>
    %dma_start3A_62 = tpu.memref_slice %arg3[%dma_start3A_52, %add3A_39] : memref<2x320000xi32, #tpu.memory_space<hbm>> -> memref<1x80xi32, #tpu.memory_space<hbm>>
    %dma_start3A_63 = tpu.memref_squeeze %dma_start3A_62 : memref<1x80xi32, #tpu.memory_space<hbm>> -> memref<80xi32, #tpu.memory_space<hbm>>
    tpu.enqueue_dma source(%dma_start3A_63 : memref<80xi32, #tpu.memory_space<hbm>>) target(%dma_start3A_61 : memref<80xi32, #tpu.memory_space<vmem>>) target_semaphore(%arg39 : memref<!tpu.dma_semaphore, #tpu.memory_space<semaphore_mem>>)
    %add3A_64 = arith.constant 160 : i32
    %add3A_65 = arith.addi %mul3A_13, %add3A_64 : i32
    %dma_start3A_66 = arith.constant 0 : i32
    %dma_start3A_67 = arith.constant 0 : i32
    %dma_start3A_68 = arith.constant 0 : i32
    %dma_start3A_69 = tpu.memref_slice %arg16[%dma_start3A_67, %dma_start3A_68] : memref<2x80xi32, #tpu.memory_space<vmem>> -> memref<1x80xi32, #tpu.memory_space<vmem>>
    %dma_start3A_70 = tpu.memref_squeeze %dma_start3A_69 : memref<1x80xi32, #tpu.memory_space<vmem>> -> memref<80xi32, #tpu.memory_space<vmem>>
    %dma_start3A_71 = tpu.memref_slice %arg3[%dma_start3A_66, %add3A_65] : memref<2x320000xi32, #tpu.memory_space<hbm>> -> memref<1x80xi32, #tpu.memory_space<hbm>>
    %dma_start3A_72 = tpu.memref_squeeze %dma_start3A_71 : memref<1x80xi32, #tpu.memory_space<hbm>> -> memref<80xi32, #tpu.memory_space<hbm>>
    %dma_start3A_73 = arith.constant 0 : i32
    %dma_start3A_74 = tpu.memref_slice %arg16[%dma_start3A_67, %dma_start3A_73] : memref<2x80xi32, #tpu.memory_space<vmem>> -> memref<1x80xi32, #tpu.memory_space<vmem>>
    %dma_start3A_75 = tpu.memref_squeeze %dma_start3A_74 : memref<1x80xi32, #tpu.memory_space<vmem>> -> memref<80xi32, #tpu.memory_space<vmem>>
    %dma_start3A_76 = tpu.memref_slice %arg3[%dma_start3A_66, %add3A_65] : memref<2x320000xi32, #tpu.memory_space<hbm>> -> memref<1x80xi32, #tpu.memory_space<hbm>>
    %dma_start3A_77 = tpu.memref_squeeze %dma_start3A_76 : memref<1x80xi32, #tpu.memory_space<hbm>> -> memref<80xi32, #tpu.memory_space<hbm>>
    tpu.enqueue_dma source(%dma_start3A_77 : memref<80xi32, #tpu.memory_space<hbm>>) target(%dma_start3A_75 : memref<80xi32, #tpu.memory_space<vmem>>) target_semaphore(%arg40 : memref<!tpu.dma_semaphore, #tpu.memory_space<semaphore_mem>>)
    %dma_start3A_78 = arith.constant 1 : i32
    %dma_start3A_79 = arith.constant 1 : i32
    %dma_start3A_80 = arith.constant 0 : i32
    %dma_start3A_81 = tpu.memref_slice %arg16[%dma_start3A_79, %dma_start3A_80] : memref<2x80xi32, #tpu.memory_space<vmem>> -> memref<1x80xi32, #tpu.memory_space<vmem>>
    %dma_start3A_82 = tpu.memref_squeeze %dma_start3A_81 : memref<1x80xi32, #tpu.memory_space<vmem>> -> memref<80xi32, #tpu.memory_space<vmem>>
    %dma_start3A_83 = tpu.memref_slice %arg3[%dma_start3A_78, %add3A_65] : memref<2x320000xi32, #tpu.memory_space<hbm>> -> memref<1x80xi32, #tpu.memory_space<hbm>>
    %dma_start3A_84 = tpu.memref_squeeze %dma_start3A_83 : memref<1x80xi32, #tpu.memory_space<hbm>> -> memref<80xi32, #tpu.memory_space<hbm>>
    %dma_start3A_85 = arith.constant 0 : i32
    %dma_start3A_86 = tpu.memref_slice %arg16[%dma_start3A_79, %dma_start3A_85] : memref<2x80xi32, #tpu.memory_space<vmem>> -> memref<1x80xi32, #tpu.memory_space<vmem>>
    %dma_start3A_87 = tpu.memref_squeeze %dma_start3A_86 : memref<1x80xi32, #tpu.memory_space<vmem>> -> memref<80xi32, #tpu.memory_space<vmem>>
    %dma_start3A_88 = tpu.memref_slice %arg3[%dma_start3A_78, %add3A_65] : memref<2x320000xi32, #tpu.memory_space<hbm>> -> memref<1x80xi32, #tpu.memory_space<hbm>>
    %dma_start3A_89 = tpu.memref_squeeze %dma_start3A_88 : memref<1x80xi32, #tpu.memory_space<hbm>> -> memref<80xi32, #tpu.memory_space<hbm>>
    tpu.enqueue_dma source(%dma_start3A_89 : memref<80xi32, #tpu.memory_space<hbm>>) target(%dma_start3A_87 : memref<80xi32, #tpu.memory_space<vmem>>) target_semaphore(%arg40 : memref<!tpu.dma_semaphore, #tpu.memory_space<semaphore_mem>>)
    %add3A_90 = arith.constant 240 : i32
    %add3A_91 = arith.addi %mul3A_13, %add3A_90 : i32
    %dma_start3A_92 = arith.constant 0 : i32
    %dma_start3A_93 = arith.constant 0 : i32
    %dma_start3A_94 = arith.constant 0 : i32
    %dma_start3A_95 = tpu.memref_slice %arg17[%dma_start3A_93, %dma_start3A_94] : memref<2x80xi32, #tpu.memory_space<vmem>> -> memref<1x80xi32, #tpu.memory_space<vmem>>
    %dma_start3A_96 = tpu.memref_squeeze %dma_start3A_95 : memref<1x80xi32, #tpu.memory_space<vmem>> -> memref<80xi32, #tpu.memory_space<vmem>>
    %dma_start3A_97 = tpu.memref_slice %arg3[%dma_start3A_92, %add3A_91] : memref<2x320000xi32, #tpu.memory_space<hbm>> -> memref<1x80xi32, #tpu.memory_space<hbm>>
    %dma_start3A_98 = tpu.memref_squeeze %dma_start3A_97 : memref<1x80xi32, #tpu.memory_space<hbm>> -> memref<80xi32, #tpu.memory_space<hbm>>
    %dma_start3A_99 = arith.constant 0 : i32
    %dma_start3A_100 = tpu.memref_slice %arg17[%dma_start3A_93, %dma_start3A_99] : memref<2x80xi32, #tpu.memory_space<vmem>> -> memref<1x80xi32, #tpu.memory_space<vmem>>
    %dma_start3A_101 = tpu.memref_squeeze %dma_start3A_100 : memref<1x80xi32, #tpu.memory_space<vmem>> -> memref<80xi32, #tpu.memory_space<vmem>>
    %dma_start3A_102 = tpu.memref_slice %arg3[%dma_start3A_92, %add3A_91] : memref<2x320000xi32, #tpu.memory_space<hbm>> -> memref<1x80xi32, #tpu.memory_space<hbm>>
    %dma_start3A_103 = tpu.memref_squeeze %dma_start3A_102 : memref<1x80xi32, #tpu.memory_space<hbm>> -> memref<80xi32, #tpu.memory_space<hbm>>
    tpu.enqueue_dma source(%dma_start3A_103 : memref<80xi32, #tpu.memory_space<hbm>>) target(%dma_start3A_101 : memref<80xi32, #tpu.memory_space<vmem>>) target_semaphore(%arg41 : memref<!tpu.dma_semaphore, #tpu.memory_space<semaphore_mem>>)
    %dma_start3A_104 = arith.constant 1 : i32
    %dma_start3A_105 = arith.constant 1 : i32
    %dma_start3A_106 = arith.constant 0 : i32
    %dma_start3A_107 = tpu.memref_slice %arg17[%dma_start3A_105, %dma_start3A_106] : memref<2x80xi32, #tpu.memory_space<vmem>> -> memref<1x80xi32, #tpu.memory_space<vmem>>
    %dma_start3A_108 = tpu.memref_squeeze %dma_start3A_107 : memref<1x80xi32, #tpu.memory_space<vmem>> -> memref<80xi32, #tpu.memory_space<vmem>>
    %dma_start3A_109 = tpu.memref_slice %arg3[%dma_start3A_104, %add3A_91] : memref<2x320000xi32, #tpu.memory_space<hbm>> -> memref<1x80xi32, #tpu.memory_space<hbm>>
    %dma_start3A_110 = tpu.memref_squeeze %dma_start3A_109 : memref<1x80xi32, #tpu.memory_space<hbm>> -> memref<80xi32, #tpu.memory_space<hbm>>
    %dma_start3A_111 = arith.constant 0 : i32
    %dma_start3A_112 = tpu.memref_slice %arg17[%dma_start3A_105, %dma_start3A_111] : memref<2x80xi32, #tpu.memory_space<vmem>> -> memref<1x80xi32, #tpu.memory_space<vmem>>
    %dma_start3A_113 = tpu.memref_squeeze %dma_start3A_112 : memref<1x80xi32, #tpu.memory_space<vmem>> -> memref<80xi32, #tpu.memory_space<vmem>>
    %dma_start3A_114 = tpu.memref_slice %arg3[%dma_start3A_104, %add3A_91] : memref<2x320000xi32, #tpu.memory_space<hbm>> -> memref<1x80xi32, #tpu.memory_space<hbm>>
    %dma_start3A_115 = tpu.memref_squeeze %dma_start3A_114 : memref<1x80xi32, #tpu.memory_space<hbm>> -> memref<80xi32, #tpu.memory_space<hbm>>
    tpu.enqueue_dma source(%dma_start3A_115 : memref<80xi32, #tpu.memory_space<hbm>>) target(%dma_start3A_113 : memref<80xi32, #tpu.memory_space<vmem>>) target_semaphore(%arg41 : memref<!tpu.dma_semaphore, #tpu.memory_space<semaphore_mem>>)
    %dma_wait3A = arith.constant 0 : i32
    %dma_wait3A_116 = arith.constant 0 : i32
    %dma_wait3A_117 = arith.constant 0 : i32
    %dma_wait3A_118 = tpu.memref_slice %arg14[%dma_wait3A_116, %dma_wait3A_117] : memref<2x80xi32, #tpu.memory_space<vmem>> -> memref<1x80xi32, #tpu.memory_space<vmem>>
    %dma_wait3A_119 = tpu.memref_squeeze %dma_wait3A_118 : memref<1x80xi32, #tpu.memory_space<vmem>> -> memref<80xi32, #tpu.memory_space<vmem>>
    %dma_wait3A_120 = arith.constant 0 : i32
    %dma_wait3A_121 = tpu.memref_slice %arg3[%dma_wait3A, %dma_wait3A_120] : memref<2x320000xi32, #tpu.memory_space<hbm>> -> memref<1x80xi32, #tpu.memory_space<hbm>>
    %dma_wait3A_122 = tpu.memref_squeeze %dma_wait3A_121 : memref<1x80xi32, #tpu.memory_space<hbm>> -> memref<80xi32, #tpu.memory_space<hbm>>
    %dma_wait3A_123 = arith.constant 0 : i32
    %dma_wait3A_124 = tpu.memref_slice %arg14[%dma_wait3A_116, %dma_wait3A_123] : memref<2x80xi32, #tpu.memory_space<vmem>> -> memref<1x80xi32, #tpu.memory_space<vmem>>
    %dma_wait3A_125 = tpu.memref_squeeze %dma_wait3A_124 : memref<1x80xi32, #tpu.memory_space<vmem>> -> memref<80xi32, #tpu.memory_space<vmem>>
    %dma_wait3A_126 = arith.constant 0 : i32
    %dma_wait3A_127 = tpu.memref_slice %arg3[%dma_wait3A, %dma_wait3A_126] : memref<2x320000xi32, #tpu.memory_space<hbm>> -> memref<1x80xi32, #tpu.memory_space<hbm>>
    %dma_wait3A_128 = tpu.memref_squeeze %dma_wait3A_127 : memref<1x80xi32, #tpu.memory_space<hbm>> -> memref<80xi32, #tpu.memory_space<hbm>>
    tpu.wait_dma2 semaphore(%arg38 : memref<!tpu.dma_semaphore, #tpu.memory_space<semaphore_mem>>) src(%dma_wait3A_128 : memref<80xi32, #tpu.memory_space<hbm>>) dst(%dma_wait3A_125 : memref<80xi32, #tpu.memory_space<vmem>>)
    %dma_wait3A_129 = arith.constant 1 : i32
    %dma_wait3A_130 = arith.constant 1 : i32
    %dma_wait3A_131 = arith.constant 0 : i32
    %dma_wait3A_132 = tpu.memref_slice %arg14[%dma_wait3A_130, %dma_wait3A_131] : memref<2x80xi32, #tpu.memory_space<vmem>> -> memref<1x80xi32, #tpu.memory_space<vmem>>
    %dma_wait3A_133 = tpu.memref_squeeze %dma_wait3A_132 : memref<1x80xi32, #tpu.memory_space<vmem>> -> memref<80xi32, #tpu.memory_space<vmem>>
    %dma_wait3A_134 = arith.constant 0 : i32
    %dma_wait3A_135 = tpu.memref_slice %arg3[%dma_wait3A_129, %dma_wait3A_134] : memref<2x320000xi32, #tpu.memory_space<hbm>> -> memref<1x80xi32, #tpu.memory_space<hbm>>
    %dma_wait3A_136 = tpu.memref_squeeze %dma_wait3A_135 : memref<1x80xi32, #tpu.memory_space<hbm>> -> memref<80xi32, #tpu.memory_space<hbm>>
    %dma_wait3A_137 = arith.constant 0 : i32
    %dma_wait3A_138 = tpu.memref_slice %arg14[%dma_wait3A_130, %dma_wait3A_137] : memref<2x80xi32, #tpu.memory_space<vmem>> -> memref<1x80xi32, #tpu.memory_space<vmem>>
    %dma_wait3A_139 = tpu.memref_squeeze %dma_wait3A_138 : memref<1x80xi32, #tpu.memory_space<vmem>> -> memref<80xi32, #tpu.memory_space<vmem>>
    %dma_wait3A_140 = arith.constant 0 : i32
    %dma_wait3A_141 = tpu.memref_slice %arg3[%dma_wait3A_129, %dma_wait3A_140] : memref<2x320000xi32, #tpu.memory_space<hbm>> -> memref<1x80xi32, #tpu.memory_space<hbm>>
    %dma_wait3A_142 = tpu.memref_squeeze %dma_wait3A_141 : memref<1x80xi32, #tpu.memory_space<hbm>> -> memref<80xi32, #tpu.memory_space<hbm>>
    tpu.wait_dma2 semaphore(%arg38 : memref<!tpu.dma_semaphore, #tpu.memory_space<semaphore_mem>>) src(%dma_wait3A_142 : memref<80xi32, #tpu.memory_space<hbm>>) dst(%dma_wait3A_139 : memref<80xi32, #tpu.memory_space<vmem>>)
    %dma_start3A_143 = arith.constant 0 : i32
    %dma_start3A_144 = arith.constant 0 : i32
    %dma_start3A_145 = tpu.memref_slice %arg14[%dma_start3A_143, %dma_start3A_144] : memref<2x80xi32, #tpu.memory_space<vmem>> -> memref<1x80xi32, #tpu.memory_space<vmem>>
    %dma_start3A_146 = tpu.memref_squeeze %dma_start3A_145 : memref<1x80xi32, #tpu.memory_space<vmem>> -> memref<80xi32, #tpu.memory_space<vmem>>
    %dma_start3A_147 = arith.constant 0 : i32
    %dma_start3A_148 = arith.constant 0 : i32
    %dma_start3A_149 = tpu.memref_slice %arg25[%dma_start3A_147, %dma_start3A_148] : memref<10000x64xf32, #tpu.memory_space<vmem_shared>> -> memref<10000x64xf32, #tpu.memory_space<vmem_shared>>
    tpu.enqueue_indirect_dma source(%dma_start3A_149 : memref<10000x64xf32, #tpu.memory_space<vmem_shared>>) target(%arg9 : memref<80x64xf32, #tpu.memory_space<vmem>>) offsets(%dma_start3A_146 : memref<80xi32, #tpu.memory_space<vmem>>) semaphore(%arg28 : memref<!tpu.dma_semaphore, #tpu.memory_space<semaphore_mem>>)
    %dma_wait3A_150 = arith.constant 0 : i32
    %dma_wait3A_151 = arith.constant 0 : i32
    %dma_wait3A_152 = arith.constant 0 : i32
    %dma_wait3A_153 = tpu.memref_slice %arg15[%dma_wait3A_151, %dma_wait3A_152] : memref<2x80xi32, #tpu.memory_space<vmem>> -> memref<1x80xi32, #tpu.memory_space<vmem>>
    %dma_wait3A_154 = tpu.memref_squeeze %dma_wait3A_153 : memref<1x80xi32, #tpu.memory_space<vmem>> -> memref<80xi32, #tpu.memory_space<vmem>>
    %dma_wait3A_155 = arith.constant 0 : i32
    %dma_wait3A_156 = tpu.memref_slice %arg3[%dma_wait3A_150, %dma_wait3A_155] : memref<2x320000xi32, #tpu.memory_space<hbm>> -> memref<1x80xi32, #tpu.memory_space<hbm>>
    %dma_wait3A_157 = tpu.memref_squeeze %dma_wait3A_156 : memref<1x80xi32, #tpu.memory_space<hbm>> -> memref<80xi32, #tpu.memory_space<hbm>>
    %dma_wait3A_158 = arith.constant 0 : i32
    %dma_wait3A_159 = tpu.memref_slice %arg15[%dma_wait3A_151, %dma_wait3A_158] : memref<2x80xi32, #tpu.memory_space<vmem>> -> memref<1x80xi32, #tpu.memory_space<vmem>>
    %dma_wait3A_160 = tpu.memref_squeeze %dma_wait3A_159 : memref<1x80xi32, #tpu.memory_space<vmem>> -> memref<80xi32, #tpu.memory_space<vmem>>
    %dma_wait3A_161 = arith.constant 0 : i32
    %dma_wait3A_162 = tpu.memref_slice %arg3[%dma_wait3A_150, %dma_wait3A_161] : memref<2x320000xi32, #tpu.memory_space<hbm>> -> memref<1x80xi32, #tpu.memory_space<hbm>>
    %dma_wait3A_163 = tpu.memref_squeeze %dma_wait3A_162 : memref<1x80xi32, #tpu.memory_space<hbm>> -> memref<80xi32, #tpu.memory_space<hbm>>
    tpu.wait_dma2 semaphore(%arg39 : memref<!tpu.dma_semaphore, #tpu.memory_space<semaphore_mem>>) src(%dma_wait3A_163 : memref<80xi32, #tpu.memory_space<hbm>>) dst(%dma_wait3A_160 : memref<80xi32, #tpu.memory_space<vmem>>)
    %dma_wait3A_164 = arith.constant 1 : i32
    %dma_wait3A_165 = arith.constant 1 : i32
    %dma_wait3A_166 = arith.constant 0 : i32
    %dma_wait3A_167 = tpu.memref_slice %arg15[%dma_wait3A_165, %dma_wait3A_166] : memref<2x80xi32, #tpu.memory_space<vmem>> -> memref<1x80xi32, #tpu.memory_space<vmem>>
    %dma_wait3A_168 = tpu.memref_squeeze %dma_wait3A_167 : memref<1x80xi32, #tpu.memory_space<vmem>> -> memref<80xi32, #tpu.memory_space<vmem>>
    %dma_wait3A_169 = arith.constant 0 : i32
    %dma_wait3A_170 = tpu.memref_slice %arg3[%dma_wait3A_164, %dma_wait3A_169] : memref<2x320000xi32, #tpu.memory_space<hbm>> -> memref<1x80xi32, #tpu.memory_space<hbm>>
    %dma_wait3A_171 = tpu.memref_squeeze %dma_wait3A_170 : memref<1x80xi32, #tpu.memory_space<hbm>> -> memref<80xi32, #tpu.memory_space<hbm>>
    %dma_wait3A_172 = arith.constant 0 : i32
    %dma_wait3A_173 = tpu.memref_slice %arg15[%dma_wait3A_165, %dma_wait3A_172] : memref<2x80xi32, #tpu.memory_space<vmem>> -> memref<1x80xi32, #tpu.memory_space<vmem>>
    %dma_wait3A_174 = tpu.memref_squeeze %dma_wait3A_173 : memref<1x80xi32, #tpu.memory_space<vmem>> -> memref<80xi32, #tpu.memory_space<vmem>>
    %dma_wait3A_175 = arith.constant 0 : i32
    %dma_wait3A_176 = tpu.memref_slice %arg3[%dma_wait3A_164, %dma_wait3A_175] : memref<2x320000xi32, #tpu.memory_space<hbm>> -> memref<1x80xi32, #tpu.memory_space<hbm>>
    %dma_wait3A_177 = tpu.memref_squeeze %dma_wait3A_176 : memref<1x80xi32, #tpu.memory_space<hbm>> -> memref<80xi32, #tpu.memory_space<hbm>>
    tpu.wait_dma2 semaphore(%arg39 : memref<!tpu.dma_semaphore, #tpu.memory_space<semaphore_mem>>) src(%dma_wait3A_177 : memref<80xi32, #tpu.memory_space<hbm>>) dst(%dma_wait3A_174 : memref<80xi32, #tpu.memory_space<vmem>>)
    %dma_start3A_178 = arith.constant 0 : i32
    %dma_start3A_179 = arith.constant 0 : i32
    %dma_start3A_180 = tpu.memref_slice %arg15[%dma_start3A_178, %dma_start3A_179] : memref<2x80xi32, #tpu.memory_space<vmem>> -> memref<1x80xi32, #tpu.memory_space<vmem>>
    %dma_start3A_181 = tpu.memref_squeeze %dma_start3A_180 : memref<1x80xi32, #tpu.memory_space<vmem>> -> memref<80xi32, #tpu.memory_space<vmem>>
    %dma_start3A_182 = arith.constant 0 : i32
    %dma_start3A_183 = arith.constant 0 : i32
    %dma_start3A_184 = tpu.memref_slice %arg25[%dma_start3A_182, %dma_start3A_183] : memref<10000x64xf32, #tpu.memory_space<vmem_shared>> -> memref<10000x64xf32, #tpu.memory_space<vmem_shared>>
    tpu.enqueue_indirect_dma source(%dma_start3A_184 : memref<10000x64xf32, #tpu.memory_space<vmem_shared>>) target(%arg10 : memref<80x64xf32, #tpu.memory_space<vmem>>) offsets(%dma_start3A_181 : memref<80xi32, #tpu.memory_space<vmem>>) semaphore(%arg29 : memref<!tpu.dma_semaphore, #tpu.memory_space<semaphore_mem>>)
    %scan3A = arith.constant 0 : i32
    %scan3A_185 = arith.constant 25 : i32
    %scan3A_186 = arith.addi %scan3A, %scan3A_185 : i32
    %scan3A_187 = arith.constant 1 : i32
    scf.for %scan3A_226 = %scan3A to %scan3A_186 step %scan3A_187  : i32 {
      %mul3A_227 = arith.constant 1 : i32
      %mul3A_228 = arith.muli %scan3A_226, %mul3A_227 : i32
      %add3A_229 = arith.constant 0 : i32
      %add3A_230 = arith.addi %add3A_229, %mul3A_228 : i32
      %mul3A_231 = arith.constant 10 : i32
      %mul3A_232 = arith.muli %add3A_230, %mul3A_231 : i32
      %add3A_233 = arith.constant 0 : i32
      %add3A_234 = arith.addi %mul3A_232, %add3A_233 : i32
      %add3A_235 = arith.constant 2 : i32
      %add3A_236 = arith.addi %add3A_234, %add3A_235 : i32
      %add3A_237 = arith.constant 4 : i32
      %add3A_238 = arith.addi %add3A_234, %add3A_237 : i32
      %lt3A = arith.constant 250 : i32
      %lt3A_239 = arith.cmpi slt, %add3A_238, %lt3A : i32
      %convert_element_type3A_240 = arith.extui %lt3A_239 : i1 to i32
      %cond3A_241 = arith.constant 0 : i32
      %cond3A_242 = arith.cmpi ne, %convert_element_type3A_240, %cond3A_241 : i32
      scf.if %cond3A_242 {
        %mul3A_678 = arith.constant 80 : i32
        %mul3A_679 = arith.muli %add3A_238, %mul3A_678 : i32
        %add3A_680 = arith.addi %mul3A_13, %mul3A_679 : i32
        %dma_start3A_681 = arith.constant 0 : i32
        %dma_start3A_682 = arith.constant 0 : i32
        %dma_start3A_683 = arith.constant 0 : i32
        %dma_start3A_684 = tpu.memref_slice %arg18[%dma_start3A_682, %dma_start3A_683] : memref<2x80xi32, #tpu.memory_space<vmem>> -> memref<1x80xi32, #tpu.memory_space<vmem>>
        %dma_start3A_685 = tpu.memref_squeeze %dma_start3A_684 : memref<1x80xi32, #tpu.memory_space<vmem>> -> memref<80xi32, #tpu.memory_space<vmem>>
        %dma_start3A_686 = tpu.memref_slice %arg3[%dma_start3A_681, %add3A_680] : memref<2x320000xi32, #tpu.memory_space<hbm>> -> memref<1x80xi32, #tpu.memory_space<hbm>>
        %dma_start3A_687 = tpu.memref_squeeze %dma_start3A_686 : memref<1x80xi32, #tpu.memory_space<hbm>> -> memref<80xi32, #tpu.memory_space<hbm>>
        %dma_start3A_688 = arith.constant 0 : i32
        %dma_start3A_689 = tpu.memref_slice %arg18[%dma_start3A_682, %dma_start3A_688] : memref<2x80xi32, #tpu.memory_space<vmem>> -> memref<1x80xi32, #tpu.memory_space<vmem>>
        %dma_start3A_690 = tpu.memref_squeeze %dma_start3A_689 : memref<1x80xi32, #tpu.memory_space<vmem>> -> memref<80xi32, #tpu.memory_space<vmem>>
        %dma_start3A_691 = tpu.memref_slice %arg3[%dma_start3A_681, %add3A_680] : memref<2x320000xi32, #tpu.memory_space<hbm>> -> memref<1x80xi32, #tpu.memory_space<hbm>>
        %dma_start3A_692 = tpu.memref_squeeze %dma_start3A_691 : memref<1x80xi32, #tpu.memory_space<hbm>> -> memref<80xi32, #tpu.memory_space<hbm>>
        tpu.enqueue_dma source(%dma_start3A_692 : memref<80xi32, #tpu.memory_space<hbm>>) target(%dma_start3A_690 : memref<80xi32, #tpu.memory_space<vmem>>) target_semaphore(%arg42 : memref<!tpu.dma_semaphore, #tpu.memory_space<semaphore_mem>>)
        %dma_start3A_693 = arith.constant 1 : i32
        %dma_start3A_694 = arith.constant 1 : i32
        %dma_start3A_695 = arith.constant 0 : i32
        %dma_start3A_696 = tpu.memref_slice %arg18[%dma_start3A_694, %dma_start3A_695] : memref<2x80xi32, #tpu.memory_space<vmem>> -> memref<1x80xi32, #tpu.memory_space<vmem>>
        %dma_start3A_697 = tpu.memref_squeeze %dma_start3A_696 : memref<1x80xi32, #tpu.memory_space<vmem>> -> memref<80xi32, #tpu.memory_space<vmem>>
        %dma_start3A_698 = tpu.memref_slice %arg3[%dma_start3A_693, %add3A_680] : memref<2x320000xi32, #tpu.memory_space<hbm>> -> memref<1x80xi32, #tpu.memory_space<hbm>>
        %dma_start3A_699 = tpu.memref_squeeze %dma_start3A_698 : memref<1x80xi32, #tpu.memory_space<hbm>> -> memref<80xi32, #tpu.memory_space<hbm>>
        %dma_start3A_700 = arith.constant 0 : i32
        %dma_start3A_701 = tpu.memref_slice %arg18[%dma_start3A_694, %dma_start3A_700] : memref<2x80xi32, #tpu.memory_space<vmem>> -> memref<1x80xi32, #tpu.memory_space<vmem>>
        %dma_start3A_702 = tpu.memref_squeeze %dma_start3A_701 : memref<1x80xi32, #tpu.memory_space<vmem>> -> memref<80xi32, #tpu.memory_space<vmem>>
        %dma_start3A_703 = tpu.memref_slice %arg3[%dma_start3A_693, %add3A_680] : memref<2x320000xi32, #tpu.memory_space<hbm>> -> memref<1x80xi32, #tpu.memory_space<hbm>>
        %dma_start3A_704 = tpu.memref_squeeze %dma_start3A_703 : memref<1x80xi32, #tpu.memory_space<hbm>> -> memref<80xi32, #tpu.memory_space<hbm>>
        tpu.enqueue_dma source(%dma_start3A_704 : memref<80xi32, #tpu.memory_space<hbm>>) target(%dma_start3A_702 : memref<80xi32, #tpu.memory_space<vmem>>) target_semaphore(%arg42 : memref<!tpu.dma_semaphore, #tpu.memory_space<semaphore_mem>>)
      } else {
      }
      %ge3A = arith.constant 5 : i32
      %ge3A_243 = arith.cmpi sge, %add3A_236, %ge3A : i32
      %convert_element_type3A_244 = arith.extui %ge3A_243 : i1 to i32
      %cond3A_245 = arith.constant 0 : i32
      %cond3A_246 = arith.cmpi ne, %convert_element_type3A_244, %cond3A_245 : i32
      scf.if %cond3A_246 {
        %dma_wait3A_678 = arith.constant 1 : i32
        %dma_wait3A_679 = arith.constant 0 : i32
        %dma_wait3A_680 = tpu.memref_slice %arg14[%dma_wait3A_678, %dma_wait3A_679] : memref<2x80xi32, #tpu.memory_space<vmem>> -> memref<1x80xi32, #tpu.memory_space<vmem>>
        %dma_wait3A_681 = tpu.memref_squeeze %dma_wait3A_680 : memref<1x80xi32, #tpu.memory_space<vmem>> -> memref<80xi32, #tpu.memory_space<vmem>>
        %dma_wait3A_682 = arith.constant 0 : i32
        %dma_wait3A_683 = arith.constant 0 : i32
        %dma_wait3A_684 = tpu.memref_slice %arg26[%dma_wait3A_682, %dma_wait3A_683] : memref<10240x64xf32, #tpu.memory_space<vmem_shared>> -> memref<10240x64xf32, #tpu.memory_space<vmem_shared>>
        tpu.wait_indirect_dma semaphore(%arg35 : memref<!tpu.dma_semaphore, #tpu.memory_space<semaphore_mem>>) src(%arg11 : memref<80x64xf32, #tpu.memory_space<vmem>>) dst(%dma_wait3A_684 : memref<10240x64xf32, #tpu.memory_space<vmem_shared>>)
      } else {
      }
      %lt3A_247 = arith.constant 250 : i32
      %lt3A_248 = arith.cmpi slt, %add3A_236, %lt3A_247 : i32
      %convert_element_type3A_249 = arith.extui %lt3A_248 : i1 to i32
      %cond3A_250 = arith.constant 0 : i32
      %cond3A_251 = arith.cmpi ne, %convert_element_type3A_249, %cond3A_250 : i32
      scf.if %cond3A_251 {
        %dma_wait3A_678 = arith.constant 0 : i32
        %dma_wait3A_679 = arith.constant 0 : i32
        %dma_wait3A_680 = arith.constant 0 : i32
        %dma_wait3A_681 = tpu.memref_slice %arg16[%dma_wait3A_679, %dma_wait3A_680] : memref<2x80xi32, #tpu.memory_space<vmem>> -> memref<1x80xi32, #tpu.memory_space<vmem>>
        %dma_wait3A_682 = tpu.memref_squeeze %dma_wait3A_681 : memref<1x80xi32, #tpu.memory_space<vmem>> -> memref<80xi32, #tpu.memory_space<vmem>>
        %dma_wait3A_683 = arith.constant 0 : i32
        %dma_wait3A_684 = tpu.memref_slice %arg3[%dma_wait3A_678, %dma_wait3A_683] : memref<2x320000xi32, #tpu.memory_space<hbm>> -> memref<1x80xi32, #tpu.memory_space<hbm>>
        %dma_wait3A_685 = tpu.memref_squeeze %dma_wait3A_684 : memref<1x80xi32, #tpu.memory_space<hbm>> -> memref<80xi32, #tpu.memory_space<hbm>>
        %dma_wait3A_686 = arith.constant 0 : i32
        %dma_wait3A_687 = tpu.memref_slice %arg16[%dma_wait3A_679, %dma_wait3A_686] : memref<2x80xi32, #tpu.memory_space<vmem>> -> memref<1x80xi32, #tpu.memory_space<vmem>>
        %dma_wait3A_688 = tpu.memref_squeeze %dma_wait3A_687 : memref<1x80xi32, #tpu.memory_space<vmem>> -> memref<80xi32, #tpu.memory_space<vmem>>
        %dma_wait3A_689 = arith.constant 0 : i32
        %dma_wait3A_690 = tpu.memref_slice %arg3[%dma_wait3A_678, %dma_wait3A_689] : memref<2x320000xi32, #tpu.memory_space<hbm>> -> memref<1x80xi32, #tpu.memory_space<hbm>>
        %dma_wait3A_691 = tpu.memref_squeeze %dma_wait3A_690 : memref<1x80xi32, #tpu.memory_space<hbm>> -> memref<80xi32, #tpu.memory_space<hbm>>
        tpu.wait_dma2 semaphore(%arg40 : memref<!tpu.dma_semaphore, #tpu.memory_space<semaphore_mem>>) src(%dma_wait3A_691 : memref<80xi32, #tpu.memory_space<hbm>>) dst(%dma_wait3A_688 : memref<80xi32, #tpu.memory_space<vmem>>)
        %dma_wait3A_692 = arith.constant 1 : i32
        %dma_wait3A_693 = arith.constant 1 : i32
        %dma_wait3A_694 = arith.constant 0 : i32
        %dma_wait3A_695 = tpu.memref_slice %arg16[%dma_wait3A_693, %dma_wait3A_694] : memref<2x80xi32, #tpu.memory_space<vmem>> -> memref<1x80xi32, #tpu.memory_space<vmem>>
        %dma_wait3A_696 = tpu.memref_squeeze %dma_wait3A_695 : memref<1x80xi32, #tpu.memory_space<vmem>> -> memref<80xi32, #tpu.memory_space<vmem>>
        %dma_wait3A_697 = arith.constant 0 : i32
        %dma_wait3A_698 = tpu.memref_slice %arg3[%dma_wait3A_692, %dma_wait3A_697] : memref<2x320000xi32, #tpu.memory_space<hbm>> -> memref<1x80xi32, #tpu.memory_space<hbm>>
        %dma_wait3A_699 = tpu.memref_squeeze %dma_wait3A_698 : memref<1x80xi32, #tpu.memory_space<hbm>> -> memref<80xi32, #tpu.memory_space<hbm>>
        %dma_wait3A_700 = arith.constant 0 : i32
        %dma_wait3A_701 = tpu.memref_slice %arg16[%dma_wait3A_693, %dma_wait3A_700] : memref<2x80xi32, #tpu.memory_space<vmem>> -> memref<1x80xi32, #tpu.memory_space<vmem>>
        %dma_wait3A_702 = tpu.memref_squeeze %dma_wait3A_701 : memref<1x80xi32, #tpu.memory_space<vmem>> -> memref<80xi32, #tpu.memory_space<vmem>>
        %dma_wait3A_703 = arith.constant 0 : i32
        %dma_wait3A_704 = tpu.memref_slice %arg3[%dma_wait3A_692, %dma_wait3A_703] : memref<2x320000xi32, #tpu.memory_space<hbm>> -> memref<1x80xi32, #tpu.memory_space<hbm>>
        %dma_wait3A_705 = tpu.memref_squeeze %dma_wait3A_704 : memref<1x80xi32, #tpu.memory_space<hbm>> -> memref<80xi32, #tpu.memory_space<hbm>>
        tpu.wait_dma2 semaphore(%arg40 : memref<!tpu.dma_semaphore, #tpu.memory_space<semaphore_mem>>) src(%dma_wait3A_705 : memref<80xi32, #tpu.memory_space<hbm>>) dst(%dma_wait3A_702 : memref<80xi32, #tpu.memory_space<vmem>>)
        %dma_start3A_706 = arith.constant 0 : i32
        %dma_start3A_707 = arith.constant 0 : i32
        %dma_start3A_708 = tpu.memref_slice %arg16[%dma_start3A_706, %dma_start3A_707] : memref<2x80xi32, #tpu.memory_space<vmem>> -> memref<1x80xi32, #tpu.memory_space<vmem>>
        %dma_start3A_709 = tpu.memref_squeeze %dma_start3A_708 : memref<1x80xi32, #tpu.memory_space<vmem>> -> memref<80xi32, #tpu.memory_space<vmem>>
        %dma_start3A_710 = arith.constant 0 : i32
        %dma_start3A_711 = arith.constant 0 : i32
        %dma_start3A_712 = tpu.memref_slice %arg25[%dma_start3A_710, %dma_start3A_711] : memref<10000x64xf32, #tpu.memory_space<vmem_shared>> -> memref<10000x64xf32, #tpu.memory_space<vmem_shared>>
        tpu.enqueue_indirect_dma source(%dma_start3A_712 : memref<10000x64xf32, #tpu.memory_space<vmem_shared>>) target(%arg11 : memref<80x64xf32, #tpu.memory_space<vmem>>) offsets(%dma_start3A_709 : memref<80xi32, #tpu.memory_space<vmem>>) semaphore(%arg30 : memref<!tpu.dma_semaphore, #tpu.memory_space<semaphore_mem>>)
      } else {
      }
      %dma_wait3A_252 = arith.constant 0 : i32
      %dma_wait3A_253 = arith.constant 0 : i32
      %dma_wait3A_254 = tpu.memref_slice %arg14[%dma_wait3A_252, %dma_wait3A_253] : memref<2x80xi32, #tpu.memory_space<vmem>> -> memref<1x80xi32, #tpu.memory_space<vmem>>
      %dma_wait3A_255 = tpu.memref_squeeze %dma_wait3A_254 : memref<1x80xi32, #tpu.memory_space<vmem>> -> memref<80xi32, #tpu.memory_space<vmem>>
      %dma_wait3A_256 = arith.constant 0 : i32
      %dma_wait3A_257 = arith.constant 0 : i32
      %dma_wait3A_258 = tpu.memref_slice %arg25[%dma_wait3A_256, %dma_wait3A_257] : memref<10000x64xf32, #tpu.memory_space<vmem_shared>> -> memref<10000x64xf32, #tpu.memory_space<vmem_shared>>
      tpu.wait_indirect_dma semaphore(%arg28 : memref<!tpu.dma_semaphore, #tpu.memory_space<semaphore_mem>>) src(%dma_wait3A_258 : memref<10000x64xf32, #tpu.memory_space<vmem_shared>>) dst(%arg9 : memref<80x64xf32, #tpu.memory_space<vmem>>)
      %dma_start3A_259 = arith.constant 1 : i32
      %dma_start3A_260 = arith.constant 0 : i32
      %dma_start3A_261 = tpu.memref_slice %arg14[%dma_start3A_259, %dma_start3A_260] : memref<2x80xi32, #tpu.memory_space<vmem>> -> memref<1x80xi32, #tpu.memory_space<vmem>>
      %dma_start3A_262 = tpu.memref_squeeze %dma_start3A_261 : memref<1x80xi32, #tpu.memory_space<vmem>> -> memref<80xi32, #tpu.memory_space<vmem>>
      %dma_start3A_263 = arith.constant 0 : i32
      %dma_start3A_264 = arith.constant 0 : i32
      %dma_start3A_265 = tpu.memref_slice %arg26[%dma_start3A_263, %dma_start3A_264] : memref<10240x64xf32, #tpu.memory_space<vmem_shared>> -> memref<10240x64xf32, #tpu.memory_space<vmem_shared>>
      tpu.enqueue_indirect_dma source(%arg9 : memref<80x64xf32, #tpu.memory_space<vmem>>) target(%dma_start3A_265 : memref<10240x64xf32, #tpu.memory_space<vmem_shared>>) offsets(%dma_start3A_262 : memref<80xi32, #tpu.memory_space<vmem>>) semaphore(%arg33 : memref<!tpu.dma_semaphore, #tpu.memory_space<semaphore_mem>>) {add = true}
      %ge3A_266 = arith.cmpi sge, %add3A_234, %mul3A_4 : i32
      %add3A_267 = arith.constant 125 : i32
      %add3A_268 = arith.addi %mul3A_4, %add3A_267 : i32
      %lt3A_269 = arith.cmpi slt, %add3A_234, %add3A_268 : i32
      %and3A = arith.andi %ge3A_266, %lt3A_269 : i1
      %convert_element_type3A_270 = arith.extui %and3A : i1 to i32
      %cond3A_271 = arith.constant 0 : i32
      %cond3A_272 = arith.cmpi ne, %convert_element_type3A_270, %cond3A_271 : i32
      scf.if %cond3A_272 {
        %add3A_678 = arith.constant 3 : i32
        %add3A_679 = arith.addi %mul3A_4, %add3A_678 : i32
        %ge3A_680 = arith.cmpi sge, %add3A_234, %add3A_679 : i32
        %convert_element_type3A_681 = arith.extui %ge3A_680 : i1 to i32
        %cond3A_682 = arith.constant 0 : i32
        %cond3A_683 = arith.cmpi ne, %convert_element_type3A_681, %cond3A_682 : i32
        scf.if %cond3A_683 {
          %dma_wait3A_691 = arith.constant 1 : i32
          %dma_wait3A_692 = arith.constant 0 : i32
          %dma_wait3A_693 = tpu.memref_slice %arg14[%dma_wait3A_691, %dma_wait3A_692] : memref<2x80xi32, #tpu.memory_space<vmem>> -> memref<1x80xi32, #tpu.memory_space<vmem>>
          %dma_wait3A_694 = tpu.memref_squeeze %dma_wait3A_693 : memref<1x80xi32, #tpu.memory_space<vmem>> -> memref<80xi32, #tpu.memory_space<vmem>>
          %dma_wait3A_695 = arith.constant 0 : i32
          %dma_wait3A_696 = arith.constant 0 : i32
          %dma_wait3A_697 = tpu.memref_slice %arg27[%dma_wait3A_695, %dma_wait3A_696] : memref<10240x16xf32, #tpu.memory_space<vmem_shared>> -> memref<10240x16xf32, #tpu.memory_space<vmem_shared>>
          tpu.wait_indirect_dma semaphore(%arg48 : memref<!tpu.dma_semaphore, #tpu.memory_space<semaphore_mem>>) src(%arg24 : memref<80x16xf32, #tpu.memory_space<vmem>>) dst(%dma_wait3A_697 : memref<10240x16xf32, #tpu.memory_space<vmem_shared>>)
        } else {
        }
        %dma_start3A_684 = arith.constant 1 : i32
        %dma_start3A_685 = arith.constant 0 : i32
        %dma_start3A_686 = tpu.memref_slice %arg14[%dma_start3A_684, %dma_start3A_685] : memref<2x80xi32, #tpu.memory_space<vmem>> -> memref<1x80xi32, #tpu.memory_space<vmem>>
        %dma_start3A_687 = tpu.memref_squeeze %dma_start3A_686 : memref<1x80xi32, #tpu.memory_space<vmem>> -> memref<80xi32, #tpu.memory_space<vmem>>
        %dma_start3A_688 = arith.constant 0 : i32
        %dma_start3A_689 = arith.constant 0 : i32
        %dma_start3A_690 = tpu.memref_slice %arg27[%dma_start3A_688, %dma_start3A_689] : memref<10240x16xf32, #tpu.memory_space<vmem_shared>> -> memref<10240x16xf32, #tpu.memory_space<vmem_shared>>
        tpu.enqueue_indirect_dma source(%arg24 : memref<80x16xf32, #tpu.memory_space<vmem>>) target(%dma_start3A_690 : memref<10240x16xf32, #tpu.memory_space<vmem_shared>>) offsets(%dma_start3A_687 : memref<80xi32, #tpu.memory_space<vmem>>) semaphore(%arg48 : memref<!tpu.dma_semaphore, #tpu.memory_space<semaphore_mem>>) {add = true}
      } else {
      }
      %mul3A_273 = arith.constant 10 : i32
      %mul3A_274 = arith.muli %add3A_230, %mul3A_273 : i32
      %add3A_275 = arith.constant 1 : i32
      %add3A_276 = arith.addi %mul3A_274, %add3A_275 : i32
      %add3A_277 = arith.constant 2 : i32
      %add3A_278 = arith.addi %add3A_276, %add3A_277 : i32
      %add3A_279 = arith.constant 4 : i32
      %add3A_280 = arith.addi %add3A_276, %add3A_279 : i32
      %lt3A_281 = arith.constant 250 : i32
      %lt3A_282 = arith.cmpi slt, %add3A_280, %lt3A_281 : i32
      %convert_element_type3A_283 = arith.extui %lt3A_282 : i1 to i32
      %cond3A_284 = arith.constant 0 : i32
      %cond3A_285 = arith.cmpi ne, %convert_element_type3A_283, %cond3A_284 : i32
      scf.if %cond3A_285 {
        %mul3A_678 = arith.constant 80 : i32
        %mul3A_679 = arith.muli %add3A_280, %mul3A_678 : i32
        %add3A_680 = arith.addi %mul3A_13, %mul3A_679 : i32
        %dma_start3A_681 = arith.constant 0 : i32
        %dma_start3A_682 = arith.constant 0 : i32
        %dma_start3A_683 = arith.constant 0 : i32
        %dma_start3A_684 = tpu.memref_slice %arg19[%dma_start3A_682, %dma_start3A_683] : memref<2x80xi32, #tpu.memory_space<vmem>> -> memref<1x80xi32, #tpu.memory_space<vmem>>
        %dma_start3A_685 = tpu.memref_squeeze %dma_start3A_684 : memref<1x80xi32, #tpu.memory_space<vmem>> -> memref<80xi32, #tpu.memory_space<vmem>>
        %dma_start3A_686 = tpu.memref_slice %arg3[%dma_start3A_681, %add3A_680] : memref<2x320000xi32, #tpu.memory_space<hbm>> -> memref<1x80xi32, #tpu.memory_space<hbm>>
        %dma_start3A_687 = tpu.memref_squeeze %dma_start3A_686 : memref<1x80xi32, #tpu.memory_space<hbm>> -> memref<80xi32, #tpu.memory_space<hbm>>
        %dma_start3A_688 = arith.constant 0 : i32
        %dma_start3A_689 = tpu.memref_slice %arg19[%dma_start3A_682, %dma_start3A_688] : memref<2x80xi32, #tpu.memory_space<vmem>> -> memref<1x80xi32, #tpu.memory_space<vmem>>
        %dma_start3A_690 = tpu.memref_squeeze %dma_start3A_689 : memref<1x80xi32, #tpu.memory_space<vmem>> -> memref<80xi32, #tpu.memory_space<vmem>>
        %dma_start3A_691 = tpu.memref_slice %arg3[%dma_start3A_681, %add3A_680] : memref<2x320000xi32, #tpu.memory_space<hbm>> -> memref<1x80xi32, #tpu.memory_space<hbm>>
        %dma_start3A_692 = tpu.memref_squeeze %dma_start3A_691 : memref<1x80xi32, #tpu.memory_space<hbm>> -> memref<80xi32, #tpu.memory_space<hbm>>
        tpu.enqueue_dma source(%dma_start3A_692 : memref<80xi32, #tpu.memory_space<hbm>>) target(%dma_start3A_690 : memref<80xi32, #tpu.memory_space<vmem>>) target_semaphore(%arg43 : memref<!tpu.dma_semaphore, #tpu.memory_space<semaphore_mem>>)
        %dma_start3A_693 = arith.constant 1 : i32
        %dma_start3A_694 = arith.constant 1 : i32
        %dma_start3A_695 = arith.constant 0 : i32
        %dma_start3A_696 = tpu.memref_slice %arg19[%dma_start3A_694, %dma_start3A_695] : memref<2x80xi32, #tpu.memory_space<vmem>> -> memref<1x80xi32, #tpu.memory_space<vmem>>
        %dma_start3A_697 = tpu.memref_squeeze %dma_start3A_696 : memref<1x80xi32, #tpu.memory_space<vmem>> -> memref<80xi32, #tpu.memory_space<vmem>>
        %dma_start3A_698 = tpu.memref_slice %arg3[%dma_start3A_693, %add3A_680] : memref<2x320000xi32, #tpu.memory_space<hbm>> -> memref<1x80xi32, #tpu.memory_space<hbm>>
        %dma_start3A_699 = tpu.memref_squeeze %dma_start3A_698 : memref<1x80xi32, #tpu.memory_space<hbm>> -> memref<80xi32, #tpu.memory_space<hbm>>
        %dma_start3A_700 = arith.constant 0 : i32
        %dma_start3A_701 = tpu.memref_slice %arg19[%dma_start3A_694, %dma_start3A_700] : memref<2x80xi32, #tpu.memory_space<vmem>> -> memref<1x80xi32, #tpu.memory_space<vmem>>
        %dma_start3A_702 = tpu.memref_squeeze %dma_start3A_701 : memref<1x80xi32, #tpu.memory_space<vmem>> -> memref<80xi32, #tpu.memory_space<vmem>>
        %dma_start3A_703 = tpu.memref_slice %arg3[%dma_start3A_693, %add3A_680] : memref<2x320000xi32, #tpu.memory_space<hbm>> -> memref<1x80xi32, #tpu.memory_space<hbm>>
        %dma_start3A_704 = tpu.memref_squeeze %dma_start3A_703 : memref<1x80xi32, #tpu.memory_space<hbm>> -> memref<80xi32, #tpu.memory_space<hbm>>
        tpu.enqueue_dma source(%dma_start3A_704 : memref<80xi32, #tpu.memory_space<hbm>>) target(%dma_start3A_702 : memref<80xi32, #tpu.memory_space<vmem>>) target_semaphore(%arg43 : memref<!tpu.dma_semaphore, #tpu.memory_space<semaphore_mem>>)
      } else {
      }
      %ge3A_286 = arith.constant 5 : i32
      %ge3A_287 = arith.cmpi sge, %add3A_278, %ge3A_286 : i32
      %convert_element_type3A_288 = arith.extui %ge3A_287 : i1 to i32
      %cond3A_289 = arith.constant 0 : i32
      %cond3A_290 = arith.cmpi ne, %convert_element_type3A_288, %cond3A_289 : i32
      scf.if %cond3A_290 {
        %dma_wait3A_678 = arith.constant 1 : i32
        %dma_wait3A_679 = arith.constant 0 : i32
        %dma_wait3A_680 = tpu.memref_slice %arg14[%dma_wait3A_678, %dma_wait3A_679] : memref<2x80xi32, #tpu.memory_space<vmem>> -> memref<1x80xi32, #tpu.memory_space<vmem>>
        %dma_wait3A_681 = tpu.memref_squeeze %dma_wait3A_680 : memref<1x80xi32, #tpu.memory_space<vmem>> -> memref<80xi32, #tpu.memory_space<vmem>>
        %dma_wait3A_682 = arith.constant 0 : i32
        %dma_wait3A_683 = arith.constant 0 : i32
        %dma_wait3A_684 = tpu.memref_slice %arg26[%dma_wait3A_682, %dma_wait3A_683] : memref<10240x64xf32, #tpu.memory_space<vmem_shared>> -> memref<10240x64xf32, #tpu.memory_space<vmem_shared>>
        tpu.wait_indirect_dma semaphore(%arg36 : memref<!tpu.dma_semaphore, #tpu.memory_space<semaphore_mem>>) src(%arg12 : memref<80x64xf32, #tpu.memory_space<vmem>>) dst(%dma_wait3A_684 : memref<10240x64xf32, #tpu.memory_space<vmem_shared>>)
      } else {
      }
      %lt3A_291 = arith.constant 250 : i32
      %lt3A_292 = arith.cmpi slt, %add3A_278, %lt3A_291 : i32
      %convert_element_type3A_293 = arith.extui %lt3A_292 : i1 to i32
      %cond3A_294 = arith.constant 0 : i32
      %cond3A_295 = arith.cmpi ne, %convert_element_type3A_293, %cond3A_294 : i32
      scf.if %cond3A_295 {
        %dma_wait3A_678 = arith.constant 0 : i32
        %dma_wait3A_679 = arith.constant 0 : i32
        %dma_wait3A_680 = arith.constant 0 : i32
        %dma_wait3A_681 = tpu.memref_slice %arg17[%dma_wait3A_679, %dma_wait3A_680] : memref<2x80xi32, #tpu.memory_space<vmem>> -> memref<1x80xi32, #tpu.memory_space<vmem>>
        %dma_wait3A_682 = tpu.memref_squeeze %dma_wait3A_681 : memref<1x80xi32, #tpu.memory_space<vmem>> -> memref<80xi32, #tpu.memory_space<vmem>>
        %dma_wait3A_683 = arith.constant 0 : i32
        %dma_wait3A_684 = tpu.memref_slice %arg3[%dma_wait3A_678, %dma_wait3A_683] : memref<2x320000xi32, #tpu.memory_space<hbm>> -> memref<1x80xi32, #tpu.memory_space<hbm>>
        %dma_wait3A_685 = tpu.memref_squeeze %dma_wait3A_684 : memref<1x80xi32, #tpu.memory_space<hbm>> -> memref<80xi32, #tpu.memory_space<hbm>>
        %dma_wait3A_686 = arith.constant 0 : i32
        %dma_wait3A_687 = tpu.memref_slice %arg17[%dma_wait3A_679, %dma_wait3A_686] : memref<2x80xi32, #tpu.memory_space<vmem>> -> memref<1x80xi32, #tpu.memory_space<vmem>>
        %dma_wait3A_688 = tpu.memref_squeeze %dma_wait3A_687 : memref<1x80xi32, #tpu.memory_space<vmem>> -> memref<80xi32, #tpu.memory_space<vmem>>
        %dma_wait3A_689 = arith.constant 0 : i32
        %dma_wait3A_690 = tpu.memref_slice %arg3[%dma_wait3A_678, %dma_wait3A_689] : memref<2x320000xi32, #tpu.memory_space<hbm>> -> memref<1x80xi32, #tpu.memory_space<hbm>>
        %dma_wait3A_691 = tpu.memref_squeeze %dma_wait3A_690 : memref<1x80xi32, #tpu.memory_space<hbm>> -> memref<80xi32, #tpu.memory_space<hbm>>
        tpu.wait_dma2 semaphore(%arg41 : memref<!tpu.dma_semaphore, #tpu.memory_space<semaphore_mem>>) src(%dma_wait3A_691 : memref<80xi32, #tpu.memory_space<hbm>>) dst(%dma_wait3A_688 : memref<80xi32, #tpu.memory_space<vmem>>)
        %dma_wait3A_692 = arith.constant 1 : i32
        %dma_wait3A_693 = arith.constant 1 : i32
        %dma_wait3A_694 = arith.constant 0 : i32
        %dma_wait3A_695 = tpu.memref_slice %arg17[%dma_wait3A_693, %dma_wait3A_694] : memref<2x80xi32, #tpu.memory_space<vmem>> -> memref<1x80xi32, #tpu.memory_space<vmem>>
        %dma_wait3A_696 = tpu.memref_squeeze %dma_wait3A_695 : memref<1x80xi32, #tpu.memory_space<vmem>> -> memref<80xi32, #tpu.memory_space<vmem>>
        %dma_wait3A_697 = arith.constant 0 : i32
        %dma_wait3A_698 = tpu.memref_slice %arg3[%dma_wait3A_692, %dma_wait3A_697] : memref<2x320000xi32, #tpu.memory_space<hbm>> -> memref<1x80xi32, #tpu.memory_space<hbm>>
        %dma_wait3A_699 = tpu.memref_squeeze %dma_wait3A_698 : memref<1x80xi32, #tpu.memory_space<hbm>> -> memref<80xi32, #tpu.memory_space<hbm>>
        %dma_wait3A_700 = arith.constant 0 : i32
        %dma_wait3A_701 = tpu.memref_slice %arg17[%dma_wait3A_693, %dma_wait3A_700] : memref<2x80xi32, #tpu.memory_space<vmem>> -> memref<1x80xi32, #tpu.memory_space<vmem>>
        %dma_wait3A_702 = tpu.memref_squeeze %dma_wait3A_701 : memref<1x80xi32, #tpu.memory_space<vmem>> -> memref<80xi32, #tpu.memory_space<vmem>>
        %dma_wait3A_703 = arith.constant 0 : i32
        %dma_wait3A_704 = tpu.memref_slice %arg3[%dma_wait3A_692, %dma_wait3A_703] : memref<2x320000xi32, #tpu.memory_space<hbm>> -> memref<1x80xi32, #tpu.memory_space<hbm>>
        %dma_wait3A_705 = tpu.memref_squeeze %dma_wait3A_704 : memref<1x80xi32, #tpu.memory_space<hbm>> -> memref<80xi32, #tpu.memory_space<hbm>>
        tpu.wait_dma2 semaphore(%arg41 : memref<!tpu.dma_semaphore, #tpu.memory_space<semaphore_mem>>) src(%dma_wait3A_705 : memref<80xi32, #tpu.memory_space<hbm>>) dst(%dma_wait3A_702 : memref<80xi32, #tpu.memory_space<vmem>>)
        %dma_start3A_706 = arith.constant 0 : i32
        %dma_start3A_707 = arith.constant 0 : i32
        %dma_start3A_708 = tpu.memref_slice %arg17[%dma_start3A_706, %dma_start3A_707] : memref<2x80xi32, #tpu.memory_space<vmem>> -> memref<1x80xi32, #tpu.memory_space<vmem>>
        %dma_start3A_709 = tpu.memref_squeeze %dma_start3A_708 : memref<1x80xi32, #tpu.memory_space<vmem>> -> memref<80xi32, #tpu.memory_space<vmem>>
        %dma_start3A_710 = arith.constant 0 : i32
        %dma_start3A_711 = arith.constant 0 : i32
        %dma_start3A_712 = tpu.memref_slice %arg25[%dma_start3A_710, %dma_start3A_711] : memref<10000x64xf32, #tpu.memory_space<vmem_shared>> -> memref<10000x64xf32, #tpu.memory_space<vmem_shared>>
        tpu.enqueue_indirect_dma source(%dma_start3A_712 : memref<10000x64xf32, #tpu.memory_space<vmem_shared>>) target(%arg12 : memref<80x64xf32, #tpu.memory_space<vmem>>) offsets(%dma_start3A_709 : memref<80xi32, #tpu.memory_space<vmem>>) semaphore(%arg31 : memref<!tpu.dma_semaphore, #tpu.memory_space<semaphore_mem>>)
      } else {
      }
      %dma_wait3A_296 = arith.constant 0 : i32
      %dma_wait3A_297 = arith.constant 0 : i32
      %dma_wait3A_298 = tpu.memref_slice %arg14[%dma_wait3A_296, %dma_wait3A_297] : memref<2x80xi32, #tpu.memory_space<vmem>> -> memref<1x80xi32, #tpu.memory_space<vmem>>
      %dma_wait3A_299 = tpu.memref_squeeze %dma_wait3A_298 : memref<1x80xi32, #tpu.memory_space<vmem>> -> memref<80xi32, #tpu.memory_space<vmem>>
      %dma_wait3A_300 = arith.constant 0 : i32
      %dma_wait3A_301 = arith.constant 0 : i32
      %dma_wait3A_302 = tpu.memref_slice %arg25[%dma_wait3A_300, %dma_wait3A_301] : memref<10000x64xf32, #tpu.memory_space<vmem_shared>> -> memref<10000x64xf32, #tpu.memory_space<vmem_shared>>
      tpu.wait_indirect_dma semaphore(%arg29 : memref<!tpu.dma_semaphore, #tpu.memory_space<semaphore_mem>>) src(%dma_wait3A_302 : memref<10000x64xf32, #tpu.memory_space<vmem_shared>>) dst(%arg10 : memref<80x64xf32, #tpu.memory_space<vmem>>)
      %dma_start3A_303 = arith.constant 1 : i32
      %dma_start3A_304 = arith.constant 0 : i32
      %dma_start3A_305 = tpu.memref_slice %arg15[%dma_start3A_303, %dma_start3A_304] : memref<2x80xi32, #tpu.memory_space<vmem>> -> memref<1x80xi32, #tpu.memory_space<vmem>>
      %dma_start3A_306 = tpu.memref_squeeze %dma_start3A_305 : memref<1x80xi32, #tpu.memory_space<vmem>> -> memref<80xi32, #tpu.memory_space<vmem>>
      %dma_start3A_307 = arith.constant 0 : i32
      %dma_start3A_308 = arith.constant 0 : i32
      %dma_start3A_309 = tpu.memref_slice %arg26[%dma_start3A_307, %dma_start3A_308] : memref<10240x64xf32, #tpu.memory_space<vmem_shared>> -> memref<10240x64xf32, #tpu.memory_space<vmem_shared>>
      tpu.enqueue_indirect_dma source(%arg10 : memref<80x64xf32, #tpu.memory_space<vmem>>) target(%dma_start3A_309 : memref<10240x64xf32, #tpu.memory_space<vmem_shared>>) offsets(%dma_start3A_306 : memref<80xi32, #tpu.memory_space<vmem>>) semaphore(%arg34 : memref<!tpu.dma_semaphore, #tpu.memory_space<semaphore_mem>>) {add = true}
      %ge3A_310 = arith.cmpi sge, %add3A_276, %mul3A_4 : i32
      %add3A_311 = arith.constant 125 : i32
      %add3A_312 = arith.addi %mul3A_4, %add3A_311 : i32
      %lt3A_313 = arith.cmpi slt, %add3A_276, %add3A_312 : i32
      %and3A_314 = arith.andi %ge3A_310, %lt3A_313 : i1
      %convert_element_type3A_315 = arith.extui %and3A_314 : i1 to i32
      %cond3A_316 = arith.constant 0 : i32
      %cond3A_317 = arith.cmpi ne, %convert_element_type3A_315, %cond3A_316 : i32
      scf.if %cond3A_317 {
        %add3A_678 = arith.constant 3 : i32
        %add3A_679 = arith.addi %mul3A_4, %add3A_678 : i32
        %ge3A_680 = arith.cmpi sge, %add3A_276, %add3A_679 : i32
        %convert_element_type3A_681 = arith.extui %ge3A_680 : i1 to i32
        %cond3A_682 = arith.constant 0 : i32
        %cond3A_683 = arith.cmpi ne, %convert_element_type3A_681, %cond3A_682 : i32
        scf.if %cond3A_683 {
          %dma_wait3A_691 = arith.constant 1 : i32
          %dma_wait3A_692 = arith.constant 0 : i32
          %dma_wait3A_693 = tpu.memref_slice %arg14[%dma_wait3A_691, %dma_wait3A_692] : memref<2x80xi32, #tpu.memory_space<vmem>> -> memref<1x80xi32, #tpu.memory_space<vmem>>
          %dma_wait3A_694 = tpu.memref_squeeze %dma_wait3A_693 : memref<1x80xi32, #tpu.memory_space<vmem>> -> memref<80xi32, #tpu.memory_space<vmem>>
          %dma_wait3A_695 = arith.constant 0 : i32
          %dma_wait3A_696 = arith.constant 0 : i32
          %dma_wait3A_697 = tpu.memref_slice %arg27[%dma_wait3A_695, %dma_wait3A_696] : memref<10240x16xf32, #tpu.memory_space<vmem_shared>> -> memref<10240x16xf32, #tpu.memory_space<vmem_shared>>
          tpu.wait_indirect_dma semaphore(%arg48 : memref<!tpu.dma_semaphore, #tpu.memory_space<semaphore_mem>>) src(%arg24 : memref<80x16xf32, #tpu.memory_space<vmem>>) dst(%dma_wait3A_697 : memref<10240x16xf32, #tpu.memory_space<vmem_shared>>)
        } else {
        }
        %dma_start3A_684 = arith.constant 1 : i32
        %dma_start3A_685 = arith.constant 0 : i32
        %dma_start3A_686 = tpu.memref_slice %arg15[%dma_start3A_684, %dma_start3A_685] : memref<2x80xi32, #tpu.memory_space<vmem>> -> memref<1x80xi32, #tpu.memory_space<vmem>>
        %dma_start3A_687 = tpu.memref_squeeze %dma_start3A_686 : memref<1x80xi32, #tpu.memory_space<vmem>> -> memref<80xi32, #tpu.memory_space<vmem>>
        %dma_start3A_688 = arith.constant 0 : i32
        %dma_start3A_689 = arith.constant 0 : i32
        %dma_start3A_690 = tpu.memref_slice %arg27[%dma_start3A_688, %dma_start3A_689] : memref<10240x16xf32, #tpu.memory_space<vmem_shared>> -> memref<10240x16xf32, #tpu.memory_space<vmem_shared>>
        tpu.enqueue_indirect_dma source(%arg24 : memref<80x16xf32, #tpu.memory_space<vmem>>) target(%dma_start3A_690 : memref<10240x16xf32, #tpu.memory_space<vmem_shared>>) offsets(%dma_start3A_687 : memref<80xi32, #tpu.memory_space<vmem>>) semaphore(%arg48 : memref<!tpu.dma_semaphore, #tpu.memory_space<semaphore_mem>>) {add = true}
      } else {
      }
      %mul3A_318 = arith.constant 10 : i32
      %mul3A_319 = arith.muli %add3A_230, %mul3A_318 : i32
      %add3A_320 = arith.constant 2 : i32
      %add3A_321 = arith.addi %mul3A_319, %add3A_320 : i32
      %add3A_322 = arith.constant 2 : i32
      %add3A_323 = arith.addi %add3A_321, %add3A_322 : i32
      %add3A_324 = arith.constant 4 : i32
      %add3A_325 = arith.addi %add3A_321, %add3A_324 : i32
      %lt3A_326 = arith.constant 250 : i32
      %lt3A_327 = arith.cmpi slt, %add3A_325, %lt3A_326 : i32
      %convert_element_type3A_328 = arith.extui %lt3A_327 : i1 to i32
      %cond3A_329 = arith.constant 0 : i32
      %cond3A_330 = arith.cmpi ne, %convert_element_type3A_328, %cond3A_329 : i32
      scf.if %cond3A_330 {
        %mul3A_678 = arith.constant 80 : i32
        %mul3A_679 = arith.muli %add3A_325, %mul3A_678 : i32
        %add3A_680 = arith.addi %mul3A_13, %mul3A_679 : i32
        %dma_start3A_681 = arith.constant 0 : i32
        %dma_start3A_682 = arith.constant 0 : i32
        %dma_start3A_683 = arith.constant 0 : i32
        %dma_start3A_684 = tpu.memref_slice %arg20[%dma_start3A_682, %dma_start3A_683] : memref<2x80xi32, #tpu.memory_space<vmem>> -> memref<1x80xi32, #tpu.memory_space<vmem>>
        %dma_start3A_685 = tpu.memref_squeeze %dma_start3A_684 : memref<1x80xi32, #tpu.memory_space<vmem>> -> memref<80xi32, #tpu.memory_space<vmem>>
        %dma_start3A_686 = tpu.memref_slice %arg3[%dma_start3A_681, %add3A_680] : memref<2x320000xi32, #tpu.memory_space<hbm>> -> memref<1x80xi32, #tpu.memory_space<hbm>>
        %dma_start3A_687 = tpu.memref_squeeze %dma_start3A_686 : memref<1x80xi32, #tpu.memory_space<hbm>> -> memref<80xi32, #tpu.memory_space<hbm>>
        %dma_start3A_688 = arith.constant 0 : i32
        %dma_start3A_689 = tpu.memref_slice %arg20[%dma_start3A_682, %dma_start3A_688] : memref<2x80xi32, #tpu.memory_space<vmem>> -> memref<1x80xi32, #tpu.memory_space<vmem>>
        %dma_start3A_690 = tpu.memref_squeeze %dma_start3A_689 : memref<1x80xi32, #tpu.memory_space<vmem>> -> memref<80xi32, #tpu.memory_space<vmem>>
        %dma_start3A_691 = tpu.memref_slice %arg3[%dma_start3A_681, %add3A_680] : memref<2x320000xi32, #tpu.memory_space<hbm>> -> memref<1x80xi32, #tpu.memory_space<hbm>>
        %dma_start3A_692 = tpu.memref_squeeze %dma_start3A_691 : memref<1x80xi32, #tpu.memory_space<hbm>> -> memref<80xi32, #tpu.memory_space<hbm>>
        tpu.enqueue_dma source(%dma_start3A_692 : memref<80xi32, #tpu.memory_space<hbm>>) target(%dma_start3A_690 : memref<80xi32, #tpu.memory_space<vmem>>) target_semaphore(%arg44 : memref<!tpu.dma_semaphore, #tpu.memory_space<semaphore_mem>>)
        %dma_start3A_693 = arith.constant 1 : i32
        %dma_start3A_694 = arith.constant 1 : i32
        %dma_start3A_695 = arith.constant 0 : i32
        %dma_start3A_696 = tpu.memref_slice %arg20[%dma_start3A_694, %dma_start3A_695] : memref<2x80xi32, #tpu.memory_space<vmem>> -> memref<1x80xi32, #tpu.memory_space<vmem>>
        %dma_start3A_697 = tpu.memref_squeeze %dma_start3A_696 : memref<1x80xi32, #tpu.memory_space<vmem>> -> memref<80xi32, #tpu.memory_space<vmem>>
        %dma_start3A_698 = tpu.memref_slice %arg3[%dma_start3A_693, %add3A_680] : memref<2x320000xi32, #tpu.memory_space<hbm>> -> memref<1x80xi32, #tpu.memory_space<hbm>>
        %dma_start3A_699 = tpu.memref_squeeze %dma_start3A_698 : memref<1x80xi32, #tpu.memory_space<hbm>> -> memref<80xi32, #tpu.memory_space<hbm>>
        %dma_start3A_700 = arith.constant 0 : i32
        %dma_start3A_701 = tpu.memref_slice %arg20[%dma_start3A_694, %dma_start3A_700] : memref<2x80xi32, #tpu.memory_space<vmem>> -> memref<1x80xi32, #tpu.memory_space<vmem>>
        %dma_start3A_702 = tpu.memref_squeeze %dma_start3A_701 : memref<1x80xi32, #tpu.memory_space<vmem>> -> memref<80xi32, #tpu.memory_space<vmem>>
        %dma_start3A_703 = tpu.memref_slice %arg3[%dma_start3A_693, %add3A_680] : memref<2x320000xi32, #tpu.memory_space<hbm>> -> memref<1x80xi32, #tpu.memory_space<hbm>>
        %dma_start3A_704 = tpu.memref_squeeze %dma_start3A_703 : memref<1x80xi32, #tpu.memory_space<hbm>> -> memref<80xi32, #tpu.memory_space<hbm>>
        tpu.enqueue_dma source(%dma_start3A_704 : memref<80xi32, #tpu.memory_space<hbm>>) target(%dma_start3A_702 : memref<80xi32, #tpu.memory_space<vmem>>) target_semaphore(%arg44 : memref<!tpu.dma_semaphore, #tpu.memory_space<semaphore_mem>>)
      } else {
      }
      %ge3A_331 = arith.constant 5 : i32
      %ge3A_332 = arith.cmpi sge, %add3A_323, %ge3A_331 : i32
      %convert_element_type3A_333 = arith.extui %ge3A_332 : i1 to i32
      %cond3A_334 = arith.constant 0 : i32
      %cond3A_335 = arith.cmpi ne, %convert_element_type3A_333, %cond3A_334 : i32
      scf.if %cond3A_335 {
        %dma_wait3A_678 = arith.constant 1 : i32
        %dma_wait3A_679 = arith.constant 0 : i32
        %dma_wait3A_680 = tpu.memref_slice %arg14[%dma_wait3A_678, %dma_wait3A_679] : memref<2x80xi32, #tpu.memory_space<vmem>> -> memref<1x80xi32, #tpu.memory_space<vmem>>
        %dma_wait3A_681 = tpu.memref_squeeze %dma_wait3A_680 : memref<1x80xi32, #tpu.memory_space<vmem>> -> memref<80xi32, #tpu.memory_space<vmem>>
        %dma_wait3A_682 = arith.constant 0 : i32
        %dma_wait3A_683 = arith.constant 0 : i32
        %dma_wait3A_684 = tpu.memref_slice %arg26[%dma_wait3A_682, %dma_wait3A_683] : memref<10240x64xf32, #tpu.memory_space<vmem_shared>> -> memref<10240x64xf32, #tpu.memory_space<vmem_shared>>
        tpu.wait_indirect_dma semaphore(%arg37 : memref<!tpu.dma_semaphore, #tpu.memory_space<semaphore_mem>>) src(%arg13 : memref<80x64xf32, #tpu.memory_space<vmem>>) dst(%dma_wait3A_684 : memref<10240x64xf32, #tpu.memory_space<vmem_shared>>)
      } else {
      }
      %lt3A_336 = arith.constant 250 : i32
      %lt3A_337 = arith.cmpi slt, %add3A_323, %lt3A_336 : i32
      %convert_element_type3A_338 = arith.extui %lt3A_337 : i1 to i32
      %cond3A_339 = arith.constant 0 : i32
      %cond3A_340 = arith.cmpi ne, %convert_element_type3A_338, %cond3A_339 : i32
      scf.if %cond3A_340 {
        %dma_wait3A_678 = arith.constant 0 : i32
        %dma_wait3A_679 = arith.constant 0 : i32
        %dma_wait3A_680 = arith.constant 0 : i32
        %dma_wait3A_681 = tpu.memref_slice %arg18[%dma_wait3A_679, %dma_wait3A_680] : memref<2x80xi32, #tpu.memory_space<vmem>> -> memref<1x80xi32, #tpu.memory_space<vmem>>
        %dma_wait3A_682 = tpu.memref_squeeze %dma_wait3A_681 : memref<1x80xi32, #tpu.memory_space<vmem>> -> memref<80xi32, #tpu.memory_space<vmem>>
        %dma_wait3A_683 = arith.constant 0 : i32
        %dma_wait3A_684 = tpu.memref_slice %arg3[%dma_wait3A_678, %dma_wait3A_683] : memref<2x320000xi32, #tpu.memory_space<hbm>> -> memref<1x80xi32, #tpu.memory_space<hbm>>
        %dma_wait3A_685 = tpu.memref_squeeze %dma_wait3A_684 : memref<1x80xi32, #tpu.memory_space<hbm>> -> memref<80xi32, #tpu.memory_space<hbm>>
        %dma_wait3A_686 = arith.constant 0 : i32
        %dma_wait3A_687 = tpu.memref_slice %arg18[%dma_wait3A_679, %dma_wait3A_686] : memref<2x80xi32, #tpu.memory_space<vmem>> -> memref<1x80xi32, #tpu.memory_space<vmem>>
        %dma_wait3A_688 = tpu.memref_squeeze %dma_wait3A_687 : memref<1x80xi32, #tpu.memory_space<vmem>> -> memref<80xi32, #tpu.memory_space<vmem>>
        %dma_wait3A_689 = arith.constant 0 : i32
        %dma_wait3A_690 = tpu.memref_slice %arg3[%dma_wait3A_678, %dma_wait3A_689] : memref<2x320000xi32, #tpu.memory_space<hbm>> -> memref<1x80xi32, #tpu.memory_space<hbm>>
        %dma_wait3A_691 = tpu.memref_squeeze %dma_wait3A_690 : memref<1x80xi32, #tpu.memory_space<hbm>> -> memref<80xi32, #tpu.memory_space<hbm>>
        tpu.wait_dma2 semaphore(%arg42 : memref<!tpu.dma_semaphore, #tpu.memory_space<semaphore_mem>>) src(%dma_wait3A_691 : memref<80xi32, #tpu.memory_space<hbm>>) dst(%dma_wait3A_688 : memref<80xi32, #tpu.memory_space<vmem>>)
        %dma_wait3A_692 = arith.constant 1 : i32
        %dma_wait3A_693 = arith.constant 1 : i32
        %dma_wait3A_694 = arith.constant 0 : i32
        %dma_wait3A_695 = tpu.memref_slice %arg18[%dma_wait3A_693, %dma_wait3A_694] : memref<2x80xi32, #tpu.memory_space<vmem>> -> memref<1x80xi32, #tpu.memory_space<vmem>>
        %dma_wait3A_696 = tpu.memref_squeeze %dma_wait3A_695 : memref<1x80xi32, #tpu.memory_space<vmem>> -> memref<80xi32, #tpu.memory_space<vmem>>
        %dma_wait3A_697 = arith.constant 0 : i32
        %dma_wait3A_698 = tpu.memref_slice %arg3[%dma_wait3A_692, %dma_wait3A_697] : memref<2x320000xi32, #tpu.memory_space<hbm>> -> memref<1x80xi32, #tpu.memory_space<hbm>>
        %dma_wait3A_699 = tpu.memref_squeeze %dma_wait3A_698 : memref<1x80xi32, #tpu.memory_space<hbm>> -> memref<80xi32, #tpu.memory_space<hbm>>
        %dma_wait3A_700 = arith.constant 0 : i32
        %dma_wait3A_701 = tpu.memref_slice %arg18[%dma_wait3A_693, %dma_wait3A_700] : memref<2x80xi32, #tpu.memory_space<vmem>> -> memref<1x80xi32, #tpu.memory_space<vmem>>
        %dma_wait3A_702 = tpu.memref_squeeze %dma_wait3A_701 : memref<1x80xi32, #tpu.memory_space<vmem>> -> memref<80xi32, #tpu.memory_space<vmem>>
        %dma_wait3A_703 = arith.constant 0 : i32
        %dma_wait3A_704 = tpu.memref_slice %arg3[%dma_wait3A_692, %dma_wait3A_703] : memref<2x320000xi32, #tpu.memory_space<hbm>> -> memref<1x80xi32, #tpu.memory_space<hbm>>
        %dma_wait3A_705 = tpu.memref_squeeze %dma_wait3A_704 : memref<1x80xi32, #tpu.memory_space<hbm>> -> memref<80xi32, #tpu.memory_space<hbm>>
        tpu.wait_dma2 semaphore(%arg42 : memref<!tpu.dma_semaphore, #tpu.memory_space<semaphore_mem>>) src(%dma_wait3A_705 : memref<80xi32, #tpu.memory_space<hbm>>) dst(%dma_wait3A_702 : memref<80xi32, #tpu.memory_space<vmem>>)
        %dma_start3A_706 = arith.constant 0 : i32
        %dma_start3A_707 = arith.constant 0 : i32
        %dma_start3A_708 = tpu.memref_slice %arg18[%dma_start3A_706, %dma_start3A_707] : memref<2x80xi32, #tpu.memory_space<vmem>> -> memref<1x80xi32, #tpu.memory_space<vmem>>
        %dma_start3A_709 = tpu.memref_squeeze %dma_start3A_708 : memref<1x80xi32, #tpu.memory_space<vmem>> -> memref<80xi32, #tpu.memory_space<vmem>>
        %dma_start3A_710 = arith.constant 0 : i32
        %dma_start3A_711 = arith.constant 0 : i32
        %dma_start3A_712 = tpu.memref_slice %arg25[%dma_start3A_710, %dma_start3A_711] : memref<10000x64xf32, #tpu.memory_space<vmem_shared>> -> memref<10000x64xf32, #tpu.memory_space<vmem_shared>>
        tpu.enqueue_indirect_dma source(%dma_start3A_712 : memref<10000x64xf32, #tpu.memory_space<vmem_shared>>) target(%arg13 : memref<80x64xf32, #tpu.memory_space<vmem>>) offsets(%dma_start3A_709 : memref<80xi32, #tpu.memory_space<vmem>>) semaphore(%arg32 : memref<!tpu.dma_semaphore, #tpu.memory_space<semaphore_mem>>)
      } else {
      }
      %dma_wait3A_341 = arith.constant 0 : i32
      %dma_wait3A_342 = arith.constant 0 : i32
      %dma_wait3A_343 = tpu.memref_slice %arg14[%dma_wait3A_341, %dma_wait3A_342] : memref<2x80xi32, #tpu.memory_space<vmem>> -> memref<1x80xi32, #tpu.memory_space<vmem>>
      %dma_wait3A_344 = tpu.memref_squeeze %dma_wait3A_343 : memref<1x80xi32, #tpu.memory_space<vmem>> -> memref<80xi32, #tpu.memory_space<vmem>>
      %dma_wait3A_345 = arith.constant 0 : i32
      %dma_wait3A_346 = arith.constant 0 : i32
      %dma_wait3A_347 = tpu.memref_slice %arg25[%dma_wait3A_345, %dma_wait3A_346] : memref<10000x64xf32, #tpu.memory_space<vmem_shared>> -> memref<10000x64xf32, #tpu.memory_space<vmem_shared>>
      tpu.wait_indirect_dma semaphore(%arg30 : memref<!tpu.dma_semaphore, #tpu.memory_space<semaphore_mem>>) src(%dma_wait3A_347 : memref<10000x64xf32, #tpu.memory_space<vmem_shared>>) dst(%arg11 : memref<80x64xf32, #tpu.memory_space<vmem>>)
      %dma_start3A_348 = arith.constant 1 : i32
      %dma_start3A_349 = arith.constant 0 : i32
      %dma_start3A_350 = tpu.memref_slice %arg16[%dma_start3A_348, %dma_start3A_349] : memref<2x80xi32, #tpu.memory_space<vmem>> -> memref<1x80xi32, #tpu.memory_space<vmem>>
      %dma_start3A_351 = tpu.memref_squeeze %dma_start3A_350 : memref<1x80xi32, #tpu.memory_space<vmem>> -> memref<80xi32, #tpu.memory_space<vmem>>
      %dma_start3A_352 = arith.constant 0 : i32
      %dma_start3A_353 = arith.constant 0 : i32
      %dma_start3A_354 = tpu.memref_slice %arg26[%dma_start3A_352, %dma_start3A_353] : memref<10240x64xf32, #tpu.memory_space<vmem_shared>> -> memref<10240x64xf32, #tpu.memory_space<vmem_shared>>
      tpu.enqueue_indirect_dma source(%arg11 : memref<80x64xf32, #tpu.memory_space<vmem>>) target(%dma_start3A_354 : memref<10240x64xf32, #tpu.memory_space<vmem_shared>>) offsets(%dma_start3A_351 : memref<80xi32, #tpu.memory_space<vmem>>) semaphore(%arg35 : memref<!tpu.dma_semaphore, #tpu.memory_space<semaphore_mem>>) {add = true}
      %ge3A_355 = arith.cmpi sge, %add3A_321, %mul3A_4 : i32
      %add3A_356 = arith.constant 125 : i32
      %add3A_357 = arith.addi %mul3A_4, %add3A_356 : i32
      %lt3A_358 = arith.cmpi slt, %add3A_321, %add3A_357 : i32
      %and3A_359 = arith.andi %ge3A_355, %lt3A_358 : i1
      %convert_element_type3A_360 = arith.extui %and3A_359 : i1 to i32
      %cond3A_361 = arith.constant 0 : i32
      %cond3A_362 = arith.cmpi ne, %convert_element_type3A_360, %cond3A_361 : i32
      scf.if %cond3A_362 {
        %add3A_678 = arith.constant 3 : i32
        %add3A_679 = arith.addi %mul3A_4, %add3A_678 : i32
        %ge3A_680 = arith.cmpi sge, %add3A_321, %add3A_679 : i32
        %convert_element_type3A_681 = arith.extui %ge3A_680 : i1 to i32
        %cond3A_682 = arith.constant 0 : i32
        %cond3A_683 = arith.cmpi ne, %convert_element_type3A_681, %cond3A_682 : i32
        scf.if %cond3A_683 {
          %dma_wait3A_691 = arith.constant 1 : i32
          %dma_wait3A_692 = arith.constant 0 : i32
          %dma_wait3A_693 = tpu.memref_slice %arg14[%dma_wait3A_691, %dma_wait3A_692] : memref<2x80xi32, #tpu.memory_space<vmem>> -> memref<1x80xi32, #tpu.memory_space<vmem>>
          %dma_wait3A_694 = tpu.memref_squeeze %dma_wait3A_693 : memref<1x80xi32, #tpu.memory_space<vmem>> -> memref<80xi32, #tpu.memory_space<vmem>>
          %dma_wait3A_695 = arith.constant 0 : i32
          %dma_wait3A_696 = arith.constant 0 : i32
          %dma_wait3A_697 = tpu.memref_slice %arg27[%dma_wait3A_695, %dma_wait3A_696] : memref<10240x16xf32, #tpu.memory_space<vmem_shared>> -> memref<10240x16xf32, #tpu.memory_space<vmem_shared>>
          tpu.wait_indirect_dma semaphore(%arg48 : memref<!tpu.dma_semaphore, #tpu.memory_space<semaphore_mem>>) src(%arg24 : memref<80x16xf32, #tpu.memory_space<vmem>>) dst(%dma_wait3A_697 : memref<10240x16xf32, #tpu.memory_space<vmem_shared>>)
        } else {
        }
        %dma_start3A_684 = arith.constant 1 : i32
        %dma_start3A_685 = arith.constant 0 : i32
        %dma_start3A_686 = tpu.memref_slice %arg16[%dma_start3A_684, %dma_start3A_685] : memref<2x80xi32, #tpu.memory_space<vmem>> -> memref<1x80xi32, #tpu.memory_space<vmem>>
        %dma_start3A_687 = tpu.memref_squeeze %dma_start3A_686 : memref<1x80xi32, #tpu.memory_space<vmem>> -> memref<80xi32, #tpu.memory_space<vmem>>
        %dma_start3A_688 = arith.constant 0 : i32
        %dma_start3A_689 = arith.constant 0 : i32
        %dma_start3A_690 = tpu.memref_slice %arg27[%dma_start3A_688, %dma_start3A_689] : memref<10240x16xf32, #tpu.memory_space<vmem_shared>> -> memref<10240x16xf32, #tpu.memory_space<vmem_shared>>
        tpu.enqueue_indirect_dma source(%arg24 : memref<80x16xf32, #tpu.memory_space<vmem>>) target(%dma_start3A_690 : memref<10240x16xf32, #tpu.memory_space<vmem_shared>>) offsets(%dma_start3A_687 : memref<80xi32, #tpu.memory_space<vmem>>) semaphore(%arg48 : memref<!tpu.dma_semaphore, #tpu.memory_space<semaphore_mem>>) {add = true}
      } else {
      }
      %mul3A_363 = arith.constant 10 : i32
      %mul3A_364 = arith.muli %add3A_230, %mul3A_363 : i32
      %add3A_365 = arith.constant 3 : i32
      %add3A_366 = arith.addi %mul3A_364, %add3A_365 : i32
      %add3A_367 = arith.constant 2 : i32
      %add3A_368 = arith.addi %add3A_366, %add3A_367 : i32
      %add3A_369 = arith.constant 4 : i32
      %add3A_370 = arith.addi %add3A_366, %add3A_369 : i32
      %lt3A_371 = arith.constant 250 : i32
      %lt3A_372 = arith.cmpi slt, %add3A_370, %lt3A_371 : i32
      %convert_element_type3A_373 = arith.extui %lt3A_372 : i1 to i32
      %cond3A_374 = arith.constant 0 : i32
      %cond3A_375 = arith.cmpi ne, %convert_element_type3A_373, %cond3A_374 : i32
      scf.if %cond3A_375 {
        %mul3A_678 = arith.constant 80 : i32
        %mul3A_679 = arith.muli %add3A_370, %mul3A_678 : i32
        %add3A_680 = arith.addi %mul3A_13, %mul3A_679 : i32
        %dma_start3A_681 = arith.constant 0 : i32
        %dma_start3A_682 = arith.constant 0 : i32
        %dma_start3A_683 = arith.constant 0 : i32
        %dma_start3A_684 = tpu.memref_slice %arg21[%dma_start3A_682, %dma_start3A_683] : memref<2x80xi32, #tpu.memory_space<vmem>> -> memref<1x80xi32, #tpu.memory_space<vmem>>
        %dma_start3A_685 = tpu.memref_squeeze %dma_start3A_684 : memref<1x80xi32, #tpu.memory_space<vmem>> -> memref<80xi32, #tpu.memory_space<vmem>>
        %dma_start3A_686 = tpu.memref_slice %arg3[%dma_start3A_681, %add3A_680] : memref<2x320000xi32, #tpu.memory_space<hbm>> -> memref<1x80xi32, #tpu.memory_space<hbm>>
        %dma_start3A_687 = tpu.memref_squeeze %dma_start3A_686 : memref<1x80xi32, #tpu.memory_space<hbm>> -> memref<80xi32, #tpu.memory_space<hbm>>
        %dma_start3A_688 = arith.constant 0 : i32
        %dma_start3A_689 = tpu.memref_slice %arg21[%dma_start3A_682, %dma_start3A_688] : memref<2x80xi32, #tpu.memory_space<vmem>> -> memref<1x80xi32, #tpu.memory_space<vmem>>
        %dma_start3A_690 = tpu.memref_squeeze %dma_start3A_689 : memref<1x80xi32, #tpu.memory_space<vmem>> -> memref<80xi32, #tpu.memory_space<vmem>>
        %dma_start3A_691 = tpu.memref_slice %arg3[%dma_start3A_681, %add3A_680] : memref<2x320000xi32, #tpu.memory_space<hbm>> -> memref<1x80xi32, #tpu.memory_space<hbm>>
        %dma_start3A_692 = tpu.memref_squeeze %dma_start3A_691 : memref<1x80xi32, #tpu.memory_space<hbm>> -> memref<80xi32, #tpu.memory_space<hbm>>
        tpu.enqueue_dma source(%dma_start3A_692 : memref<80xi32, #tpu.memory_space<hbm>>) target(%dma_start3A_690 : memref<80xi32, #tpu.memory_space<vmem>>) target_semaphore(%arg45 : memref<!tpu.dma_semaphore, #tpu.memory_space<semaphore_mem>>)
        %dma_start3A_693 = arith.constant 1 : i32
        %dma_start3A_694 = arith.constant 1 : i32
        %dma_start3A_695 = arith.constant 0 : i32
        %dma_start3A_696 = tpu.memref_slice %arg21[%dma_start3A_694, %dma_start3A_695] : memref<2x80xi32, #tpu.memory_space<vmem>> -> memref<1x80xi32, #tpu.memory_space<vmem>>
        %dma_start3A_697 = tpu.memref_squeeze %dma_start3A_696 : memref<1x80xi32, #tpu.memory_space<vmem>> -> memref<80xi32, #tpu.memory_space<vmem>>
        %dma_start3A_698 = tpu.memref_slice %arg3[%dma_start3A_693, %add3A_680] : memref<2x320000xi32, #tpu.memory_space<hbm>> -> memref<1x80xi32, #tpu.memory_space<hbm>>
        %dma_start3A_699 = tpu.memref_squeeze %dma_start3A_698 : memref<1x80xi32, #tpu.memory_space<hbm>> -> memref<80xi32, #tpu.memory_space<hbm>>
        %dma_start3A_700 = arith.constant 0 : i32
        %dma_start3A_701 = tpu.memref_slice %arg21[%dma_start3A_694, %dma_start3A_700] : memref<2x80xi32, #tpu.memory_space<vmem>> -> memref<1x80xi32, #tpu.memory_space<vmem>>
        %dma_start3A_702 = tpu.memref_squeeze %dma_start3A_701 : memref<1x80xi32, #tpu.memory_space<vmem>> -> memref<80xi32, #tpu.memory_space<vmem>>
        %dma_start3A_703 = tpu.memref_slice %arg3[%dma_start3A_693, %add3A_680] : memref<2x320000xi32, #tpu.memory_space<hbm>> -> memref<1x80xi32, #tpu.memory_space<hbm>>
        %dma_start3A_704 = tpu.memref_squeeze %dma_start3A_703 : memref<1x80xi32, #tpu.memory_space<hbm>> -> memref<80xi32, #tpu.memory_space<hbm>>
        tpu.enqueue_dma source(%dma_start3A_704 : memref<80xi32, #tpu.memory_space<hbm>>) target(%dma_start3A_702 : memref<80xi32, #tpu.memory_space<vmem>>) target_semaphore(%arg45 : memref<!tpu.dma_semaphore, #tpu.memory_space<semaphore_mem>>)
      } else {
      }
      %ge3A_376 = arith.constant 5 : i32
      %ge3A_377 = arith.cmpi sge, %add3A_368, %ge3A_376 : i32
      %convert_element_type3A_378 = arith.extui %ge3A_377 : i1 to i32
      %cond3A_379 = arith.constant 0 : i32
      %cond3A_380 = arith.cmpi ne, %convert_element_type3A_378, %cond3A_379 : i32
      scf.if %cond3A_380 {
        %dma_wait3A_678 = arith.constant 1 : i32
        %dma_wait3A_679 = arith.constant 0 : i32
        %dma_wait3A_680 = tpu.memref_slice %arg14[%dma_wait3A_678, %dma_wait3A_679] : memref<2x80xi32, #tpu.memory_space<vmem>> -> memref<1x80xi32, #tpu.memory_space<vmem>>
        %dma_wait3A_681 = tpu.memref_squeeze %dma_wait3A_680 : memref<1x80xi32, #tpu.memory_space<vmem>> -> memref<80xi32, #tpu.memory_space<vmem>>
        %dma_wait3A_682 = arith.constant 0 : i32
        %dma_wait3A_683 = arith.constant 0 : i32
        %dma_wait3A_684 = tpu.memref_slice %arg26[%dma_wait3A_682, %dma_wait3A_683] : memref<10240x64xf32, #tpu.memory_space<vmem_shared>> -> memref<10240x64xf32, #tpu.memory_space<vmem_shared>>
        tpu.wait_indirect_dma semaphore(%arg33 : memref<!tpu.dma_semaphore, #tpu.memory_space<semaphore_mem>>) src(%arg9 : memref<80x64xf32, #tpu.memory_space<vmem>>) dst(%dma_wait3A_684 : memref<10240x64xf32, #tpu.memory_space<vmem_shared>>)
      } else {
      }
      %lt3A_381 = arith.constant 250 : i32
      %lt3A_382 = arith.cmpi slt, %add3A_368, %lt3A_381 : i32
      %convert_element_type3A_383 = arith.extui %lt3A_382 : i1 to i32
      %cond3A_384 = arith.constant 0 : i32
      %cond3A_385 = arith.cmpi ne, %convert_element_type3A_383, %cond3A_384 : i32
      scf.if %cond3A_385 {
        %dma_wait3A_678 = arith.constant 0 : i32
        %dma_wait3A_679 = arith.constant 0 : i32
        %dma_wait3A_680 = arith.constant 0 : i32
        %dma_wait3A_681 = tpu.memref_slice %arg19[%dma_wait3A_679, %dma_wait3A_680] : memref<2x80xi32, #tpu.memory_space<vmem>> -> memref<1x80xi32, #tpu.memory_space<vmem>>
        %dma_wait3A_682 = tpu.memref_squeeze %dma_wait3A_681 : memref<1x80xi32, #tpu.memory_space<vmem>> -> memref<80xi32, #tpu.memory_space<vmem>>
        %dma_wait3A_683 = arith.constant 0 : i32
        %dma_wait3A_684 = tpu.memref_slice %arg3[%dma_wait3A_678, %dma_wait3A_683] : memref<2x320000xi32, #tpu.memory_space<hbm>> -> memref<1x80xi32, #tpu.memory_space<hbm>>
        %dma_wait3A_685 = tpu.memref_squeeze %dma_wait3A_684 : memref<1x80xi32, #tpu.memory_space<hbm>> -> memref<80xi32, #tpu.memory_space<hbm>>
        %dma_wait3A_686 = arith.constant 0 : i32
        %dma_wait3A_687 = tpu.memref_slice %arg19[%dma_wait3A_679, %dma_wait3A_686] : memref<2x80xi32, #tpu.memory_space<vmem>> -> memref<1x80xi32, #tpu.memory_space<vmem>>
        %dma_wait3A_688 = tpu.memref_squeeze %dma_wait3A_687 : memref<1x80xi32, #tpu.memory_space<vmem>> -> memref<80xi32, #tpu.memory_space<vmem>>
        %dma_wait3A_689 = arith.constant 0 : i32
        %dma_wait3A_690 = tpu.memref_slice %arg3[%dma_wait3A_678, %dma_wait3A_689] : memref<2x320000xi32, #tpu.memory_space<hbm>> -> memref<1x80xi32, #tpu.memory_space<hbm>>
        %dma_wait3A_691 = tpu.memref_squeeze %dma_wait3A_690 : memref<1x80xi32, #tpu.memory_space<hbm>> -> memref<80xi32, #tpu.memory_space<hbm>>
        tpu.wait_dma2 semaphore(%arg43 : memref<!tpu.dma_semaphore, #tpu.memory_space<semaphore_mem>>) src(%dma_wait3A_691 : memref<80xi32, #tpu.memory_space<hbm>>) dst(%dma_wait3A_688 : memref<80xi32, #tpu.memory_space<vmem>>)
        %dma_wait3A_692 = arith.constant 1 : i32
        %dma_wait3A_693 = arith.constant 1 : i32
        %dma_wait3A_694 = arith.constant 0 : i32
        %dma_wait3A_695 = tpu.memref_slice %arg19[%dma_wait3A_693, %dma_wait3A_694] : memref<2x80xi32, #tpu.memory_space<vmem>> -> memref<1x80xi32, #tpu.memory_space<vmem>>
        %dma_wait3A_696 = tpu.memref_squeeze %dma_wait3A_695 : memref<1x80xi32, #tpu.memory_space<vmem>> -> memref<80xi32, #tpu.memory_space<vmem>>
        %dma_wait3A_697 = arith.constant 0 : i32
        %dma_wait3A_698 = tpu.memref_slice %arg3[%dma_wait3A_692, %dma_wait3A_697] : memref<2x320000xi32, #tpu.memory_space<hbm>> -> memref<1x80xi32, #tpu.memory_space<hbm>>
        %dma_wait3A_699 = tpu.memref_squeeze %dma_wait3A_698 : memref<1x80xi32, #tpu.memory_space<hbm>> -> memref<80xi32, #tpu.memory_space<hbm>>
        %dma_wait3A_700 = arith.constant 0 : i32
        %dma_wait3A_701 = tpu.memref_slice %arg19[%dma_wait3A_693, %dma_wait3A_700] : memref<2x80xi32, #tpu.memory_space<vmem>> -> memref<1x80xi32, #tpu.memory_space<vmem>>
        %dma_wait3A_702 = tpu.memref_squeeze %dma_wait3A_701 : memref<1x80xi32, #tpu.memory_space<vmem>> -> memref<80xi32, #tpu.memory_space<vmem>>
        %dma_wait3A_703 = arith.constant 0 : i32
        %dma_wait3A_704 = tpu.memref_slice %arg3[%dma_wait3A_692, %dma_wait3A_703] : memref<2x320000xi32, #tpu.memory_space<hbm>> -> memref<1x80xi32, #tpu.memory_space<hbm>>
        %dma_wait3A_705 = tpu.memref_squeeze %dma_wait3A_704 : memref<1x80xi32, #tpu.memory_space<hbm>> -> memref<80xi32, #tpu.memory_space<hbm>>
        tpu.wait_dma2 semaphore(%arg43 : memref<!tpu.dma_semaphore, #tpu.memory_space<semaphore_mem>>) src(%dma_wait3A_705 : memref<80xi32, #tpu.memory_space<hbm>>) dst(%dma_wait3A_702 : memref<80xi32, #tpu.memory_space<vmem>>)
        %dma_start3A_706 = arith.constant 0 : i32
        %dma_start3A_707 = arith.constant 0 : i32
        %dma_start3A_708 = tpu.memref_slice %arg19[%dma_start3A_706, %dma_start3A_707] : memref<2x80xi32, #tpu.memory_space<vmem>> -> memref<1x80xi32, #tpu.memory_space<vmem>>
        %dma_start3A_709 = tpu.memref_squeeze %dma_start3A_708 : memref<1x80xi32, #tpu.memory_space<vmem>> -> memref<80xi32, #tpu.memory_space<vmem>>
        %dma_start3A_710 = arith.constant 0 : i32
        %dma_start3A_711 = arith.constant 0 : i32
        %dma_start3A_712 = tpu.memref_slice %arg25[%dma_start3A_710, %dma_start3A_711] : memref<10000x64xf32, #tpu.memory_space<vmem_shared>> -> memref<10000x64xf32, #tpu.memory_space<vmem_shared>>
        tpu.enqueue_indirect_dma source(%dma_start3A_712 : memref<10000x64xf32, #tpu.memory_space<vmem_shared>>) target(%arg9 : memref<80x64xf32, #tpu.memory_space<vmem>>) offsets(%dma_start3A_709 : memref<80xi32, #tpu.memory_space<vmem>>) semaphore(%arg28 : memref<!tpu.dma_semaphore, #tpu.memory_space<semaphore_mem>>)
      } else {
      }
      %dma_wait3A_386 = arith.constant 0 : i32
      %dma_wait3A_387 = arith.constant 0 : i32
      %dma_wait3A_388 = tpu.memref_slice %arg14[%dma_wait3A_386, %dma_wait3A_387] : memref<2x80xi32, #tpu.memory_space<vmem>> -> memref<1x80xi32, #tpu.memory_space<vmem>>
      %dma_wait3A_389 = tpu.memref_squeeze %dma_wait3A_388 : memref<1x80xi32, #tpu.memory_space<vmem>> -> memref<80xi32, #tpu.memory_space<vmem>>
      %dma_wait3A_390 = arith.constant 0 : i32
      %dma_wait3A_391 = arith.constant 0 : i32
      %dma_wait3A_392 = tpu.memref_slice %arg25[%dma_wait3A_390, %dma_wait3A_391] : memref<10000x64xf32, #tpu.memory_space<vmem_shared>> -> memref<10000x64xf32, #tpu.memory_space<vmem_shared>>
      tpu.wait_indirect_dma semaphore(%arg31 : memref<!tpu.dma_semaphore, #tpu.memory_space<semaphore_mem>>) src(%dma_wait3A_392 : memref<10000x64xf32, #tpu.memory_space<vmem_shared>>) dst(%arg12 : memref<80x64xf32, #tpu.memory_space<vmem>>)
      %dma_start3A_393 = arith.constant 1 : i32
      %dma_start3A_394 = arith.constant 0 : i32
      %dma_start3A_395 = tpu.memref_slice %arg17[%dma_start3A_393, %dma_start3A_394] : memref<2x80xi32, #tpu.memory_space<vmem>> -> memref<1x80xi32, #tpu.memory_space<vmem>>
      %dma_start3A_396 = tpu.memref_squeeze %dma_start3A_395 : memref<1x80xi32, #tpu.memory_space<vmem>> -> memref<80xi32, #tpu.memory_space<vmem>>
      %dma_start3A_397 = arith.constant 0 : i32
      %dma_start3A_398 = arith.constant 0 : i32
      %dma_start3A_399 = tpu.memref_slice %arg26[%dma_start3A_397, %dma_start3A_398] : memref<10240x64xf32, #tpu.memory_space<vmem_shared>> -> memref<10240x64xf32, #tpu.memory_space<vmem_shared>>
      tpu.enqueue_indirect_dma source(%arg12 : memref<80x64xf32, #tpu.memory_space<vmem>>) target(%dma_start3A_399 : memref<10240x64xf32, #tpu.memory_space<vmem_shared>>) offsets(%dma_start3A_396 : memref<80xi32, #tpu.memory_space<vmem>>) semaphore(%arg36 : memref<!tpu.dma_semaphore, #tpu.memory_space<semaphore_mem>>) {add = true}
      %ge3A_400 = arith.cmpi sge, %add3A_366, %mul3A_4 : i32
      %add3A_401 = arith.constant 125 : i32
      %add3A_402 = arith.addi %mul3A_4, %add3A_401 : i32
      %lt3A_403 = arith.cmpi slt, %add3A_366, %add3A_402 : i32
      %and3A_404 = arith.andi %ge3A_400, %lt3A_403 : i1
      %convert_element_type3A_405 = arith.extui %and3A_404 : i1 to i32
      %cond3A_406 = arith.constant 0 : i32
      %cond3A_407 = arith.cmpi ne, %convert_element_type3A_405, %cond3A_406 : i32
      scf.if %cond3A_407 {
        %add3A_678 = arith.constant 3 : i32
        %add3A_679 = arith.addi %mul3A_4, %add3A_678 : i32
        %ge3A_680 = arith.cmpi sge, %add3A_366, %add3A_679 : i32
        %convert_element_type3A_681 = arith.extui %ge3A_680 : i1 to i32
        %cond3A_682 = arith.constant 0 : i32
        %cond3A_683 = arith.cmpi ne, %convert_element_type3A_681, %cond3A_682 : i32
        scf.if %cond3A_683 {
          %dma_wait3A_691 = arith.constant 1 : i32
          %dma_wait3A_692 = arith.constant 0 : i32
          %dma_wait3A_693 = tpu.memref_slice %arg14[%dma_wait3A_691, %dma_wait3A_692] : memref<2x80xi32, #tpu.memory_space<vmem>> -> memref<1x80xi32, #tpu.memory_space<vmem>>
          %dma_wait3A_694 = tpu.memref_squeeze %dma_wait3A_693 : memref<1x80xi32, #tpu.memory_space<vmem>> -> memref<80xi32, #tpu.memory_space<vmem>>
          %dma_wait3A_695 = arith.constant 0 : i32
          %dma_wait3A_696 = arith.constant 0 : i32
          %dma_wait3A_697 = tpu.memref_slice %arg27[%dma_wait3A_695, %dma_wait3A_696] : memref<10240x16xf32, #tpu.memory_space<vmem_shared>> -> memref<10240x16xf32, #tpu.memory_space<vmem_shared>>
          tpu.wait_indirect_dma semaphore(%arg48 : memref<!tpu.dma_semaphore, #tpu.memory_space<semaphore_mem>>) src(%arg24 : memref<80x16xf32, #tpu.memory_space<vmem>>) dst(%dma_wait3A_697 : memref<10240x16xf32, #tpu.memory_space<vmem_shared>>)
        } else {
        }
        %dma_start3A_684 = arith.constant 1 : i32
        %dma_start3A_685 = arith.constant 0 : i32
        %dma_start3A_686 = tpu.memref_slice %arg17[%dma_start3A_684, %dma_start3A_685] : memref<2x80xi32, #tpu.memory_space<vmem>> -> memref<1x80xi32, #tpu.memory_space<vmem>>
        %dma_start3A_687 = tpu.memref_squeeze %dma_start3A_686 : memref<1x80xi32, #tpu.memory_space<vmem>> -> memref<80xi32, #tpu.memory_space<vmem>>
        %dma_start3A_688 = arith.constant 0 : i32
        %dma_start3A_689 = arith.constant 0 : i32
        %dma_start3A_690 = tpu.memref_slice %arg27[%dma_start3A_688, %dma_start3A_689] : memref<10240x16xf32, #tpu.memory_space<vmem_shared>> -> memref<10240x16xf32, #tpu.memory_space<vmem_shared>>
        tpu.enqueue_indirect_dma source(%arg24 : memref<80x16xf32, #tpu.memory_space<vmem>>) target(%dma_start3A_690 : memref<10240x16xf32, #tpu.memory_space<vmem_shared>>) offsets(%dma_start3A_687 : memref<80xi32, #tpu.memory_space<vmem>>) semaphore(%arg48 : memref<!tpu.dma_semaphore, #tpu.memory_space<semaphore_mem>>) {add = true}
      } else {
      }
      %mul3A_408 = arith.constant 10 : i32
      %mul3A_409 = arith.muli %add3A_230, %mul3A_408 : i32
      %add3A_410 = arith.constant 4 : i32
      %add3A_411 = arith.addi %mul3A_409, %add3A_410 : i32
      %add3A_412 = arith.constant 2 : i32
      %add3A_413 = arith.addi %add3A_411, %add3A_412 : i32
      %add3A_414 = arith.constant 4 : i32
      %add3A_415 = arith.addi %add3A_411, %add3A_414 : i32
      %lt3A_416 = arith.constant 250 : i32
      %lt3A_417 = arith.cmpi slt, %add3A_415, %lt3A_416 : i32
      %convert_element_type3A_418 = arith.extui %lt3A_417 : i1 to i32
      %cond3A_419 = arith.constant 0 : i32
      %cond3A_420 = arith.cmpi ne, %convert_element_type3A_418, %cond3A_419 : i32
      scf.if %cond3A_420 {
        %mul3A_678 = arith.constant 80 : i32
        %mul3A_679 = arith.muli %add3A_415, %mul3A_678 : i32
        %add3A_680 = arith.addi %mul3A_13, %mul3A_679 : i32
        %dma_start3A_681 = arith.constant 0 : i32
        %dma_start3A_682 = arith.constant 0 : i32
        %dma_start3A_683 = arith.constant 0 : i32
        %dma_start3A_684 = tpu.memref_slice %arg22[%dma_start3A_682, %dma_start3A_683] : memref<2x80xi32, #tpu.memory_space<vmem>> -> memref<1x80xi32, #tpu.memory_space<vmem>>
        %dma_start3A_685 = tpu.memref_squeeze %dma_start3A_684 : memref<1x80xi32, #tpu.memory_space<vmem>> -> memref<80xi32, #tpu.memory_space<vmem>>
        %dma_start3A_686 = tpu.memref_slice %arg3[%dma_start3A_681, %add3A_680] : memref<2x320000xi32, #tpu.memory_space<hbm>> -> memref<1x80xi32, #tpu.memory_space<hbm>>
        %dma_start3A_687 = tpu.memref_squeeze %dma_start3A_686 : memref<1x80xi32, #tpu.memory_space<hbm>> -> memref<80xi32, #tpu.memory_space<hbm>>
        %dma_start3A_688 = arith.constant 0 : i32
        %dma_start3A_689 = tpu.memref_slice %arg22[%dma_start3A_682, %dma_start3A_688] : memref<2x80xi32, #tpu.memory_space<vmem>> -> memref<1x80xi32, #tpu.memory_space<vmem>>
        %dma_start3A_690 = tpu.memref_squeeze %dma_start3A_689 : memref<1x80xi32, #tpu.memory_space<vmem>> -> memref<80xi32, #tpu.memory_space<vmem>>
        %dma_start3A_691 = tpu.memref_slice %arg3[%dma_start3A_681, %add3A_680] : memref<2x320000xi32, #tpu.memory_space<hbm>> -> memref<1x80xi32, #tpu.memory_space<hbm>>
        %dma_start3A_692 = tpu.memref_squeeze %dma_start3A_691 : memref<1x80xi32, #tpu.memory_space<hbm>> -> memref<80xi32, #tpu.memory_space<hbm>>
        tpu.enqueue_dma source(%dma_start3A_692 : memref<80xi32, #tpu.memory_space<hbm>>) target(%dma_start3A_690 : memref<80xi32, #tpu.memory_space<vmem>>) target_semaphore(%arg46 : memref<!tpu.dma_semaphore, #tpu.memory_space<semaphore_mem>>)
        %dma_start3A_693 = arith.constant 1 : i32
        %dma_start3A_694 = arith.constant 1 : i32
        %dma_start3A_695 = arith.constant 0 : i32
        %dma_start3A_696 = tpu.memref_slice %arg22[%dma_start3A_694, %dma_start3A_695] : memref<2x80xi32, #tpu.memory_space<vmem>> -> memref<1x80xi32, #tpu.memory_space<vmem>>
        %dma_start3A_697 = tpu.memref_squeeze %dma_start3A_696 : memref<1x80xi32, #tpu.memory_space<vmem>> -> memref<80xi32, #tpu.memory_space<vmem>>
        %dma_start3A_698 = tpu.memref_slice %arg3[%dma_start3A_693, %add3A_680] : memref<2x320000xi32, #tpu.memory_space<hbm>> -> memref<1x80xi32, #tpu.memory_space<hbm>>
        %dma_start3A_699 = tpu.memref_squeeze %dma_start3A_698 : memref<1x80xi32, #tpu.memory_space<hbm>> -> memref<80xi32, #tpu.memory_space<hbm>>
        %dma_start3A_700 = arith.constant 0 : i32
        %dma_start3A_701 = tpu.memref_slice %arg22[%dma_start3A_694, %dma_start3A_700] : memref<2x80xi32, #tpu.memory_space<vmem>> -> memref<1x80xi32, #tpu.memory_space<vmem>>
        %dma_start3A_702 = tpu.memref_squeeze %dma_start3A_701 : memref<1x80xi32, #tpu.memory_space<vmem>> -> memref<80xi32, #tpu.memory_space<vmem>>
        %dma_start3A_703 = tpu.memref_slice %arg3[%dma_start3A_693, %add3A_680] : memref<2x320000xi32, #tpu.memory_space<hbm>> -> memref<1x80xi32, #tpu.memory_space<hbm>>
        %dma_start3A_704 = tpu.memref_squeeze %dma_start3A_703 : memref<1x80xi32, #tpu.memory_space<hbm>> -> memref<80xi32, #tpu.memory_space<hbm>>
        tpu.enqueue_dma source(%dma_start3A_704 : memref<80xi32, #tpu.memory_space<hbm>>) target(%dma_start3A_702 : memref<80xi32, #tpu.memory_space<vmem>>) target_semaphore(%arg46 : memref<!tpu.dma_semaphore, #tpu.memory_space<semaphore_mem>>)
      } else {
      }
      %ge3A_421 = arith.constant 5 : i32
      %ge3A_422 = arith.cmpi sge, %add3A_413, %ge3A_421 : i32
      %convert_element_type3A_423 = arith.extui %ge3A_422 : i1 to i32
      %cond3A_424 = arith.constant 0 : i32
      %cond3A_425 = arith.cmpi ne, %convert_element_type3A_423, %cond3A_424 : i32
      scf.if %cond3A_425 {
        %dma_wait3A_678 = arith.constant 1 : i32
        %dma_wait3A_679 = arith.constant 0 : i32
        %dma_wait3A_680 = tpu.memref_slice %arg14[%dma_wait3A_678, %dma_wait3A_679] : memref<2x80xi32, #tpu.memory_space<vmem>> -> memref<1x80xi32, #tpu.memory_space<vmem>>
        %dma_wait3A_681 = tpu.memref_squeeze %dma_wait3A_680 : memref<1x80xi32, #tpu.memory_space<vmem>> -> memref<80xi32, #tpu.memory_space<vmem>>
        %dma_wait3A_682 = arith.constant 0 : i32
        %dma_wait3A_683 = arith.constant 0 : i32
        %dma_wait3A_684 = tpu.memref_slice %arg26[%dma_wait3A_682, %dma_wait3A_683] : memref<10240x64xf32, #tpu.memory_space<vmem_shared>> -> memref<10240x64xf32, #tpu.memory_space<vmem_shared>>
        tpu.wait_indirect_dma semaphore(%arg34 : memref<!tpu.dma_semaphore, #tpu.memory_space<semaphore_mem>>) src(%arg10 : memref<80x64xf32, #tpu.memory_space<vmem>>) dst(%dma_wait3A_684 : memref<10240x64xf32, #tpu.memory_space<vmem_shared>>)
      } else {
      }
      %lt3A_426 = arith.constant 250 : i32
      %lt3A_427 = arith.cmpi slt, %add3A_413, %lt3A_426 : i32
      %convert_element_type3A_428 = arith.extui %lt3A_427 : i1 to i32
      %cond3A_429 = arith.constant 0 : i32
      %cond3A_430 = arith.cmpi ne, %convert_element_type3A_428, %cond3A_429 : i32
      scf.if %cond3A_430 {
        %dma_wait3A_678 = arith.constant 0 : i32
        %dma_wait3A_679 = arith.constant 0 : i32
        %dma_wait3A_680 = arith.constant 0 : i32
        %dma_wait3A_681 = tpu.memref_slice %arg20[%dma_wait3A_679, %dma_wait3A_680] : memref<2x80xi32, #tpu.memory_space<vmem>> -> memref<1x80xi32, #tpu.memory_space<vmem>>
        %dma_wait3A_682 = tpu.memref_squeeze %dma_wait3A_681 : memref<1x80xi32, #tpu.memory_space<vmem>> -> memref<80xi32, #tpu.memory_space<vmem>>
        %dma_wait3A_683 = arith.constant 0 : i32
        %dma_wait3A_684 = tpu.memref_slice %arg3[%dma_wait3A_678, %dma_wait3A_683] : memref<2x320000xi32, #tpu.memory_space<hbm>> -> memref<1x80xi32, #tpu.memory_space<hbm>>
        %dma_wait3A_685 = tpu.memref_squeeze %dma_wait3A_684 : memref<1x80xi32, #tpu.memory_space<hbm>> -> memref<80xi32, #tpu.memory_space<hbm>>
        %dma_wait3A_686 = arith.constant 0 : i32
        %dma_wait3A_687 = tpu.memref_slice %arg20[%dma_wait3A_679, %dma_wait3A_686] : memref<2x80xi32, #tpu.memory_space<vmem>> -> memref<1x80xi32, #tpu.memory_space<vmem>>
        %dma_wait3A_688 = tpu.memref_squeeze %dma_wait3A_687 : memref<1x80xi32, #tpu.memory_space<vmem>> -> memref<80xi32, #tpu.memory_space<vmem>>
        %dma_wait3A_689 = arith.constant 0 : i32
        %dma_wait3A_690 = tpu.memref_slice %arg3[%dma_wait3A_678, %dma_wait3A_689] : memref<2x320000xi32, #tpu.memory_space<hbm>> -> memref<1x80xi32, #tpu.memory_space<hbm>>
        %dma_wait3A_691 = tpu.memref_squeeze %dma_wait3A_690 : memref<1x80xi32, #tpu.memory_space<hbm>> -> memref<80xi32, #tpu.memory_space<hbm>>
        tpu.wait_dma2 semaphore(%arg44 : memref<!tpu.dma_semaphore, #tpu.memory_space<semaphore_mem>>) src(%dma_wait3A_691 : memref<80xi32, #tpu.memory_space<hbm>>) dst(%dma_wait3A_688 : memref<80xi32, #tpu.memory_space<vmem>>)
        %dma_wait3A_692 = arith.constant 1 : i32
        %dma_wait3A_693 = arith.constant 1 : i32
        %dma_wait3A_694 = arith.constant 0 : i32
        %dma_wait3A_695 = tpu.memref_slice %arg20[%dma_wait3A_693, %dma_wait3A_694] : memref<2x80xi32, #tpu.memory_space<vmem>> -> memref<1x80xi32, #tpu.memory_space<vmem>>
        %dma_wait3A_696 = tpu.memref_squeeze %dma_wait3A_695 : memref<1x80xi32, #tpu.memory_space<vmem>> -> memref<80xi32, #tpu.memory_space<vmem>>
        %dma_wait3A_697 = arith.constant 0 : i32
        %dma_wait3A_698 = tpu.memref_slice %arg3[%dma_wait3A_692, %dma_wait3A_697] : memref<2x320000xi32, #tpu.memory_space<hbm>> -> memref<1x80xi32, #tpu.memory_space<hbm>>
        %dma_wait3A_699 = tpu.memref_squeeze %dma_wait3A_698 : memref<1x80xi32, #tpu.memory_space<hbm>> -> memref<80xi32, #tpu.memory_space<hbm>>
        %dma_wait3A_700 = arith.constant 0 : i32
        %dma_wait3A_701 = tpu.memref_slice %arg20[%dma_wait3A_693, %dma_wait3A_700] : memref<2x80xi32, #tpu.memory_space<vmem>> -> memref<1x80xi32, #tpu.memory_space<vmem>>
        %dma_wait3A_702 = tpu.memref_squeeze %dma_wait3A_701 : memref<1x80xi32, #tpu.memory_space<vmem>> -> memref<80xi32, #tpu.memory_space<vmem>>
        %dma_wait3A_703 = arith.constant 0 : i32
        %dma_wait3A_704 = tpu.memref_slice %arg3[%dma_wait3A_692, %dma_wait3A_703] : memref<2x320000xi32, #tpu.memory_space<hbm>> -> memref<1x80xi32, #tpu.memory_space<hbm>>
        %dma_wait3A_705 = tpu.memref_squeeze %dma_wait3A_704 : memref<1x80xi32, #tpu.memory_space<hbm>> -> memref<80xi32, #tpu.memory_space<hbm>>
        tpu.wait_dma2 semaphore(%arg44 : memref<!tpu.dma_semaphore, #tpu.memory_space<semaphore_mem>>) src(%dma_wait3A_705 : memref<80xi32, #tpu.memory_space<hbm>>) dst(%dma_wait3A_702 : memref<80xi32, #tpu.memory_space<vmem>>)
        %dma_start3A_706 = arith.constant 0 : i32
        %dma_start3A_707 = arith.constant 0 : i32
        %dma_start3A_708 = tpu.memref_slice %arg20[%dma_start3A_706, %dma_start3A_707] : memref<2x80xi32, #tpu.memory_space<vmem>> -> memref<1x80xi32, #tpu.memory_space<vmem>>
        %dma_start3A_709 = tpu.memref_squeeze %dma_start3A_708 : memref<1x80xi32, #tpu.memory_space<vmem>> -> memref<80xi32, #tpu.memory_space<vmem>>
        %dma_start3A_710 = arith.constant 0 : i32
        %dma_start3A_711 = arith.constant 0 : i32
        %dma_start3A_712 = tpu.memref_slice %arg25[%dma_start3A_710, %dma_start3A_711] : memref<10000x64xf32, #tpu.memory_space<vmem_shared>> -> memref<10000x64xf32, #tpu.memory_space<vmem_shared>>
        tpu.enqueue_indirect_dma source(%dma_start3A_712 : memref<10000x64xf32, #tpu.memory_space<vmem_shared>>) target(%arg10 : memref<80x64xf32, #tpu.memory_space<vmem>>) offsets(%dma_start3A_709 : memref<80xi32, #tpu.memory_space<vmem>>) semaphore(%arg29 : memref<!tpu.dma_semaphore, #tpu.memory_space<semaphore_mem>>)
      } else {
      }
      %dma_wait3A_431 = arith.constant 0 : i32
      %dma_wait3A_432 = arith.constant 0 : i32
      %dma_wait3A_433 = tpu.memref_slice %arg14[%dma_wait3A_431, %dma_wait3A_432] : memref<2x80xi32, #tpu.memory_space<vmem>> -> memref<1x80xi32, #tpu.memory_space<vmem>>
      %dma_wait3A_434 = tpu.memref_squeeze %dma_wait3A_433 : memref<1x80xi32, #tpu.memory_space<vmem>> -> memref<80xi32, #tpu.memory_space<vmem>>
      %dma_wait3A_435 = arith.constant 0 : i32
      %dma_wait3A_436 = arith.constant 0 : i32
      %dma_wait3A_437 = tpu.memref_slice %arg25[%dma_wait3A_435, %dma_wait3A_436] : memref<10000x64xf32, #tpu.memory_space<vmem_shared>> -> memref<10000x64xf32, #tpu.memory_space<vmem_shared>>
      tpu.wait_indirect_dma semaphore(%arg32 : memref<!tpu.dma_semaphore, #tpu.memory_space<semaphore_mem>>) src(%dma_wait3A_437 : memref<10000x64xf32, #tpu.memory_space<vmem_shared>>) dst(%arg13 : memref<80x64xf32, #tpu.memory_space<vmem>>)
      %dma_start3A_438 = arith.constant 1 : i32
      %dma_start3A_439 = arith.constant 0 : i32
      %dma_start3A_440 = tpu.memref_slice %arg18[%dma_start3A_438, %dma_start3A_439] : memref<2x80xi32, #tpu.memory_space<vmem>> -> memref<1x80xi32, #tpu.memory_space<vmem>>
      %dma_start3A_441 = tpu.memref_squeeze %dma_start3A_440 : memref<1x80xi32, #tpu.memory_space<vmem>> -> memref<80xi32, #tpu.memory_space<vmem>>
      %dma_start3A_442 = arith.constant 0 : i32
      %dma_start3A_443 = arith.constant 0 : i32
      %dma_start3A_444 = tpu.memref_slice %arg26[%dma_start3A_442, %dma_start3A_443] : memref<10240x64xf32, #tpu.memory_space<vmem_shared>> -> memref<10240x64xf32, #tpu.memory_space<vmem_shared>>
      tpu.enqueue_indirect_dma source(%arg13 : memref<80x64xf32, #tpu.memory_space<vmem>>) target(%dma_start3A_444 : memref<10240x64xf32, #tpu.memory_space<vmem_shared>>) offsets(%dma_start3A_441 : memref<80xi32, #tpu.memory_space<vmem>>) semaphore(%arg37 : memref<!tpu.dma_semaphore, #tpu.memory_space<semaphore_mem>>) {add = true}
      %ge3A_445 = arith.cmpi sge, %add3A_411, %mul3A_4 : i32
      %add3A_446 = arith.constant 125 : i32
      %add3A_447 = arith.addi %mul3A_4, %add3A_446 : i32
      %lt3A_448 = arith.cmpi slt, %add3A_411, %add3A_447 : i32
      %and3A_449 = arith.andi %ge3A_445, %lt3A_448 : i1
      %convert_element_type3A_450 = arith.extui %and3A_449 : i1 to i32
      %cond3A_451 = arith.constant 0 : i32
      %cond3A_452 = arith.cmpi ne, %convert_element_type3A_450, %cond3A_451 : i32
      scf.if %cond3A_452 {
        %add3A_678 = arith.constant 3 : i32
        %add3A_679 = arith.addi %mul3A_4, %add3A_678 : i32
        %ge3A_680 = arith.cmpi sge, %add3A_411, %add3A_679 : i32
        %convert_element_type3A_681 = arith.extui %ge3A_680 : i1 to i32
        %cond3A_682 = arith.constant 0 : i32
        %cond3A_683 = arith.cmpi ne, %convert_element_type3A_681, %cond3A_682 : i32
        scf.if %cond3A_683 {
          %dma_wait3A_691 = arith.constant 1 : i32
          %dma_wait3A_692 = arith.constant 0 : i32
          %dma_wait3A_693 = tpu.memref_slice %arg14[%dma_wait3A_691, %dma_wait3A_692] : memref<2x80xi32, #tpu.memory_space<vmem>> -> memref<1x80xi32, #tpu.memory_space<vmem>>
          %dma_wait3A_694 = tpu.memref_squeeze %dma_wait3A_693 : memref<1x80xi32, #tpu.memory_space<vmem>> -> memref<80xi32, #tpu.memory_space<vmem>>
          %dma_wait3A_695 = arith.constant 0 : i32
          %dma_wait3A_696 = arith.constant 0 : i32
          %dma_wait3A_697 = tpu.memref_slice %arg27[%dma_wait3A_695, %dma_wait3A_696] : memref<10240x16xf32, #tpu.memory_space<vmem_shared>> -> memref<10240x16xf32, #tpu.memory_space<vmem_shared>>
          tpu.wait_indirect_dma semaphore(%arg48 : memref<!tpu.dma_semaphore, #tpu.memory_space<semaphore_mem>>) src(%arg24 : memref<80x16xf32, #tpu.memory_space<vmem>>) dst(%dma_wait3A_697 : memref<10240x16xf32, #tpu.memory_space<vmem_shared>>)
        } else {
        }
        %dma_start3A_684 = arith.constant 1 : i32
        %dma_start3A_685 = arith.constant 0 : i32
        %dma_start3A_686 = tpu.memref_slice %arg18[%dma_start3A_684, %dma_start3A_685] : memref<2x80xi32, #tpu.memory_space<vmem>> -> memref<1x80xi32, #tpu.memory_space<vmem>>
        %dma_start3A_687 = tpu.memref_squeeze %dma_start3A_686 : memref<1x80xi32, #tpu.memory_space<vmem>> -> memref<80xi32, #tpu.memory_space<vmem>>
        %dma_start3A_688 = arith.constant 0 : i32
        %dma_start3A_689 = arith.constant 0 : i32
        %dma_start3A_690 = tpu.memref_slice %arg27[%dma_start3A_688, %dma_start3A_689] : memref<10240x16xf32, #tpu.memory_space<vmem_shared>> -> memref<10240x16xf32, #tpu.memory_space<vmem_shared>>
        tpu.enqueue_indirect_dma source(%arg24 : memref<80x16xf32, #tpu.memory_space<vmem>>) target(%dma_start3A_690 : memref<10240x16xf32, #tpu.memory_space<vmem_shared>>) offsets(%dma_start3A_687 : memref<80xi32, #tpu.memory_space<vmem>>) semaphore(%arg48 : memref<!tpu.dma_semaphore, #tpu.memory_space<semaphore_mem>>) {add = true}
      } else {
      }
      %mul3A_453 = arith.constant 10 : i32
      %mul3A_454 = arith.muli %add3A_230, %mul3A_453 : i32
      %add3A_455 = arith.constant 5 : i32
      %add3A_456 = arith.addi %mul3A_454, %add3A_455 : i32
      %add3A_457 = arith.constant 2 : i32
      %add3A_458 = arith.addi %add3A_456, %add3A_457 : i32
      %add3A_459 = arith.constant 4 : i32
      %add3A_460 = arith.addi %add3A_456, %add3A_459 : i32
      %lt3A_461 = arith.constant 250 : i32
      %lt3A_462 = arith.cmpi slt, %add3A_460, %lt3A_461 : i32
      %convert_element_type3A_463 = arith.extui %lt3A_462 : i1 to i32
      %cond3A_464 = arith.constant 0 : i32
      %cond3A_465 = arith.cmpi ne, %convert_element_type3A_463, %cond3A_464 : i32
      scf.if %cond3A_465 {
        %mul3A_678 = arith.constant 80 : i32
        %mul3A_679 = arith.muli %add3A_460, %mul3A_678 : i32
        %add3A_680 = arith.addi %mul3A_13, %mul3A_679 : i32
        %dma_start3A_681 = arith.constant 0 : i32
        %dma_start3A_682 = arith.constant 0 : i32
        %dma_start3A_683 = arith.constant 0 : i32
        %dma_start3A_684 = tpu.memref_slice %arg23[%dma_start3A_682, %dma_start3A_683] : memref<2x80xi32, #tpu.memory_space<vmem>> -> memref<1x80xi32, #tpu.memory_space<vmem>>
        %dma_start3A_685 = tpu.memref_squeeze %dma_start3A_684 : memref<1x80xi32, #tpu.memory_space<vmem>> -> memref<80xi32, #tpu.memory_space<vmem>>
        %dma_start3A_686 = tpu.memref_slice %arg3[%dma_start3A_681, %add3A_680] : memref<2x320000xi32, #tpu.memory_space<hbm>> -> memref<1x80xi32, #tpu.memory_space<hbm>>
        %dma_start3A_687 = tpu.memref_squeeze %dma_start3A_686 : memref<1x80xi32, #tpu.memory_space<hbm>> -> memref<80xi32, #tpu.memory_space<hbm>>
        %dma_start3A_688 = arith.constant 0 : i32
        %dma_start3A_689 = tpu.memref_slice %arg23[%dma_start3A_682, %dma_start3A_688] : memref<2x80xi32, #tpu.memory_space<vmem>> -> memref<1x80xi32, #tpu.memory_space<vmem>>
        %dma_start3A_690 = tpu.memref_squeeze %dma_start3A_689 : memref<1x80xi32, #tpu.memory_space<vmem>> -> memref<80xi32, #tpu.memory_space<vmem>>
        %dma_start3A_691 = tpu.memref_slice %arg3[%dma_start3A_681, %add3A_680] : memref<2x320000xi32, #tpu.memory_space<hbm>> -> memref<1x80xi32, #tpu.memory_space<hbm>>
        %dma_start3A_692 = tpu.memref_squeeze %dma_start3A_691 : memref<1x80xi32, #tpu.memory_space<hbm>> -> memref<80xi32, #tpu.memory_space<hbm>>
        tpu.enqueue_dma source(%dma_start3A_692 : memref<80xi32, #tpu.memory_space<hbm>>) target(%dma_start3A_690 : memref<80xi32, #tpu.memory_space<vmem>>) target_semaphore(%arg47 : memref<!tpu.dma_semaphore, #tpu.memory_space<semaphore_mem>>)
        %dma_start3A_693 = arith.constant 1 : i32
        %dma_start3A_694 = arith.constant 1 : i32
        %dma_start3A_695 = arith.constant 0 : i32
        %dma_start3A_696 = tpu.memref_slice %arg23[%dma_start3A_694, %dma_start3A_695] : memref<2x80xi32, #tpu.memory_space<vmem>> -> memref<1x80xi32, #tpu.memory_space<vmem>>
        %dma_start3A_697 = tpu.memref_squeeze %dma_start3A_696 : memref<1x80xi32, #tpu.memory_space<vmem>> -> memref<80xi32, #tpu.memory_space<vmem>>
        %dma_start3A_698 = tpu.memref_slice %arg3[%dma_start3A_693, %add3A_680] : memref<2x320000xi32, #tpu.memory_space<hbm>> -> memref<1x80xi32, #tpu.memory_space<hbm>>
        %dma_start3A_699 = tpu.memref_squeeze %dma_start3A_698 : memref<1x80xi32, #tpu.memory_space<hbm>> -> memref<80xi32, #tpu.memory_space<hbm>>
        %dma_start3A_700 = arith.constant 0 : i32
        %dma_start3A_701 = tpu.memref_slice %arg23[%dma_start3A_694, %dma_start3A_700] : memref<2x80xi32, #tpu.memory_space<vmem>> -> memref<1x80xi32, #tpu.memory_space<vmem>>
        %dma_start3A_702 = tpu.memref_squeeze %dma_start3A_701 : memref<1x80xi32, #tpu.memory_space<vmem>> -> memref<80xi32, #tpu.memory_space<vmem>>
        %dma_start3A_703 = tpu.memref_slice %arg3[%dma_start3A_693, %add3A_680] : memref<2x320000xi32, #tpu.memory_space<hbm>> -> memref<1x80xi32, #tpu.memory_space<hbm>>
        %dma_start3A_704 = tpu.memref_squeeze %dma_start3A_703 : memref<1x80xi32, #tpu.memory_space<hbm>> -> memref<80xi32, #tpu.memory_space<hbm>>
        tpu.enqueue_dma source(%dma_start3A_704 : memref<80xi32, #tpu.memory_space<hbm>>) target(%dma_start3A_702 : memref<80xi32, #tpu.memory_space<vmem>>) target_semaphore(%arg47 : memref<!tpu.dma_semaphore, #tpu.memory_space<semaphore_mem>>)
      } else {
      }
      %ge3A_466 = arith.constant 5 : i32
      %ge3A_467 = arith.cmpi sge, %add3A_458, %ge3A_466 : i32
      %convert_element_type3A_468 = arith.extui %ge3A_467 : i1 to i32
      %cond3A_469 = arith.constant 0 : i32
      %cond3A_470 = arith.cmpi ne, %convert_element_type3A_468, %cond3A_469 : i32
      scf.if %cond3A_470 {
        %dma_wait3A_678 = arith.constant 1 : i32
        %dma_wait3A_679 = arith.constant 0 : i32
        %dma_wait3A_680 = tpu.memref_slice %arg14[%dma_wait3A_678, %dma_wait3A_679] : memref<2x80xi32, #tpu.memory_space<vmem>> -> memref<1x80xi32, #tpu.memory_space<vmem>>
        %dma_wait3A_681 = tpu.memref_squeeze %dma_wait3A_680 : memref<1x80xi32, #tpu.memory_space<vmem>> -> memref<80xi32, #tpu.memory_space<vmem>>
        %dma_wait3A_682 = arith.constant 0 : i32
        %dma_wait3A_683 = arith.constant 0 : i32
        %dma_wait3A_684 = tpu.memref_slice %arg26[%dma_wait3A_682, %dma_wait3A_683] : memref<10240x64xf32, #tpu.memory_space<vmem_shared>> -> memref<10240x64xf32, #tpu.memory_space<vmem_shared>>
        tpu.wait_indirect_dma semaphore(%arg35 : memref<!tpu.dma_semaphore, #tpu.memory_space<semaphore_mem>>) src(%arg11 : memref<80x64xf32, #tpu.memory_space<vmem>>) dst(%dma_wait3A_684 : memref<10240x64xf32, #tpu.memory_space<vmem_shared>>)
      } else {
      }
      %lt3A_471 = arith.constant 250 : i32
      %lt3A_472 = arith.cmpi slt, %add3A_458, %lt3A_471 : i32
      %convert_element_type3A_473 = arith.extui %lt3A_472 : i1 to i32
      %cond3A_474 = arith.constant 0 : i32
      %cond3A_475 = arith.cmpi ne, %convert_element_type3A_473, %cond3A_474 : i32
      scf.if %cond3A_475 {
        %dma_wait3A_678 = arith.constant 0 : i32
        %dma_wait3A_679 = arith.constant 0 : i32
        %dma_wait3A_680 = arith.constant 0 : i32
        %dma_wait3A_681 = tpu.memref_slice %arg21[%dma_wait3A_679, %dma_wait3A_680] : memref<2x80xi32, #tpu.memory_space<vmem>> -> memref<1x80xi32, #tpu.memory_space<vmem>>
        %dma_wait3A_682 = tpu.memref_squeeze %dma_wait3A_681 : memref<1x80xi32, #tpu.memory_space<vmem>> -> memref<80xi32, #tpu.memory_space<vmem>>
        %dma_wait3A_683 = arith.constant 0 : i32
        %dma_wait3A_684 = tpu.memref_slice %arg3[%dma_wait3A_678, %dma_wait3A_683] : memref<2x320000xi32, #tpu.memory_space<hbm>> -> memref<1x80xi32, #tpu.memory_space<hbm>>
        %dma_wait3A_685 = tpu.memref_squeeze %dma_wait3A_684 : memref<1x80xi32, #tpu.memory_space<hbm>> -> memref<80xi32, #tpu.memory_space<hbm>>
        %dma_wait3A_686 = arith.constant 0 : i32
        %dma_wait3A_687 = tpu.memref_slice %arg21[%dma_wait3A_679, %dma_wait3A_686] : memref<2x80xi32, #tpu.memory_space<vmem>> -> memref<1x80xi32, #tpu.memory_space<vmem>>
        %dma_wait3A_688 = tpu.memref_squeeze %dma_wait3A_687 : memref<1x80xi32, #tpu.memory_space<vmem>> -> memref<80xi32, #tpu.memory_space<vmem>>
        %dma_wait3A_689 = arith.constant 0 : i32
        %dma_wait3A_690 = tpu.memref_slice %arg3[%dma_wait3A_678, %dma_wait3A_689] : memref<2x320000xi32, #tpu.memory_space<hbm>> -> memref<1x80xi32, #tpu.memory_space<hbm>>
        %dma_wait3A_691 = tpu.memref_squeeze %dma_wait3A_690 : memref<1x80xi32, #tpu.memory_space<hbm>> -> memref<80xi32, #tpu.memory_space<hbm>>
        tpu.wait_dma2 semaphore(%arg45 : memref<!tpu.dma_semaphore, #tpu.memory_space<semaphore_mem>>) src(%dma_wait3A_691 : memref<80xi32, #tpu.memory_space<hbm>>) dst(%dma_wait3A_688 : memref<80xi32, #tpu.memory_space<vmem>>)
        %dma_wait3A_692 = arith.constant 1 : i32
        %dma_wait3A_693 = arith.constant 1 : i32
        %dma_wait3A_694 = arith.constant 0 : i32
        %dma_wait3A_695 = tpu.memref_slice %arg21[%dma_wait3A_693, %dma_wait3A_694] : memref<2x80xi32, #tpu.memory_space<vmem>> -> memref<1x80xi32, #tpu.memory_space<vmem>>
        %dma_wait3A_696 = tpu.memref_squeeze %dma_wait3A_695 : memref<1x80xi32, #tpu.memory_space<vmem>> -> memref<80xi32, #tpu.memory_space<vmem>>
        %dma_wait3A_697 = arith.constant 0 : i32
        %dma_wait3A_698 = tpu.memref_slice %arg3[%dma_wait3A_692, %dma_wait3A_697] : memref<2x320000xi32, #tpu.memory_space<hbm>> -> memref<1x80xi32, #tpu.memory_space<hbm>>
        %dma_wait3A_699 = tpu.memref_squeeze %dma_wait3A_698 : memref<1x80xi32, #tpu.memory_space<hbm>> -> memref<80xi32, #tpu.memory_space<hbm>>
        %dma_wait3A_700 = arith.constant 0 : i32
        %dma_wait3A_701 = tpu.memref_slice %arg21[%dma_wait3A_693, %dma_wait3A_700] : memref<2x80xi32, #tpu.memory_space<vmem>> -> memref<1x80xi32, #tpu.memory_space<vmem>>
        %dma_wait3A_702 = tpu.memref_squeeze %dma_wait3A_701 : memref<1x80xi32, #tpu.memory_space<vmem>> -> memref<80xi32, #tpu.memory_space<vmem>>
        %dma_wait3A_703 = arith.constant 0 : i32
        %dma_wait3A_704 = tpu.memref_slice %arg3[%dma_wait3A_692, %dma_wait3A_703] : memref<2x320000xi32, #tpu.memory_space<hbm>> -> memref<1x80xi32, #tpu.memory_space<hbm>>
        %dma_wait3A_705 = tpu.memref_squeeze %dma_wait3A_704 : memref<1x80xi32, #tpu.memory_space<hbm>> -> memref<80xi32, #tpu.memory_space<hbm>>
        tpu.wait_dma2 semaphore(%arg45 : memref<!tpu.dma_semaphore, #tpu.memory_space<semaphore_mem>>) src(%dma_wait3A_705 : memref<80xi32, #tpu.memory_space<hbm>>) dst(%dma_wait3A_702 : memref<80xi32, #tpu.memory_space<vmem>>)
        %dma_start3A_706 = arith.constant 0 : i32
        %dma_start3A_707 = arith.constant 0 : i32
        %dma_start3A_708 = tpu.memref_slice %arg21[%dma_start3A_706, %dma_start3A_707] : memref<2x80xi32, #tpu.memory_space<vmem>> -> memref<1x80xi32, #tpu.memory_space<vmem>>
        %dma_start3A_709 = tpu.memref_squeeze %dma_start3A_708 : memref<1x80xi32, #tpu.memory_space<vmem>> -> memref<80xi32, #tpu.memory_space<vmem>>
        %dma_start3A_710 = arith.constant 0 : i32
        %dma_start3A_711 = arith.constant 0 : i32
        %dma_start3A_712 = tpu.memref_slice %arg25[%dma_start3A_710, %dma_start3A_711] : memref<10000x64xf32, #tpu.memory_space<vmem_shared>> -> memref<10000x64xf32, #tpu.memory_space<vmem_shared>>
        tpu.enqueue_indirect_dma source(%dma_start3A_712 : memref<10000x64xf32, #tpu.memory_space<vmem_shared>>) target(%arg11 : memref<80x64xf32, #tpu.memory_space<vmem>>) offsets(%dma_start3A_709 : memref<80xi32, #tpu.memory_space<vmem>>) semaphore(%arg30 : memref<!tpu.dma_semaphore, #tpu.memory_space<semaphore_mem>>)
      } else {
      }
      %dma_wait3A_476 = arith.constant 0 : i32
      %dma_wait3A_477 = arith.constant 0 : i32
      %dma_wait3A_478 = tpu.memref_slice %arg14[%dma_wait3A_476, %dma_wait3A_477] : memref<2x80xi32, #tpu.memory_space<vmem>> -> memref<1x80xi32, #tpu.memory_space<vmem>>
      %dma_wait3A_479 = tpu.memref_squeeze %dma_wait3A_478 : memref<1x80xi32, #tpu.memory_space<vmem>> -> memref<80xi32, #tpu.memory_space<vmem>>
      %dma_wait3A_480 = arith.constant 0 : i32
      %dma_wait3A_481 = arith.constant 0 : i32
      %dma_wait3A_482 = tpu.memref_slice %arg25[%dma_wait3A_480, %dma_wait3A_481] : memref<10000x64xf32, #tpu.memory_space<vmem_shared>> -> memref<10000x64xf32, #tpu.memory_space<vmem_shared>>
      tpu.wait_indirect_dma semaphore(%arg28 : memref<!tpu.dma_semaphore, #tpu.memory_space<semaphore_mem>>) src(%dma_wait3A_482 : memref<10000x64xf32, #tpu.memory_space<vmem_shared>>) dst(%arg9 : memref<80x64xf32, #tpu.memory_space<vmem>>)
      %dma_start3A_483 = arith.constant 1 : i32
      %dma_start3A_484 = arith.constant 0 : i32
      %dma_start3A_485 = tpu.memref_slice %arg19[%dma_start3A_483, %dma_start3A_484] : memref<2x80xi32, #tpu.memory_space<vmem>> -> memref<1x80xi32, #tpu.memory_space<vmem>>
      %dma_start3A_486 = tpu.memref_squeeze %dma_start3A_485 : memref<1x80xi32, #tpu.memory_space<vmem>> -> memref<80xi32, #tpu.memory_space<vmem>>
      %dma_start3A_487 = arith.constant 0 : i32
      %dma_start3A_488 = arith.constant 0 : i32
      %dma_start3A_489 = tpu.memref_slice %arg26[%dma_start3A_487, %dma_start3A_488] : memref<10240x64xf32, #tpu.memory_space<vmem_shared>> -> memref<10240x64xf32, #tpu.memory_space<vmem_shared>>
      tpu.enqueue_indirect_dma source(%arg9 : memref<80x64xf32, #tpu.memory_space<vmem>>) target(%dma_start3A_489 : memref<10240x64xf32, #tpu.memory_space<vmem_shared>>) offsets(%dma_start3A_486 : memref<80xi32, #tpu.memory_space<vmem>>) semaphore(%arg33 : memref<!tpu.dma_semaphore, #tpu.memory_space<semaphore_mem>>) {add = true}
      %ge3A_490 = arith.cmpi sge, %add3A_456, %mul3A_4 : i32
      %add3A_491 = arith.constant 125 : i32
      %add3A_492 = arith.addi %mul3A_4, %add3A_491 : i32
      %lt3A_493 = arith.cmpi slt, %add3A_456, %add3A_492 : i32
      %and3A_494 = arith.andi %ge3A_490, %lt3A_493 : i1
      %convert_element_type3A_495 = arith.extui %and3A_494 : i1 to i32
      %cond3A_496 = arith.constant 0 : i32
      %cond3A_497 = arith.cmpi ne, %convert_element_type3A_495, %cond3A_496 : i32
      scf.if %cond3A_497 {
        %add3A_678 = arith.constant 3 : i32
        %add3A_679 = arith.addi %mul3A_4, %add3A_678 : i32
        %ge3A_680 = arith.cmpi sge, %add3A_456, %add3A_679 : i32
        %convert_element_type3A_681 = arith.extui %ge3A_680 : i1 to i32
        %cond3A_682 = arith.constant 0 : i32
        %cond3A_683 = arith.cmpi ne, %convert_element_type3A_681, %cond3A_682 : i32
        scf.if %cond3A_683 {
          %dma_wait3A_691 = arith.constant 1 : i32
          %dma_wait3A_692 = arith.constant 0 : i32
          %dma_wait3A_693 = tpu.memref_slice %arg14[%dma_wait3A_691, %dma_wait3A_692] : memref<2x80xi32, #tpu.memory_space<vmem>> -> memref<1x80xi32, #tpu.memory_space<vmem>>
          %dma_wait3A_694 = tpu.memref_squeeze %dma_wait3A_693 : memref<1x80xi32, #tpu.memory_space<vmem>> -> memref<80xi32, #tpu.memory_space<vmem>>
          %dma_wait3A_695 = arith.constant 0 : i32
          %dma_wait3A_696 = arith.constant 0 : i32
          %dma_wait3A_697 = tpu.memref_slice %arg27[%dma_wait3A_695, %dma_wait3A_696] : memref<10240x16xf32, #tpu.memory_space<vmem_shared>> -> memref<10240x16xf32, #tpu.memory_space<vmem_shared>>
          tpu.wait_indirect_dma semaphore(%arg48 : memref<!tpu.dma_semaphore, #tpu.memory_space<semaphore_mem>>) src(%arg24 : memref<80x16xf32, #tpu.memory_space<vmem>>) dst(%dma_wait3A_697 : memref<10240x16xf32, #tpu.memory_space<vmem_shared>>)
        } else {
        }
        %dma_start3A_684 = arith.constant 1 : i32
        %dma_start3A_685 = arith.constant 0 : i32
        %dma_start3A_686 = tpu.memref_slice %arg19[%dma_start3A_684, %dma_start3A_685] : memref<2x80xi32, #tpu.memory_space<vmem>> -> memref<1x80xi32, #tpu.memory_space<vmem>>
        %dma_start3A_687 = tpu.memref_squeeze %dma_start3A_686 : memref<1x80xi32, #tpu.memory_space<vmem>> -> memref<80xi32, #tpu.memory_space<vmem>>
        %dma_start3A_688 = arith.constant 0 : i32
        %dma_start3A_689 = arith.constant 0 : i32
        %dma_start3A_690 = tpu.memref_slice %arg27[%dma_start3A_688, %dma_start3A_689] : memref<10240x16xf32, #tpu.memory_space<vmem_shared>> -> memref<10240x16xf32, #tpu.memory_space<vmem_shared>>
        tpu.enqueue_indirect_dma source(%arg24 : memref<80x16xf32, #tpu.memory_space<vmem>>) target(%dma_start3A_690 : memref<10240x16xf32, #tpu.memory_space<vmem_shared>>) offsets(%dma_start3A_687 : memref<80xi32, #tpu.memory_space<vmem>>) semaphore(%arg48 : memref<!tpu.dma_semaphore, #tpu.memory_space<semaphore_mem>>) {add = true}
      } else {
      }
      %mul3A_498 = arith.constant 10 : i32
      %mul3A_499 = arith.muli %add3A_230, %mul3A_498 : i32
      %add3A_500 = arith.constant 6 : i32
      %add3A_501 = arith.addi %mul3A_499, %add3A_500 : i32
      %add3A_502 = arith.constant 2 : i32
      %add3A_503 = arith.addi %add3A_501, %add3A_502 : i32
      %add3A_504 = arith.constant 4 : i32
      %add3A_505 = arith.addi %add3A_501, %add3A_504 : i32
      %lt3A_506 = arith.constant 250 : i32
      %lt3A_507 = arith.cmpi slt, %add3A_505, %lt3A_506 : i32
      %convert_element_type3A_508 = arith.extui %lt3A_507 : i1 to i32
      %cond3A_509 = arith.constant 0 : i32
      %cond3A_510 = arith.cmpi ne, %convert_element_type3A_508, %cond3A_509 : i32
      scf.if %cond3A_510 {
        %mul3A_678 = arith.constant 80 : i32
        %mul3A_679 = arith.muli %add3A_505, %mul3A_678 : i32
        %add3A_680 = arith.addi %mul3A_13, %mul3A_679 : i32
        %dma_start3A_681 = arith.constant 0 : i32
        %dma_start3A_682 = arith.constant 0 : i32
        %dma_start3A_683 = arith.constant 0 : i32
        %dma_start3A_684 = tpu.memref_slice %arg14[%dma_start3A_682, %dma_start3A_683] : memref<2x80xi32, #tpu.memory_space<vmem>> -> memref<1x80xi32, #tpu.memory_space<vmem>>
        %dma_start3A_685 = tpu.memref_squeeze %dma_start3A_684 : memref<1x80xi32, #tpu.memory_space<vmem>> -> memref<80xi32, #tpu.memory_space<vmem>>
        %dma_start3A_686 = tpu.memref_slice %arg3[%dma_start3A_681, %add3A_680] : memref<2x320000xi32, #tpu.memory_space<hbm>> -> memref<1x80xi32, #tpu.memory_space<hbm>>
        %dma_start3A_687 = tpu.memref_squeeze %dma_start3A_686 : memref<1x80xi32, #tpu.memory_space<hbm>> -> memref<80xi32, #tpu.memory_space<hbm>>
        %dma_start3A_688 = arith.constant 0 : i32
        %dma_start3A_689 = tpu.memref_slice %arg14[%dma_start3A_682, %dma_start3A_688] : memref<2x80xi32, #tpu.memory_space<vmem>> -> memref<1x80xi32, #tpu.memory_space<vmem>>
        %dma_start3A_690 = tpu.memref_squeeze %dma_start3A_689 : memref<1x80xi32, #tpu.memory_space<vmem>> -> memref<80xi32, #tpu.memory_space<vmem>>
        %dma_start3A_691 = tpu.memref_slice %arg3[%dma_start3A_681, %add3A_680] : memref<2x320000xi32, #tpu.memory_space<hbm>> -> memref<1x80xi32, #tpu.memory_space<hbm>>
        %dma_start3A_692 = tpu.memref_squeeze %dma_start3A_691 : memref<1x80xi32, #tpu.memory_space<hbm>> -> memref<80xi32, #tpu.memory_space<hbm>>
        tpu.enqueue_dma source(%dma_start3A_692 : memref<80xi32, #tpu.memory_space<hbm>>) target(%dma_start3A_690 : memref<80xi32, #tpu.memory_space<vmem>>) target_semaphore(%arg38 : memref<!tpu.dma_semaphore, #tpu.memory_space<semaphore_mem>>)
        %dma_start3A_693 = arith.constant 1 : i32
        %dma_start3A_694 = arith.constant 1 : i32
        %dma_start3A_695 = arith.constant 0 : i32
        %dma_start3A_696 = tpu.memref_slice %arg14[%dma_start3A_694, %dma_start3A_695] : memref<2x80xi32, #tpu.memory_space<vmem>> -> memref<1x80xi32, #tpu.memory_space<vmem>>
        %dma_start3A_697 = tpu.memref_squeeze %dma_start3A_696 : memref<1x80xi32, #tpu.memory_space<vmem>> -> memref<80xi32, #tpu.memory_space<vmem>>
        %dma_start3A_698 = tpu.memref_slice %arg3[%dma_start3A_693, %add3A_680] : memref<2x320000xi32, #tpu.memory_space<hbm>> -> memref<1x80xi32, #tpu.memory_space<hbm>>
        %dma_start3A_699 = tpu.memref_squeeze %dma_start3A_698 : memref<1x80xi32, #tpu.memory_space<hbm>> -> memref<80xi32, #tpu.memory_space<hbm>>
        %dma_start3A_700 = arith.constant 0 : i32
        %dma_start3A_701 = tpu.memref_slice %arg14[%dma_start3A_694, %dma_start3A_700] : memref<2x80xi32, #tpu.memory_space<vmem>> -> memref<1x80xi32, #tpu.memory_space<vmem>>
        %dma_start3A_702 = tpu.memref_squeeze %dma_start3A_701 : memref<1x80xi32, #tpu.memory_space<vmem>> -> memref<80xi32, #tpu.memory_space<vmem>>
        %dma_start3A_703 = tpu.memref_slice %arg3[%dma_start3A_693, %add3A_680] : memref<2x320000xi32, #tpu.memory_space<hbm>> -> memref<1x80xi32, #tpu.memory_space<hbm>>
        %dma_start3A_704 = tpu.memref_squeeze %dma_start3A_703 : memref<1x80xi32, #tpu.memory_space<hbm>> -> memref<80xi32, #tpu.memory_space<hbm>>
        tpu.enqueue_dma source(%dma_start3A_704 : memref<80xi32, #tpu.memory_space<hbm>>) target(%dma_start3A_702 : memref<80xi32, #tpu.memory_space<vmem>>) target_semaphore(%arg38 : memref<!tpu.dma_semaphore, #tpu.memory_space<semaphore_mem>>)
      } else {
      }
      %ge3A_511 = arith.constant 5 : i32
      %ge3A_512 = arith.cmpi sge, %add3A_503, %ge3A_511 : i32
      %convert_element_type3A_513 = arith.extui %ge3A_512 : i1 to i32
      %cond3A_514 = arith.constant 0 : i32
      %cond3A_515 = arith.cmpi ne, %convert_element_type3A_513, %cond3A_514 : i32
      scf.if %cond3A_515 {
        %dma_wait3A_678 = arith.constant 1 : i32
        %dma_wait3A_679 = arith.constant 0 : i32
        %dma_wait3A_680 = tpu.memref_slice %arg14[%dma_wait3A_678, %dma_wait3A_679] : memref<2x80xi32, #tpu.memory_space<vmem>> -> memref<1x80xi32, #tpu.memory_space<vmem>>
        %dma_wait3A_681 = tpu.memref_squeeze %dma_wait3A_680 : memref<1x80xi32, #tpu.memory_space<vmem>> -> memref<80xi32, #tpu.memory_space<vmem>>
        %dma_wait3A_682 = arith.constant 0 : i32
        %dma_wait3A_683 = arith.constant 0 : i32
        %dma_wait3A_684 = tpu.memref_slice %arg26[%dma_wait3A_682, %dma_wait3A_683] : memref<10240x64xf32, #tpu.memory_space<vmem_shared>> -> memref<10240x64xf32, #tpu.memory_space<vmem_shared>>
        tpu.wait_indirect_dma semaphore(%arg36 : memref<!tpu.dma_semaphore, #tpu.memory_space<semaphore_mem>>) src(%arg12 : memref<80x64xf32, #tpu.memory_space<vmem>>) dst(%dma_wait3A_684 : memref<10240x64xf32, #tpu.memory_space<vmem_shared>>)
      } else {
      }
      %lt3A_516 = arith.constant 250 : i32
      %lt3A_517 = arith.cmpi slt, %add3A_503, %lt3A_516 : i32
      %convert_element_type3A_518 = arith.extui %lt3A_517 : i1 to i32
      %cond3A_519 = arith.constant 0 : i32
      %cond3A_520 = arith.cmpi ne, %convert_element_type3A_518, %cond3A_519 : i32
      scf.if %cond3A_520 {
        %dma_wait3A_678 = arith.constant 0 : i32
        %dma_wait3A_679 = arith.constant 0 : i32
        %dma_wait3A_680 = arith.constant 0 : i32
        %dma_wait3A_681 = tpu.memref_slice %arg22[%dma_wait3A_679, %dma_wait3A_680] : memref<2x80xi32, #tpu.memory_space<vmem>> -> memref<1x80xi32, #tpu.memory_space<vmem>>
        %dma_wait3A_682 = tpu.memref_squeeze %dma_wait3A_681 : memref<1x80xi32, #tpu.memory_space<vmem>> -> memref<80xi32, #tpu.memory_space<vmem>>
        %dma_wait3A_683 = arith.constant 0 : i32
        %dma_wait3A_684 = tpu.memref_slice %arg3[%dma_wait3A_678, %dma_wait3A_683] : memref<2x320000xi32, #tpu.memory_space<hbm>> -> memref<1x80xi32, #tpu.memory_space<hbm>>
        %dma_wait3A_685 = tpu.memref_squeeze %dma_wait3A_684 : memref<1x80xi32, #tpu.memory_space<hbm>> -> memref<80xi32, #tpu.memory_space<hbm>>
        %dma_wait3A_686 = arith.constant 0 : i32
        %dma_wait3A_687 = tpu.memref_slice %arg22[%dma_wait3A_679, %dma_wait3A_686] : memref<2x80xi32, #tpu.memory_space<vmem>> -> memref<1x80xi32, #tpu.memory_space<vmem>>
        %dma_wait3A_688 = tpu.memref_squeeze %dma_wait3A_687 : memref<1x80xi32, #tpu.memory_space<vmem>> -> memref<80xi32, #tpu.memory_space<vmem>>
        %dma_wait3A_689 = arith.constant 0 : i32
        %dma_wait3A_690 = tpu.memref_slice %arg3[%dma_wait3A_678, %dma_wait3A_689] : memref<2x320000xi32, #tpu.memory_space<hbm>> -> memref<1x80xi32, #tpu.memory_space<hbm>>
        %dma_wait3A_691 = tpu.memref_squeeze %dma_wait3A_690 : memref<1x80xi32, #tpu.memory_space<hbm>> -> memref<80xi32, #tpu.memory_space<hbm>>
        tpu.wait_dma2 semaphore(%arg46 : memref<!tpu.dma_semaphore, #tpu.memory_space<semaphore_mem>>) src(%dma_wait3A_691 : memref<80xi32, #tpu.memory_space<hbm>>) dst(%dma_wait3A_688 : memref<80xi32, #tpu.memory_space<vmem>>)
        %dma_wait3A_692 = arith.constant 1 : i32
        %dma_wait3A_693 = arith.constant 1 : i32
        %dma_wait3A_694 = arith.constant 0 : i32
        %dma_wait3A_695 = tpu.memref_slice %arg22[%dma_wait3A_693, %dma_wait3A_694] : memref<2x80xi32, #tpu.memory_space<vmem>> -> memref<1x80xi32, #tpu.memory_space<vmem>>
        %dma_wait3A_696 = tpu.memref_squeeze %dma_wait3A_695 : memref<1x80xi32, #tpu.memory_space<vmem>> -> memref<80xi32, #tpu.memory_space<vmem>>
        %dma_wait3A_697 = arith.constant 0 : i32
        %dma_wait3A_698 = tpu.memref_slice %arg3[%dma_wait3A_692, %dma_wait3A_697] : memref<2x320000xi32, #tpu.memory_space<hbm>> -> memref<1x80xi32, #tpu.memory_space<hbm>>
        %dma_wait3A_699 = tpu.memref_squeeze %dma_wait3A_698 : memref<1x80xi32, #tpu.memory_space<hbm>> -> memref<80xi32, #tpu.memory_space<hbm>>
        %dma_wait3A_700 = arith.constant 0 : i32
        %dma_wait3A_701 = tpu.memref_slice %arg22[%dma_wait3A_693, %dma_wait3A_700] : memref<2x80xi32, #tpu.memory_space<vmem>> -> memref<1x80xi32, #tpu.memory_space<vmem>>
        %dma_wait3A_702 = tpu.memref_squeeze %dma_wait3A_701 : memref<1x80xi32, #tpu.memory_space<vmem>> -> memref<80xi32, #tpu.memory_space<vmem>>
        %dma_wait3A_703 = arith.constant 0 : i32
        %dma_wait3A_704 = tpu.memref_slice %arg3[%dma_wait3A_692, %dma_wait3A_703] : memref<2x320000xi32, #tpu.memory_space<hbm>> -> memref<1x80xi32, #tpu.memory_space<hbm>>
        %dma_wait3A_705 = tpu.memref_squeeze %dma_wait3A_704 : memref<1x80xi32, #tpu.memory_space<hbm>> -> memref<80xi32, #tpu.memory_space<hbm>>
        tpu.wait_dma2 semaphore(%arg46 : memref<!tpu.dma_semaphore, #tpu.memory_space<semaphore_mem>>) src(%dma_wait3A_705 : memref<80xi32, #tpu.memory_space<hbm>>) dst(%dma_wait3A_702 : memref<80xi32, #tpu.memory_space<vmem>>)
        %dma_start3A_706 = arith.constant 0 : i32
        %dma_start3A_707 = arith.constant 0 : i32
        %dma_start3A_708 = tpu.memref_slice %arg22[%dma_start3A_706, %dma_start3A_707] : memref<2x80xi32, #tpu.memory_space<vmem>> -> memref<1x80xi32, #tpu.memory_space<vmem>>
        %dma_start3A_709 = tpu.memref_squeeze %dma_start3A_708 : memref<1x80xi32, #tpu.memory_space<vmem>> -> memref<80xi32, #tpu.memory_space<vmem>>
        %dma_start3A_710 = arith.constant 0 : i32
        %dma_start3A_711 = arith.constant 0 : i32
        %dma_start3A_712 = tpu.memref_slice %arg25[%dma_start3A_710, %dma_start3A_711] : memref<10000x64xf32, #tpu.memory_space<vmem_shared>> -> memref<10000x64xf32, #tpu.memory_space<vmem_shared>>
        tpu.enqueue_indirect_dma source(%dma_start3A_712 : memref<10000x64xf32, #tpu.memory_space<vmem_shared>>) target(%arg12 : memref<80x64xf32, #tpu.memory_space<vmem>>) offsets(%dma_start3A_709 : memref<80xi32, #tpu.memory_space<vmem>>) semaphore(%arg31 : memref<!tpu.dma_semaphore, #tpu.memory_space<semaphore_mem>>)
      } else {
      }
      %dma_wait3A_521 = arith.constant 0 : i32
      %dma_wait3A_522 = arith.constant 0 : i32
      %dma_wait3A_523 = tpu.memref_slice %arg14[%dma_wait3A_521, %dma_wait3A_522] : memref<2x80xi32, #tpu.memory_space<vmem>> -> memref<1x80xi32, #tpu.memory_space<vmem>>
      %dma_wait3A_524 = tpu.memref_squeeze %dma_wait3A_523 : memref<1x80xi32, #tpu.memory_space<vmem>> -> memref<80xi32, #tpu.memory_space<vmem>>
      %dma_wait3A_525 = arith.constant 0 : i32
      %dma_wait3A_526 = arith.constant 0 : i32
      %dma_wait3A_527 = tpu.memref_slice %arg25[%dma_wait3A_525, %dma_wait3A_526] : memref<10000x64xf32, #tpu.memory_space<vmem_shared>> -> memref<10000x64xf32, #tpu.memory_space<vmem_shared>>
      tpu.wait_indirect_dma semaphore(%arg29 : memref<!tpu.dma_semaphore, #tpu.memory_space<semaphore_mem>>) src(%dma_wait3A_527 : memref<10000x64xf32, #tpu.memory_space<vmem_shared>>) dst(%arg10 : memref<80x64xf32, #tpu.memory_space<vmem>>)
      %dma_start3A_528 = arith.constant 1 : i32
      %dma_start3A_529 = arith.constant 0 : i32
      %dma_start3A_530 = tpu.memref_slice %arg20[%dma_start3A_528, %dma_start3A_529] : memref<2x80xi32, #tpu.memory_space<vmem>> -> memref<1x80xi32, #tpu.memory_space<vmem>>
      %dma_start3A_531 = tpu.memref_squeeze %dma_start3A_530 : memref<1x80xi32, #tpu.memory_space<vmem>> -> memref<80xi32, #tpu.memory_space<vmem>>
      %dma_start3A_532 = arith.constant 0 : i32
      %dma_start3A_533 = arith.constant 0 : i32
      %dma_start3A_534 = tpu.memref_slice %arg26[%dma_start3A_532, %dma_start3A_533] : memref<10240x64xf32, #tpu.memory_space<vmem_shared>> -> memref<10240x64xf32, #tpu.memory_space<vmem_shared>>
      tpu.enqueue_indirect_dma source(%arg10 : memref<80x64xf32, #tpu.memory_space<vmem>>) target(%dma_start3A_534 : memref<10240x64xf32, #tpu.memory_space<vmem_shared>>) offsets(%dma_start3A_531 : memref<80xi32, #tpu.memory_space<vmem>>) semaphore(%arg34 : memref<!tpu.dma_semaphore, #tpu.memory_space<semaphore_mem>>) {add = true}
      %ge3A_535 = arith.cmpi sge, %add3A_501, %mul3A_4 : i32
      %add3A_536 = arith.constant 125 : i32
      %add3A_537 = arith.addi %mul3A_4, %add3A_536 : i32
      %lt3A_538 = arith.cmpi slt, %add3A_501, %add3A_537 : i32
      %and3A_539 = arith.andi %ge3A_535, %lt3A_538 : i1
      %convert_element_type3A_540 = arith.extui %and3A_539 : i1 to i32
      %cond3A_541 = arith.constant 0 : i32
      %cond3A_542 = arith.cmpi ne, %convert_element_type3A_540, %cond3A_541 : i32
      scf.if %cond3A_542 {
        %add3A_678 = arith.constant 3 : i32
        %add3A_679 = arith.addi %mul3A_4, %add3A_678 : i32
        %ge3A_680 = arith.cmpi sge, %add3A_501, %add3A_679 : i32
        %convert_element_type3A_681 = arith.extui %ge3A_680 : i1 to i32
        %cond3A_682 = arith.constant 0 : i32
        %cond3A_683 = arith.cmpi ne, %convert_element_type3A_681, %cond3A_682 : i32
        scf.if %cond3A_683 {
          %dma_wait3A_691 = arith.constant 1 : i32
          %dma_wait3A_692 = arith.constant 0 : i32
          %dma_wait3A_693 = tpu.memref_slice %arg14[%dma_wait3A_691, %dma_wait3A_692] : memref<2x80xi32, #tpu.memory_space<vmem>> -> memref<1x80xi32, #tpu.memory_space<vmem>>
          %dma_wait3A_694 = tpu.memref_squeeze %dma_wait3A_693 : memref<1x80xi32, #tpu.memory_space<vmem>> -> memref<80xi32, #tpu.memory_space<vmem>>
          %dma_wait3A_695 = arith.constant 0 : i32
          %dma_wait3A_696 = arith.constant 0 : i32
          %dma_wait3A_697 = tpu.memref_slice %arg27[%dma_wait3A_695, %dma_wait3A_696] : memref<10240x16xf32, #tpu.memory_space<vmem_shared>> -> memref<10240x16xf32, #tpu.memory_space<vmem_shared>>
          tpu.wait_indirect_dma semaphore(%arg48 : memref<!tpu.dma_semaphore, #tpu.memory_space<semaphore_mem>>) src(%arg24 : memref<80x16xf32, #tpu.memory_space<vmem>>) dst(%dma_wait3A_697 : memref<10240x16xf32, #tpu.memory_space<vmem_shared>>)
        } else {
        }
        %dma_start3A_684 = arith.constant 1 : i32
        %dma_start3A_685 = arith.constant 0 : i32
        %dma_start3A_686 = tpu.memref_slice %arg20[%dma_start3A_684, %dma_start3A_685] : memref<2x80xi32, #tpu.memory_space<vmem>> -> memref<1x80xi32, #tpu.memory_space<vmem>>
        %dma_start3A_687 = tpu.memref_squeeze %dma_start3A_686 : memref<1x80xi32, #tpu.memory_space<vmem>> -> memref<80xi32, #tpu.memory_space<vmem>>
        %dma_start3A_688 = arith.constant 0 : i32
        %dma_start3A_689 = arith.constant 0 : i32
        %dma_start3A_690 = tpu.memref_slice %arg27[%dma_start3A_688, %dma_start3A_689] : memref<10240x16xf32, #tpu.memory_space<vmem_shared>> -> memref<10240x16xf32, #tpu.memory_space<vmem_shared>>
        tpu.enqueue_indirect_dma source(%arg24 : memref<80x16xf32, #tpu.memory_space<vmem>>) target(%dma_start3A_690 : memref<10240x16xf32, #tpu.memory_space<vmem_shared>>) offsets(%dma_start3A_687 : memref<80xi32, #tpu.memory_space<vmem>>) semaphore(%arg48 : memref<!tpu.dma_semaphore, #tpu.memory_space<semaphore_mem>>) {add = true}
      } else {
      }
      %mul3A_543 = arith.constant 10 : i32
      %mul3A_544 = arith.muli %add3A_230, %mul3A_543 : i32
      %add3A_545 = arith.constant 7 : i32
      %add3A_546 = arith.addi %mul3A_544, %add3A_545 : i32
      %add3A_547 = arith.constant 2 : i32
      %add3A_548 = arith.addi %add3A_546, %add3A_547 : i32
      %add3A_549 = arith.constant 4 : i32
      %add3A_550 = arith.addi %add3A_546, %add3A_549 : i32
      %lt3A_551 = arith.constant 250 : i32
      %lt3A_552 = arith.cmpi slt, %add3A_550, %lt3A_551 : i32
      %convert_element_type3A_553 = arith.extui %lt3A_552 : i1 to i32
      %cond3A_554 = arith.constant 0 : i32
      %cond3A_555 = arith.cmpi ne, %convert_element_type3A_553, %cond3A_554 : i32
      scf.if %cond3A_555 {
        %mul3A_678 = arith.constant 80 : i32
        %mul3A_679 = arith.muli %add3A_550, %mul3A_678 : i32
        %add3A_680 = arith.addi %mul3A_13, %mul3A_679 : i32
        %dma_start3A_681 = arith.constant 0 : i32
        %dma_start3A_682 = arith.constant 0 : i32
        %dma_start3A_683 = arith.constant 0 : i32
        %dma_start3A_684 = tpu.memref_slice %arg15[%dma_start3A_682, %dma_start3A_683] : memref<2x80xi32, #tpu.memory_space<vmem>> -> memref<1x80xi32, #tpu.memory_space<vmem>>
        %dma_start3A_685 = tpu.memref_squeeze %dma_start3A_684 : memref<1x80xi32, #tpu.memory_space<vmem>> -> memref<80xi32, #tpu.memory_space<vmem>>
        %dma_start3A_686 = tpu.memref_slice %arg3[%dma_start3A_681, %add3A_680] : memref<2x320000xi32, #tpu.memory_space<hbm>> -> memref<1x80xi32, #tpu.memory_space<hbm>>
        %dma_start3A_687 = tpu.memref_squeeze %dma_start3A_686 : memref<1x80xi32, #tpu.memory_space<hbm>> -> memref<80xi32, #tpu.memory_space<hbm>>
        %dma_start3A_688 = arith.constant 0 : i32
        %dma_start3A_689 = tpu.memref_slice %arg15[%dma_start3A_682, %dma_start3A_688] : memref<2x80xi32, #tpu.memory_space<vmem>> -> memref<1x80xi32, #tpu.memory_space<vmem>>
        %dma_start3A_690 = tpu.memref_squeeze %dma_start3A_689 : memref<1x80xi32, #tpu.memory_space<vmem>> -> memref<80xi32, #tpu.memory_space<vmem>>
        %dma_start3A_691 = tpu.memref_slice %arg3[%dma_start3A_681, %add3A_680] : memref<2x320000xi32, #tpu.memory_space<hbm>> -> memref<1x80xi32, #tpu.memory_space<hbm>>
        %dma_start3A_692 = tpu.memref_squeeze %dma_start3A_691 : memref<1x80xi32, #tpu.memory_space<hbm>> -> memref<80xi32, #tpu.memory_space<hbm>>
        tpu.enqueue_dma source(%dma_start3A_692 : memref<80xi32, #tpu.memory_space<hbm>>) target(%dma_start3A_690 : memref<80xi32, #tpu.memory_space<vmem>>) target_semaphore(%arg39 : memref<!tpu.dma_semaphore, #tpu.memory_space<semaphore_mem>>)
        %dma_start3A_693 = arith.constant 1 : i32
        %dma_start3A_694 = arith.constant 1 : i32
        %dma_start3A_695 = arith.constant 0 : i32
        %dma_start3A_696 = tpu.memref_slice %arg15[%dma_start3A_694, %dma_start3A_695] : memref<2x80xi32, #tpu.memory_space<vmem>> -> memref<1x80xi32, #tpu.memory_space<vmem>>
        %dma_start3A_697 = tpu.memref_squeeze %dma_start3A_696 : memref<1x80xi32, #tpu.memory_space<vmem>> -> memref<80xi32, #tpu.memory_space<vmem>>
        %dma_start3A_698 = tpu.memref_slice %arg3[%dma_start3A_693, %add3A_680] : memref<2x320000xi32, #tpu.memory_space<hbm>> -> memref<1x80xi32, #tpu.memory_space<hbm>>
        %dma_start3A_699 = tpu.memref_squeeze %dma_start3A_698 : memref<1x80xi32, #tpu.memory_space<hbm>> -> memref<80xi32, #tpu.memory_space<hbm>>
        %dma_start3A_700 = arith.constant 0 : i32
        %dma_start3A_701 = tpu.memref_slice %arg15[%dma_start3A_694, %dma_start3A_700] : memref<2x80xi32, #tpu.memory_space<vmem>> -> memref<1x80xi32, #tpu.memory_space<vmem>>
        %dma_start3A_702 = tpu.memref_squeeze %dma_start3A_701 : memref<1x80xi32, #tpu.memory_space<vmem>> -> memref<80xi32, #tpu.memory_space<vmem>>
        %dma_start3A_703 = tpu.memref_slice %arg3[%dma_start3A_693, %add3A_680] : memref<2x320000xi32, #tpu.memory_space<hbm>> -> memref<1x80xi32, #tpu.memory_space<hbm>>
        %dma_start3A_704 = tpu.memref_squeeze %dma_start3A_703 : memref<1x80xi32, #tpu.memory_space<hbm>> -> memref<80xi32, #tpu.memory_space<hbm>>
        tpu.enqueue_dma source(%dma_start3A_704 : memref<80xi32, #tpu.memory_space<hbm>>) target(%dma_start3A_702 : memref<80xi32, #tpu.memory_space<vmem>>) target_semaphore(%arg39 : memref<!tpu.dma_semaphore, #tpu.memory_space<semaphore_mem>>)
      } else {
      }
      %ge3A_556 = arith.constant 5 : i32
      %ge3A_557 = arith.cmpi sge, %add3A_548, %ge3A_556 : i32
      %convert_element_type3A_558 = arith.extui %ge3A_557 : i1 to i32
      %cond3A_559 = arith.constant 0 : i32
      %cond3A_560 = arith.cmpi ne, %convert_element_type3A_558, %cond3A_559 : i32
      scf.if %cond3A_560 {
        %dma_wait3A_678 = arith.constant 1 : i32
        %dma_wait3A_679 = arith.constant 0 : i32
        %dma_wait3A_680 = tpu.memref_slice %arg14[%dma_wait3A_678, %dma_wait3A_679] : memref<2x80xi32, #tpu.memory_space<vmem>> -> memref<1x80xi32, #tpu.memory_space<vmem>>
        %dma_wait3A_681 = tpu.memref_squeeze %dma_wait3A_680 : memref<1x80xi32, #tpu.memory_space<vmem>> -> memref<80xi32, #tpu.memory_space<vmem>>
        %dma_wait3A_682 = arith.constant 0 : i32
        %dma_wait3A_683 = arith.constant 0 : i32
        %dma_wait3A_684 = tpu.memref_slice %arg26[%dma_wait3A_682, %dma_wait3A_683] : memref<10240x64xf32, #tpu.memory_space<vmem_shared>> -> memref<10240x64xf32, #tpu.memory_space<vmem_shared>>
        tpu.wait_indirect_dma semaphore(%arg37 : memref<!tpu.dma_semaphore, #tpu.memory_space<semaphore_mem>>) src(%arg13 : memref<80x64xf32, #tpu.memory_space<vmem>>) dst(%dma_wait3A_684 : memref<10240x64xf32, #tpu.memory_space<vmem_shared>>)
      } else {
      }
      %lt3A_561 = arith.constant 250 : i32
      %lt3A_562 = arith.cmpi slt, %add3A_548, %lt3A_561 : i32
      %convert_element_type3A_563 = arith.extui %lt3A_562 : i1 to i32
      %cond3A_564 = arith.constant 0 : i32
      %cond3A_565 = arith.cmpi ne, %convert_element_type3A_563, %cond3A_564 : i32
      scf.if %cond3A_565 {
        %dma_wait3A_678 = arith.constant 0 : i32
        %dma_wait3A_679 = arith.constant 0 : i32
        %dma_wait3A_680 = arith.constant 0 : i32
        %dma_wait3A_681 = tpu.memref_slice %arg23[%dma_wait3A_679, %dma_wait3A_680] : memref<2x80xi32, #tpu.memory_space<vmem>> -> memref<1x80xi32, #tpu.memory_space<vmem>>
        %dma_wait3A_682 = tpu.memref_squeeze %dma_wait3A_681 : memref<1x80xi32, #tpu.memory_space<vmem>> -> memref<80xi32, #tpu.memory_space<vmem>>
        %dma_wait3A_683 = arith.constant 0 : i32
        %dma_wait3A_684 = tpu.memref_slice %arg3[%dma_wait3A_678, %dma_wait3A_683] : memref<2x320000xi32, #tpu.memory_space<hbm>> -> memref<1x80xi32, #tpu.memory_space<hbm>>
        %dma_wait3A_685 = tpu.memref_squeeze %dma_wait3A_684 : memref<1x80xi32, #tpu.memory_space<hbm>> -> memref<80xi32, #tpu.memory_space<hbm>>
        %dma_wait3A_686 = arith.constant 0 : i32
        %dma_wait3A_687 = tpu.memref_slice %arg23[%dma_wait3A_679, %dma_wait3A_686] : memref<2x80xi32, #tpu.memory_space<vmem>> -> memref<1x80xi32, #tpu.memory_space<vmem>>
        %dma_wait3A_688 = tpu.memref_squeeze %dma_wait3A_687 : memref<1x80xi32, #tpu.memory_space<vmem>> -> memref<80xi32, #tpu.memory_space<vmem>>
        %dma_wait3A_689 = arith.constant 0 : i32
        %dma_wait3A_690 = tpu.memref_slice %arg3[%dma_wait3A_678, %dma_wait3A_689] : memref<2x320000xi32, #tpu.memory_space<hbm>> -> memref<1x80xi32, #tpu.memory_space<hbm>>
        %dma_wait3A_691 = tpu.memref_squeeze %dma_wait3A_690 : memref<1x80xi32, #tpu.memory_space<hbm>> -> memref<80xi32, #tpu.memory_space<hbm>>
        tpu.wait_dma2 semaphore(%arg47 : memref<!tpu.dma_semaphore, #tpu.memory_space<semaphore_mem>>) src(%dma_wait3A_691 : memref<80xi32, #tpu.memory_space<hbm>>) dst(%dma_wait3A_688 : memref<80xi32, #tpu.memory_space<vmem>>)
        %dma_wait3A_692 = arith.constant 1 : i32
        %dma_wait3A_693 = arith.constant 1 : i32
        %dma_wait3A_694 = arith.constant 0 : i32
        %dma_wait3A_695 = tpu.memref_slice %arg23[%dma_wait3A_693, %dma_wait3A_694] : memref<2x80xi32, #tpu.memory_space<vmem>> -> memref<1x80xi32, #tpu.memory_space<vmem>>
        %dma_wait3A_696 = tpu.memref_squeeze %dma_wait3A_695 : memref<1x80xi32, #tpu.memory_space<vmem>> -> memref<80xi32, #tpu.memory_space<vmem>>
        %dma_wait3A_697 = arith.constant 0 : i32
        %dma_wait3A_698 = tpu.memref_slice %arg3[%dma_wait3A_692, %dma_wait3A_697] : memref<2x320000xi32, #tpu.memory_space<hbm>> -> memref<1x80xi32, #tpu.memory_space<hbm>>
        %dma_wait3A_699 = tpu.memref_squeeze %dma_wait3A_698 : memref<1x80xi32, #tpu.memory_space<hbm>> -> memref<80xi32, #tpu.memory_space<hbm>>
        %dma_wait3A_700 = arith.constant 0 : i32
        %dma_wait3A_701 = tpu.memref_slice %arg23[%dma_wait3A_693, %dma_wait3A_700] : memref<2x80xi32, #tpu.memory_space<vmem>> -> memref<1x80xi32, #tpu.memory_space<vmem>>
        %dma_wait3A_702 = tpu.memref_squeeze %dma_wait3A_701 : memref<1x80xi32, #tpu.memory_space<vmem>> -> memref<80xi32, #tpu.memory_space<vmem>>
        %dma_wait3A_703 = arith.constant 0 : i32
        %dma_wait3A_704 = tpu.memref_slice %arg3[%dma_wait3A_692, %dma_wait3A_703] : memref<2x320000xi32, #tpu.memory_space<hbm>> -> memref<1x80xi32, #tpu.memory_space<hbm>>
        %dma_wait3A_705 = tpu.memref_squeeze %dma_wait3A_704 : memref<1x80xi32, #tpu.memory_space<hbm>> -> memref<80xi32, #tpu.memory_space<hbm>>
        tpu.wait_dma2 semaphore(%arg47 : memref<!tpu.dma_semaphore, #tpu.memory_space<semaphore_mem>>) src(%dma_wait3A_705 : memref<80xi32, #tpu.memory_space<hbm>>) dst(%dma_wait3A_702 : memref<80xi32, #tpu.memory_space<vmem>>)
        %dma_start3A_706 = arith.constant 0 : i32
        %dma_start3A_707 = arith.constant 0 : i32
        %dma_start3A_708 = tpu.memref_slice %arg23[%dma_start3A_706, %dma_start3A_707] : memref<2x80xi32, #tpu.memory_space<vmem>> -> memref<1x80xi32, #tpu.memory_space<vmem>>
        %dma_start3A_709 = tpu.memref_squeeze %dma_start3A_708 : memref<1x80xi32, #tpu.memory_space<vmem>> -> memref<80xi32, #tpu.memory_space<vmem>>
        %dma_start3A_710 = arith.constant 0 : i32
        %dma_start3A_711 = arith.constant 0 : i32
        %dma_start3A_712 = tpu.memref_slice %arg25[%dma_start3A_710, %dma_start3A_711] : memref<10000x64xf32, #tpu.memory_space<vmem_shared>> -> memref<10000x64xf32, #tpu.memory_space<vmem_shared>>
        tpu.enqueue_indirect_dma source(%dma_start3A_712 : memref<10000x64xf32, #tpu.memory_space<vmem_shared>>) target(%arg13 : memref<80x64xf32, #tpu.memory_space<vmem>>) offsets(%dma_start3A_709 : memref<80xi32, #tpu.memory_space<vmem>>) semaphore(%arg32 : memref<!tpu.dma_semaphore, #tpu.memory_space<semaphore_mem>>)
      } else {
      }
      %dma_wait3A_566 = arith.constant 0 : i32
      %dma_wait3A_567 = arith.constant 0 : i32
      %dma_wait3A_568 = tpu.memref_slice %arg14[%dma_wait3A_566, %dma_wait3A_567] : memref<2x80xi32, #tpu.memory_space<vmem>> -> memref<1x80xi32, #tpu.memory_space<vmem>>
      %dma_wait3A_569 = tpu.memref_squeeze %dma_wait3A_568 : memref<1x80xi32, #tpu.memory_space<vmem>> -> memref<80xi32, #tpu.memory_space<vmem>>
      %dma_wait3A_570 = arith.constant 0 : i32
      %dma_wait3A_571 = arith.constant 0 : i32
      %dma_wait3A_572 = tpu.memref_slice %arg25[%dma_wait3A_570, %dma_wait3A_571] : memref<10000x64xf32, #tpu.memory_space<vmem_shared>> -> memref<10000x64xf32, #tpu.memory_space<vmem_shared>>
      tpu.wait_indirect_dma semaphore(%arg30 : memref<!tpu.dma_semaphore, #tpu.memory_space<semaphore_mem>>) src(%dma_wait3A_572 : memref<10000x64xf32, #tpu.memory_space<vmem_shared>>) dst(%arg11 : memref<80x64xf32, #tpu.memory_space<vmem>>)
      %dma_start3A_573 = arith.constant 1 : i32
      %dma_start3A_574 = arith.constant 0 : i32
      %dma_start3A_575 = tpu.memref_slice %arg21[%dma_start3A_573, %dma_start3A_574] : memref<2x80xi32, #tpu.memory_space<vmem>> -> memref<1x80xi32, #tpu.memory_space<vmem>>
      %dma_start3A_576 = tpu.memref_squeeze %dma_start3A_575 : memref<1x80xi32, #tpu.memory_space<vmem>> -> memref<80xi32, #tpu.memory_space<vmem>>
      %dma_start3A_577 = arith.constant 0 : i32
      %dma_start3A_578 = arith.constant 0 : i32
      %dma_start3A_579 = tpu.memref_slice %arg26[%dma_start3A_577, %dma_start3A_578] : memref<10240x64xf32, #tpu.memory_space<vmem_shared>> -> memref<10240x64xf32, #tpu.memory_space<vmem_shared>>
      tpu.enqueue_indirect_dma source(%arg11 : memref<80x64xf32, #tpu.memory_space<vmem>>) target(%dma_start3A_579 : memref<10240x64xf32, #tpu.memory_space<vmem_shared>>) offsets(%dma_start3A_576 : memref<80xi32, #tpu.memory_space<vmem>>) semaphore(%arg35 : memref<!tpu.dma_semaphore, #tpu.memory_space<semaphore_mem>>) {add = true}
      %ge3A_580 = arith.cmpi sge, %add3A_546, %mul3A_4 : i32
      %add3A_581 = arith.constant 125 : i32
      %add3A_582 = arith.addi %mul3A_4, %add3A_581 : i32
      %lt3A_583 = arith.cmpi slt, %add3A_546, %add3A_582 : i32
      %and3A_584 = arith.andi %ge3A_580, %lt3A_583 : i1
      %convert_element_type3A_585 = arith.extui %and3A_584 : i1 to i32
      %cond3A_586 = arith.constant 0 : i32
      %cond3A_587 = arith.cmpi ne, %convert_element_type3A_585, %cond3A_586 : i32
      scf.if %cond3A_587 {
        %add3A_678 = arith.constant 3 : i32
        %add3A_679 = arith.addi %mul3A_4, %add3A_678 : i32
        %ge3A_680 = arith.cmpi sge, %add3A_546, %add3A_679 : i32
        %convert_element_type3A_681 = arith.extui %ge3A_680 : i1 to i32
        %cond3A_682 = arith.constant 0 : i32
        %cond3A_683 = arith.cmpi ne, %convert_element_type3A_681, %cond3A_682 : i32
        scf.if %cond3A_683 {
          %dma_wait3A_691 = arith.constant 1 : i32
          %dma_wait3A_692 = arith.constant 0 : i32
          %dma_wait3A_693 = tpu.memref_slice %arg14[%dma_wait3A_691, %dma_wait3A_692] : memref<2x80xi32, #tpu.memory_space<vmem>> -> memref<1x80xi32, #tpu.memory_space<vmem>>
          %dma_wait3A_694 = tpu.memref_squeeze %dma_wait3A_693 : memref<1x80xi32, #tpu.memory_space<vmem>> -> memref<80xi32, #tpu.memory_space<vmem>>
          %dma_wait3A_695 = arith.constant 0 : i32
          %dma_wait3A_696 = arith.constant 0 : i32
          %dma_wait3A_697 = tpu.memref_slice %arg27[%dma_wait3A_695, %dma_wait3A_696] : memref<10240x16xf32, #tpu.memory_space<vmem_shared>> -> memref<10240x16xf32, #tpu.memory_space<vmem_shared>>
          tpu.wait_indirect_dma semaphore(%arg48 : memref<!tpu.dma_semaphore, #tpu.memory_space<semaphore_mem>>) src(%arg24 : memref<80x16xf32, #tpu.memory_space<vmem>>) dst(%dma_wait3A_697 : memref<10240x16xf32, #tpu.memory_space<vmem_shared>>)
        } else {
        }
        %dma_start3A_684 = arith.constant 1 : i32
        %dma_start3A_685 = arith.constant 0 : i32
        %dma_start3A_686 = tpu.memref_slice %arg21[%dma_start3A_684, %dma_start3A_685] : memref<2x80xi32, #tpu.memory_space<vmem>> -> memref<1x80xi32, #tpu.memory_space<vmem>>
        %dma_start3A_687 = tpu.memref_squeeze %dma_start3A_686 : memref<1x80xi32, #tpu.memory_space<vmem>> -> memref<80xi32, #tpu.memory_space<vmem>>
        %dma_start3A_688 = arith.constant 0 : i32
        %dma_start3A_689 = arith.constant 0 : i32
        %dma_start3A_690 = tpu.memref_slice %arg27[%dma_start3A_688, %dma_start3A_689] : memref<10240x16xf32, #tpu.memory_space<vmem_shared>> -> memref<10240x16xf32, #tpu.memory_space<vmem_shared>>
        tpu.enqueue_indirect_dma source(%arg24 : memref<80x16xf32, #tpu.memory_space<vmem>>) target(%dma_start3A_690 : memref<10240x16xf32, #tpu.memory_space<vmem_shared>>) offsets(%dma_start3A_687 : memref<80xi32, #tpu.memory_space<vmem>>) semaphore(%arg48 : memref<!tpu.dma_semaphore, #tpu.memory_space<semaphore_mem>>) {add = true}
      } else {
      }
      %mul3A_588 = arith.constant 10 : i32
      %mul3A_589 = arith.muli %add3A_230, %mul3A_588 : i32
      %add3A_590 = arith.constant 8 : i32
      %add3A_591 = arith.addi %mul3A_589, %add3A_590 : i32
      %add3A_592 = arith.constant 2 : i32
      %add3A_593 = arith.addi %add3A_591, %add3A_592 : i32
      %add3A_594 = arith.constant 4 : i32
      %add3A_595 = arith.addi %add3A_591, %add3A_594 : i32
      %lt3A_596 = arith.constant 250 : i32
      %lt3A_597 = arith.cmpi slt, %add3A_595, %lt3A_596 : i32
      %convert_element_type3A_598 = arith.extui %lt3A_597 : i1 to i32
      %cond3A_599 = arith.constant 0 : i32
      %cond3A_600 = arith.cmpi ne, %convert_element_type3A_598, %cond3A_599 : i32
      scf.if %cond3A_600 {
        %mul3A_678 = arith.constant 80 : i32
        %mul3A_679 = arith.muli %add3A_595, %mul3A_678 : i32
        %add3A_680 = arith.addi %mul3A_13, %mul3A_679 : i32
        %dma_start3A_681 = arith.constant 0 : i32
        %dma_start3A_682 = arith.constant 0 : i32
        %dma_start3A_683 = arith.constant 0 : i32
        %dma_start3A_684 = tpu.memref_slice %arg16[%dma_start3A_682, %dma_start3A_683] : memref<2x80xi32, #tpu.memory_space<vmem>> -> memref<1x80xi32, #tpu.memory_space<vmem>>
        %dma_start3A_685 = tpu.memref_squeeze %dma_start3A_684 : memref<1x80xi32, #tpu.memory_space<vmem>> -> memref<80xi32, #tpu.memory_space<vmem>>
        %dma_start3A_686 = tpu.memref_slice %arg3[%dma_start3A_681, %add3A_680] : memref<2x320000xi32, #tpu.memory_space<hbm>> -> memref<1x80xi32, #tpu.memory_space<hbm>>
        %dma_start3A_687 = tpu.memref_squeeze %dma_start3A_686 : memref<1x80xi32, #tpu.memory_space<hbm>> -> memref<80xi32, #tpu.memory_space<hbm>>
        %dma_start3A_688 = arith.constant 0 : i32
        %dma_start3A_689 = tpu.memref_slice %arg16[%dma_start3A_682, %dma_start3A_688] : memref<2x80xi32, #tpu.memory_space<vmem>> -> memref<1x80xi32, #tpu.memory_space<vmem>>
        %dma_start3A_690 = tpu.memref_squeeze %dma_start3A_689 : memref<1x80xi32, #tpu.memory_space<vmem>> -> memref<80xi32, #tpu.memory_space<vmem>>
        %dma_start3A_691 = tpu.memref_slice %arg3[%dma_start3A_681, %add3A_680] : memref<2x320000xi32, #tpu.memory_space<hbm>> -> memref<1x80xi32, #tpu.memory_space<hbm>>
        %dma_start3A_692 = tpu.memref_squeeze %dma_start3A_691 : memref<1x80xi32, #tpu.memory_space<hbm>> -> memref<80xi32, #tpu.memory_space<hbm>>
        tpu.enqueue_dma source(%dma_start3A_692 : memref<80xi32, #tpu.memory_space<hbm>>) target(%dma_start3A_690 : memref<80xi32, #tpu.memory_space<vmem>>) target_semaphore(%arg40 : memref<!tpu.dma_semaphore, #tpu.memory_space<semaphore_mem>>)
        %dma_start3A_693 = arith.constant 1 : i32
        %dma_start3A_694 = arith.constant 1 : i32
        %dma_start3A_695 = arith.constant 0 : i32
        %dma_start3A_696 = tpu.memref_slice %arg16[%dma_start3A_694, %dma_start3A_695] : memref<2x80xi32, #tpu.memory_space<vmem>> -> memref<1x80xi32, #tpu.memory_space<vmem>>
        %dma_start3A_697 = tpu.memref_squeeze %dma_start3A_696 : memref<1x80xi32, #tpu.memory_space<vmem>> -> memref<80xi32, #tpu.memory_space<vmem>>
        %dma_start3A_698 = tpu.memref_slice %arg3[%dma_start3A_693, %add3A_680] : memref<2x320000xi32, #tpu.memory_space<hbm>> -> memref<1x80xi32, #tpu.memory_space<hbm>>
        %dma_start3A_699 = tpu.memref_squeeze %dma_start3A_698 : memref<1x80xi32, #tpu.memory_space<hbm>> -> memref<80xi32, #tpu.memory_space<hbm>>
        %dma_start3A_700 = arith.constant 0 : i32
        %dma_start3A_701 = tpu.memref_slice %arg16[%dma_start3A_694, %dma_start3A_700] : memref<2x80xi32, #tpu.memory_space<vmem>> -> memref<1x80xi32, #tpu.memory_space<vmem>>
        %dma_start3A_702 = tpu.memref_squeeze %dma_start3A_701 : memref<1x80xi32, #tpu.memory_space<vmem>> -> memref<80xi32, #tpu.memory_space<vmem>>
        %dma_start3A_703 = tpu.memref_slice %arg3[%dma_start3A_693, %add3A_680] : memref<2x320000xi32, #tpu.memory_space<hbm>> -> memref<1x80xi32, #tpu.memory_space<hbm>>
        %dma_start3A_704 = tpu.memref_squeeze %dma_start3A_703 : memref<1x80xi32, #tpu.memory_space<hbm>> -> memref<80xi32, #tpu.memory_space<hbm>>
        tpu.enqueue_dma source(%dma_start3A_704 : memref<80xi32, #tpu.memory_space<hbm>>) target(%dma_start3A_702 : memref<80xi32, #tpu.memory_space<vmem>>) target_semaphore(%arg40 : memref<!tpu.dma_semaphore, #tpu.memory_space<semaphore_mem>>)
      } else {
      }
      %ge3A_601 = arith.constant 5 : i32
      %ge3A_602 = arith.cmpi sge, %add3A_593, %ge3A_601 : i32
      %convert_element_type3A_603 = arith.extui %ge3A_602 : i1 to i32
      %cond3A_604 = arith.constant 0 : i32
      %cond3A_605 = arith.cmpi ne, %convert_element_type3A_603, %cond3A_604 : i32
      scf.if %cond3A_605 {
        %dma_wait3A_678 = arith.constant 1 : i32
        %dma_wait3A_679 = arith.constant 0 : i32
        %dma_wait3A_680 = tpu.memref_slice %arg14[%dma_wait3A_678, %dma_wait3A_679] : memref<2x80xi32, #tpu.memory_space<vmem>> -> memref<1x80xi32, #tpu.memory_space<vmem>>
        %dma_wait3A_681 = tpu.memref_squeeze %dma_wait3A_680 : memref<1x80xi32, #tpu.memory_space<vmem>> -> memref<80xi32, #tpu.memory_space<vmem>>
        %dma_wait3A_682 = arith.constant 0 : i32
        %dma_wait3A_683 = arith.constant 0 : i32
        %dma_wait3A_684 = tpu.memref_slice %arg26[%dma_wait3A_682, %dma_wait3A_683] : memref<10240x64xf32, #tpu.memory_space<vmem_shared>> -> memref<10240x64xf32, #tpu.memory_space<vmem_shared>>
        tpu.wait_indirect_dma semaphore(%arg33 : memref<!tpu.dma_semaphore, #tpu.memory_space<semaphore_mem>>) src(%arg9 : memref<80x64xf32, #tpu.memory_space<vmem>>) dst(%dma_wait3A_684 : memref<10240x64xf32, #tpu.memory_space<vmem_shared>>)
      } else {
      }
      %lt3A_606 = arith.constant 250 : i32
      %lt3A_607 = arith.cmpi slt, %add3A_593, %lt3A_606 : i32
      %convert_element_type3A_608 = arith.extui %lt3A_607 : i1 to i32
      %cond3A_609 = arith.constant 0 : i32
      %cond3A_610 = arith.cmpi ne, %convert_element_type3A_608, %cond3A_609 : i32
      scf.if %cond3A_610 {
        %dma_wait3A_678 = arith.constant 0 : i32
        %dma_wait3A_679 = arith.constant 0 : i32
        %dma_wait3A_680 = arith.constant 0 : i32
        %dma_wait3A_681 = tpu.memref_slice %arg14[%dma_wait3A_679, %dma_wait3A_680] : memref<2x80xi32, #tpu.memory_space<vmem>> -> memref<1x80xi32, #tpu.memory_space<vmem>>
        %dma_wait3A_682 = tpu.memref_squeeze %dma_wait3A_681 : memref<1x80xi32, #tpu.memory_space<vmem>> -> memref<80xi32, #tpu.memory_space<vmem>>
        %dma_wait3A_683 = arith.constant 0 : i32
        %dma_wait3A_684 = tpu.memref_slice %arg3[%dma_wait3A_678, %dma_wait3A_683] : memref<2x320000xi32, #tpu.memory_space<hbm>> -> memref<1x80xi32, #tpu.memory_space<hbm>>
        %dma_wait3A_685 = tpu.memref_squeeze %dma_wait3A_684 : memref<1x80xi32, #tpu.memory_space<hbm>> -> memref<80xi32, #tpu.memory_space<hbm>>
        %dma_wait3A_686 = arith.constant 0 : i32
        %dma_wait3A_687 = tpu.memref_slice %arg14[%dma_wait3A_679, %dma_wait3A_686] : memref<2x80xi32, #tpu.memory_space<vmem>> -> memref<1x80xi32, #tpu.memory_space<vmem>>
        %dma_wait3A_688 = tpu.memref_squeeze %dma_wait3A_687 : memref<1x80xi32, #tpu.memory_space<vmem>> -> memref<80xi32, #tpu.memory_space<vmem>>
        %dma_wait3A_689 = arith.constant 0 : i32
        %dma_wait3A_690 = tpu.memref_slice %arg3[%dma_wait3A_678, %dma_wait3A_689] : memref<2x320000xi32, #tpu.memory_space<hbm>> -> memref<1x80xi32, #tpu.memory_space<hbm>>
        %dma_wait3A_691 = tpu.memref_squeeze %dma_wait3A_690 : memref<1x80xi32, #tpu.memory_space<hbm>> -> memref<80xi32, #tpu.memory_space<hbm>>
        tpu.wait_dma2 semaphore(%arg38 : memref<!tpu.dma_semaphore, #tpu.memory_space<semaphore_mem>>) src(%dma_wait3A_691 : memref<80xi32, #tpu.memory_space<hbm>>) dst(%dma_wait3A_688 : memref<80xi32, #tpu.memory_space<vmem>>)
        %dma_wait3A_692 = arith.constant 1 : i32
        %dma_wait3A_693 = arith.constant 1 : i32
        %dma_wait3A_694 = arith.constant 0 : i32
        %dma_wait3A_695 = tpu.memref_slice %arg14[%dma_wait3A_693, %dma_wait3A_694] : memref<2x80xi32, #tpu.memory_space<vmem>> -> memref<1x80xi32, #tpu.memory_space<vmem>>
        %dma_wait3A_696 = tpu.memref_squeeze %dma_wait3A_695 : memref<1x80xi32, #tpu.memory_space<vmem>> -> memref<80xi32, #tpu.memory_space<vmem>>
        %dma_wait3A_697 = arith.constant 0 : i32
        %dma_wait3A_698 = tpu.memref_slice %arg3[%dma_wait3A_692, %dma_wait3A_697] : memref<2x320000xi32, #tpu.memory_space<hbm>> -> memref<1x80xi32, #tpu.memory_space<hbm>>
        %dma_wait3A_699 = tpu.memref_squeeze %dma_wait3A_698 : memref<1x80xi32, #tpu.memory_space<hbm>> -> memref<80xi32, #tpu.memory_space<hbm>>
        %dma_wait3A_700 = arith.constant 0 : i32
        %dma_wait3A_701 = tpu.memref_slice %arg14[%dma_wait3A_693, %dma_wait3A_700] : memref<2x80xi32, #tpu.memory_space<vmem>> -> memref<1x80xi32, #tpu.memory_space<vmem>>
        %dma_wait3A_702 = tpu.memref_squeeze %dma_wait3A_701 : memref<1x80xi32, #tpu.memory_space<vmem>> -> memref<80xi32, #tpu.memory_space<vmem>>
        %dma_wait3A_703 = arith.constant 0 : i32
        %dma_wait3A_704 = tpu.memref_slice %arg3[%dma_wait3A_692, %dma_wait3A_703] : memref<2x320000xi32, #tpu.memory_space<hbm>> -> memref<1x80xi32, #tpu.memory_space<hbm>>
        %dma_wait3A_705 = tpu.memref_squeeze %dma_wait3A_704 : memref<1x80xi32, #tpu.memory_space<hbm>> -> memref<80xi32, #tpu.memory_space<hbm>>
        tpu.wait_dma2 semaphore(%arg38 : memref<!tpu.dma_semaphore, #tpu.memory_space<semaphore_mem>>) src(%dma_wait3A_705 : memref<80xi32, #tpu.memory_space<hbm>>) dst(%dma_wait3A_702 : memref<80xi32, #tpu.memory_space<vmem>>)
        %dma_start3A_706 = arith.constant 0 : i32
        %dma_start3A_707 = arith.constant 0 : i32
        %dma_start3A_708 = tpu.memref_slice %arg14[%dma_start3A_706, %dma_start3A_707] : memref<2x80xi32, #tpu.memory_space<vmem>> -> memref<1x80xi32, #tpu.memory_space<vmem>>
        %dma_start3A_709 = tpu.memref_squeeze %dma_start3A_708 : memref<1x80xi32, #tpu.memory_space<vmem>> -> memref<80xi32, #tpu.memory_space<vmem>>
        %dma_start3A_710 = arith.constant 0 : i32
        %dma_start3A_711 = arith.constant 0 : i32
        %dma_start3A_712 = tpu.memref_slice %arg25[%dma_start3A_710, %dma_start3A_711] : memref<10000x64xf32, #tpu.memory_space<vmem_shared>> -> memref<10000x64xf32, #tpu.memory_space<vmem_shared>>
        tpu.enqueue_indirect_dma source(%dma_start3A_712 : memref<10000x64xf32, #tpu.memory_space<vmem_shared>>) target(%arg9 : memref<80x64xf32, #tpu.memory_space<vmem>>) offsets(%dma_start3A_709 : memref<80xi32, #tpu.memory_space<vmem>>) semaphore(%arg28 : memref<!tpu.dma_semaphore, #tpu.memory_space<semaphore_mem>>)
      } else {
      }
      %dma_wait3A_611 = arith.constant 0 : i32
      %dma_wait3A_612 = arith.constant 0 : i32
      %dma_wait3A_613 = tpu.memref_slice %arg14[%dma_wait3A_611, %dma_wait3A_612] : memref<2x80xi32, #tpu.memory_space<vmem>> -> memref<1x80xi32, #tpu.memory_space<vmem>>
      %dma_wait3A_614 = tpu.memref_squeeze %dma_wait3A_613 : memref<1x80xi32, #tpu.memory_space<vmem>> -> memref<80xi32, #tpu.memory_space<vmem>>
      %dma_wait3A_615 = arith.constant 0 : i32
      %dma_wait3A_616 = arith.constant 0 : i32
      %dma_wait3A_617 = tpu.memref_slice %arg25[%dma_wait3A_615, %dma_wait3A_616] : memref<10000x64xf32, #tpu.memory_space<vmem_shared>> -> memref<10000x64xf32, #tpu.memory_space<vmem_shared>>
      tpu.wait_indirect_dma semaphore(%arg31 : memref<!tpu.dma_semaphore, #tpu.memory_space<semaphore_mem>>) src(%dma_wait3A_617 : memref<10000x64xf32, #tpu.memory_space<vmem_shared>>) dst(%arg12 : memref<80x64xf32, #tpu.memory_space<vmem>>)
      %dma_start3A_618 = arith.constant 1 : i32
      %dma_start3A_619 = arith.constant 0 : i32
      %dma_start3A_620 = tpu.memref_slice %arg22[%dma_start3A_618, %dma_start3A_619] : memref<2x80xi32, #tpu.memory_space<vmem>> -> memref<1x80xi32, #tpu.memory_space<vmem>>
      %dma_start3A_621 = tpu.memref_squeeze %dma_start3A_620 : memref<1x80xi32, #tpu.memory_space<vmem>> -> memref<80xi32, #tpu.memory_space<vmem>>
      %dma_start3A_622 = arith.constant 0 : i32
      %dma_start3A_623 = arith.constant 0 : i32
      %dma_start3A_624 = tpu.memref_slice %arg26[%dma_start3A_622, %dma_start3A_623] : memref<10240x64xf32, #tpu.memory_space<vmem_shared>> -> memref<10240x64xf32, #tpu.memory_space<vmem_shared>>
      tpu.enqueue_indirect_dma source(%arg12 : memref<80x64xf32, #tpu.memory_space<vmem>>) target(%dma_start3A_624 : memref<10240x64xf32, #tpu.memory_space<vmem_shared>>) offsets(%dma_start3A_621 : memref<80xi32, #tpu.memory_space<vmem>>) semaphore(%arg36 : memref<!tpu.dma_semaphore, #tpu.memory_space<semaphore_mem>>) {add = true}
      %ge3A_625 = arith.cmpi sge, %add3A_591, %mul3A_4 : i32
      %add3A_626 = arith.constant 125 : i32
      %add3A_627 = arith.addi %mul3A_4, %add3A_626 : i32
      %lt3A_628 = arith.cmpi slt, %add3A_591, %add3A_627 : i32
      %and3A_629 = arith.andi %ge3A_625, %lt3A_628 : i1
      %convert_element_type3A_630 = arith.extui %and3A_629 : i1 to i32
      %cond3A_631 = arith.constant 0 : i32
      %cond3A_632 = arith.cmpi ne, %convert_element_type3A_630, %cond3A_631 : i32
      scf.if %cond3A_632 {
        %add3A_678 = arith.constant 3 : i32
        %add3A_679 = arith.addi %mul3A_4, %add3A_678 : i32
        %ge3A_680 = arith.cmpi sge, %add3A_591, %add3A_679 : i32
        %convert_element_type3A_681 = arith.extui %ge3A_680 : i1 to i32
        %cond3A_682 = arith.constant 0 : i32
        %cond3A_683 = arith.cmpi ne, %convert_element_type3A_681, %cond3A_682 : i32
        scf.if %cond3A_683 {
          %dma_wait3A_691 = arith.constant 1 : i32
          %dma_wait3A_692 = arith.constant 0 : i32
          %dma_wait3A_693 = tpu.memref_slice %arg14[%dma_wait3A_691, %dma_wait3A_692] : memref<2x80xi32, #tpu.memory_space<vmem>> -> memref<1x80xi32, #tpu.memory_space<vmem>>
          %dma_wait3A_694 = tpu.memref_squeeze %dma_wait3A_693 : memref<1x80xi32, #tpu.memory_space<vmem>> -> memref<80xi32, #tpu.memory_space<vmem>>
          %dma_wait3A_695 = arith.constant 0 : i32
          %dma_wait3A_696 = arith.constant 0 : i32
          %dma_wait3A_697 = tpu.memref_slice %arg27[%dma_wait3A_695, %dma_wait3A_696] : memref<10240x16xf32, #tpu.memory_space<vmem_shared>> -> memref<10240x16xf32, #tpu.memory_space<vmem_shared>>
          tpu.wait_indirect_dma semaphore(%arg48 : memref<!tpu.dma_semaphore, #tpu.memory_space<semaphore_mem>>) src(%arg24 : memref<80x16xf32, #tpu.memory_space<vmem>>) dst(%dma_wait3A_697 : memref<10240x16xf32, #tpu.memory_space<vmem_shared>>)
        } else {
        }
        %dma_start3A_684 = arith.constant 1 : i32
        %dma_start3A_685 = arith.constant 0 : i32
        %dma_start3A_686 = tpu.memref_slice %arg22[%dma_start3A_684, %dma_start3A_685] : memref<2x80xi32, #tpu.memory_space<vmem>> -> memref<1x80xi32, #tpu.memory_space<vmem>>
        %dma_start3A_687 = tpu.memref_squeeze %dma_start3A_686 : memref<1x80xi32, #tpu.memory_space<vmem>> -> memref<80xi32, #tpu.memory_space<vmem>>
        %dma_start3A_688 = arith.constant 0 : i32
        %dma_start3A_689 = arith.constant 0 : i32
        %dma_start3A_690 = tpu.memref_slice %arg27[%dma_start3A_688, %dma_start3A_689] : memref<10240x16xf32, #tpu.memory_space<vmem_shared>> -> memref<10240x16xf32, #tpu.memory_space<vmem_shared>>
        tpu.enqueue_indirect_dma source(%arg24 : memref<80x16xf32, #tpu.memory_space<vmem>>) target(%dma_start3A_690 : memref<10240x16xf32, #tpu.memory_space<vmem_shared>>) offsets(%dma_start3A_687 : memref<80xi32, #tpu.memory_space<vmem>>) semaphore(%arg48 : memref<!tpu.dma_semaphore, #tpu.memory_space<semaphore_mem>>) {add = true}
      } else {
      }
      %mul3A_633 = arith.constant 10 : i32
      %mul3A_634 = arith.muli %add3A_230, %mul3A_633 : i32
      %add3A_635 = arith.constant 9 : i32
      %add3A_636 = arith.addi %mul3A_634, %add3A_635 : i32
      %add3A_637 = arith.constant 2 : i32
      %add3A_638 = arith.addi %add3A_636, %add3A_637 : i32
      %add3A_639 = arith.constant 4 : i32
      %add3A_640 = arith.addi %add3A_636, %add3A_639 : i32
      %lt3A_641 = arith.constant 250 : i32
      %lt3A_642 = arith.cmpi slt, %add3A_640, %lt3A_641 : i32
      %convert_element_type3A_643 = arith.extui %lt3A_642 : i1 to i32
      %cond3A_644 = arith.constant 0 : i32
      %cond3A_645 = arith.cmpi ne, %convert_element_type3A_643, %cond3A_644 : i32
      scf.if %cond3A_645 {
        %mul3A_678 = arith.constant 80 : i32
        %mul3A_679 = arith.muli %add3A_640, %mul3A_678 : i32
        %add3A_680 = arith.addi %mul3A_13, %mul3A_679 : i32
        %dma_start3A_681 = arith.constant 0 : i32
        %dma_start3A_682 = arith.constant 0 : i32
        %dma_start3A_683 = arith.constant 0 : i32
        %dma_start3A_684 = tpu.memref_slice %arg17[%dma_start3A_682, %dma_start3A_683] : memref<2x80xi32, #tpu.memory_space<vmem>> -> memref<1x80xi32, #tpu.memory_space<vmem>>
        %dma_start3A_685 = tpu.memref_squeeze %dma_start3A_684 : memref<1x80xi32, #tpu.memory_space<vmem>> -> memref<80xi32, #tpu.memory_space<vmem>>
        %dma_start3A_686 = tpu.memref_slice %arg3[%dma_start3A_681, %add3A_680] : memref<2x320000xi32, #tpu.memory_space<hbm>> -> memref<1x80xi32, #tpu.memory_space<hbm>>
        %dma_start3A_687 = tpu.memref_squeeze %dma_start3A_686 : memref<1x80xi32, #tpu.memory_space<hbm>> -> memref<80xi32, #tpu.memory_space<hbm>>
        %dma_start3A_688 = arith.constant 0 : i32
        %dma_start3A_689 = tpu.memref_slice %arg17[%dma_start3A_682, %dma_start3A_688] : memref<2x80xi32, #tpu.memory_space<vmem>> -> memref<1x80xi32, #tpu.memory_space<vmem>>
        %dma_start3A_690 = tpu.memref_squeeze %dma_start3A_689 : memref<1x80xi32, #tpu.memory_space<vmem>> -> memref<80xi32, #tpu.memory_space<vmem>>
        %dma_start3A_691 = tpu.memref_slice %arg3[%dma_start3A_681, %add3A_680] : memref<2x320000xi32, #tpu.memory_space<hbm>> -> memref<1x80xi32, #tpu.memory_space<hbm>>
        %dma_start3A_692 = tpu.memref_squeeze %dma_start3A_691 : memref<1x80xi32, #tpu.memory_space<hbm>> -> memref<80xi32, #tpu.memory_space<hbm>>
        tpu.enqueue_dma source(%dma_start3A_692 : memref<80xi32, #tpu.memory_space<hbm>>) target(%dma_start3A_690 : memref<80xi32, #tpu.memory_space<vmem>>) target_semaphore(%arg41 : memref<!tpu.dma_semaphore, #tpu.memory_space<semaphore_mem>>)
        %dma_start3A_693 = arith.constant 1 : i32
        %dma_start3A_694 = arith.constant 1 : i32
        %dma_start3A_695 = arith.constant 0 : i32
        %dma_start3A_696 = tpu.memref_slice %arg17[%dma_start3A_694, %dma_start3A_695] : memref<2x80xi32, #tpu.memory_space<vmem>> -> memref<1x80xi32, #tpu.memory_space<vmem>>
        %dma_start3A_697 = tpu.memref_squeeze %dma_start3A_696 : memref<1x80xi32, #tpu.memory_space<vmem>> -> memref<80xi32, #tpu.memory_space<vmem>>
        %dma_start3A_698 = tpu.memref_slice %arg3[%dma_start3A_693, %add3A_680] : memref<2x320000xi32, #tpu.memory_space<hbm>> -> memref<1x80xi32, #tpu.memory_space<hbm>>
        %dma_start3A_699 = tpu.memref_squeeze %dma_start3A_698 : memref<1x80xi32, #tpu.memory_space<hbm>> -> memref<80xi32, #tpu.memory_space<hbm>>
        %dma_start3A_700 = arith.constant 0 : i32
        %dma_start3A_701 = tpu.memref_slice %arg17[%dma_start3A_694, %dma_start3A_700] : memref<2x80xi32, #tpu.memory_space<vmem>> -> memref<1x80xi32, #tpu.memory_space<vmem>>
        %dma_start3A_702 = tpu.memref_squeeze %dma_start3A_701 : memref<1x80xi32, #tpu.memory_space<vmem>> -> memref<80xi32, #tpu.memory_space<vmem>>
        %dma_start3A_703 = tpu.memref_slice %arg3[%dma_start3A_693, %add3A_680] : memref<2x320000xi32, #tpu.memory_space<hbm>> -> memref<1x80xi32, #tpu.memory_space<hbm>>
        %dma_start3A_704 = tpu.memref_squeeze %dma_start3A_703 : memref<1x80xi32, #tpu.memory_space<hbm>> -> memref<80xi32, #tpu.memory_space<hbm>>
        tpu.enqueue_dma source(%dma_start3A_704 : memref<80xi32, #tpu.memory_space<hbm>>) target(%dma_start3A_702 : memref<80xi32, #tpu.memory_space<vmem>>) target_semaphore(%arg41 : memref<!tpu.dma_semaphore, #tpu.memory_space<semaphore_mem>>)
      } else {
      }
      %ge3A_646 = arith.constant 5 : i32
      %ge3A_647 = arith.cmpi sge, %add3A_638, %ge3A_646 : i32
      %convert_element_type3A_648 = arith.extui %ge3A_647 : i1 to i32
      %cond3A_649 = arith.constant 0 : i32
      %cond3A_650 = arith.cmpi ne, %convert_element_type3A_648, %cond3A_649 : i32
      scf.if %cond3A_650 {
        %dma_wait3A_678 = arith.constant 1 : i32
        %dma_wait3A_679 = arith.constant 0 : i32
        %dma_wait3A_680 = tpu.memref_slice %arg14[%dma_wait3A_678, %dma_wait3A_679] : memref<2x80xi32, #tpu.memory_space<vmem>> -> memref<1x80xi32, #tpu.memory_space<vmem>>
        %dma_wait3A_681 = tpu.memref_squeeze %dma_wait3A_680 : memref<1x80xi32, #tpu.memory_space<vmem>> -> memref<80xi32, #tpu.memory_space<vmem>>
        %dma_wait3A_682 = arith.constant 0 : i32
        %dma_wait3A_683 = arith.constant 0 : i32
        %dma_wait3A_684 = tpu.memref_slice %arg26[%dma_wait3A_682, %dma_wait3A_683] : memref<10240x64xf32, #tpu.memory_space<vmem_shared>> -> memref<10240x64xf32, #tpu.memory_space<vmem_shared>>
        tpu.wait_indirect_dma semaphore(%arg34 : memref<!tpu.dma_semaphore, #tpu.memory_space<semaphore_mem>>) src(%arg10 : memref<80x64xf32, #tpu.memory_space<vmem>>) dst(%dma_wait3A_684 : memref<10240x64xf32, #tpu.memory_space<vmem_shared>>)
      } else {
      }
      %lt3A_651 = arith.constant 250 : i32
      %lt3A_652 = arith.cmpi slt, %add3A_638, %lt3A_651 : i32
      %convert_element_type3A_653 = arith.extui %lt3A_652 : i1 to i32
      %cond3A_654 = arith.constant 0 : i32
      %cond3A_655 = arith.cmpi ne, %convert_element_type3A_653, %cond3A_654 : i32
      scf.if %cond3A_655 {
        %dma_wait3A_678 = arith.constant 0 : i32
        %dma_wait3A_679 = arith.constant 0 : i32
        %dma_wait3A_680 = arith.constant 0 : i32
        %dma_wait3A_681 = tpu.memref_slice %arg15[%dma_wait3A_679, %dma_wait3A_680] : memref<2x80xi32, #tpu.memory_space<vmem>> -> memref<1x80xi32, #tpu.memory_space<vmem>>
        %dma_wait3A_682 = tpu.memref_squeeze %dma_wait3A_681 : memref<1x80xi32, #tpu.memory_space<vmem>> -> memref<80xi32, #tpu.memory_space<vmem>>
        %dma_wait3A_683 = arith.constant 0 : i32
        %dma_wait3A_684 = tpu.memref_slice %arg3[%dma_wait3A_678, %dma_wait3A_683] : memref<2x320000xi32, #tpu.memory_space<hbm>> -> memref<1x80xi32, #tpu.memory_space<hbm>>
        %dma_wait3A_685 = tpu.memref_squeeze %dma_wait3A_684 : memref<1x80xi32, #tpu.memory_space<hbm>> -> memref<80xi32, #tpu.memory_space<hbm>>
        %dma_wait3A_686 = arith.constant 0 : i32
        %dma_wait3A_687 = tpu.memref_slice %arg15[%dma_wait3A_679, %dma_wait3A_686] : memref<2x80xi32, #tpu.memory_space<vmem>> -> memref<1x80xi32, #tpu.memory_space<vmem>>
        %dma_wait3A_688 = tpu.memref_squeeze %dma_wait3A_687 : memref<1x80xi32, #tpu.memory_space<vmem>> -> memref<80xi32, #tpu.memory_space<vmem>>
        %dma_wait3A_689 = arith.constant 0 : i32
        %dma_wait3A_690 = tpu.memref_slice %arg3[%dma_wait3A_678, %dma_wait3A_689] : memref<2x320000xi32, #tpu.memory_space<hbm>> -> memref<1x80xi32, #tpu.memory_space<hbm>>
        %dma_wait3A_691 = tpu.memref_squeeze %dma_wait3A_690 : memref<1x80xi32, #tpu.memory_space<hbm>> -> memref<80xi32, #tpu.memory_space<hbm>>
        tpu.wait_dma2 semaphore(%arg39 : memref<!tpu.dma_semaphore, #tpu.memory_space<semaphore_mem>>) src(%dma_wait3A_691 : memref<80xi32, #tpu.memory_space<hbm>>) dst(%dma_wait3A_688 : memref<80xi32, #tpu.memory_space<vmem>>)
        %dma_wait3A_692 = arith.constant 1 : i32
        %dma_wait3A_693 = arith.constant 1 : i32
        %dma_wait3A_694 = arith.constant 0 : i32
        %dma_wait3A_695 = tpu.memref_slice %arg15[%dma_wait3A_693, %dma_wait3A_694] : memref<2x80xi32, #tpu.memory_space<vmem>> -> memref<1x80xi32, #tpu.memory_space<vmem>>
        %dma_wait3A_696 = tpu.memref_squeeze %dma_wait3A_695 : memref<1x80xi32, #tpu.memory_space<vmem>> -> memref<80xi32, #tpu.memory_space<vmem>>
        %dma_wait3A_697 = arith.constant 0 : i32
        %dma_wait3A_698 = tpu.memref_slice %arg3[%dma_wait3A_692, %dma_wait3A_697] : memref<2x320000xi32, #tpu.memory_space<hbm>> -> memref<1x80xi32, #tpu.memory_space<hbm>>
        %dma_wait3A_699 = tpu.memref_squeeze %dma_wait3A_698 : memref<1x80xi32, #tpu.memory_space<hbm>> -> memref<80xi32, #tpu.memory_space<hbm>>
        %dma_wait3A_700 = arith.constant 0 : i32
        %dma_wait3A_701 = tpu.memref_slice %arg15[%dma_wait3A_693, %dma_wait3A_700] : memref<2x80xi32, #tpu.memory_space<vmem>> -> memref<1x80xi32, #tpu.memory_space<vmem>>
        %dma_wait3A_702 = tpu.memref_squeeze %dma_wait3A_701 : memref<1x80xi32, #tpu.memory_space<vmem>> -> memref<80xi32, #tpu.memory_space<vmem>>
        %dma_wait3A_703 = arith.constant 0 : i32
        %dma_wait3A_704 = tpu.memref_slice %arg3[%dma_wait3A_692, %dma_wait3A_703] : memref<2x320000xi32, #tpu.memory_space<hbm>> -> memref<1x80xi32, #tpu.memory_space<hbm>>
        %dma_wait3A_705 = tpu.memref_squeeze %dma_wait3A_704 : memref<1x80xi32, #tpu.memory_space<hbm>> -> memref<80xi32, #tpu.memory_space<hbm>>
        tpu.wait_dma2 semaphore(%arg39 : memref<!tpu.dma_semaphore, #tpu.memory_space<semaphore_mem>>) src(%dma_wait3A_705 : memref<80xi32, #tpu.memory_space<hbm>>) dst(%dma_wait3A_702 : memref<80xi32, #tpu.memory_space<vmem>>)
        %dma_start3A_706 = arith.constant 0 : i32
        %dma_start3A_707 = arith.constant 0 : i32
        %dma_start3A_708 = tpu.memref_slice %arg15[%dma_start3A_706, %dma_start3A_707] : memref<2x80xi32, #tpu.memory_space<vmem>> -> memref<1x80xi32, #tpu.memory_space<vmem>>
        %dma_start3A_709 = tpu.memref_squeeze %dma_start3A_708 : memref<1x80xi32, #tpu.memory_space<vmem>> -> memref<80xi32, #tpu.memory_space<vmem>>
        %dma_start3A_710 = arith.constant 0 : i32
        %dma_start3A_711 = arith.constant 0 : i32
        %dma_start3A_712 = tpu.memref_slice %arg25[%dma_start3A_710, %dma_start3A_711] : memref<10000x64xf32, #tpu.memory_space<vmem_shared>> -> memref<10000x64xf32, #tpu.memory_space<vmem_shared>>
        tpu.enqueue_indirect_dma source(%dma_start3A_712 : memref<10000x64xf32, #tpu.memory_space<vmem_shared>>) target(%arg10 : memref<80x64xf32, #tpu.memory_space<vmem>>) offsets(%dma_start3A_709 : memref<80xi32, #tpu.memory_space<vmem>>) semaphore(%arg29 : memref<!tpu.dma_semaphore, #tpu.memory_space<semaphore_mem>>)
      } else {
      }
      %dma_wait3A_656 = arith.constant 0 : i32
      %dma_wait3A_657 = arith.constant 0 : i32
      %dma_wait3A_658 = tpu.memref_slice %arg14[%dma_wait3A_656, %dma_wait3A_657] : memref<2x80xi32, #tpu.memory_space<vmem>> -> memref<1x80xi32, #tpu.memory_space<vmem>>
      %dma_wait3A_659 = tpu.memref_squeeze %dma_wait3A_658 : memref<1x80xi32, #tpu.memory_space<vmem>> -> memref<80xi32, #tpu.memory_space<vmem>>
      %dma_wait3A_660 = arith.constant 0 : i32
      %dma_wait3A_661 = arith.constant 0 : i32
      %dma_wait3A_662 = tpu.memref_slice %arg25[%dma_wait3A_660, %dma_wait3A_661] : memref<10000x64xf32, #tpu.memory_space<vmem_shared>> -> memref<10000x64xf32, #tpu.memory_space<vmem_shared>>
      tpu.wait_indirect_dma semaphore(%arg32 : memref<!tpu.dma_semaphore, #tpu.memory_space<semaphore_mem>>) src(%dma_wait3A_662 : memref<10000x64xf32, #tpu.memory_space<vmem_shared>>) dst(%arg13 : memref<80x64xf32, #tpu.memory_space<vmem>>)
      %dma_start3A_663 = arith.constant 1 : i32
      %dma_start3A_664 = arith.constant 0 : i32
      %dma_start3A_665 = tpu.memref_slice %arg23[%dma_start3A_663, %dma_start3A_664] : memref<2x80xi32, #tpu.memory_space<vmem>> -> memref<1x80xi32, #tpu.memory_space<vmem>>
      %dma_start3A_666 = tpu.memref_squeeze %dma_start3A_665 : memref<1x80xi32, #tpu.memory_space<vmem>> -> memref<80xi32, #tpu.memory_space<vmem>>
      %dma_start3A_667 = arith.constant 0 : i32
      %dma_start3A_668 = arith.constant 0 : i32
      %dma_start3A_669 = tpu.memref_slice %arg26[%dma_start3A_667, %dma_start3A_668] : memref<10240x64xf32, #tpu.memory_space<vmem_shared>> -> memref<10240x64xf32, #tpu.memory_space<vmem_shared>>
      tpu.enqueue_indirect_dma source(%arg13 : memref<80x64xf32, #tpu.memory_space<vmem>>) target(%dma_start3A_669 : memref<10240x64xf32, #tpu.memory_space<vmem_shared>>) offsets(%dma_start3A_666 : memref<80xi32, #tpu.memory_space<vmem>>) semaphore(%arg37 : memref<!tpu.dma_semaphore, #tpu.memory_space<semaphore_mem>>) {add = true}
      %ge3A_670 = arith.cmpi sge, %add3A_636, %mul3A_4 : i32
      %add3A_671 = arith.constant 125 : i32
      %add3A_672 = arith.addi %mul3A_4, %add3A_671 : i32
      %lt3A_673 = arith.cmpi slt, %add3A_636, %add3A_672 : i32
      %and3A_674 = arith.andi %ge3A_670, %lt3A_673 : i1
      %convert_element_type3A_675 = arith.extui %and3A_674 : i1 to i32
      %cond3A_676 = arith.constant 0 : i32
      %cond3A_677 = arith.cmpi ne, %convert_element_type3A_675, %cond3A_676 : i32
      scf.if %cond3A_677 {
        %add3A_678 = arith.constant 3 : i32
        %add3A_679 = arith.addi %mul3A_4, %add3A_678 : i32
        %ge3A_680 = arith.cmpi sge, %add3A_636, %add3A_679 : i32
        %convert_element_type3A_681 = arith.extui %ge3A_680 : i1 to i32
        %cond3A_682 = arith.constant 0 : i32
        %cond3A_683 = arith.cmpi ne, %convert_element_type3A_681, %cond3A_682 : i32
        scf.if %cond3A_683 {
          %dma_wait3A_691 = arith.constant 1 : i32
          %dma_wait3A_692 = arith.constant 0 : i32
          %dma_wait3A_693 = tpu.memref_slice %arg14[%dma_wait3A_691, %dma_wait3A_692] : memref<2x80xi32, #tpu.memory_space<vmem>> -> memref<1x80xi32, #tpu.memory_space<vmem>>
          %dma_wait3A_694 = tpu.memref_squeeze %dma_wait3A_693 : memref<1x80xi32, #tpu.memory_space<vmem>> -> memref<80xi32, #tpu.memory_space<vmem>>
          %dma_wait3A_695 = arith.constant 0 : i32
          %dma_wait3A_696 = arith.constant 0 : i32
          %dma_wait3A_697 = tpu.memref_slice %arg27[%dma_wait3A_695, %dma_wait3A_696] : memref<10240x16xf32, #tpu.memory_space<vmem_shared>> -> memref<10240x16xf32, #tpu.memory_space<vmem_shared>>
          tpu.wait_indirect_dma semaphore(%arg48 : memref<!tpu.dma_semaphore, #tpu.memory_space<semaphore_mem>>) src(%arg24 : memref<80x16xf32, #tpu.memory_space<vmem>>) dst(%dma_wait3A_697 : memref<10240x16xf32, #tpu.memory_space<vmem_shared>>)
        } else {
        }
        %dma_start3A_684 = arith.constant 1 : i32
        %dma_start3A_685 = arith.constant 0 : i32
        %dma_start3A_686 = tpu.memref_slice %arg23[%dma_start3A_684, %dma_start3A_685] : memref<2x80xi32, #tpu.memory_space<vmem>> -> memref<1x80xi32, #tpu.memory_space<vmem>>
        %dma_start3A_687 = tpu.memref_squeeze %dma_start3A_686 : memref<1x80xi32, #tpu.memory_space<vmem>> -> memref<80xi32, #tpu.memory_space<vmem>>
        %dma_start3A_688 = arith.constant 0 : i32
        %dma_start3A_689 = arith.constant 0 : i32
        %dma_start3A_690 = tpu.memref_slice %arg27[%dma_start3A_688, %dma_start3A_689] : memref<10240x16xf32, #tpu.memory_space<vmem_shared>> -> memref<10240x16xf32, #tpu.memory_space<vmem_shared>>
        tpu.enqueue_indirect_dma source(%arg24 : memref<80x16xf32, #tpu.memory_space<vmem>>) target(%dma_start3A_690 : memref<10240x16xf32, #tpu.memory_space<vmem_shared>>) offsets(%dma_start3A_687 : memref<80xi32, #tpu.memory_space<vmem>>) semaphore(%arg48 : memref<!tpu.dma_semaphore, #tpu.memory_space<semaphore_mem>>) {add = true}
      } else {
      }
    }
    %scan3A_188 = arith.constant 25 : i32
    %dma_wait3A_189 = arith.constant 1 : i32
    %dma_wait3A_190 = arith.constant 0 : i32
    %dma_wait3A_191 = tpu.memref_slice %arg14[%dma_wait3A_189, %dma_wait3A_190] : memref<2x80xi32, #tpu.memory_space<vmem>> -> memref<1x80xi32, #tpu.memory_space<vmem>>
    %dma_wait3A_192 = tpu.memref_squeeze %dma_wait3A_191 : memref<1x80xi32, #tpu.memory_space<vmem>> -> memref<80xi32, #tpu.memory_space<vmem>>
    %dma_wait3A_193 = arith.constant 0 : i32
    %dma_wait3A_194 = arith.constant 0 : i32
    %dma_wait3A_195 = tpu.memref_slice %arg26[%dma_wait3A_193, %dma_wait3A_194] : memref<10240x64xf32, #tpu.memory_space<vmem_shared>> -> memref<10240x64xf32, #tpu.memory_space<vmem_shared>>
    tpu.wait_indirect_dma semaphore(%arg35 : memref<!tpu.dma_semaphore, #tpu.memory_space<semaphore_mem>>) src(%arg11 : memref<80x64xf32, #tpu.memory_space<vmem>>) dst(%dma_wait3A_195 : memref<10240x64xf32, #tpu.memory_space<vmem_shared>>)
    %dma_wait3A_196 = arith.constant 1 : i32
    %dma_wait3A_197 = arith.constant 0 : i32
    %dma_wait3A_198 = tpu.memref_slice %arg14[%dma_wait3A_196, %dma_wait3A_197] : memref<2x80xi32, #tpu.memory_space<vmem>> -> memref<1x80xi32, #tpu.memory_space<vmem>>
    %dma_wait3A_199 = tpu.memref_squeeze %dma_wait3A_198 : memref<1x80xi32, #tpu.memory_space<vmem>> -> memref<80xi32, #tpu.memory_space<vmem>>
    %dma_wait3A_200 = arith.constant 0 : i32
    %dma_wait3A_201 = arith.constant 0 : i32
    %dma_wait3A_202 = tpu.memref_slice %arg26[%dma_wait3A_200, %dma_wait3A_201] : memref<10240x64xf32, #tpu.memory_space<vmem_shared>> -> memref<10240x64xf32, #tpu.memory_space<vmem_shared>>
    tpu.wait_indirect_dma semaphore(%arg36 : memref<!tpu.dma_semaphore, #tpu.memory_space<semaphore_mem>>) src(%arg12 : memref<80x64xf32, #tpu.memory_space<vmem>>) dst(%dma_wait3A_202 : memref<10240x64xf32, #tpu.memory_space<vmem_shared>>)
    %dma_wait3A_203 = arith.constant 1 : i32
    %dma_wait3A_204 = arith.constant 0 : i32
    %dma_wait3A_205 = tpu.memref_slice %arg14[%dma_wait3A_203, %dma_wait3A_204] : memref<2x80xi32, #tpu.memory_space<vmem>> -> memref<1x80xi32, #tpu.memory_space<vmem>>
    %dma_wait3A_206 = tpu.memref_squeeze %dma_wait3A_205 : memref<1x80xi32, #tpu.memory_space<vmem>> -> memref<80xi32, #tpu.memory_space<vmem>>
    %dma_wait3A_207 = arith.constant 0 : i32
    %dma_wait3A_208 = arith.constant 0 : i32
    %dma_wait3A_209 = tpu.memref_slice %arg26[%dma_wait3A_207, %dma_wait3A_208] : memref<10240x64xf32, #tpu.memory_space<vmem_shared>> -> memref<10240x64xf32, #tpu.memory_space<vmem_shared>>
    tpu.wait_indirect_dma semaphore(%arg37 : memref<!tpu.dma_semaphore, #tpu.memory_space<semaphore_mem>>) src(%arg13 : memref<80x64xf32, #tpu.memory_space<vmem>>) dst(%dma_wait3A_209 : memref<10240x64xf32, #tpu.memory_space<vmem_shared>>)
    %scan3A_210 = arith.constant 0 : i32
    %scan3A_211 = arith.constant 3 : i32
    %scan3A_212 = arith.addi %scan3A_210, %scan3A_211 : i32
    %scan3A_213 = arith.constant 1 : i32
    scf.for %scan3A_226 = %scan3A_210 to %scan3A_212 step %scan3A_213  : i32 {
      %mul3A_227 = arith.constant 1 : i32
      %mul3A_228 = arith.muli %scan3A_226, %mul3A_227 : i32
      %add3A_229 = arith.constant 0 : i32
      %add3A_230 = arith.addi %add3A_229, %mul3A_228 : i32
      %dma_wait3A_231 = arith.constant 1 : i32
      %dma_wait3A_232 = arith.constant 0 : i32
      %dma_wait3A_233 = tpu.memref_slice %arg14[%dma_wait3A_231, %dma_wait3A_232] : memref<2x80xi32, #tpu.memory_space<vmem>> -> memref<1x80xi32, #tpu.memory_space<vmem>>
      %dma_wait3A_234 = tpu.memref_squeeze %dma_wait3A_233 : memref<1x80xi32, #tpu.memory_space<vmem>> -> memref<80xi32, #tpu.memory_space<vmem>>
      %dma_wait3A_235 = arith.constant 0 : i32
      %dma_wait3A_236 = arith.constant 0 : i32
      %dma_wait3A_237 = tpu.memref_slice %arg27[%dma_wait3A_235, %dma_wait3A_236] : memref<10240x16xf32, #tpu.memory_space<vmem_shared>> -> memref<10240x16xf32, #tpu.memory_space<vmem_shared>>
      tpu.wait_indirect_dma semaphore(%arg48 : memref<!tpu.dma_semaphore, #tpu.memory_space<semaphore_mem>>) src(%arg24 : memref<80x16xf32, #tpu.memory_space<vmem>>) dst(%dma_wait3A_237 : memref<10240x16xf32, #tpu.memory_space<vmem_shared>>)
    }
    %scan3A_214 = arith.constant 3 : i32
    %barrier3A_215 = arith.constant 0 : index
    tpu.barrier barrier_id(%barrier3A_215)
    %eq3A_216 = arith.constant 0 : i32
    %eq3A_217 = arith.cmpi eq, %arg0, %eq3A_216 : i32
    %convert_element_type3A_218 = arith.extui %eq3A_217 : i1 to i32
    %cond3A_219 = arith.constant 0 : i32
    %cond3A_220 = arith.cmpi ne, %convert_element_type3A_218, %cond3A_219 : i32
    scf.if %cond3A_220 {
      "tpu.region"() ({
        %run_scoped3A = tpu.sem_alloc : memref<!tpu.dma_semaphore, #tpu.memory_space<semaphore_mem>>
        %dma_start3A_226 = arith.constant 0 : i32
        %dma_start3A_227 = tpu.memref_slice %arg7[%multiple_of3A, %dma_start3A_226] : memref<10240x128xf32, #tpu.memory_space<hbm>> -> memref<640x64xf32, #tpu.memory_space<hbm>>
        %dma_start3A_228 = arith.constant 0 : i32
        %dma_start3A_229 = tpu.memref_slice %arg26[%multiple_of3A, %dma_start3A_228] : memref<10240x64xf32, #tpu.memory_space<vmem_shared>> -> memref<640x64xf32, #tpu.memory_space<vmem_shared>>
        tpu.enqueue_dma source(%dma_start3A_229 : memref<640x64xf32, #tpu.memory_space<vmem_shared>>) target(%dma_start3A_227 : memref<640x64xf32, #tpu.memory_space<hbm>>) target_semaphore(%run_scoped3A : memref<!tpu.dma_semaphore, #tpu.memory_space<semaphore_mem>>)
        %dma_wait3A_230 = arith.constant 0 : i32
        %dma_wait3A_231 = tpu.memref_slice %arg7[%multiple_of3A, %dma_wait3A_230] : memref<10240x128xf32, #tpu.memory_space<hbm>> -> memref<640x64xf32, #tpu.memory_space<hbm>>
        %dma_wait3A_232 = arith.constant 0 : i32
        %dma_wait3A_233 = tpu.memref_slice %arg26[%multiple_of3A, %dma_wait3A_232] : memref<10240x64xf32, #tpu.memory_space<vmem_shared>> -> memref<640x64xf32, #tpu.memory_space<vmem_shared>>
        tpu.wait_dma2 semaphore(%run_scoped3A : memref<!tpu.dma_semaphore, #tpu.memory_space<semaphore_mem>>) src(%dma_wait3A_233 : memref<640x64xf32, #tpu.memory_space<vmem_shared>>) dst(%dma_wait3A_231 : memref<640x64xf32, #tpu.memory_space<hbm>>)
        tpu.yield
      }) : () -> ()
      "tpu.region"() ({
        %run_scoped3A = tpu.sem_alloc : memref<!tpu.dma_semaphore, #tpu.memory_space<semaphore_mem>>
        %dma_start3A_226 = arith.constant 0 : i32
        %dma_start3A_227 = tpu.memref_slice %arg8[%multiple_of3A, %dma_start3A_226] : memref<10240x128xf32, #tpu.memory_space<hbm>> -> memref<640x16xf32, #tpu.memory_space<hbm>>
        %dma_start3A_228 = arith.constant 0 : i32
        %dma_start3A_229 = tpu.memref_slice %arg27[%multiple_of3A, %dma_start3A_228] : memref<10240x16xf32, #tpu.memory_space<vmem_shared>> -> memref<640x16xf32, #tpu.memory_space<vmem_shared>>
        tpu.enqueue_dma source(%dma_start3A_229 : memref<640x16xf32, #tpu.memory_space<vmem_shared>>) target(%dma_start3A_227 : memref<640x16xf32, #tpu.memory_space<hbm>>) target_semaphore(%run_scoped3A : memref<!tpu.dma_semaphore, #tpu.memory_space<semaphore_mem>>)
        %dma_wait3A_230 = arith.constant 0 : i32
        %dma_wait3A_231 = tpu.memref_slice %arg8[%multiple_of3A, %dma_wait3A_230] : memref<10240x128xf32, #tpu.memory_space<hbm>> -> memref<640x16xf32, #tpu.memory_space<hbm>>
        %dma_wait3A_232 = arith.constant 0 : i32
        %dma_wait3A_233 = tpu.memref_slice %arg27[%multiple_of3A, %dma_wait3A_232] : memref<10240x16xf32, #tpu.memory_space<vmem_shared>> -> memref<640x16xf32, #tpu.memory_space<vmem_shared>>
        tpu.wait_dma2 semaphore(%run_scoped3A : memref<!tpu.dma_semaphore, #tpu.memory_space<semaphore_mem>>) src(%dma_wait3A_233 : memref<640x16xf32, #tpu.memory_space<vmem_shared>>) dst(%dma_wait3A_231 : memref<640x16xf32, #tpu.memory_space<hbm>>)
        tpu.yield
      }) : () -> ()
    } else {
    }
    %eq3A_221 = arith.constant 1 : i32
    %eq3A_222 = arith.cmpi eq, %arg0, %eq3A_221 : i32
    %convert_element_type3A_223 = arith.extui %eq3A_222 : i1 to i32
    %cond3A_224 = arith.constant 0 : i32
    %cond3A_225 = arith.cmpi ne, %convert_element_type3A_223, %cond3A_224 : i32
    scf.if %cond3A_225 {
      "tpu.region"() ({
        %run_scoped3A = tpu.sem_alloc : memref<!tpu.dma_semaphore, #tpu.memory_space<semaphore_mem>>
        %dma_start3A_226 = arith.constant 64 : i32
        %dma_start3A_227 = tpu.memref_slice %arg7[%multiple_of3A, %dma_start3A_226] : memref<10240x128xf32, #tpu.memory_space<hbm>> -> memref<640x64xf32, #tpu.memory_space<hbm>>
        %dma_start3A_228 = arith.constant 0 : i32
        %dma_start3A_229 = tpu.memref_slice %arg26[%multiple_of3A, %dma_start3A_228] : memref<10240x64xf32, #tpu.memory_space<vmem_shared>> -> memref<640x64xf32, #tpu.memory_space<vmem_shared>>
        tpu.enqueue_dma source(%dma_start3A_229 : memref<640x64xf32, #tpu.memory_space<vmem_shared>>) target(%dma_start3A_227 : memref<640x64xf32, #tpu.memory_space<hbm>>) target_semaphore(%run_scoped3A : memref<!tpu.dma_semaphore, #tpu.memory_space<semaphore_mem>>)
        %dma_wait3A_230 = arith.constant 64 : i32
        %dma_wait3A_231 = tpu.memref_slice %arg7[%multiple_of3A, %dma_wait3A_230] : memref<10240x128xf32, #tpu.memory_space<hbm>> -> memref<640x64xf32, #tpu.memory_space<hbm>>
        %dma_wait3A_232 = arith.constant 0 : i32
        %dma_wait3A_233 = tpu.memref_slice %arg26[%multiple_of3A, %dma_wait3A_232] : memref<10240x64xf32, #tpu.memory_space<vmem_shared>> -> memref<640x64xf32, #tpu.memory_space<vmem_shared>>
        tpu.wait_dma2 semaphore(%run_scoped3A : memref<!tpu.dma_semaphore, #tpu.memory_space<semaphore_mem>>) src(%dma_wait3A_233 : memref<640x64xf32, #tpu.memory_space<vmem_shared>>) dst(%dma_wait3A_231 : memref<640x64xf32, #tpu.memory_space<hbm>>)
        tpu.yield
      }) : () -> ()
      "tpu.region"() ({
        %run_scoped3A = tpu.sem_alloc : memref<!tpu.dma_semaphore, #tpu.memory_space<semaphore_mem>>
        %dma_start3A_226 = arith.constant 16 : i32
        %dma_start3A_227 = tpu.memref_slice %arg8[%multiple_of3A, %dma_start3A_226] : memref<10240x128xf32, #tpu.memory_space<hbm>> -> memref<640x16xf32, #tpu.memory_space<hbm>>
        %dma_start3A_228 = arith.constant 0 : i32
        %dma_start3A_229 = tpu.memref_slice %arg27[%multiple_of3A, %dma_start3A_228] : memref<10240x16xf32, #tpu.memory_space<vmem_shared>> -> memref<640x16xf32, #tpu.memory_space<vmem_shared>>
        tpu.enqueue_dma source(%dma_start3A_229 : memref<640x16xf32, #tpu.memory_space<vmem_shared>>) target(%dma_start3A_227 : memref<640x16xf32, #tpu.memory_space<hbm>>) target_semaphore(%run_scoped3A : memref<!tpu.dma_semaphore, #tpu.memory_space<semaphore_mem>>)
        %dma_wait3A_230 = arith.constant 16 : i32
        %dma_wait3A_231 = tpu.memref_slice %arg8[%multiple_of3A, %dma_wait3A_230] : memref<10240x128xf32, #tpu.memory_space<hbm>> -> memref<640x16xf32, #tpu.memory_space<hbm>>
        %dma_wait3A_232 = arith.constant 0 : i32
        %dma_wait3A_233 = tpu.memref_slice %arg27[%multiple_of3A, %dma_wait3A_232] : memref<10240x16xf32, #tpu.memory_space<vmem_shared>> -> memref<640x16xf32, #tpu.memory_space<vmem_shared>>
        tpu.wait_dma2 semaphore(%run_scoped3A : memref<!tpu.dma_semaphore, #tpu.memory_space<semaphore_mem>>) src(%dma_wait3A_233 : memref<640x16xf32, #tpu.memory_space<vmem_shared>>) dst(%dma_wait3A_231 : memref<640x16xf32, #tpu.memory_space<hbm>>)
        tpu.yield
      }) : () -> ()
    } else {
    }
    return
  }
}

module attributes {stable_mosaic.version = 14 : i64} {
  func.func @_combine_body(%arg0: i32, %arg1: memref<2000x128xf32, #tpu.memory_space<vmem>>, %arg2: memref<2000x128xf32, #tpu.memory_space<vmem>>, %arg3: memref<2000x128xf32, #tpu.memory_space<vmem>>, %arg4: memref<128x128xf32, #tpu.memory_space<vmem>>, %arg5: memref<128x128xf32, #tpu.memory_space<vmem>>, %arg6: memref<1x128xf32, #tpu.memory_space<vmem>>, %arg7: memref<2000x128xf32, #tpu.memory_space<vmem>>) attributes {dimension_semantics = [#tpu.dimension_semantics<arbitrary>], iteration_bounds = array<i64: 5>, scalar_prefetch = 0 : i64, scratch_operands = 0 : i64, tpu.core_type = #tpu.core_type<tc>, window_params = [{transform_indices = @transform_0, window_bounds = array<i64: 2000, 128>}, {transform_indices = @transform_1, window_bounds = array<i64: 2000, 128>}, {transform_indices = @transform_2, window_bounds = array<i64: 2000, 128>}, {pipeline_mode = #tpu.pipeline_mode<synchronous>, transform_indices = @transform_3, window_bounds = array<i64: 128, 128>}, {pipeline_mode = #tpu.pipeline_mode<synchronous>, transform_indices = @transform_4, window_bounds = array<i64: 128, 128>}, {pipeline_mode = #tpu.pipeline_mode<synchronous>, transform_indices = @transform_5, window_bounds = array<i64: 1, 128>}, {transform_indices = @transform_6, window_bounds = array<i64: 2000, 128>}]} {
    %get3A = arith.constant 0 : index
    %get3A_0 = arith.constant 0 : index
    %get3A_1 = vector.load %arg2[%get3A, %get3A_0] : memref<2000x128xf32, #tpu.memory_space<vmem>>, vector<2000x1xf32>
    %get3A_2 = arith.constant 0 : index
    %get3A_3 = arith.constant 16 : index
    %get3A_4 = vector.load %arg2[%get3A_2, %get3A_3] : memref<2000x128xf32, #tpu.memory_space<vmem>>, vector<2000x1xf32>
    %add3A = arith.addf %get3A_1, %get3A_4 : vector<2000x1xf32>
    %max3A = arith.constant 1.000000e+00 : f32
    %max3A_5 = vector.broadcast %max3A : f32 to vector<2000x1xf32>
    %max3A_6 = arith.maximumf %add3A, %max3A_5 : vector<2000x1xf32>
    %div3A = arith.constant 1.000000e+00 : f32
    %div3A_7 = vector.broadcast %div3A : f32 to vector<2000x1xf32>
    %div3A_8 = arith.divf %div3A_7, %max3A_6 : vector<2000x1xf32>
    %get3A_9 = arith.constant 0 : index
    %get3A_10 = arith.constant 0 : index
    %get3A_11 = vector.load %arg1[%get3A_9, %get3A_10] : memref<2000x128xf32, #tpu.memory_space<vmem>>, vector<2000x128xf32>
    %mul3A = vector.broadcast %div3A_8 : vector<2000x1xf32> to vector<2000x128xf32>
    %mul3A_12 = arith.mulf %get3A_11, %mul3A : vector<2000x128xf32>
    %get3A_13 = arith.constant 0 : index
    %get3A_14 = arith.constant 0 : index
    %get3A_15 = vector.load %arg4[%get3A_13, %get3A_14] : memref<128x128xf32, #tpu.memory_space<vmem>>, vector<128x128xf32>
    %dot_general3A = arith.constant dense<0.000000e+00> : vector<2000x128xf32>
    %dot_general3A_16 = tpu.matmul %mul3A_12, %get3A_15, %dot_general3A {dimension_numbers = #tpu.dot_dimension_numbers<[1], [0], [0], [1], [0, 0, 1, 1], [], []>, transpose_lhs_hint = false} : vector<2000x128xf32>, vector<128x128xf32>, vector<2000x128xf32> -> vector<2000x128xf32>
    %get3A_17 = arith.constant 0 : index
    %get3A_18 = arith.constant 0 : index
    %get3A_19 = vector.load %arg3[%get3A_17, %get3A_18] : memref<2000x128xf32, #tpu.memory_space<vmem>>, vector<2000x128xf32>
    %get3A_20 = arith.constant 0 : index
    %get3A_21 = arith.constant 0 : index
    %get3A_22 = vector.load %arg5[%get3A_20, %get3A_21] : memref<128x128xf32, #tpu.memory_space<vmem>>, vector<128x128xf32>
    %dot_general3A_23 = arith.constant dense<0.000000e+00> : vector<2000x128xf32>
    %dot_general3A_24 = tpu.matmul %get3A_19, %get3A_22, %dot_general3A_23 {dimension_numbers = #tpu.dot_dimension_numbers<[1], [0], [0], [1], [0, 0, 1, 1], [], []>, transpose_lhs_hint = false} : vector<2000x128xf32>, vector<128x128xf32>, vector<2000x128xf32> -> vector<2000x128xf32>
    %add3A_25 = arith.addf %dot_general3A_16, %dot_general3A_24 : vector<2000x128xf32>
    %get3A_26 = arith.constant 0 : index
    %get3A_27 = arith.constant 0 : index
    %get3A_28 = vector.load %arg6[%get3A_26, %get3A_27] : memref<1x128xf32, #tpu.memory_space<vmem>>, vector<1x128xf32>
    %add3A_29 = vector.broadcast %get3A_28 : vector<1x128xf32> to vector<2000x128xf32>
    %add3A_30 = arith.addf %add3A_25, %add3A_29 : vector<2000x128xf32>
    %max3A_31 = arith.constant 0.000000e+00 : f32
    %max3A_32 = vector.broadcast %max3A_31 : f32 to vector<2000x128xf32>
    %max3A_33 = arith.maximumf %add3A_30, %max3A_32 : vector<2000x128xf32>
    %swap3A = arith.constant 0 : index
    %swap3A_34 = arith.constant 0 : index
    %swap3A_35 = vector.load %arg7[%swap3A, %swap3A_34] : memref<2000x128xf32, #tpu.memory_space<vmem>>, vector<2000x128xf32>
    tpu.vector_store %arg7[%swap3A, %swap3A_34], %max3A_33 {strides = array<i32>} : memref<2000x128xf32, #tpu.memory_space<vmem>>, vector<2000x128xf32>,
    return
  }
  func.func @transform_0(%arg0: i32) -> (i32, i32) {
    %c0_i32 = arith.constant 0 : i32
    %c0_i32_0 = arith.constant 0 : i32
    return %arg0, %c0_i32 : i32, i32
  }
  func.func @transform_1(%arg0: i32) -> (i32, i32) {
    %c0_i32 = arith.constant 0 : i32
    %c0_i32_0 = arith.constant 0 : i32
    return %arg0, %c0_i32 : i32, i32
  }
  func.func @transform_2(%arg0: i32) -> (i32, i32) {
    %c0_i32 = arith.constant 0 : i32
    %c0_i32_0 = arith.constant 0 : i32
    return %arg0, %c0_i32 : i32, i32
  }
  func.func @transform_3(%arg0: i32) -> (i32, i32) {
    %c0_i32 = arith.constant 0 : i32
    %c0_i32_0 = arith.constant 0 : i32
    %c0_i32_1 = arith.constant 0 : i32
    return %c0_i32, %c0_i32_0 : i32, i32
  }
  func.func @transform_4(%arg0: i32) -> (i32, i32) {
    %c0_i32 = arith.constant 0 : i32
    %c0_i32_0 = arith.constant 0 : i32
    %c0_i32_1 = arith.constant 0 : i32
    return %c0_i32, %c0_i32_0 : i32, i32
  }
  func.func @transform_5(%arg0: i32) -> (i32, i32) {
    %c0_i32 = arith.constant 0 : i32
    %c0_i32_0 = arith.constant 0 : i32
    %c0_i32_1 = arith.constant 0 : i32
    return %c0_i32, %c0_i32_0 : i32, i32
  }
  func.func @transform_6(%arg0: i32) -> (i32, i32) {
    %c0_i32 = arith.constant 0 : i32
    %c0_i32_0 = arith.constant 0 : i32
    return %arg0, %c0_i32 : i32, i32
  }
}

module attributes {stable_mosaic.version = 14 : i64} {
  func.func @_combine_body(%arg0: i32, %arg1: memref<2000x128xf32, #tpu.memory_space<vmem>>, %arg2: memref<2000x128xf32, #tpu.memory_space<vmem>>, %arg3: memref<2000x128xf32, #tpu.memory_space<vmem>>, %arg4: memref<128x128xf32, #tpu.memory_space<vmem>>, %arg5: memref<128x128xf32, #tpu.memory_space<vmem>>, %arg6: memref<1x128xf32, #tpu.memory_space<vmem>>, %arg7: memref<2000x128xf32, #tpu.memory_space<vmem>>) attributes {dimension_semantics = [#tpu.dimension_semantics<arbitrary>], iteration_bounds = array<i64: 5>, scalar_prefetch = 0 : i64, scratch_operands = 0 : i64, tpu.core_type = #tpu.core_type<tc>, window_params = [{transform_indices = @transform_0, window_bounds = array<i64: 2000, 128>}, {transform_indices = @transform_1, window_bounds = array<i64: 2000, 128>}, {transform_indices = @transform_2, window_bounds = array<i64: 2000, 128>}, {pipeline_mode = #tpu.pipeline_mode<synchronous>, transform_indices = @transform_3, window_bounds = array<i64: 128, 128>}, {pipeline_mode = #tpu.pipeline_mode<synchronous>, transform_indices = @transform_4, window_bounds = array<i64: 128, 128>}, {pipeline_mode = #tpu.pipeline_mode<synchronous>, transform_indices = @transform_5, window_bounds = array<i64: 1, 128>}, {transform_indices = @transform_6, window_bounds = array<i64: 2000, 128>}]} {
    %get3A = arith.constant 0 : index
    %get3A_0 = arith.constant 0 : index
    %get3A_1 = vector.load %arg2[%get3A, %get3A_0] : memref<2000x128xf32, #tpu.memory_space<vmem>>, vector<2000x1xf32>
    %get3A_2 = arith.constant 0 : index
    %get3A_3 = arith.constant 16 : index
    %get3A_4 = vector.load %arg2[%get3A_2, %get3A_3] : memref<2000x128xf32, #tpu.memory_space<vmem>>, vector<2000x1xf32>
    %add3A = arith.addf %get3A_1, %get3A_4 : vector<2000x1xf32>
    %max3A = arith.constant 1.000000e+00 : f32
    %max3A_5 = vector.broadcast %max3A : f32 to vector<2000x1xf32>
    %max3A_6 = arith.maximumf %add3A, %max3A_5 : vector<2000x1xf32>
    %div3A = arith.constant 1.000000e+00 : f32
    %div3A_7 = vector.broadcast %div3A : f32 to vector<2000x1xf32>
    %div3A_8 = arith.divf %div3A_7, %max3A_6 : vector<2000x1xf32>
    %get3A_9 = arith.constant 0 : index
    %get3A_10 = arith.constant 0 : index
    %get3A_11 = vector.load %arg1[%get3A_9, %get3A_10] : memref<2000x128xf32, #tpu.memory_space<vmem>>, vector<2000x128xf32>
    %mul3A = vector.broadcast %div3A_8 : vector<2000x1xf32> to vector<2000x128xf32>
    %mul3A_12 = arith.mulf %get3A_11, %mul3A : vector<2000x128xf32>
    %get3A_13 = arith.constant 0 : index
    %get3A_14 = arith.constant 0 : index
    %get3A_15 = vector.load %arg4[%get3A_13, %get3A_14] : memref<128x128xf32, #tpu.memory_space<vmem>>, vector<128x128xf32>
    %dot_general3A = arith.constant dense<0.000000e+00> : vector<2000x128xf32>
    %dot_general3A_16 = tpu.matmul %mul3A_12, %get3A_15, %dot_general3A {dimension_numbers = #tpu.dot_dimension_numbers<[1], [0], [0], [1], [0, 0, 1, 1], [], []>, transpose_lhs_hint = false} : vector<2000x128xf32>, vector<128x128xf32>, vector<2000x128xf32> -> vector<2000x128xf32>
    %get3A_17 = arith.constant 0 : index
    %get3A_18 = arith.constant 0 : index
    %get3A_19 = vector.load %arg3[%get3A_17, %get3A_18] : memref<2000x128xf32, #tpu.memory_space<vmem>>, vector<2000x128xf32>
    %get3A_20 = arith.constant 0 : index
    %get3A_21 = arith.constant 0 : index
    %get3A_22 = vector.load %arg5[%get3A_20, %get3A_21] : memref<128x128xf32, #tpu.memory_space<vmem>>, vector<128x128xf32>
    %dot_general3A_23 = arith.constant dense<0.000000e+00> : vector<2000x128xf32>
    %dot_general3A_24 = tpu.matmul %get3A_19, %get3A_22, %dot_general3A_23 {dimension_numbers = #tpu.dot_dimension_numbers<[1], [0], [0], [1], [0, 0, 1, 1], [], []>, transpose_lhs_hint = false} : vector<2000x128xf32>, vector<128x128xf32>, vector<2000x128xf32> -> vector<2000x128xf32>
    %add3A_25 = arith.addf %dot_general3A_16, %dot_general3A_24 : vector<2000x128xf32>
    %get3A_26 = arith.constant 0 : index
    %get3A_27 = arith.constant 0 : index
    %get3A_28 = vector.load %arg6[%get3A_26, %get3A_27] : memref<1x128xf32, #tpu.memory_space<vmem>>, vector<1x128xf32>
    %add3A_29 = vector.broadcast %get3A_28 : vector<1x128xf32> to vector<2000x128xf32>
    %add3A_30 = arith.addf %add3A_25, %add3A_29 : vector<2000x128xf32>
    %max3A_31 = arith.constant 0.000000e+00 : f32
    %max3A_32 = vector.broadcast %max3A_31 : f32 to vector<2000x128xf32>
    %max3A_33 = arith.maximumf %add3A_30, %max3A_32 : vector<2000x128xf32>
    %swap3A = arith.constant 0 : index
    %swap3A_34 = arith.constant 0 : index
    %swap3A_35 = vector.load %arg7[%swap3A, %swap3A_34] : memref<2000x128xf32, #tpu.memory_space<vmem>>, vector<2000x128xf32>
    tpu.vector_store %arg7[%swap3A, %swap3A_34], %max3A_33 {strides = array<i32>} : memref<2000x128xf32, #tpu.memory_space<vmem>>, vector<2000x128xf32>,
    return
  }
  func.func @transform_0(%arg0: i32) -> (i32, i32) {
    %c0_i32 = arith.constant 0 : i32
    %c0_i32_0 = arith.constant 0 : i32
    return %arg0, %c0_i32 : i32, i32
  }
  func.func @transform_1(%arg0: i32) -> (i32, i32) {
    %c0_i32 = arith.constant 0 : i32
    %c0_i32_0 = arith.constant 0 : i32
    return %arg0, %c0_i32 : i32, i32
  }
  func.func @transform_2(%arg0: i32) -> (i32, i32) {
    %c0_i32 = arith.constant 0 : i32
    %c0_i32_0 = arith.constant 0 : i32
    return %arg0, %c0_i32 : i32, i32
  }
  func.func @transform_3(%arg0: i32) -> (i32, i32) {
    %c0_i32 = arith.constant 0 : i32
    %c0_i32_0 = arith.constant 0 : i32
    %c0_i32_1 = arith.constant 0 : i32
    return %c0_i32, %c0_i32_0 : i32, i32
  }
  func.func @transform_4(%arg0: i32) -> (i32, i32) {
    %c0_i32 = arith.constant 0 : i32
    %c0_i32_0 = arith.constant 0 : i32
    %c0_i32_1 = arith.constant 0 : i32
    return %c0_i32, %c0_i32_0 : i32, i32
  }
  func.func @transform_5(%arg0: i32) -> (i32, i32) {
    %c0_i32 = arith.constant 0 : i32
    %c0_i32_0 = arith.constant 0 : i32
    %c0_i32_1 = arith.constant 0 : i32
    return %c0_i32, %c0_i32_0 : i32, i32
  }
  func.func @transform_6(%arg0: i32) -> (i32, i32) {
    %c0_i32 = arith.constant 0 : i32
    %c0_i32_0 = arith.constant 0 : i32
    return %arg0, %c0_i32 : i32, i32
  }
}

</mosaic_0001>

<sc_bundles>
// kernel: kernel.6.cloned.1.call-start
scs
__scs_entry_jumppad:
0x0: {  	(pc) =	sbr.rel $0x88, $3  }
0x1: {  	(tag) =	ssettag $0x0;
	lr =	simm.s32 $0x1  }
0x2: {  	[smem:$0x3F99] =	sst lr;
	_ =	strace $0xD0000000  }
0x3: {  	_ = 	snop  }
0x4: {  	_ = 	snop  }
0x5: {  	_ = 	snop  }
0x6: {  	_ = 	snop  }
0x7: {  	_ = 	snop  }
__scs_overlays_trampoline_lowered:
0x8: {  	[smem:$0x3FA8] =	sst s0  }
0x9: {  	[smem:$0x3FA9] =	sst s1  }
0xa: {  	[smem:$0x3FAA] =	sst s2  }
0xb: {  	[smem:$0x3FAB] =	sst s3  }
0xc: {  	[smem:$0x3FAC] =	sst s4  }
0xd: {  	[smem:$0x3FAD] =	sst s5  }
0xe: {  	[smem:$0x3FAE] =	sst s6  }
0xf: {  	[smem:$0x3FAF] =	sst s7  }
0x10: {  	[smem:$0x3FB0] =	sst s8  }
0x11: {  	[smem:$0x3FB1] =	sst s9;
	s0 =	simm.s32 @!p0 $0x0  }
0x12: {  	s1 =	sld [smem:$0x3F97];
	s0 =	simm.s32 @p0 $0x1  }
0x13: {  	[smem:$0x3FB2] =	sst s0;
	s0 =	simm.s32 @!p1 $0x0  }
0x14: {  	s2 =	sld [smem:$0x3F96];
	s0 =	simm.s32 @p1 $0x1  }
0x15: {  	[smem:$0x3FB3] =	sst s0;
	s0 =	simm.s32 @!p2 $0x0  }
0x16: {  	s3 =	sld [smem:$0x3FDB];
	s0 =	simm.s32 @p2 $0x1  }
0x17: {  	s4 =	simm.s32 $0x1BF5;
	[smem:$0x3FB5] =	sst s0  }
0x18: {  	s0 =	sld [smem:$0x3F98];
	_ =	swait.ge [sflag:s4], $0x0  }
0x19: {  	s7 =	sld [smem:$0x3F99]  }
0x1a: {  	s8 =	sadd.s32 $0xFFFFE003, lr  }
0x1b: {  	s9 =	sadd.s32 $0xFFFFFEF7, lr;
	s5 =	simm.s32 $0xFFFFFFFF;
	p2 =	slt.u32 s8, $0xFFFFF086  }
0x1c: {  	p1 =	slt.u32 s9, $0xF7A;
	s5 =	simm.s32 @!p2 $0x0  }
0x1d: {  	s5 =	simm.s32 @p1 $0x1;
	p0 =	seq.s32 s7, s2  }
0x1e: {  	s7 =	smul.u32 @!p0 $0xF7A, s2;
	p2 =	seq.s32 @!p0 s5, $0x0  }
0x1f: {  	s9 =	smul.u32 $0xF7A, s1;
	s8 =	simm.s32 @!p0 $0x1BF5;
	p2 =	por !p2, p0  }
0x20: {  	[sflag:s8] =	ssyncset.s32 @!p0 $0xFFFFF086;
	s6 =	sadd.s32 @!p0 s3, s7;
	s7 =	simm.s32 @!p0 $0x108  }
0x21: {  	s3 =	sadd.s32 s3, s9;
	s6 =	sadd.s32 @!p0 $0x88, s6;
	s7 =	simm.s32 @p2 $0x1082  }
0x22: {  	[simem:s7], [sflag:s8] =	dma.local @!p0 [hbm:s6], $0xF7A  }
0x23: {  	s9 =	sor.u32 $0xD0000000, s2;
	s6 =	simm.s32 $0x108;
	_ =	swait.ge @!p0 [sflag:s8], $0x0  }
0x24: {  	s3 =	sadd.s32 $0x88, s3;
	s6 =	simm.s32 @!p1 $0x1082;
	[sflag:s4] =	ssyncset.s32 $0xFFFFF086  }
0x25: {  	[simem:s6], [sflag:s4] =	dma.local [hbm:s3], $0xF7A  }
0x26: {  	[smem:$0x3F99] =	sst s1;
	(tag) =	ssettag s2;
	_ =	strace s9  }
0x27: {  	s1 =	sld [smem:$0x3FA9]  }
0x28: {  	s2 =	sld [smem:$0x3FAA]  }
0x29: {  	s4 =	sld [smem:$0x3FAC]  }
0x2a: {  	p0 =	seq.s32 s5, $0x0;
	s5 =	sld [smem:$0x3FAD]  }
0x2b: {  	s6 =	sld [smem:$0x3FAE]  }
0x2c: {  	s7 =	sld [smem:$0x3FAF]  }
0x2d: {  	s3 =	simm.s32 $0x108;
	s8 =	sld [smem:$0x3FB0]  }
0x2e: {  	s3 =	simm.s32 @!p0 $0x1082;
	s9 =	sld [smem:$0x3FB1]  }
0x2f: {  	lr =	sadd.s32 s0, s3;
	s0 =	sld [smem:$0x3FA8]  }
0x30: {  	s3 =	sld [smem:$0x3FAB]  }
0x31: {  	[smem:$0x3FB4] =	sst s10  }
0x32: {  	s10 =	sld [smem:$0x3FB2];
	_ =	sdelay $0x3  }
0x33: {  	p0 =	seq.s32 s10, $0x1;
	s10 =	sld [smem:$0x3FB4];
	_ =	sdelay $0x3  }
0x34: {  	[smem:$0x3FB4] =	sst s10  }
0x35: {  	s10 =	sld [smem:$0x3FB3];
	_ =	sdelay $0x3  }
0x36: {  	p1 =	seq.s32 s10, $0x1;
	s10 =	sld [smem:$0x3FB4];
	_ =	sdelay $0x3  }
0x37: {  	[smem:$0x3FB4] =	sst s10  }
0x38: {  	s10 =	sld [smem:$0x3FB5]  }
0x39: {  	_ = 	snop;
	(pc) =	sbr.ind lr, $3  }
0x3a: {  	_ = 	snop  }
0x3b: {  	_ = 	snop  }
0x3c: {  	p2 =	seq.s32 s10, $0x1;
	s10 =	sld [smem:$0x3FB4]  }
0x3d: {  	_ =	shalt  }
0x3e: {  	_ =	shalt  }
0x3f: {  	_ =	shalt  }
0x40: {  	_ =	shalt  }
0x41: {  	_ =	shalt  }
0x42: {  	_ =	shalt  }
0x43: {  	_ =	shalt  }
0x44: {  	_ =	shalt  }
0x45: {  	_ =	shalt  }
0x46: {  	_ =	shalt  }
0x47: {  	_ =	shalt  }
0x48: {  	_ =	shalt  }
0x49: {  	_ =	shalt  }
0x4a: {  	_ =	shalt  }
0x4b: {  	_ =	shalt  }
0x4c: {  	_ =	shalt  }
0x4d: {  	_ =	shalt  }
0x4e: {  	_ =	shalt  }
0x4f: {  	_ =	shalt  }
0x50: {  	_ =	shalt  }
0x51: {  	_ =	shalt  }
0x52: {  	_ =	shalt  }
0x53: {  	_ =	shalt  }
0x54: {  	_ =	shalt  }
0x55: {  	_ =	shalt  }
0x56: {  	_ =	shalt  }
0x57: {  	_ =	shalt  }
0x58: {  	_ =	shalt  }
0x59: {  	_ =	shalt  }
0x5a: {  	_ =	shalt  }
0x5b: {  	_ =	shalt  }
0x5c: {  	_ =	shalt  }
0x5d: {  	_ =	shalt  }
0x5e: {  	_ =	shalt  }
0x5f: {  	_ =	shalt  }
0x60: {  	_ =	shalt  }
0x61: {  	_ =	shalt  }
0x62: {  	_ =	shalt  }
0x63: {  	_ =	shalt  }
0x64: {  	_ =	shalt  }
0x65: {  	_ =	shalt  }
0x66: {  	_ =	shalt  }
0x67: {  	_ =	shalt  }
0x68: {  	_ =	shalt  }
0x69: {  	_ =	shalt  }
0x6a: {  	_ =	shalt  }
0x6b: {  	_ =	shalt  }
0x6c: {  	_ =	shalt  }
0x6d: {  	_ =	shalt  }
0x6e: {  	_ =	shalt  }
0x6f: {  	_ =	shalt  }
0x70: {  	_ =	shalt  }
0x71: {  	_ =	shalt  }
0x72: {  	_ =	shalt  }
0x73: {  	_ =	shalt  }
0x74: {  	_ =	shalt  }
0x75: {  	_ =	shalt  }
0x76: {  	_ =	shalt  }
0x77: {  	_ =	shalt  }
0x78: {  	_ =	shalt  }
0x79: {  	_ =	shalt  }
0x7a: {  	_ =	shalt  }
0x7b: {  	_ =	shalt  }
0x7c: {  	_ =	shalt  }
0x7d: {  	_ =	shalt  }
0x7e: {  	_ =	shalt  }
0x7f: {  	_ =	shalt  }
0x80: {  	_ =	shalt  }
0x81: {  	_ =	shalt  }
0x82: {  	_ =	shalt  }
0x83: {  	_ =	shalt  }
0x84: {  	_ =	shalt  }
0x85: {  	_ =	shalt  }
0x86: {  	_ =	shalt  }
0x87: {  	_ =	shalt  }
.Lfunc_end0:
.L_simem_size_0:
called_computation_lowered:
.L_overlay_start_0:
0x88: {  	s2 =	sld [smem:$0x3FD9]  }
0x89: {  	s3 =	sld [smem:$0x3FFE];
	_ =	sdelay $0x1  }
0x8a: {  	s1 =	srdreg.scid  }
0x8b: {  	s0 =	sand.u32 $0x1, s1  }
0x8c: {  	s17 =	sshll.u32 s0, $0xA;
	s2 =	sadd.s32 s3, s2  }
0x8d: {  	s2 =	sadd.s32 s2, s17  }
0x8e: {  	[smem:$0x3FC0] =	sst s2  }
0x8f: {  	_ = 	snop  }
0x90: {  	s2 =	sld [smem:$0x3FC9];
	(tm) =	ssettm $0x1  }
0x91: {  	s18 =	sld [smem:$0x3FFB];
	_ =	sdelay $0x3  }
0x92: {  	_ =	strace s18  }
0x93: {  	s3 =	sld [smem:$0x3FFC];
	_ =	sdelay $0x3  }
0x94: {  	_ =	strace s3  }
0x95: {  	s3 =	sld [smem:$0x3FFD];
	_ =	sdelay $0x3  }
0x96: {  	_ =	strace s3  }
0x97: {  	_ =	strace $0x8FFFFFFF  }
0x98: {  	s19 =	sld [smem:$0x3FDB];
	_ =	sdelay $0x1  }
0x99: {  	s4 =	simm.s32 $_scs_section_size  }
0x9a: {  	s5 =	simm.s32 $_size__tile_overlayer_lowered;
	s6 =	simm.s32 $_tile_overlayer_lowered  }
0x9b: {  	s22 =	simm.s32 $0x1BFF;
	s21 =	sshll.u32 s6, $0x1;
	s3 =	sadd.s32 s4, s19  }
0x9c: {  	s7 =	simm.s32 $0x0;
	s20 =	sshll.u32 s5, $0x1;
	s5 =	sadd.s32 s21, s3  }
0x9d: {  	[timem:s7], [sflag:s22] =	dma.local [hbm:s5], s20  }
0x9e: {  	_ =	swait.ge [sflag:s22], s20  }
0x9f: {  	s4 =	ssub.s32 $0x0, s20;
	[sflag:s22] =	ssyncset.done $0x0  }
0xa0: {  	[sflag:s22] =	ssyncadd.s32 s4;
	_ =	sdelay $0x1  }
0xa1: {  	s23 =	simm.s32 $0x1B8B  }
0xa2: {  	_ =	swait.ge [sflag:s23], $0x1  }
0xa3: {  	[sflag:s23] =	ssyncset.done $0x0  }
0xa4: {  	s25 =	simm.s32 $0x1B8E;
	s24 =	sld [smem:$0x3FFE];
	[sflag:s23] =	ssyncadd.s32 $0xFFFFFFFF  }
0xa5: {  	s26 =	simm.s32 $execute0_lowered;
	[smem:$0x3FD2] =	sst s25  }
0xa6: {  	s5 =	sshll.u32 s26, $0x1;
	_ =	strace $0x80000046;
	[dreg:$0x1] =	wrdreg $0xFFFFFFFF  }
0xa7: {  	s28 =	simm.s32 $_size_execute0_lowered;
	s3 =	sadd.s32 s3, s5;
	[dreg:$0x0] =	wrdreg $0x0  }
0xa8: {  	s5 =	sshll.u32 s28, $0x1;
	[dreg:$0x2] =	wrdreg s3  }
0xa9: {  	[dreg:$0x3] =	wrdreg s5  }
0xaa: {  	[dreg:$0x4] =	wrdreg $0xC0  }
0xab: {  	_ =	task [dreg:s7], $0x5FFFF  }
0xac: {  	[dreg:$0x1] =	wrdreg $0xFFFFFFFF  }
0xad: {  	[dreg:$0x0] =	wrdreg $0x60  }
0xae: {  	[dreg:$0x2] =	wrdreg s2  }
0xaf: {  	[dreg:$0x3] =	wrdreg s24  }
0xb0: {  	[dreg:$0x4] =	wrdreg $0x6F400  }
0xb1: {  	[dreg:$0x5] =	wrdreg $0x10B800  }
0xb2: {  	[dreg:$0x6] =	wrdreg $0x1AB800  }
0xb3: {  	[dreg:$0x7] =	wrdreg $0x9  }
0xb4: {  	_ =	task.clear_ibuf [dreg:s7], $0x8FFFF;
	_ =	strace $0x90000046  }
0xb5: {  	s29 =	simm.s32 $0x9;
	_ =	strace $0x80000048  }
0xb6: {  	_ =	swait.ge [sflag:s29], $0x1  }
0xb7: {  	[sflag:s29] =	ssyncadd.s32 $0xFFFFFFFF  }
0xb8: {  	_ =	strace $0x90000048  }
0xb9: {  	_ =	sfence  }
0xba: {  	s30 =	sld [smem:$0x0];
	_ =	sdelay $0x2  }
0xbb: {  	s31 =	sshll.u32 s1, $0xD;
	s1 =	sshrl.u32 s1, $0x2  }
0xbc: {  	s3 =	sand.u32 $0x4000, s31;
	s1 =	sadd.s32 s1, s30  }
0xbd: {  	s0 =	sor.u32 s3, s0;
	s1 =	sshll.u32 s1, $0x11  }
0xbe: {  	s0 =	sor.u32 s1, s0  }
0xbf: {  	s0 =	sadd.s32 $0x8F2B, s0  }
0xc0: {  	[sflag:s0] =	ssyncadd.remote.s32 $0x1  }
0xc1: {  	_ =	sfence.sel $0xFFFF  }
0xc2: {  	[dreg:$0x0] =	wrdreg $0xFFFFFFFF;
	(pc) =	sbr.abs _section_cstart, $3  }
0xc3: {  	[dreg:$0x1] =	wrdreg $0xFFFFFFFF  }
0xc4: {  	_ =	task.clear_ibuf [dreg:s7], $0x2FFFF;
	_ =	strace $0x9FFFFFFF  }
0xc5: {  	(tm) =	ssettm $0x7FFFFFFF  }
tec
execute0_lowered:
.L_overlay_start_1:
0x0: {  	(tag) =	ssettag $0x1  }
0x1: {  	s0 =	rddreg [dreg:$0x0]  }
0x2: {  	s5 =	rddreg [dreg:$0x1]  }
0x3: {  	s1 =	rddreg [dreg:$0x2]  }
0x4: {  	s2 =	rddreg [dreg:$0x3];
	s16 =	stileid.u32  }
0x5: {  	s3 =	rddreg [dreg:$0x4];
	s10 =	smul.u32 $0x27100, s16  }
0x6: {  	s4 =	simm.s32 $0x0;
	s6 =	srdreg.scid;
	s13 =	smul.u32 $0x28000, s16  }
0x7: {  	s29 =	simm.s32 $0x6450;
	s31 =	simm.s32 $0x64F0;
	s25 =	smul.u32 $0xA000, s16  }
0x8: {  	[smem:$0x7FF] =	sst s4;
	s7 =	sadd.s32 $0x3000, s5;
	s15 =	smul.u32 $0x4E20, s16  }
0x9: {  	s8 =	sadd.s32 $0x16A00, s5;
	s6 =	sand.u32 $0x1, s6;
	s26 =	smul.u32 $0x2710, s16  }
0xa: {  	s23 =	sadd.s32 $0x17E00, s5;
	s9 =	sadd.s32 $0x18400, s5;
	s17 =	smul.u32 $0x2800, s16  }
0xb: {  	s19 =	smul.u32 $0x9C4, s16;
	_ =	strace $0x80000047;
	[dreg:$0x8] =	wrdreg s8  }
0xc: {  	s16 =	simm.s32 $0x50;
	[dreg:$0x9] =	wrdreg s23;
	s8 =	smul.u32 $0x7D, s6  }
0xd: {  	[dreg:$0xa] =	wrdreg s9;
	s24 =	sshll.u32 s6, $0x3;
	s12 =	sshll.u32 s6, $0x1  }
0xe: {  	s6 =	ssub.s32 $0x2, s6;
	s11 =	sadd.s32 s24, s5;
	s5 =	sadd.s32 s12, s5  }
0xf: {  	s13 =	sshrl.u32 s13, $0x2;
	s0 =	sadd.s32 s24, s0;
	s24 =	sadd.s32 s19, s7  }
0x10: {  	s12 =	sshrl.u32 s25, $0x2;
	s13 =	sadd.s32 s13, s2;
	[dreg:$0x6] =	wrdreg s24  }
0x11: {  	s14 =	sshrl.u32 s6, $0x1;
	s12 =	sadd.s32 s12, s3;
	[dreg:$0xb] =	wrdreg s13  }
0x12: {  	s15 =	sshrl.u32 s15, $0x3;
	s0 =	sadd.s32 s0, s26;
	[dreg:$0xc] =	wrdreg s12  }
0x13: {  	s10 =	sshrl.u32 s10, $0x2;
	s30 =	sadd.s32 s7, s15;
	[dreg:$0x13] =	wrdreg s0  }
0x14: {  	s10 =	sadd.s32 s10, s1;
	s1 =	sadd.s32 $0x9C40, s30;
	[dreg:$0xd] =	wrdreg s30  }
0x15: {  	s6 =	ssub.s32 s6, s14;
	s2 =	sadd.s32 $0xA, s30;
	[dreg:$0xe] =	wrdreg s1  }
0x16: {  	s20 =	sadd.s32 s17, s11;
	s3 =	sadd.s32 $0x9C4A, s30;
	[dreg:$0xf] =	wrdreg s2  }
0x17: {  	s5 =	sadd.s32 s17, s5;
	s15 =	sadd.s32 $0x14, s30;
	[dreg:$0x10] =	wrdreg s3  }
0x18: {  	s28 =	sadd.s32 $0x3, s8;
	s18 =	sadd.s32 $0x9C54, s30;
	[dreg:$0x11] =	wrdreg s15  }
0x19: {  	s17 =	simm.s32 $0x1400;
	s21 =	sadd.s32 $0x1E, s30;
	[dreg:$0x12] =	wrdreg s18  }
0x1a: {  	s14 =	simm.s32 $0x67C0;
	s22 =	sadd.s32 $0x9C5E, s30;
	[dreg:$0x14] =	wrdreg s21  }
0x1b: {  	s23 =	smax.u32 s6, $0x1;
	s25 =	sadd.s32 $0x18600, s20;
	[dreg:$0x15] =	wrdreg s22  }
0x1c: {  	s26 =	sadd.s32 $0x40600, s5;
	s30 =	sshrl.u32 s10, $0x3;
	[dreg:$0x16] =	wrdreg s23  }
0x1d: {  	s6 =	simm.s32 $0x16;
	s13 =	simm.s32 $0x6540;
	[dreg:$0x17] =	wrdreg s25  }
0x1e: {  	s10 =	simm.s32 $0x7;
	s5 =	simm.s32 $0x0;
	[dreg:$0x18] =	wrdreg s26  }
0x1f: {  	[dreg:$0x19] =	wrdreg s30;
	s26 =	sadd.s32 $0x7D, s8;
	s21 =	simm.s32 $0x6590  }
0x20: {  	s22 =	simm.s32 $0x65E0;
	s25 =	simm.s32 $0x6630;
	s23 =	simm.s32 $0x13  }
.LBB2_1:
0x21: {  	[dreg:$0x1a] =	wrdreg s5  }
0x22: {  	s0 =	rddreg [dreg:$0xa]  }
0x23: {  	s3 =	simm.s32 $0x6A40;
	s7 =	stileid.u32;
	s18 =	simm.s32 $0x1  }
0x24: {  	[tilespmem:s3], [sflag:$0x16] =	stream.linear.gather [hbm4b:s0+s4], $0x500, $0x38;
	[tilespmem:$0x1D380] =	vst v63  }
0x25: {  	s19 =	simm.s32 $0x8;
	s20 =	simm.s32 $0x10;
	_ =	swait.ge [sflag:s6], $0x500  }
0x26: {  	s0 =	sshll.u32 s7, $0x6;
	[sflag:s6] =	ssyncset.done $0x0;
	s9 =	rddreg [dreg:$0x13]  }
0x27: {  	s7 =	sor.u32 $0x1C16, s0;
	s11 =	rddreg [dreg:$0x19];
	[sflag:s6] =	ssyncadd.s32 $0xFFFFFB00  }
0x28: {  	[spmem:s11@s19], [sflag:s7] =	dma.strided [hbm:s9@s20], $0x1388, s18, $0x8   }
0x29: {  	_ =	swait.ge [sflag:s6], $0x1388  }
0x2a: {  	s12 =	rddreg [dreg:$0xb]  }
0x2b: {  	[sflag:s6] =	ssyncset.done $0x0;
	s30 =	rddreg [dreg:$0x8];
	s15 =	sshrl.u32 s12, $0x3  }
0x2c: {  	[sflag:s6] =	ssyncadd.s32 $0xFFFFEC78;
	[dreg:$0x1c] =	wrdreg s15  }
0x2d: {  	[spmem:s15], [sflag:s7] =	dma.local [hbm:s30], $0x1400  }
0x2e: {  	_ =	swait.ge [sflag:s6], $0x1400;
	[dreg:$0x1b] =	wrdreg s7  }
0x2f: {  	s1 =	rddreg [dreg:$0xc]  }
0x30: {  	[sflag:s6] =	ssyncset.done $0x0;
	s3 =	rddreg [dreg:$0x9];
	s2 =	sshrl.u32 s1, $0x3  }
0x31: {  	[sflag:s6] =	ssyncadd.s32 $0xFFFFEC00;
	[dreg:$0x1d] =	wrdreg s2  }
0x32: {  	[spmem:s2], [sflag:s7] =	dma.local [hbm:s3], $0x500  }
0x33: {  	_ =	swait.ge [sflag:s6], $0x500  }
0x34: {  	[sflag:s6] =	ssyncset.done $0x0  }
0x35: {  	[sflag:s6] =	ssyncadd.s32 $0xFFFFFB00  }
0x36: {  	[bflag:$0x0] =	sbarrier.arrive $0xFFFF  }
0x37: {  	s6 =	simm.s32 $0x6400;
	s5 =	rddreg [dreg:$0xd]  }
0x38: {  	[tilespmem:s6], [sflag:$0xB] =	stream.linear.gather [hbm4b:s5+s4], $0x50, $0x38;
	[tilespmem:$0x1D380] =	vst v63  }
0x39: {  	s7 =	rddreg [dreg:$0xe]  }
0x3a: {  	[tilespmem:s29], [sflag:$0xB] =	stream.linear.gather [hbm4b:s7+s4], $0x50, $0x38;
	[tilespmem:$0x1D380] =	vst v63  }
0x3b: {  	s11 =	simm.s32 $0x64A0;
	s9 =	rddreg [dreg:$0xf]  }
0x3c: {  	[tilespmem:s11], [sflag:$0xC] =	stream.linear.gather [hbm4b:s9+s4], $0x50, $0x38;
	[tilespmem:$0x1D380] =	vst v63  }
0x3d: {  	s12 =	rddreg [dreg:$0x10]  }
0x3e: {  	[tilespmem:s31], [sflag:$0xC] =	stream.linear.gather [hbm4b:s12+s4], $0x50, $0x38;
	[tilespmem:$0x1D380] =	vst v63  }
0x3f: {  	s15 =	rddreg [dreg:$0x11]  }
0x40: {  	[tilespmem:s13], [sflag:$0xD] =	stream.linear.gather [hbm4b:s15+s4], $0x50, $0x38;
	[tilespmem:$0x1D380] =	vst v63  }
0x41: {  	s30 =	rddreg [dreg:$0x12]  }
0x42: {  	[tilespmem:s21], [sflag:$0xD] =	stream.linear.gather [hbm4b:s30+s4], $0x50, $0x38;
	[tilespmem:$0x1D380] =	vst v63  }
0x43: {  	s1 =	rddreg [dreg:$0x14]  }
0x44: {  	[tilespmem:s22], [sflag:$0xE] =	stream.linear.gather [hbm4b:s1+s4], $0x50, $0x38;
	[tilespmem:$0x1D380] =	vst v63  }
0x45: {  	s3 =	simm.s32 $0xB;
	s2 =	rddreg [dreg:$0x15]  }
0x46: {  	[tilespmem:s25], [sflag:$0xE] =	stream.linear.gather [hbm4b:s2+s4], $0x50, $0x38;
	[tilespmem:$0x1D380] =	vst v63  }
0x47: {  	_ =	swait.ge [sflag:s3], $0x50  }
0x48: {  	[sflag:s3] =	ssyncset.done $0x0  }
0x49: {  	[sflag:s3] =	ssyncadd.s32 $0xFFFFFFB0  }
0x4a: {  	_ =	swait.ge [sflag:s3], $0x50  }
0x4b: {  	[sflag:s3] =	ssyncset.done $0x0  }
0x4c: {  	[sflag:s3] =	ssyncadd.s32 $0xFFFFFFB0  }
0x4d: {  	s7 =	simm.s32 $0xC;
	s2 =	rddreg [dreg:$0x2]  }
0x4e: {  	[tilespmem:s4], [sflag:$0x1] =	stream.indirect.gather [spmem:s2], $0x40, s6, s16, $0xb8;
	[tilespmem:$0x1D380] =	vst v63  }
0x4f: {  	_ =	swait.ge [sflag:s7], $0x50  }
0x50: {  	[sflag:s7] =	ssyncset.done $0x0  }
0x51: {  	[sflag:s7] =	ssyncadd.s32 $0xFFFFFFB0  }
0x52: {  	_ =	swait.ge [sflag:s7], $0x50  }
0x53: {  	[sflag:s7] =	ssyncset.done $0x0  }
0x54: {  	s0 =	sadd.s32 $0x0, s24;
	[sflag:s7] =	ssyncadd.s32 $0xFFFFFFB0  }
0x55: {  	[tilespmem:s17], [sflag:$0x2] =	stream.indirect.gather [spmem:s2], $0x40, s11, s16, $0xb8;
	[tilespmem:$0x1D380] =	vst v63  }
0x56: {  	p0 =	por $0x1, $0x1;
	s9 =	sadd.s32 $0x28, s0;
	s7 =	simm.s32 $0x6680  }
0x57: {  	[tilespmem:s7], [sflag:$0xF] =	stream.linear.gather [hbm4b:s9+s4], $0x50, $0x38;
	[tilespmem:$0x1D380] =	vst v63  }
0x58: {  	s5 =	simm.s32 @!p0 $0x8;
	s1 =	simm.s32 $0x66D0;
	s11 =	sadd.s32 $0x9C68, s0  }
0x59: {  	[tilespmem:s1], [sflag:$0xF] =	stream.linear.gather [hbm4b:s11+s4], $0x50, $0x38;
	[tilespmem:$0x1D380] =	vst v63  }
0x5a: {  	_ =	swait.ge @!p0 [sflag:s5], $0x1400  }
0x5b: {  	[sflag:s5] =	ssyncset.done @!p0 $0x0  }
0x5c: {  	s12 =	simm.s32 $0xD;
	[sflag:s5] =	ssyncadd.s32 @!p0 $0xFFFFEC00  }
0x5d: {  	_ =	swait.ge [sflag:s12], $0x50  }
0x5e: {  	[sflag:s12] =	ssyncset.done $0x0  }
0x5f: {  	[sflag:s12] =	ssyncadd.s32 $0xFFFFFFB0  }
0x60: {  	p2 =	sgt.u32 s8, $0x0;
	_ =	swait.ge [sflag:s12], $0x50  }
0x61: {  	p3 =	sle.u32 @!p2 s26, $0x0;
	[sflag:s12] =	ssyncset.done $0x0  }
0x62: {  	p1 =	por p3, p2;
	s30 =	simm.s32 $0x2800;
	[sflag:s12] =	ssyncadd.s32 $0xFFFFFFB0  }
0x63: {  	[tilespmem:s30], [sflag:$0x3] =	stream.indirect.gather [spmem:s2], $0x40, s13, s16, $0xb8;
	[tilespmem:$0x1D380] =	vst v63  }
0x64: {  	p4 =	sgt.u32 @!p1 s28, $0x0;
	_ =	swait.ge [sflag:s18], $0x1400  }
0x65: {  	p3 =	por @!p2 p4, p3;
	[sflag:s18] =	ssyncset.done $0x0  }
0x66: {  	p2 =	por p3, p2;
	[sflag:s18] =	ssyncadd.s32 $0xFFFFEC00  }
0x67: {  	s5 =	simm.s32 @!p2 $0x15;
	s3 =	rddreg [dreg:$0x3]  }
0x68: {  	[spmem:s3] =	stream.indirect.scatter.add.f32 [tilespmem:s4], [sflag:$0x6], $0x40, s29, s16, $0xb8;
	[tilespmem:$0x1D380] =	vst v63  }
0x69: {  	_ =	swait.ge @!p2 [sflag:s5], $0x500  }
0x6a: {  	[sflag:s5] =	ssyncset.done @!p2 $0x0  }
0x6b: {  	s6 =	simm.s32 @!p1 $0x6A40;
	[sflag:s5] =	ssyncadd.s32 @!p2 $0xFFFFFB00  }
0x6c: {  	s17 =	simm.s32 @!p1 $0x6450;
	s13 =	simm.s32 @!p1 $0x50;
	s1 =	rddreg [dreg:$0x4]  }
0x6d: {  	[spmem:s1] =	stream.indirect.scatter.add.f32 @!p1 [tilespmem:s6], [sflag:$0x15], $0x10, s17, s13, $0xb8;
	[tilespmem:$0x1D380] =	vst v63  }
0x6e: {  	s15 =	simm.s32 $0x6720;
	s13 =	sadd.s32 $0x32, s0  }
0x6f: {  	[tilespmem:s15], [sflag:$0x10] =	stream.linear.gather [hbm4b:s13+s4], $0x50, $0x38;
	[tilespmem:$0x1D380] =	vst v63  }
0x70: {  	s9 =	simm.s32 $0x6770;
	s17 =	sadd.s32 $0x9C72, s0;
	s6 =	simm.s32 @!p0 $0x9  }
0x71: {  	[tilespmem:s9], [sflag:$0x10] =	stream.linear.gather [hbm4b:s17+s4], $0x50, $0x38;
	[tilespmem:$0x1D380] =	vst v63  }
0x72: {  	_ =	swait.ge @!p0 [sflag:s6], $0x1400  }
0x73: {  	[sflag:s6] =	ssyncset.done @!p0 $0x0  }
0x74: {  	s11 =	simm.s32 $0xE;
	[sflag:s6] =	ssyncadd.s32 @!p0 $0xFFFFEC00  }
0x75: {  	_ =	swait.ge [sflag:s11], $0x50  }
0x76: {  	p2 =	sgt.u32 s8, $0x1;
	[sflag:s11] =	ssyncset.done $0x0  }
0x77: {  	p3 =	sle.u32 @!p2 s26, $0x1;
	[sflag:s11] =	ssyncadd.s32 $0xFFFFFFB0  }
0x78: {  	p1 =	por p3, p2;
	_ =	swait.ge [sflag:s11], $0x50  }
0x79: {  	p4 =	sgt.u32 @!p1 s28, $0x1;
	[sflag:s11] =	ssyncset.done $0x0  }
0x7a: {  	s9 =	simm.s32 $0x2;
	[sflag:s11] =	ssyncadd.s32 $0xFFFFFFB0;
	s11 =	simm.s32 $0x3C00  }
0x7b: {  	[tilespmem:s11], [sflag:$0x4] =	stream.indirect.gather [spmem:s2], $0x40, s22, s16, $0xb8;
	[tilespmem:$0x1D380] =	vst v63  }
0x7c: {  	p3 =	por @!p2 p4, p3;
	_ =	swait.ge [sflag:s9], $0x1400  }
0x7d: {  	p2 =	por p3, p2;
	[sflag:s9] =	ssyncset.done $0x0  }
0x7e: {  	s12 =	simm.s32 $0x1400;
	s5 =	simm.s32 @!p2 $0x15;
	[sflag:s9] =	ssyncadd.s32 $0xFFFFEC00  }
0x7f: {  	[spmem:s3] =	stream.indirect.scatter.add.f32 [tilespmem:s12], [sflag:$0x7], $0x40, s31, s16, $0xb8;
	[tilespmem:$0x1D380] =	vst v63  }
0x80: {  	_ =	swait.ge @!p2 [sflag:s5], $0x500  }
0x81: {  	s13 =	simm.s32 @!p1 $0x64F0;
	[sflag:s5] =	ssyncset.done @!p2 $0x0  }
0x82: {  	s17 =	simm.s32 @!p1 $0x6A40;
	s6 =	simm.s32 @!p1 $0x50;
	[sflag:s5] =	ssyncadd.s32 @!p2 $0xFFFFFB00  }
0x83: {  	[spmem:s1] =	stream.indirect.scatter.add.f32 @!p1 [tilespmem:s17], [sflag:$0x15], $0x10, s13, s6, $0xb8;
	[tilespmem:$0x1D380] =	vst v63  }
0x84: {  	s13 =	sadd.s32 $0x3C, s0  }
0x85: {  	[tilespmem:s14], [sflag:$0x11] =	stream.linear.gather [hbm4b:s13+s4], $0x50, $0x38;
	[tilespmem:$0x1D380] =	vst v63  }
0x86: {  	s22 =	simm.s32 $0x6810;
	s17 =	sadd.s32 $0x9C7C, s0;
	s6 =	simm.s32 @!p0 $0xA  }
0x87: {  	[tilespmem:s22], [sflag:$0x11] =	stream.linear.gather [hbm4b:s17+s4], $0x50, $0x38;
	[tilespmem:$0x1D380] =	vst v63  }
0x88: {  	_ =	swait.ge @!p0 [sflag:s6], $0x1400  }
0x89: {  	[sflag:s6] =	ssyncset.done @!p0 $0x0  }
0x8a: {  	s13 =	simm.s32 $0xF;
	[sflag:s6] =	ssyncadd.s32 @!p0 $0xFFFFEC00  }
0x8b: {  	_ =	swait.ge [sflag:s13], $0x50  }
0x8c: {  	[sflag:s13] =	ssyncset.done $0x0  }
0x8d: {  	[sflag:s13] =	ssyncadd.s32 $0xFFFFFFB0  }
0x8e: {  	p1 =	sgt.u32 s8, $0x2;
	_ =	swait.ge [sflag:s13], $0x50  }
0x8f: {  	p2 =	sle.u32 @!p1 s26, $0x2;
	[sflag:s13] =	ssyncset.done $0x0  }
0x90: {  	s22 =	simm.s32 $0x5000;
	p0 =	por p2, p1;
	[sflag:s13] =	ssyncadd.s32 $0xFFFFFFB0  }
0x91: {  	[tilespmem:s22], [sflag:$0x5] =	stream.indirect.gather [spmem:s2], $0x40, s7, s16, $0xb8;
	[tilespmem:$0x1D380] =	vst v63  }
0x92: {  	p3 =	sgt.u32 @!p0 s28, $0x2;
	s7 =	simm.s32 $0x3  }
0x93: {  	p2 =	por @!p1 p3, p2;
	_ =	swait.ge [sflag:s7], $0x1400  }
0x94: {  	p1 =	por p2, p1;
	[sflag:s7] =	ssyncset.done $0x0  }
0x95: {  	s5 =	simm.s32 @!p1 $0x15;
	[sflag:s7] =	ssyncadd.s32 $0xFFFFEC00  }
0x96: {  	[spmem:s3] =	stream.indirect.scatter.add.f32 [tilespmem:s30], [sflag:$0x8], $0x40, s21, s16, $0xb8;
	[tilespmem:$0x1D380] =	vst v63  }
0x97: {  	_ =	swait.ge @!p1 [sflag:s5], $0x500  }
0x98: {  	s6 =	simm.s32 @!p0 $0x6A40;
	[sflag:s5] =	ssyncset.done @!p1 $0x0  }
0x99: {  	s17 =	simm.s32 @!p0 $0x6590;
	s13 =	simm.s32 @!p0 $0x50;
	[sflag:s5] =	ssyncadd.s32 @!p1 $0xFFFFFB00  }
0x9a: {  	[spmem:s1] =	stream.indirect.scatter.add.f32 @!p0 [tilespmem:s6], [sflag:$0x15], $0x10, s17, s13, $0xb8;
	[tilespmem:$0x1D380] =	vst v63  }
0x9b: {  	s21 =	simm.s32 $0x6860;
	s17 =	sadd.s32 $0x46, s0  }
0x9c: {  	[tilespmem:s21], [sflag:$0x12] =	stream.linear.gather [hbm4b:s17+s4], $0x50, $0x38;
	[tilespmem:$0x1D380] =	vst v63  }
0x9d: {  	s6 =	sadd.s32 $0x9C86, s0;
	s13 =	simm.s32 $0x68B0;
	s17 =	simm.s32 $0x6  }
0x9e: {  	[tilespmem:s13], [sflag:$0x12] =	stream.linear.gather [hbm4b:s6+s4], $0x50, $0x38;
	[tilespmem:$0x1D380] =	vst v63  }
0x9f: {  	_ =	swait.ge [sflag:s17], $0x1400  }
0xa0: {  	[sflag:s17] =	ssyncset.done $0x0  }
0xa1: {  	[sflag:s17] =	ssyncadd.s32 $0xFFFFEC00  }
0xa2: {  	_ =	swait.ge [sflag:s20], $0x50  }
0xa3: {  	[sflag:s20] =	ssyncset.done $0x0  }
0xa4: {  	[sflag:s20] =	ssyncadd.s32 $0xFFFFFFB0  }
0xa5: {  	p1 =	sgt.u32 s8, $0x3;
	_ =	swait.ge [sflag:s20], $0x50  }
0xa6: {  	p2 =	sle.u32 @!p1 s26, $0x3;
	[sflag:s20] =	ssyncset.done $0x0  }
0xa7: {  	p0 =	por p2, p1;
	[sflag:s20] =	ssyncadd.s32 $0xFFFFFFB0  }
0xa8: {  	[tilespmem:s4], [sflag:$0x1] =	stream.indirect.gather [spmem:s2], $0x40, s15, s16, $0xb8;
	[tilespmem:$0x1D380] =	vst v63  }
0xa9: {  	p3 =	sgt.u32 @!p0 s8, $0x0;
	s15 =	simm.s32 $0x4  }
0xaa: {  	p2 =	por @!p1 p3, p2;
	_ =	swait.ge [sflag:s15], $0x1400  }
0xab: {  	p1 =	por p2, p1;
	[sflag:s15] =	ssyncset.done $0x0  }
0xac: {  	s5 =	simm.s32 @!p1 $0x15;
	[sflag:s15] =	ssyncadd.s32 $0xFFFFEC00  }
0xad: {  	[spmem:s3] =	stream.indirect.scatter.add.f32 [tilespmem:s11], [sflag:$0x9], $0x40, s25, s16, $0xb8;
	[tilespmem:$0x1D380] =	vst v63  }
0xae: {  	_ =	swait.ge @!p1 [sflag:s5], $0x500  }
0xaf: {  	s6 =	simm.s32 @!p0 $0x6A40;
	[sflag:s5] =	ssyncset.done @!p1 $0x0  }
0xb0: {  	s13 =	simm.s32 @!p0 $0x6630;
	s17 =	simm.s32 @!p0 $0x50;
	[sflag:s5] =	ssyncadd.s32 @!p1 $0xFFFFFB00  }
0xb1: {  	[spmem:s1] =	stream.indirect.scatter.add.f32 @!p0 [tilespmem:s6], [sflag:$0x15], $0x10, s13, s17, $0xb8;
	[tilespmem:$0x1D380] =	vst v63  }
0xb2: {  	s20 =	sadd.s32 $0x50, s0;
	s17 =	simm.s32 $0x6900  }
0xb3: {  	[tilespmem:s17], [sflag:$0x13] =	stream.linear.gather [hbm4b:s20+s4], $0x50, $0x38;
	[tilespmem:$0x1D380] =	vst v63  }
0xb4: {  	s25 =	sadd.s32 $0x9C90, s0;
	s20 =	simm.s32 $0x6950  }
0xb5: {  	[tilespmem:s20], [sflag:$0x13] =	stream.linear.gather [hbm4b:s25+s4], $0x50, $0x38;
	[tilespmem:$0x1D380] =	vst v63  }
0xb6: {  	_ =	swait.ge [sflag:s10], $0x1400  }
0xb7: {  	[sflag:s10] =	ssyncset.done $0x0  }
0xb8: {  	s6 =	simm.s32 $0x11;
	[sflag:s10] =	ssyncadd.s32 $0xFFFFEC00  }
0xb9: {  	_ =	swait.ge [sflag:s6], $0x50  }
0xba: {  	[sflag:s6] =	ssyncset.done $0x0  }
0xbb: {  	p1 =	sgt.u32 s8, $0x4;
	[sflag:s6] =	ssyncadd.s32 $0xFFFFFFB0  }
0xbc: {  	p2 =	sle.u32 @!p1 s26, $0x4;
	_ =	swait.ge [sflag:s6], $0x50  }
0xbd: {  	p0 =	por p2, p1;
	[sflag:s6] =	ssyncset.done $0x0  }
0xbe: {  	p3 =	sgt.u32 @!p0 s28, $0x4;
	s10 =	simm.s32 $0x5;
	[sflag:s6] =	ssyncadd.s32 $0xFFFFFFB0  }
0xbf: {  	[tilespmem:s12], [sflag:$0x2] =	stream.indirect.gather [spmem:s2], $0x40, s14, s16, $0xb8;
	[tilespmem:$0x1D380] =	vst v63  }
0xc0: {  	p2 =	por @!p1 p3, p2;
	_ =	swait.ge [sflag:s10], $0x1400  }
0xc1: {  	p1 =	por p2, p1;
	[sflag:s10] =	ssyncset.done $0x0  }
0xc2: {  	s13 =	simm.s32 $0x66D0;
	s5 =	simm.s32 @!p1 $0x15;
	[sflag:s10] =	ssyncadd.s32 $0xFFFFEC00  }
0xc3: {  	[spmem:s3] =	stream.indirect.scatter.add.f32 [tilespmem:s22], [sflag:$0xA], $0x40, s13, s16, $0xb8;
	[tilespmem:$0x1D380] =	vst v63  }
0xc4: {  	_ =	swait.ge @!p1 [sflag:s5], $0x500  }
0xc5: {  	s6 =	simm.s32 @!p0 $0x6A40;
	[sflag:s5] =	ssyncset.done @!p1 $0x0  }
0xc6: {  	s13 =	simm.s32 @!p0 $0x66D0;
	[sflag:s5] =	ssyncadd.s32 @!p1 $0xFFFFFB00;
	s5 =	simm.s32 @!p0 $0x50  }
0xc7: {  	[spmem:s1] =	stream.indirect.scatter.add.f32 @!p0 [tilespmem:s6], [sflag:$0x15], $0x10, s13, s5, $0xb8;
	[tilespmem:$0x1D380] =	vst v63  }
0xc8: {  	s25 =	simm.s32 $0x69A0;
	s14 =	sadd.s32 $0x5A, s0  }
0xc9: {  	[tilespmem:s25], [sflag:$0x14] =	stream.linear.gather [hbm4b:s14+s4], $0x50, $0x38;
	[tilespmem:$0x1D380] =	vst v63  }
0xca: {  	s0 =	sadd.s32 $0x9C9A, s0;
	s6 =	simm.s32 $0x69F0  }
0xcb: {  	[tilespmem:s6], [sflag:$0x14] =	stream.linear.gather [hbm4b:s0+s4], $0x50, $0x38;
	[tilespmem:$0x1D380] =	vst v63  }
0xcc: {  	_ =	swait.ge [sflag:s19], $0x1400  }
0xcd: {  	[sflag:s19] =	ssyncset.done $0x0  }
0xce: {  	s13 =	simm.s32 $0x12;
	[sflag:s19] =	ssyncadd.s32 $0xFFFFEC00  }
0xcf: {  	_ =	swait.ge [sflag:s13], $0x50  }
0xd0: {  	[sflag:s13] =	ssyncset.done $0x0  }
0xd1: {  	p0 =	sgt.u32 s8, $0x5;
	[sflag:s13] =	ssyncadd.s32 $0xFFFFFFB0  }
0xd2: {  	p2 =	sle.u32 @!p0 s26, $0x5;
	_ =	swait.ge [sflag:s13], $0x50  }
0xd3: {  	p1 =	por p2, p0;
	[sflag:s13] =	ssyncset.done $0x0  }
0xd4: {  	p3 =	sgt.u32 @!p1 s28, $0x5;
	[sflag:s13] =	ssyncadd.s32 $0xFFFFFFB0  }
0xd5: {  	[tilespmem:s30], [sflag:$0x3] =	stream.indirect.gather [spmem:s2], $0x40, s21, s16, $0xb8;
	[tilespmem:$0x1D380] =	vst v63  }
0xd6: {  	p2 =	por @!p0 p3, p2;
	_ =	swait.ge [sflag:s18], $0x1400  }
0xd7: {  	p2 =	por p2, p0;
	[sflag:s18] =	ssyncset.done $0x0  }
0xd8: {  	s14 =	simm.s32 $0x6770;
	s0 =	simm.s32 @!p2 $0x15;
	[sflag:s18] =	ssyncadd.s32 $0xFFFFEC00  }
0xd9: {  	[spmem:s3] =	stream.indirect.scatter.add.f32 [tilespmem:s4], [sflag:$0x6], $0x40, s14, s16, $0xb8;
	[tilespmem:$0x1D380] =	vst v63  }
0xda: {  	s5 =	simm.s32 @!p1 $0x6770;
	_ =	swait.ge @!p2 [sflag:s0], $0x500  }
0xdb: {  	s6 =	simm.s32 @!p1 $0x6A40;
	p0 =	por $0x0, $0x0;
	[sflag:s0] =	ssyncset.done @!p2 $0x0  }
0xdc: {  	s13 =	sadd.s32 @!p0 $0x0, s24;
	[sflag:s0] =	ssyncadd.s32 @!p2 $0xFFFFFB00;
	s0 =	simm.s32 @!p1 $0x50  }
0xdd: {  	[spmem:s1] =	stream.indirect.scatter.add.f32 @!p1 [tilespmem:s6], [sflag:$0x15], $0x10, s5, s0, $0xb8;
	[tilespmem:$0x1D380] =	vst v63  }
0xde: {  	s0 =	simm.s32 @!p0 $0x0;
	s5 =	sadd.s32 @!p0 $0x64, s13;
	s6 =	simm.s32 @!p0 $0x6400  }
0xdf: {  	[tilespmem:s6], [sflag:$0xB] =	stream.linear.gather @!p0 [hbm4b:s5+s0], $0x50, $0x38;
	[tilespmem:$0x1D380] =	vst v63  }
0xe0: {  	s18 =	simm.s32 $0x9;
	s5 =	sadd.s32 @!p0 $0x9CA4, s13;
	s6 =	simm.s32 @!p0 $0x6450  }
0xe1: {  	[tilespmem:s6], [sflag:$0xB] =	stream.linear.gather @!p0 [hbm4b:s5+s0], $0x50, $0x38;
	[tilespmem:$0x1D380] =	vst v63  }
0xe2: {  	_ =	swait.ge [sflag:s18], $0x1400  }
0xe3: {  	[sflag:s18] =	ssyncset.done $0x0  }
0xe4: {  	[sflag:s18] =	ssyncadd.s32 $0xFFFFEC00  }
0xe5: {  	_ =	swait.ge [sflag:s23], $0x50  }
0xe6: {  	[sflag:s23] =	ssyncset.done $0x0  }
0xe7: {  	p2 =	sgt.u32 s8, $0x6;
	[sflag:s23] =	ssyncadd.s32 $0xFFFFFFB0  }
0xe8: {  	p3 =	sle.u32 @!p2 s26, $0x6;
	_ =	swait.ge [sflag:s23], $0x50  }
0xe9: {  	p1 =	por p3, p2;
	[sflag:s23] =	ssyncset.done $0x0  }
0xea: {  	p4 =	sgt.u32 @!p1 s28, $0x6;
	[sflag:s23] =	ssyncadd.s32 $0xFFFFFFB0  }
0xeb: {  	[tilespmem:s11], [sflag:$0x4] =	stream.indirect.gather [spmem:s2], $0x40, s17, s16, $0xb8;
	[tilespmem:$0x1D380] =	vst v63  }
0xec: {  	p3 =	por @!p2 p4, p3;
	_ =	swait.ge [sflag:s9], $0x1400  }
0xed: {  	p2 =	por p3, p2;
	[sflag:s9] =	ssyncset.done $0x0  }
0xee: {  	s19 =	simm.s32 $0x6810;
	s5 =	simm.s32 @!p2 $0x15;
	[sflag:s9] =	ssyncadd.s32 $0xFFFFEC00  }
0xef: {  	[spmem:s3] =	stream.indirect.scatter.add.f32 [tilespmem:s12], [sflag:$0x7], $0x40, s19, s16, $0xb8;
	[tilespmem:$0x1D380] =	vst v63  }
0xf0: {  	_ =	swait.ge @!p2 [sflag:s5], $0x500  }
0xf1: {  	s6 =	simm.s32 @!p1 $0x6810;
	[sflag:s5] =	ssyncset.done @!p2 $0x0  }
0xf2: {  	s17 =	simm.s32 @!p1 $0x6A40;
	[sflag:s5] =	ssyncadd.s32 @!p2 $0xFFFFFB00;
	s5 =	simm.s32 @!p1 $0x50  }
0xf3: {  	[spmem:s1] =	stream.indirect.scatter.add.f32 @!p1 [tilespmem:s17], [sflag:$0x15], $0x10, s6, s5, $0xb8;
	[tilespmem:$0x1D380] =	vst v63  }
0xf4: {  	s5 =	sadd.s32 @!p0 $0x6E, s13;
	s6 =	simm.s32 @!p0 $0x64A0  }
0xf5: {  	[tilespmem:s6], [sflag:$0xC] =	stream.linear.gather @!p0 [hbm4b:s5+s0], $0x50, $0x38;
	[tilespmem:$0x1D380] =	vst v63  }
0xf6: {  	s21 =	simm.s32 $0xA;
	s5 =	sadd.s32 @!p0 $0x9CAE, s13;
	s6 =	simm.s32 @!p0 $0x64F0  }
0xf7: {  	[tilespmem:s6], [sflag:$0xC] =	stream.linear.gather @!p0 [hbm4b:s5+s0], $0x50, $0x38;
	[tilespmem:$0x1D380] =	vst v63  }
0xf8: {  	_ =	swait.ge [sflag:s21], $0x1400  }
0xf9: {  	[sflag:s21] =	ssyncset.done $0x0  }
0xfa: {  	s23 =	simm.s32 $0x14;
	[sflag:s21] =	ssyncadd.s32 $0xFFFFEC00  }
0xfb: {  	_ =	swait.ge [sflag:s23], $0x50  }
0xfc: {  	[sflag:s23] =	ssyncset.done $0x0  }
0xfd: {  	p1 =	sgt.u32 s8, $0x7;
	[sflag:s23] =	ssyncadd.s32 $0xFFFFFFB0  }
0xfe: {  	p2 =	sle.u32 @!p1 s26, $0x7;
	_ =	swait.ge [sflag:s23], $0x50  }
0xff: {  	p0 =	por p2, p1;
	[sflag:s23] =	ssyncset.done $0x0  }
0x100: {  	p3 =	sgt.u32 @!p0 s28, $0x7;
	[sflag:s23] =	ssyncadd.s32 $0xFFFFFFB0  }
0x101: {  	[tilespmem:s22], [sflag:$0x5] =	stream.indirect.gather [spmem:s2], $0x40, s25, s16, $0xb8;
	[tilespmem:$0x1D380] =	vst v63  }
0x102: {  	p2 =	por @!p1 p3, p2;
	_ =	swait.ge [sflag:s7], $0x1400  }
0x103: {  	p2 =	por p2, p1;
	[sflag:s7] =	ssyncset.done $0x0  }
0x104: {  	s0 =	simm.s32 @!p2 $0x15;
	s25 =	simm.s32 $0x68B0;
	[sflag:s7] =	ssyncadd.s32 $0xFFFFEC00  }
0x105: {  	[spmem:s3] =	stream.indirect.scatter.add.f32 [tilespmem:s30], [sflag:$0x8], $0x40, s25, s16, $0xb8;
	[tilespmem:$0x1D380] =	vst v63  }
0x106: {  	s5 =	simm.s32 @!p0 $0x68B0;
	_ =	swait.ge @!p2 [sflag:s0], $0x500  }
0x107: {  	s6 =	simm.s32 @!p0 $0x6A40;
	p1 =	por $0x1, $0x1;
	[sflag:s0] =	ssyncset.done @!p2 $0x0  }
0x108: {  	s13 =	simm.s32 @!p0 $0x50;
	s17 =	sadd.s32 @p1 $0x0, s24;
	[sflag:s0] =	ssyncadd.s32 @!p2 $0xFFFFFB00  }
0x109: {  	[spmem:s1] =	stream.indirect.scatter.add.f32 @!p0 [tilespmem:s6], [sflag:$0x15], $0x10, s5, s13, $0xb8;
	[tilespmem:$0x1D380] =	vst v63  }
0x10a: {  	s0 =	simm.s32 @p1 $0x0;
	s5 =	sadd.s32 @p1 $0x78, s17;
	s6 =	simm.s32 @p1 $0x6540  }
0x10b: {  	[tilespmem:s6], [sflag:$0xD] =	stream.linear.gather @p1 [hbm4b:s5+s0], $0x50, $0x38;
	[tilespmem:$0x1D380] =	vst v63  }
0x10c: {  	s13 =	simm.s32 @p1 $0x6;
	s5 =	sadd.s32 @p1 $0x9CB8, s17;
	s6 =	simm.s32 @p1 $0x6590  }
0x10d: {  	[tilespmem:s6], [sflag:$0xD] =	stream.linear.gather @p1 [hbm4b:s5+s0], $0x50, $0x38;
	[tilespmem:$0x1D380] =	vst v63  }
0x10e: {  	_ =	swait.ge @p1 [sflag:s13], $0x1400  }
0x10f: {  	[sflag:s13] =	ssyncset.done @p1 $0x0  }
0x110: {  	s6 =	simm.s32 @p1 $0xB;
	[sflag:s13] =	ssyncadd.s32 @p1 $0xFFFFEC00  }
0x111: {  	_ =	swait.ge @p1 [sflag:s6], $0x50  }
0x112: {  	[sflag:s6] =	ssyncset.done @p1 $0x0  }
0x113: {  	[sflag:s6] =	ssyncadd.s32 @p1 $0xFFFFFFB0  }
0x114: {  	_ =	swait.ge @p1 [sflag:s6], $0x50  }
0x115: {  	p2 =	sgt.u32 s8, $0x8;
	s5 =	simm.s32 @p1 $0x50;
	[sflag:s6] =	ssyncset.done @p1 $0x0  }
0x116: {  	s13 =	simm.s32 @p1 $0x6400;
	[sflag:s6] =	ssyncadd.s32 @p1 $0xFFFFFFB0;
	s6 =	simm.s32 @!p1 $0x6  }
0x117: {  	[tilespmem:s0], [sflag:$0x1] =	stream.indirect.gather @p1 [spmem:s2], $0x40, s13, s5, $0xb8;
	[tilespmem:$0x1D380] =	vst v63  }
0x118: {  	p3 =	sle.u32 @!p2 s26, $0x8;
	_ =	swait.ge @!p1 [sflag:s6], $0x1400  }
0x119: {  	p0 =	por p3, p2;
	[sflag:s6] =	ssyncset.done @!p1 $0x0  }
0x11a: {  	p4 =	sgt.u32 @!p0 s28, $0x8;
	[sflag:s6] =	ssyncadd.s32 @!p1 $0xFFFFEC00  }
0x11b: {  	p3 =	por @!p2 p4, p3;
	_ =	swait.ge [sflag:s15], $0x1400  }
0x11c: {  	p2 =	por p3, p2;
	[sflag:s15] =	ssyncset.done $0x0  }
0x11d: {  	s6 =	simm.s32 @!p2 $0x15;
	[sflag:s15] =	ssyncadd.s32 $0xFFFFEC00  }
0x11e: {  	[spmem:s3] =	stream.indirect.scatter.add.f32 [tilespmem:s11], [sflag:$0x9], $0x40, s20, s16, $0xb8;
	[tilespmem:$0x1D380] =	vst v63  }
0x11f: {  	_ =	swait.ge @!p2 [sflag:s6], $0x500  }
0x120: {  	s18 =	simm.s32 @!p0 $0x50;
	[sflag:s6] =	ssyncset.done @!p2 $0x0  }
0x121: {  	s21 =	simm.s32 @!p0 $0x6950;
	s13 =	simm.s32 @!p0 $0x6A40;
	[sflag:s6] =	ssyncadd.s32 @!p2 $0xFFFFFB00  }
0x122: {  	[spmem:s1] =	stream.indirect.scatter.add.f32 @!p0 [tilespmem:s13], [sflag:$0x15], $0x10, s21, s18, $0xb8;
	[tilespmem:$0x1D380] =	vst v63  }
0x123: {  	s6 =	sadd.s32 @p1 $0x82, s17;
	s13 =	simm.s32 @p1 $0x65E0  }
0x124: {  	[tilespmem:s13], [sflag:$0xE] =	stream.linear.gather @p1 [hbm4b:s6+s0], $0x50, $0x38;
	[tilespmem:$0x1D380] =	vst v63  }
0x125: {  	s6 =	sadd.s32 @p1 $0x9CC2, s17;
	s13 =	simm.s32 @p1 $0x6630;
	s17 =	simm.s32 @p1 $0x7  }
0x126: {  	[tilespmem:s13], [sflag:$0xE] =	stream.linear.gather @p1 [hbm4b:s6+s0], $0x50, $0x38;
	[tilespmem:$0x1D380] =	vst v63  }
0x127: {  	_ =	swait.ge @p1 [sflag:s17], $0x1400  }
0x128: {  	[sflag:s17] =	ssyncset.done @p1 $0x0  }
0x129: {  	s6 =	simm.s32 @p1 $0xC;
	[sflag:s17] =	ssyncadd.s32 @p1 $0xFFFFEC00  }
0x12a: {  	_ =	swait.ge @p1 [sflag:s6], $0x50  }
0x12b: {  	s21 =	simm.s32 @p1 $0x1400;
	[sflag:s6] =	ssyncset.done @p1 $0x0  }
0x12c: {  	s18 =	simm.s32 $0xA;
	s1 =	simm.s32 $0x0;
	[sflag:s6] =	ssyncadd.s32 @p1 $0xFFFFFFB0  }
0x12d: {  	s0 =	simm.s32 $0x64;
	s17 =	simm.s32 @p1 $0x64A0;
	_ =	swait.ge @p1 [sflag:s6], $0x50  }
.LBB2_2:
0x12e: {  	[sflag:s6] =	ssyncset.done @p1 $0x0;
	s19 =	smov.u32 s18  }
0x12f: {  	[sflag:s6] =	ssyncadd.s32 @p1 $0xFFFFFFB0;
	[dreg:$0x7] =	wrdreg s19  }
0x130: {  	s25 =	simm.s32 @!p1 $0x7;
	s20 =	sadd.s32 $0x9, s1;
	s2 =	rddreg [dreg:$0x2]  }
0x131: {  	[tilespmem:s21], [sflag:$0x2] =	stream.indirect.gather @p1 [spmem:s2], $0x40, s17, s5, $0xb8;
	[tilespmem:$0x1D380] =	vst v63  }
0x132: {  	p3 =	slt.u32 s20, s8;
	_ =	swait.ge @!p1 [sflag:s25], $0x1400  }
0x133: {  	p4 =	sge.u32 @!p3 s20, s26;
	[sflag:s25] =	ssyncset.done @!p1 $0x0  }
0x134: {  	s14 =	simm.s32 $0x5;
	p2 =	por p4, p3;
	[sflag:s25] =	ssyncadd.s32 @!p1 $0xFFFFEC00  }
0x135: {  	p1 =	slt.u32 @!p2 s20, s28;
	_ =	swait.ge [sflag:s14], $0x1400  }
0x136: {  	p1 =	por @!p3 p1, p4;
	[sflag:s14] =	ssyncset.done $0x0  }
0x137: {  	s21 =	simm.s32 $0x69F0;
	p1 =	por p1, p3;
	[sflag:s14] =	ssyncadd.s32 $0xFFFFEC00  }
0x138: {  	s20 =	simm.s32 $0x5000;
	s6 =	simm.s32 @!p1 $0x15;
	s3 =	rddreg [dreg:$0x3]  }
0x139: {  	[spmem:s3] =	stream.indirect.scatter.add.f32 [tilespmem:s20], [sflag:$0xA], $0x40, s21, s16, $0xb8;
	[tilespmem:$0x1D380] =	vst v63  }
0x13a: {  	_ =	swait.ge @!p1 [sflag:s6], $0x500  }
0x13b: {  	s22 =	smov.u32 s0;
	s17 =	simm.s32 @!p2 $0x69F0;
	[sflag:s6] =	ssyncset.done @!p1 $0x0  }
0x13c: {  	s20 =	simm.s32 @!p2 $0x6A40;
	s15 =	rddreg [dreg:$0x6];
	[sflag:s6] =	ssyncadd.s32 @!p1 $0xFFFFFB00  }
0x13d: {  	s21 =	simm.s32 @!p2 $0x50;
	s5 =	sadd.s32 s22, s15;
	s1 =	rddreg [dreg:$0x4]  }
0x13e: {  	[spmem:s1] =	stream.indirect.scatter.add.f32 @!p2 [tilespmem:s20], [sflag:$0x15], $0x10, s17, s21, $0xb8;
	[tilespmem:$0x1D380] =	vst v63  }
0x13f: {  	s30 =	simm.s32 $0x6680;
	p1 =	seq.s32 s22, $0x0;
	s23 =	sadd.s32 $0x28, s5  }
0x140: {  	[tilespmem:s30], [sflag:$0xF] =	stream.linear.gather [hbm4b:s23+s4], $0x50, $0x38;
	[tilespmem:$0x1D380] =	vst v63  }
0x141: {  	s24 =	sadd.s32 $0x9C68, s5;
	s6 =	simm.s32 @!p1 $0x8;
	s23 =	simm.s32 $0x66D0  }
0x142: {  	[tilespmem:s23], [sflag:$0xF] =	stream.linear.gather [hbm4b:s24+s4], $0x50, $0x38;
	[tilespmem:$0x1D380] =	vst v63  }
0x143: {  	_ =	swait.ge @!p1 [sflag:s6], $0x1400  }
0x144: {  	[sflag:s6] =	ssyncset.done @!p1 $0x0  }
0x145: {  	s9 =	simm.s32 $0xD;
	[sflag:s6] =	ssyncadd.s32 @!p1 $0xFFFFEC00  }
0x146: {  	_ =	swait.ge [sflag:s9], $0x50  }
0x147: {  	[sflag:s9] =	ssyncset.done $0x0  }
0x148: {  	p3 =	slt.u32 s18, s8;
	[sflag:s9] =	ssyncadd.s32 $0xFFFFFFB0  }
0x149: {  	s7 =	simm.s32 $0x2800;
	p4 =	sge.u32 @!p3 s18, s26;
	_ =	swait.ge [sflag:s9], $0x50  }
0x14a: {  	s19 =	simm.s32 $0x1;
	p2 =	por p4, p3;
	[sflag:s9] =	ssyncset.done $0x0  }
0x14b: {  	s25 =	simm.s32 $0x6540;
	p5 =	slt.u32 @!p2 s18, s28;
	[sflag:s9] =	ssyncadd.s32 $0xFFFFFFB0  }
0x14c: {  	[tilespmem:s7], [sflag:$0x3] =	stream.indirect.gather [spmem:s2], $0x40, s25, s16, $0xb8;
	[tilespmem:$0x1D380] =	vst v63  }
0x14d: {  	p4 =	por @!p3 p5, p4;
	_ =	swait.ge [sflag:s19], $0x1400  }
0x14e: {  	p3 =	por p4, p3;
	[sflag:s19] =	ssyncset.done $0x0  }
0x14f: {  	s6 =	simm.s32 @!p3 $0x15;
	[sflag:s19] =	ssyncadd.s32 $0xFFFFEC00  }
0x150: {  	[spmem:s3] =	stream.indirect.scatter.add.f32 [tilespmem:s4], [sflag:$0x6], $0x40, s29, s16, $0xb8;
	[tilespmem:$0x1D380] =	vst v63  }
0x151: {  	_ =	swait.ge @!p3 [sflag:s6], $0x500  }
0x152: {  	s20 =	simm.s32 @!p2 $0x6A40;
	[sflag:s6] =	ssyncset.done @!p3 $0x0  }
0x153: {  	s21 =	simm.s32 @!p2 $0x50;
	s25 =	simm.s32 @!p2 $0x6450;
	[sflag:s6] =	ssyncadd.s32 @!p3 $0xFFFFFB00  }
0x154: {  	[spmem:s1] =	stream.indirect.scatter.add.f32 @!p2 [tilespmem:s20], [sflag:$0x15], $0x10, s25, s21, $0xb8;
	[tilespmem:$0x1D380] =	vst v63  }
0x155: {  	s10 =	sadd.s32 $0x32, s5;
	s29 =	simm.s32 $0x6720  }
0x156: {  	[tilespmem:s29], [sflag:$0x10] =	stream.linear.gather [hbm4b:s10+s4], $0x50, $0x38;
	[tilespmem:$0x1D380] =	vst v63  }
0x157: {  	s12 =	simm.s32 $0x6770;
	s11 =	sadd.s32 $0x9C72, s5;
	s20 =	simm.s32 @!p1 $0x9  }
0x158: {  	[tilespmem:s12], [sflag:$0x10] =	stream.linear.gather [hbm4b:s11+s4], $0x50, $0x38;
	[tilespmem:$0x1D380] =	vst v63  }
0x159: {  	_ =	swait.ge @!p1 [sflag:s20], $0x1400  }
0x15a: {  	[sflag:s20] =	ssyncset.done @!p1 $0x0  }
0x15b: {  	s13 =	simm.s32 $0xE;
	[sflag:s20] =	ssyncadd.s32 @!p1 $0xFFFFEC00  }
0x15c: {  	_ =	swait.ge [sflag:s13], $0x50  }
0x15d: {  	s6 =	sadd.s32 $0x1, s18;
	[sflag:s13] =	ssyncset.done $0x0  }
0x15e: {  	p3 =	slt.u32 s6, s8;
	[sflag:s13] =	ssyncadd.s32 $0xFFFFFFB0  }
0x15f: {  	s17 =	simm.s32 $0x3C00;
	p4 =	sge.u32 @!p3 s6, s26;
	_ =	swait.ge [sflag:s13], $0x50  }
0x160: {  	s9 =	simm.s32 $0x2;
	p2 =	por p4, p3;
	[sflag:s13] =	ssyncset.done $0x0  }
0x161: {  	p5 =	slt.u32 @!p2 s6, s28;
	s20 =	simm.s32 $0x65E0;
	[sflag:s13] =	ssyncadd.s32 $0xFFFFFFB0  }
0x162: {  	[tilespmem:s17], [sflag:$0x4] =	stream.indirect.gather [spmem:s2], $0x40, s20, s16, $0xb8;
	[tilespmem:$0x1D380] =	vst v63  }
0x163: {  	p4 =	por @!p3 p5, p4;
	_ =	swait.ge [sflag:s9], $0x1400  }
0x164: {  	p3 =	por p4, p3;
	[sflag:s9] =	ssyncset.done $0x0  }
0x165: {  	s12 =	simm.s32 $0x1400;
	s20 =	simm.s32 @!p3 $0x15;
	[sflag:s9] =	ssyncadd.s32 $0xFFFFEC00  }
0x166: {  	[spmem:s3] =	stream.indirect.scatter.add.f32 [tilespmem:s12], [sflag:$0x7], $0x40, s31, s16, $0xb8;
	[tilespmem:$0x1D380] =	vst v63  }
0x167: {  	_ =	swait.ge @!p3 [sflag:s20], $0x500  }
0x168: {  	s6 =	simm.s32 @!p2 $0x50;
	[sflag:s20] =	ssyncset.done @!p3 $0x0  }
0x169: {  	s21 =	simm.s32 @!p2 $0x6A40;
	s17 =	simm.s32 @!p2 $0x64F0;
	[sflag:s20] =	ssyncadd.s32 @!p3 $0xFFFFFB00  }
0x16a: {  	[spmem:s1] =	stream.indirect.scatter.add.f32 @!p2 [tilespmem:s21], [sflag:$0x15], $0x10, s17, s6, $0xb8;
	[tilespmem:$0x1D380] =	vst v63  }
0x16b: {  	s7 =	simm.s32 $0x67C0;
	s21 =	sadd.s32 $0x3C, s5  }
0x16c: {  	[tilespmem:s7], [sflag:$0x11] =	stream.linear.gather [hbm4b:s21+s4], $0x50, $0x38;
	[tilespmem:$0x1D380] =	vst v63  }
0x16d: {  	s25 =	sadd.s32 $0x9C7C, s5;
	s10 =	simm.s32 $0x6810;
	s17 =	simm.s32 @!p1 $0xA  }
0x16e: {  	[tilespmem:s10], [sflag:$0x11] =	stream.linear.gather [hbm4b:s25+s4], $0x50, $0x38;
	[tilespmem:$0x1D380] =	vst v63  }
0x16f: {  	_ =	swait.ge @!p1 [sflag:s17], $0x1400  }
0x170: {  	[sflag:s17] =	ssyncset.done @!p1 $0x0  }
0x171: {  	s10 =	simm.s32 $0xF;
	[sflag:s17] =	ssyncadd.s32 @!p1 $0xFFFFEC00  }
0x172: {  	_ =	swait.ge [sflag:s10], $0x50  }
0x173: {  	[sflag:s10] =	ssyncset.done $0x0  }
0x174: {  	s6 =	sadd.s32 $0x2, s18;
	[sflag:s10] =	ssyncadd.s32 $0xFFFFFFB0  }
0x175: {  	p2 =	slt.u32 s6, s8;
	_ =	swait.ge [sflag:s10], $0x50  }
0x176: {  	p3 =	sge.u32 @!p2 s6, s26;
	[sflag:s10] =	ssyncset.done $0x0  }
0x177: {  	p1 =	por p3, p2;
	[sflag:s10] =	ssyncadd.s32 $0xFFFFFFB0;
	s10 =	simm.s32 $0x5000  }
0x178: {  	[tilespmem:s10], [sflag:$0x5] =	stream.indirect.gather [spmem:s2], $0x40, s30, s16, $0xb8;
	[tilespmem:$0x1D380] =	vst v63  }
0x179: {  	p4 =	slt.u32 @!p1 s6, s28;
	s30 =	simm.s32 $0x3  }
0x17a: {  	p3 =	por @!p2 p4, p3;
	_ =	swait.ge [sflag:s30], $0x1400  }
0x17b: {  	s24 =	simm.s32 $0x2800;
	p2 =	por p3, p2;
	[sflag:s30] =	ssyncset.done $0x0  }
0x17c: {  	s11 =	simm.s32 $0x6590;
	s6 =	simm.s32 @!p2 $0x15;
	[sflag:s30] =	ssyncadd.s32 $0xFFFFEC00  }
0x17d: {  	[spmem:s3] =	stream.indirect.scatter.add.f32 [tilespmem:s24], [sflag:$0x8], $0x40, s11, s16, $0xb8;
	[tilespmem:$0x1D380] =	vst v63  }
0x17e: {  	_ =	swait.ge @!p2 [sflag:s6], $0x500  }
0x17f: {  	s17 =	simm.s32 @!p1 $0x6A40;
	[sflag:s6] =	ssyncset.done @!p2 $0x0  }
0x180: {  	s20 =	simm.s32 @!p1 $0x50;
	s21 =	simm.s32 @!p1 $0x6590;
	[sflag:s6] =	ssyncadd.s32 @!p2 $0xFFFFFB00  }
0x181: {  	[spmem:s1] =	stream.indirect.scatter.add.f32 @!p1 [tilespmem:s17], [sflag:$0x15], $0x10, s21, s20, $0xb8;
	[tilespmem:$0x1D380] =	vst v63  }
0x182: {  	s31 =	simm.s32 $0x6860;
	s17 =	sadd.s32 $0x46, s5  }
0x183: {  	[tilespmem:s31], [sflag:$0x12] =	stream.linear.gather [hbm4b:s17+s4], $0x50, $0x38;
	[tilespmem:$0x1D380] =	vst v63  }
0x184: {  	s11 =	sadd.s32 $0x9C86, s5;
	s20 =	simm.s32 $0x68B0;
	s21 =	simm.s32 $0x6  }
0x185: {  	[tilespmem:s20], [sflag:$0x12] =	stream.linear.gather [hbm4b:s11+s4], $0x50, $0x38;
	[tilespmem:$0x1D380] =	vst v63  }
0x186: {  	_ =	swait.ge [sflag:s21], $0x1400  }
0x187: {  	[sflag:s21] =	ssyncset.done $0x0  }
0x188: {  	s24 =	simm.s32 $0x10;
	[sflag:s21] =	ssyncadd.s32 $0xFFFFEC00  }
0x189: {  	_ =	swait.ge [sflag:s24], $0x50  }
0x18a: {  	s6 =	sadd.s32 $0x3, s18;
	[sflag:s24] =	ssyncset.done $0x0  }
0x18b: {  	p2 =	slt.u32 s6, s8;
	[sflag:s24] =	ssyncadd.s32 $0xFFFFFFB0  }
0x18c: {  	p3 =	sge.u32 @!p2 s6, s26;
	_ =	swait.ge [sflag:s24], $0x50  }
0x18d: {  	p1 =	por p3, p2;
	[sflag:s24] =	ssyncset.done $0x0  }
0x18e: {  	p4 =	slt.u32 @!p1 s18, s8;
	[sflag:s24] =	ssyncadd.s32 $0xFFFFFFB0;
	s24 =	simm.s32 $0x4  }
0x18f: {  	[tilespmem:s4], [sflag:$0x1] =	stream.indirect.gather [spmem:s2], $0x40, s29, s16, $0xb8;
	[tilespmem:$0x1D380] =	vst v63  }
0x190: {  	p3 =	por @!p2 p4, p3;
	_ =	swait.ge [sflag:s24], $0x1400  }
0x191: {  	s13 =	simm.s32 $0x3C00;
	p2 =	por p3, p2;
	[sflag:s24] =	ssyncset.done $0x0  }
0x192: {  	s25 =	simm.s32 $0x6630;
	s6 =	simm.s32 @!p2 $0x15;
	[sflag:s24] =	ssyncadd.s32 $0xFFFFEC00  }
0x193: {  	[spmem:s3] =	stream.indirect.scatter.add.f32 [tilespmem:s13], [sflag:$0x9], $0x40, s25, s16, $0xb8;
	[tilespmem:$0x1D380] =	vst v63  }
0x194: {  	_ =	swait.ge @!p2 [sflag:s6], $0x500  }
0x195: {  	s17 =	simm.s32 @!p1 $0x6A40;
	[sflag:s6] =	ssyncset.done @!p2 $0x0  }
0x196: {  	s20 =	simm.s32 @!p1 $0x6630;
	s21 =	simm.s32 @!p1 $0x50;
	[sflag:s6] =	ssyncadd.s32 @!p2 $0xFFFFFB00  }
0x197: {  	[spmem:s1] =	stream.indirect.scatter.add.f32 @!p1 [tilespmem:s17], [sflag:$0x15], $0x10, s20, s21, $0xb8;
	[tilespmem:$0x1D380] =	vst v63  }
0x198: {  	s13 =	simm.s32 $0x6900;
	s20 =	sadd.s32 $0x50, s5  }
0x199: {  	[tilespmem:s13], [sflag:$0x13] =	stream.linear.gather [hbm4b:s20+s4], $0x50, $0x38;
	[tilespmem:$0x1D380] =	vst v63  }
0x19a: {  	s11 =	sadd.s32 $0x9C90, s5;
	s25 =	simm.s32 $0x7;
	s21 =	simm.s32 $0x6950  }
0x19b: {  	[tilespmem:s21], [sflag:$0x13] =	stream.linear.gather [hbm4b:s11+s4], $0x50, $0x38;
	[tilespmem:$0x1D380] =	vst v63  }
0x19c: {  	_ =	swait.ge [sflag:s25], $0x1400  }
0x19d: {  	[sflag:s25] =	ssyncset.done $0x0  }
0x19e: {  	s11 =	simm.s32 $0x11;
	[sflag:s25] =	ssyncadd.s32 $0xFFFFEC00  }
0x19f: {  	_ =	swait.ge [sflag:s11], $0x50  }
0x1a0: {  	s6 =	sadd.s32 $0x4, s18;
	[sflag:s11] =	ssyncset.done $0x0  }
0x1a1: {  	p2 =	slt.u32 s6, s8;
	[sflag:s11] =	ssyncadd.s32 $0xFFFFFFB0  }
0x1a2: {  	p3 =	sge.u32 @!p2 s6, s26;
	_ =	swait.ge [sflag:s11], $0x50  }
0x1a3: {  	p1 =	por p3, p2;
	[sflag:s11] =	ssyncset.done $0x0  }
0x1a4: {  	p4 =	slt.u32 @!p1 s6, s28;
	[sflag:s11] =	ssyncadd.s32 $0xFFFFFFB0  }
0x1a5: {  	[tilespmem:s12], [sflag:$0x2] =	stream.indirect.gather [spmem:s2], $0x40, s7, s16, $0xb8;
	[tilespmem:$0x1D380] =	vst v63  }
0x1a6: {  	p3 =	por @!p2 p4, p3;
	_ =	swait.ge [sflag:s14], $0x1400  }
0x1a7: {  	p2 =	por p3, p2;
	[sflag:s14] =	ssyncset.done $0x0  }
0x1a8: {  	s17 =	simm.s32 @!p2 $0x15;
	[sflag:s14] =	ssyncadd.s32 $0xFFFFEC00  }
0x1a9: {  	[spmem:s3] =	stream.indirect.scatter.add.f32 [tilespmem:s10], [sflag:$0xA], $0x40, s23, s16, $0xb8;
	[tilespmem:$0x1D380] =	vst v63  }
0x1aa: {  	_ =	swait.ge @!p2 [sflag:s17], $0x500  }
0x1ab: {  	s6 =	simm.s32 @!p1 $0x6A40;
	[sflag:s17] =	ssyncset.done @!p2 $0x0  }
0x1ac: {  	s21 =	simm.s32 @!p1 $0x66D0;
	[sflag:s17] =	ssyncadd.s32 @!p2 $0xFFFFFB00;
	s17 =	simm.s32 @!p1 $0x50  }
0x1ad: {  	[spmem:s1] =	stream.indirect.scatter.add.f32 @!p1 [tilespmem:s6], [sflag:$0x15], $0x10, s21, s17, $0xb8;
	[tilespmem:$0x1D380] =	vst v63  }
0x1ae: {  	s11 =	simm.s32 $0x69A0;
	s14 =	sadd.s32 $0x9C9A, s5;
	s5 =	sadd.s32 $0x5A, s5  }
0x1af: {  	[tilespmem:s11], [sflag:$0x14] =	stream.linear.gather [hbm4b:s5+s4], $0x50, $0x38;
	[tilespmem:$0x1D380] =	vst v63  }
0x1b0: {  	s20 =	simm.s32 $0x8;
	s17 =	simm.s32 $0x69F0  }
0x1b1: {  	[tilespmem:s17], [sflag:$0x14] =	stream.linear.gather [hbm4b:s14+s4], $0x50, $0x38;
	[tilespmem:$0x1D380] =	vst v63  }
0x1b2: {  	_ =	swait.ge [sflag:s20], $0x1400  }
0x1b3: {  	[sflag:s20] =	ssyncset.done $0x0  }
0x1b4: {  	s21 =	simm.s32 $0x12;
	[sflag:s20] =	ssyncadd.s32 $0xFFFFEC00  }
0x1b5: {  	_ =	swait.ge [sflag:s21], $0x50  }
0x1b6: {  	s5 =	sadd.s32 $0x5, s18;
	[sflag:s21] =	ssyncset.done $0x0  }
0x1b7: {  	p1 =	slt.u32 s5, s8;
	[sflag:s21] =	ssyncadd.s32 $0xFFFFFFB0  }
0x1b8: {  	p3 =	sge.u32 @!p1 s5, s26;
	_ =	swait.ge [sflag:s21], $0x50  }
0x1b9: {  	p2 =	por p3, p1;
	[sflag:s21] =	ssyncset.done $0x0  }
0x1ba: {  	s25 =	simm.s32 $0x2800;
	p4 =	slt.u32 @!p2 s5, s28;
	[sflag:s21] =	ssyncadd.s32 $0xFFFFFFB0  }
0x1bb: {  	[tilespmem:s25], [sflag:$0x3] =	stream.indirect.gather [spmem:s2], $0x40, s31, s16, $0xb8;
	[tilespmem:$0x1D380] =	vst v63  }
0x1bc: {  	p3 =	por @!p1 p4, p3;
	_ =	swait.ge [sflag:s19], $0x1400  }
0x1bd: {  	s6 =	simm.s32 $0x6770;
	p3 =	por p3, p1;
	[sflag:s19] =	ssyncset.done $0x0  }
0x1be: {  	p1 =	seq.s32 s22, $0x960;
	s20 =	simm.s32 @!p3 $0x15;
	[sflag:s19] =	ssyncadd.s32 $0xFFFFEC00  }
0x1bf: {  	[spmem:s3] =	stream.indirect.scatter.add.f32 [tilespmem:s4], [sflag:$0x6], $0x40, s6, s16, $0xb8;
	[tilespmem:$0x1D380] =	vst v63  }
0x1c0: {  	s10 =	simm.s32 $0x9;
	s5 =	simm.s32 @!p1 $0x0;
	_ =	swait.ge @!p3 [sflag:s20], $0x500  }
0x1c1: {  	s21 =	simm.s32 @!p2 $0x6770;
	s25 =	simm.s32 @!p2 $0x6A40;
	[sflag:s20] =	ssyncset.done @!p3 $0x0  }
0x1c2: {  	s31 =	sadd.s32 @!p1 s22, s15;
	[sflag:s20] =	ssyncadd.s32 @!p3 $0xFFFFFB00;
	s20 =	simm.s32 @!p2 $0x50  }
0x1c3: {  	[spmem:s1] =	stream.indirect.scatter.add.f32 @!p2 [tilespmem:s25], [sflag:$0x15], $0x10, s21, s20, $0xb8;
	[tilespmem:$0x1D380] =	vst v63  }
0x1c4: {  	s17 =	sadd.s32 @!p1 $0x6E, s31;
	s29 =	sadd.s32 @!p1 $0x64, s31;
	s20 =	simm.s32 @!p1 $0x6400  }
0x1c5: {  	[tilespmem:s20], [sflag:$0xB] =	stream.linear.gather @!p1 [hbm4b:s29+s5], $0x50, $0x38;
	[tilespmem:$0x1D380] =	vst v63  }
0x1c6: {  	s19 =	simm.s32 @!p1 $0x6450;
	s6 =	sadd.s32 @!p1 $0x9CAE, s31;
	s31 =	sadd.s32 @!p1 $0x9CA4, s31  }
0x1c7: {  	[tilespmem:s19], [sflag:$0xB] =	stream.linear.gather @!p1 [hbm4b:s31+s5], $0x50, $0x38;
	[tilespmem:$0x1D380] =	vst v63  }
0x1c8: {  	_ =	swait.ge [sflag:s10], $0x1400  }
0x1c9: {  	[sflag:s10] =	ssyncset.done $0x0  }
0x1ca: {  	s23 =	simm.s32 $0x13;
	[sflag:s10] =	ssyncadd.s32 $0xFFFFEC00  }
0x1cb: {  	_ =	swait.ge [sflag:s23], $0x50  }
0x1cc: {  	s19 =	sadd.s32 $0x6, s18;
	[sflag:s23] =	ssyncset.done $0x0  }
0x1cd: {  	p3 =	slt.u32 s19, s8;
	[sflag:s23] =	ssyncadd.s32 $0xFFFFFFB0  }
0x1ce: {  	p4 =	sge.u32 @!p3 s19, s26;
	_ =	swait.ge [sflag:s23], $0x50  }
0x1cf: {  	p2 =	por p4, p3;
	[sflag:s23] =	ssyncset.done $0x0  }
0x1d0: {  	s10 =	simm.s32 $0x3C00;
	p5 =	slt.u32 @!p2 s19, s28;
	[sflag:s23] =	ssyncadd.s32 $0xFFFFFFB0  }
0x1d1: {  	[tilespmem:s10], [sflag:$0x4] =	stream.indirect.gather [spmem:s2], $0x40, s13, s16, $0xb8;
	[tilespmem:$0x1D380] =	vst v63  }
0x1d2: {  	p4 =	por @!p3 p5, p4;
	_ =	swait.ge [sflag:s9], $0x1400  }
0x1d3: {  	p3 =	por p4, p3;
	[sflag:s9] =	ssyncset.done $0x0  }
0x1d4: {  	s19 =	simm.s32 @!p3 $0x15;
	s13 =	simm.s32 $0x6810;
	[sflag:s9] =	ssyncadd.s32 $0xFFFFEC00  }
0x1d5: {  	[spmem:s3] =	stream.indirect.scatter.add.f32 [tilespmem:s12], [sflag:$0x7], $0x40, s13, s16, $0xb8;
	[tilespmem:$0x1D380] =	vst v63  }
0x1d6: {  	_ =	swait.ge @!p3 [sflag:s19], $0x500  }
0x1d7: {  	s20 =	simm.s32 @!p2 $0x6810;
	[sflag:s19] =	ssyncset.done @!p3 $0x0  }
0x1d8: {  	s21 =	simm.s32 @!p2 $0x6A40;
	[sflag:s19] =	ssyncadd.s32 @!p3 $0xFFFFFB00;
	s19 =	simm.s32 @!p2 $0x50  }
0x1d9: {  	[spmem:s1] =	stream.indirect.scatter.add.f32 @!p2 [tilespmem:s21], [sflag:$0x15], $0x10, s20, s19, $0xb8;
	[tilespmem:$0x1D380] =	vst v63  }
0x1da: {  	s19 =	simm.s32 @!p1 $0x64A0  }
0x1db: {  	[tilespmem:s19], [sflag:$0xC] =	stream.linear.gather @!p1 [hbm4b:s17+s5], $0x50, $0x38;
	[tilespmem:$0x1D380] =	vst v63  }
0x1dc: {  	s20 =	simm.s32 @!p1 $0x64F0;
	s19 =	simm.s32 $0xA  }
0x1dd: {  	[tilespmem:s20], [sflag:$0xC] =	stream.linear.gather @!p1 [hbm4b:s6+s5], $0x50, $0x38;
	[tilespmem:$0x1D380] =	vst v63  }
0x1de: {  	_ =	swait.ge [sflag:s19], $0x1400  }
0x1df: {  	[sflag:s19] =	ssyncset.done $0x0  }
0x1e0: {  	s20 =	simm.s32 $0x14;
	[sflag:s19] =	ssyncadd.s32 $0xFFFFEC00  }
0x1e1: {  	_ =	swait.ge [sflag:s20], $0x50  }
0x1e2: {  	s5 =	sadd.s32 $0x7, s18;
	[sflag:s20] =	ssyncset.done $0x0  }
0x1e3: {  	p1 =	slt.u32 s5, s8;
	[sflag:s20] =	ssyncadd.s32 $0xFFFFFFB0  }
0x1e4: {  	p3 =	sge.u32 @!p1 s5, s26;
	_ =	swait.ge [sflag:s20], $0x50  }
0x1e5: {  	p2 =	por p3, p1;
	[sflag:s20] =	ssyncset.done $0x0  }
0x1e6: {  	s21 =	simm.s32 $0x5000;
	p4 =	slt.u32 @!p2 s5, s28;
	[sflag:s20] =	ssyncadd.s32 $0xFFFFFFB0  }
0x1e7: {  	[tilespmem:s21], [sflag:$0x5] =	stream.indirect.gather [spmem:s2], $0x40, s11, s16, $0xb8;
	[tilespmem:$0x1D380] =	vst v63  }
0x1e8: {  	s7 =	simm.s32 $0x2800;
	p3 =	por @!p1 p4, p3;
	_ =	swait.ge [sflag:s30], $0x1400  }
0x1e9: {  	s25 =	simm.s32 $0x68B0;
	p3 =	por p3, p1;
	[sflag:s30] =	ssyncset.done $0x0  }
0x1ea: {  	s6 =	simm.s32 @!p2 $0x68B0;
	s5 =	simm.s32 @!p3 $0x15;
	[sflag:s30] =	ssyncadd.s32 $0xFFFFEC00  }
0x1eb: {  	[spmem:s3] =	stream.indirect.scatter.add.f32 [tilespmem:s7], [sflag:$0x8], $0x40, s25, s16, $0xb8;
	[tilespmem:$0x1D380] =	vst v63  }
0x1ec: {  	s17 =	simm.s32 @!p2 $0x6A40;
	p1 =	sne.s32 s22, $0x960;
	_ =	swait.ge @!p3 [sflag:s5], $0x500  }
0x1ed: {  	s19 =	simm.s32 @!p2 $0x50;
	s20 =	sadd.s32 @p1 s22, s15;
	[sflag:s5] =	ssyncset.done @!p3 $0x0  }
0x1ee: {  	s22 =	simm.s32 @p1 $0x0;
	s21 =	simm.s32 @p1 $0x6540;
	[sflag:s5] =	ssyncadd.s32 @!p3 $0xFFFFFB00  }
0x1ef: {  	[spmem:s1] =	stream.indirect.scatter.add.f32 @!p2 [tilespmem:s17], [sflag:$0x15], $0x10, s6, s19, $0xb8;
	[tilespmem:$0x1D380] =	vst v63  }
0x1f0: {  	s25 =	sadd.s32 @p1 $0x9CC2, s20;
	s5 =	sadd.s32 @p1 $0x78, s20;
	s19 =	sadd.s32 @p1 $0x9CB8, s20  }
0x1f1: {  	[tilespmem:s21], [sflag:$0xD] =	stream.linear.gather @p1 [hbm4b:s5+s22], $0x50, $0x38;
	[tilespmem:$0x1D380] =	vst v63  }
0x1f2: {  	s6 =	sadd.s32 @p1 $0x82, s20;
	s20 =	simm.s32 @p1 $0x6;
	s5 =	simm.s32 @p1 $0x6590  }
0x1f3: {  	[tilespmem:s5], [sflag:$0xD] =	stream.linear.gather @p1 [hbm4b:s19+s22], $0x50, $0x38;
	[tilespmem:$0x1D380] =	vst v63  }
0x1f4: {  	_ =	swait.ge @p1 [sflag:s20], $0x1400  }
0x1f5: {  	[sflag:s20] =	ssyncset.done @p1 $0x0  }
0x1f6: {  	s19 =	simm.s32 @p1 $0xB;
	[sflag:s20] =	ssyncadd.s32 @p1 $0xFFFFEC00  }
0x1f7: {  	_ =	swait.ge @p1 [sflag:s19], $0x50  }
0x1f8: {  	[sflag:s19] =	ssyncset.done @p1 $0x0  }
0x1f9: {  	[sflag:s19] =	ssyncadd.s32 @p1 $0xFFFFFFB0  }
0x1fa: {  	s29 =	sadd.s32 $0x8, s18;
	_ =	swait.ge @p1 [sflag:s19], $0x50  }
0x1fb: {  	p3 =	slt.u32 s29, s8;
	s5 =	simm.s32 @p1 $0x50;
	[sflag:s19] =	ssyncset.done @p1 $0x0  }
0x1fc: {  	s20 =	simm.s32 @p1 $0x6400;
	[sflag:s19] =	ssyncadd.s32 @p1 $0xFFFFFFB0;
	s19 =	simm.s32 @!p1 $0x6  }
0x1fd: {  	[tilespmem:s22], [sflag:$0x1] =	stream.indirect.gather @p1 [spmem:s2], $0x40, s20, s5, $0xb8;
	[tilespmem:$0x1D380] =	vst v63  }
0x1fe: {  	p4 =	sge.u32 @!p3 s29, s26;
	_ =	swait.ge @!p1 [sflag:s19], $0x1400  }
0x1ff: {  	p2 =	por p4, p3;
	[sflag:s19] =	ssyncset.done @!p1 $0x0  }
0x200: {  	p5 =	slt.u32 @!p2 s29, s28;
	[sflag:s19] =	ssyncadd.s32 @!p1 $0xFFFFEC00  }
0x201: {  	p4 =	por @!p3 p5, p4;
	_ =	swait.ge [sflag:s24], $0x1400  }
0x202: {  	p3 =	por p4, p3;
	[sflag:s24] =	ssyncset.done $0x0  }
0x203: {  	s30 =	simm.s32 $0x6950;
	s19 =	simm.s32 @!p3 $0x15;
	[sflag:s24] =	ssyncadd.s32 $0xFFFFEC00  }
0x204: {  	[spmem:s3] =	stream.indirect.scatter.add.f32 [tilespmem:s10], [sflag:$0x9], $0x40, s30, s16, $0xb8;
	[tilespmem:$0x1D380] =	vst v63  }
0x205: {  	_ =	swait.ge @!p3 [sflag:s19], $0x500  }
0x206: {  	s29 =	simm.s32 @!p2 $0x50;
	[sflag:s19] =	ssyncset.done @!p3 $0x0  }
0x207: {  	s31 =	simm.s32 @!p2 $0x6950;
	s20 =	simm.s32 @!p2 $0x6A40;
	[sflag:s19] =	ssyncadd.s32 @!p3 $0xFFFFFB00  }
0x208: {  	[spmem:s1] =	stream.indirect.scatter.add.f32 @!p2 [tilespmem:s20], [sflag:$0x15], $0x10, s31, s29, $0xb8;
	[tilespmem:$0x1D380] =	vst v63  }
0x209: {  	s19 =	simm.s32 @p1 $0x65E0  }
0x20a: {  	[tilespmem:s19], [sflag:$0xE] =	stream.linear.gather @p1 [hbm4b:s6+s22], $0x50, $0x38;
	[tilespmem:$0x1D380] =	vst v63  }
0x20b: {  	s6 =	simm.s32 @p1 $0x6630;
	s19 =	simm.s32 @p1 $0x7  }
0x20c: {  	[tilespmem:s6], [sflag:$0xE] =	stream.linear.gather @p1 [hbm4b:s25+s22], $0x50, $0x38;
	[tilespmem:$0x1D380] =	vst v63  }
0x20d: {  	s0 =	sadd.s32 $0x64, s0;
	s1 =	rddreg [dreg:$0x7];
	_ =	swait.ge @p1 [sflag:s19], $0x1400  }
0x20e: {  	p0 =	sne.s32 s0, $0x9C4;
	[sflag:s19] =	ssyncset.done @p1 $0x0  }
.Ltmp0:
0x20f: {  	s6 =	simm.s32 @p1 $0xC;
	[sflag:s19] =	ssyncadd.s32 @p1 $0xFFFFEC00;
	(pc) =	sbr.rel @p0 .LBB2_2-.Ltmp0, $4  }
0x210: {  	s14 =	simm.s32 $0x2;
	_ =	swait.ge @p1 [sflag:s6], $0x50  }
0x211: {  	s9 =	simm.s32 $0x5000;
	s18 =	sadd.s32 $0xA, s18;
	[sflag:s6] =	ssyncset.done @p1 $0x0  }
0x212: {  	s17 =	simm.s32 @p1 $0x64A0;
	s21 =	simm.s32 @p1 $0x1400;
	[sflag:s6] =	ssyncadd.s32 @p1 $0xFFFFFFB0  }
0x213: {  	s31 =	simm.s32 $0x64F0;
	s29 =	simm.s32 $0x6450;
	_ =	swait.ge @p1 [sflag:s6], $0x50  }
0x214: {  	[sflag:s6] =	ssyncset.done @p1 $0x0  }
0x215: {  	[sflag:s6] =	ssyncadd.s32 @p1 $0xFFFFFFB0  }
0x216: {  	s0 =	rddreg [dreg:$0x2]  }
0x217: {  	[tilespmem:s21], [sflag:$0x2] =	stream.indirect.gather @p1 [spmem:s0], $0x40, s17, s5, $0xb8;
	[tilespmem:$0x1D380] =	vst v63  }
0x218: {  	s0 =	sadd.s32 $0x9, s1;
	s5 =	simm.s32 @!p1 $0x7  }
0x219: {  	p2 =	slt.u32 s0, s8;
	_ =	swait.ge @!p1 [sflag:s5], $0x1400  }
0x21a: {  	p3 =	sge.u32 @!p2 s0, s26;
	[sflag:s5] =	ssyncset.done @!p1 $0x0  }
0x21b: {  	s10 =	simm.s32 $0x5;
	p0 =	por p3, p2;
	[sflag:s5] =	ssyncadd.s32 @!p1 $0xFFFFEC00  }
0x21c: {  	p1 =	slt.u32 @!p0 s0, s28;
	_ =	swait.ge [sflag:s10], $0x1400  }
0x21d: {  	p1 =	por @!p2 p1, p3;
	[sflag:s10] =	ssyncset.done $0x0  }
0x21e: {  	p1 =	por p1, p2;
	[sflag:s10] =	ssyncadd.s32 $0xFFFFEC00  }
0x21f: {  	s2 =	simm.s32 $0x69F0;
	s0 =	simm.s32 @!p1 $0x15;
	s11 =	rddreg [dreg:$0x3]  }
0x220: {  	[spmem:s11] =	stream.indirect.scatter.add.f32 [tilespmem:s9], [sflag:$0xA], $0x40, s2, s16, $0xb8;
	[tilespmem:$0x1D380] =	vst v63  }
0x221: {  	_ =	swait.ge @!p1 [sflag:s0], $0x500  }
0x222: {  	[sflag:s0] =	ssyncset.done @!p1 $0x0  }
0x223: {  	s12 =	simm.s32 $0x8;
	s5 =	simm.s32 @!p0 $0x69F0;
	[sflag:s0] =	ssyncadd.s32 @!p1 $0xFFFFFB00  }
0x224: {  	s6 =	simm.s32 @!p0 $0x6A40;
	s0 =	simm.s32 @!p0 $0x50;
	s1 =	rddreg [dreg:$0x4]  }
0x225: {  	[spmem:s1] =	stream.indirect.scatter.add.f32 @!p0 [tilespmem:s6], [sflag:$0x15], $0x10, s5, s0, $0xb8;
	[tilespmem:$0x1D380] =	vst v63  }
0x226: {  	_ =	swait.ge [sflag:s12], $0x1400  }
0x227: {  	[sflag:s12] =	ssyncset.done $0x0  }
0x228: {  	s15 =	simm.s32 $0x9;
	[sflag:s12] =	ssyncadd.s32 $0xFFFFEC00  }
0x229: {  	_ =	swait.ge [sflag:s15], $0x1400  }
0x22a: {  	[sflag:s15] =	ssyncset.done $0x0  }
0x22b: {  	s17 =	simm.s32 $0xA;
	[sflag:s15] =	ssyncadd.s32 $0xFFFFEC00  }
0x22c: {  	_ =	swait.ge [sflag:s17], $0x1400  }
0x22d: {  	[sflag:s17] =	ssyncset.done $0x0  }
0x22e: {  	s18 =	simm.s32 $0x15;
	[sflag:s17] =	ssyncadd.s32 $0xFFFFEC00  }
0x22f: {  	_ =	swait.ge [sflag:s18], $0x500  }
0x230: {  	[sflag:s18] =	ssyncset.done $0x0  }
0x231: {  	[sflag:s18] =	ssyncadd.s32 $0xFFFFFB00  }
0x232: {  	_ =	swait.ge [sflag:s18], $0x500  }
0x233: {  	[sflag:s18] =	ssyncset.done $0x0  }
0x234: {  	[sflag:s18] =	ssyncadd.s32 $0xFFFFFB00  }
0x235: {  	_ =	swait.ge [sflag:s18], $0x500  }
0x236: {  	[sflag:s18] =	ssyncset.done $0x0  }
0x237: {  	[sflag:s18] =	ssyncadd.s32 $0xFFFFFB00  }
0x238: {  	[bflag:$0x0] =	sbarrier.arrive $0xFFFF  }
0x239: {  	s19 =	rddreg [dreg:$0x17]  }
0x23a: {  	s20 =	simm.s32 $0x1;
	s7 =	rddreg [dreg:$0x1b]  }
0x23b: {  	s13 =	simm.s32 $0x10;
	s6 =	simm.s32 $0x16;
	s21 =	rddreg [dreg:$0x1c]  }
0x23c: {  	[hbm:s19@s13], [sflag:s7] =	dma.strided [spmem:s21@s12], $0x1400, s20, $0x8   }
0x23d: {  	_ =	swait.ge [sflag:s6], $0x1400  }
0x23e: {  	[sflag:s6] =	ssyncset.done $0x0;
	s22 =	rddreg [dreg:$0x18]  }
0x23f: {  	s24 =	rddreg [dreg:$0x1d];
	[sflag:s6] =	ssyncadd.s32 $0xFFFFEC00  }
0x240: {  	[hbm:s22@s13], [sflag:s7] =	dma.strided [spmem:s24@s14], $0x500, s20, $0x2   }
0x241: {  	_ =	swait.ge [sflag:s6], $0x500  }
0x242: {  	s25 =	rddreg [dreg:$0x1a]  }
0x243: {  	s30 =	rddreg [dreg:$0x16];
	s5 =	sadd.s32 $0x1, s25  }
0x244: {  	p0 =	sne.s32 s5, s30  }
.Ltmp1:
0x245: {  	_ = 	snop;
	(pc) =	sbr.rel @p0 .LBB2_1-.Ltmp1, $4  }
0x246: {  	s10 =	simm.s32 $0x7  }
0x247: {  	s17 =	simm.s32 $0x1400;
	s21 =	simm.s32 $0x6590;
	s13 =	simm.s32 $0x6540  }
0x248: {  	s22 =	simm.s32 $0x65E0;
	s14 =	simm.s32 $0x67C0;
	[sflag:s6] =	ssyncset.done $0x0  }
0x249: {  	s24 =	rddreg [dreg:$0x6];
	[sflag:s6] =	ssyncadd.s32 $0xFFFFFB00;
	s25 =	simm.s32 $0x6630  }
0x24a: {  	_ =	sfence.sel $0x180000  }
0x24b: {  	[bflag:$0x0] =	sbarrier.arrive $0xFFFF  }
0x24c: {  	_ =	strace $0x90000047  }
0x24d: {  	s0 =	stileid.u32;
	[bflag:$0x2] =	sbarrier.arrive $0xFFFF  }
0x24e: {  	p0 =	sne.s32 s0, $0x0;
	s0 =	rddreg [dreg:$0x5]  }
0x24f: {  	s0 =	sadd.s32 @!p0 $0x100000, s0  }
0x250: {  	[sflag:s0] =	ssyncadd.tile.s32 @!p0 $0x1;
	_ =	shalt  }
.Lfunc_end2:
_tile_overlayer_lowered:
.L_overlay_start_2:
0x251: {  	(tag) =	ssettag $0x2  }
0x252: {  	s0 =	rddreg [dreg:$0x0];
	s2 =	stileid.u32  }
0x253: {  	s1 =	rddreg [dreg:$0x1];
	p0 =	sne.s32 s2, $0x0  }
0x254: {  	s3 =	rddreg [dreg:$0x2];
	[bflag:$0x3] =	sbarrier.arrive $0xFFFF;
	s2 =	simm.s32 @!p0 $0x1C16  }
0x255: {  	[timem:s3], [sflag:s2] =	dma.local @!p0 [hbm:s0], s1  }
0x256: {  	s0 =	simm.s32 @!p0 $0x16  }
0x257: {  	_ =	swait.ge @!p0 [sflag:s0], s1  }
0x258: {  	s1 =	ssub.s32 @!p0 $0x0, s1;
	[sflag:s0] =	ssyncset.done @!p0 $0x0  }
0x259: {  	[sflag:s0] =	ssyncadd.s32 @!p0 s1  }
0x25a: {  	[bflag:$0x3] =	sbarrier.arrive $0xFFFF  }
0x25b: {  	_ =	shalt  }

// kernel: kernel.9.cloned.1.call-start
scs
__scs_entry_jumppad:
0x0: {  	(pc) =	sbr.rel $0x88, $3  }
0x1: {  	(tag) =	ssettag $0x0;
	lr =	simm.s32 $0x1  }
0x2: {  	[smem:$0x3F99] =	sst lr;
	_ =	strace $0xD0000000  }
0x3: {  	_ = 	snop  }
0x4: {  	_ = 	snop  }
0x5: {  	_ = 	snop  }
0x6: {  	_ = 	snop  }
0x7: {  	_ = 	snop  }
__scs_overlays_trampoline_lowered:
0x8: {  	[smem:$0x3FA8] =	sst s0  }
0x9: {  	[smem:$0x3FA9] =	sst s1  }
0xa: {  	[smem:$0x3FAA] =	sst s2  }
0xb: {  	[smem:$0x3FAB] =	sst s3  }
0xc: {  	[smem:$0x3FAC] =	sst s4  }
0xd: {  	[smem:$0x3FAD] =	sst s5  }
0xe: {  	[smem:$0x3FAE] =	sst s6  }
0xf: {  	[smem:$0x3FAF] =	sst s7  }
0x10: {  	[smem:$0x3FB0] =	sst s8  }
0x11: {  	[smem:$0x3FB1] =	sst s9;
	s0 =	simm.s32 @!p0 $0x0  }
0x12: {  	s1 =	sld [smem:$0x3F97];
	s0 =	simm.s32 @p0 $0x1  }
0x13: {  	[smem:$0x3FB2] =	sst s0;
	s0 =	simm.s32 @!p1 $0x0  }
0x14: {  	s2 =	sld [smem:$0x3F96];
	s0 =	simm.s32 @p1 $0x1  }
0x15: {  	[smem:$0x3FB3] =	sst s0;
	s0 =	simm.s32 @!p2 $0x0  }
0x16: {  	s3 =	sld [smem:$0x3FDB];
	s0 =	simm.s32 @p2 $0x1  }
0x17: {  	s4 =	simm.s32 $0x1BF5;
	[smem:$0x3FB5] =	sst s0  }
0x18: {  	s0 =	sld [smem:$0x3F98];
	_ =	swait.ge [sflag:s4], $0x0  }
0x19: {  	s7 =	sld [smem:$0x3F99]  }
0x1a: {  	s8 =	sadd.s32 $0xFFFFE003, lr  }
0x1b: {  	s9 =	sadd.s32 $0xFFFFFEF7, lr;
	s5 =	simm.s32 $0xFFFFFFFF;
	p2 =	slt.u32 s8, $0xFFFFF086  }
0x1c: {  	p1 =	slt.u32 s9, $0xF7A;
	s5 =	simm.s32 @!p2 $0x0  }
0x1d: {  	s5 =	simm.s32 @p1 $0x1;
	p0 =	seq.s32 s7, s2  }
0x1e: {  	s7 =	smul.u32 @!p0 $0xF7A, s2;
	p2 =	seq.s32 @!p0 s5, $0x0  }
0x1f: {  	s9 =	smul.u32 $0xF7A, s1;
	s8 =	simm.s32 @!p0 $0x1BF5;
	p2 =	por !p2, p0  }
0x20: {  	[sflag:s8] =	ssyncset.s32 @!p0 $0xFFFFF086;
	s6 =	sadd.s32 @!p0 s3, s7;
	s7 =	simm.s32 @!p0 $0x108  }
0x21: {  	s3 =	sadd.s32 s3, s9;
	s6 =	sadd.s32 @!p0 $0x88, s6;
	s7 =	simm.s32 @p2 $0x1082  }
0x22: {  	[simem:s7], [sflag:s8] =	dma.local @!p0 [hbm:s6], $0xF7A  }
0x23: {  	s9 =	sor.u32 $0xD0000000, s2;
	s6 =	simm.s32 $0x108;
	_ =	swait.ge @!p0 [sflag:s8], $0x0  }
0x24: {  	s3 =	sadd.s32 $0x88, s3;
	s6 =	simm.s32 @!p1 $0x1082;
	[sflag:s4] =	ssyncset.s32 $0xFFFFF086  }
0x25: {  	[simem:s6], [sflag:s4] =	dma.local [hbm:s3], $0xF7A  }
0x26: {  	[smem:$0x3F99] =	sst s1;
	(tag) =	ssettag s2;
	_ =	strace s9  }
0x27: {  	s1 =	sld [smem:$0x3FA9]  }
0x28: {  	s2 =	sld [smem:$0x3FAA]  }
0x29: {  	s4 =	sld [smem:$0x3FAC]  }
0x2a: {  	p0 =	seq.s32 s5, $0x0;
	s5 =	sld [smem:$0x3FAD]  }
0x2b: {  	s6 =	sld [smem:$0x3FAE]  }
0x2c: {  	s7 =	sld [smem:$0x3FAF]  }
0x2d: {  	s3 =	simm.s32 $0x108;
	s8 =	sld [smem:$0x3FB0]  }
0x2e: {  	s3 =	simm.s32 @!p0 $0x1082;
	s9 =	sld [smem:$0x3FB1]  }
0x2f: {  	lr =	sadd.s32 s0, s3;
	s0 =	sld [smem:$0x3FA8]  }
0x30: {  	s3 =	sld [smem:$0x3FAB]  }
0x31: {  	[smem:$0x3FB4] =	sst s10  }
0x32: {  	s10 =	sld [smem:$0x3FB2];
	_ =	sdelay $0x3  }
0x33: {  	p0 =	seq.s32 s10, $0x1;
	s10 =	sld [smem:$0x3FB4];
	_ =	sdelay $0x3  }
0x34: {  	[smem:$0x3FB4] =	sst s10  }
0x35: {  	s10 =	sld [smem:$0x3FB3];
	_ =	sdelay $0x3  }
0x36: {  	p1 =	seq.s32 s10, $0x1;
	s10 =	sld [smem:$0x3FB4];
	_ =	sdelay $0x3  }
0x37: {  	[smem:$0x3FB4] =	sst s10  }
0x38: {  	s10 =	sld [smem:$0x3FB5]  }
0x39: {  	_ = 	snop;
	(pc) =	sbr.ind lr, $3  }
0x3a: {  	_ = 	snop  }
0x3b: {  	_ = 	snop  }
0x3c: {  	p2 =	seq.s32 s10, $0x1;
	s10 =	sld [smem:$0x3FB4]  }
0x3d: {  	_ =	shalt  }
0x3e: {  	_ =	shalt  }
0x3f: {  	_ =	shalt  }
0x40: {  	_ =	shalt  }
0x41: {  	_ =	shalt  }
0x42: {  	_ =	shalt  }
0x43: {  	_ =	shalt  }
0x44: {  	_ =	shalt  }
0x45: {  	_ =	shalt  }
0x46: {  	_ =	shalt  }
0x47: {  	_ =	shalt  }
0x48: {  	_ =	shalt  }
0x49: {  	_ =	shalt  }
0x4a: {  	_ =	shalt  }
0x4b: {  	_ =	shalt  }
0x4c: {  	_ =	shalt  }
0x4d: {  	_ =	shalt  }
0x4e: {  	_ =	shalt  }
0x4f: {  	_ =	shalt  }
0x50: {  	_ =	shalt  }
0x51: {  	_ =	shalt  }
0x52: {  	_ =	shalt  }
0x53: {  	_ =	shalt  }
0x54: {  	_ =	shalt  }
0x55: {  	_ =	shalt  }
0x56: {  	_ =	shalt  }
0x57: {  	_ =	shalt  }
0x58: {  	_ =	shalt  }
0x59: {  	_ =	shalt  }
0x5a: {  	_ =	shalt  }
0x5b: {  	_ =	shalt  }
0x5c: {  	_ =	shalt  }
0x5d: {  	_ =	shalt  }
0x5e: {  	_ =	shalt  }
0x5f: {  	_ =	shalt  }
0x60: {  	_ =	shalt  }
0x61: {  	_ =	shalt  }
0x62: {  	_ =	shalt  }
0x63: {  	_ =	shalt  }
0x64: {  	_ =	shalt  }
0x65: {  	_ =	shalt  }
0x66: {  	_ =	shalt  }
0x67: {  	_ =	shalt  }
0x68: {  	_ =	shalt  }
0x69: {  	_ =	shalt  }
0x6a: {  	_ =	shalt  }
0x6b: {  	_ =	shalt  }
0x6c: {  	_ =	shalt  }
0x6d: {  	_ =	shalt  }
0x6e: {  	_ =	shalt  }
0x6f: {  	_ =	shalt  }
0x70: {  	_ =	shalt  }
0x71: {  	_ =	shalt  }
0x72: {  	_ =	shalt  }
0x73: {  	_ =	shalt  }
0x74: {  	_ =	shalt  }
0x75: {  	_ =	shalt  }
0x76: {  	_ =	shalt  }
0x77: {  	_ =	shalt  }
0x78: {  	_ =	shalt  }
0x79: {  	_ =	shalt  }
0x7a: {  	_ =	shalt  }
0x7b: {  	_ =	shalt  }
0x7c: {  	_ =	shalt  }
0x7d: {  	_ =	shalt  }
0x7e: {  	_ =	shalt  }
0x7f: {  	_ =	shalt  }
0x80: {  	_ =	shalt  }
0x81: {  	_ =	shalt  }
0x82: {  	_ =	shalt  }
0x83: {  	_ =	shalt  }
0x84: {  	_ =	shalt  }
0x85: {  	_ =	shalt  }
0x86: {  	_ =	shalt  }
0x87: {  	_ =	shalt  }
.Lfunc_end0:
.L_simem_size_0:
called_computation.1_lowered:
.L_overlay_start_0:
0x88: {  	s2 =	sld [smem:$0x3FD9]  }
0x89: {  	s3 =	sld [smem:$0x3FFE];
	_ =	sdelay $0x1  }
0x8a: {  	s1 =	srdreg.scid  }
0x8b: {  	s0 =	sand.u32 $0x1, s1  }
0x8c: {  	s17 =	sshll.u32 s0, $0xA;
	s2 =	sadd.s32 s3, s2  }
0x8d: {  	s2 =	sadd.s32 s2, s17  }
0x8e: {  	[smem:$0x3FC0] =	sst s2  }
0x8f: {  	_ = 	snop  }
0x90: {  	s2 =	sld [smem:$0x3FD0];
	(tm) =	ssettm $0x1  }
0x91: {  	s18 =	sld [smem:$0x3FFB];
	_ =	sdelay $0x3  }
0x92: {  	_ =	strace s18  }
0x93: {  	s3 =	sld [smem:$0x3FFC];
	_ =	sdelay $0x3  }
0x94: {  	_ =	strace s3  }
0x95: {  	s3 =	sld [smem:$0x3FFD];
	_ =	sdelay $0x3  }
0x96: {  	_ =	strace s3  }
0x97: {  	_ =	strace $0x8FFFFFFF  }
0x98: {  	s19 =	sld [smem:$0x3FDB];
	_ =	sdelay $0x1  }
0x99: {  	s4 =	simm.s32 $_scs_section_size  }
0x9a: {  	s5 =	simm.s32 $_size__tile_overlayer_lowered;
	s6 =	simm.s32 $_tile_overlayer_lowered  }
0x9b: {  	s22 =	simm.s32 $0x1BFF;
	s21 =	sshll.u32 s6, $0x1;
	s3 =	sadd.s32 s4, s19  }
0x9c: {  	s7 =	simm.s32 $0x0;
	s20 =	sshll.u32 s5, $0x1;
	s5 =	sadd.s32 s21, s3  }
0x9d: {  	[timem:s7], [sflag:s22] =	dma.local [hbm:s5], s20  }
0x9e: {  	_ =	swait.ge [sflag:s22], s20  }
0x9f: {  	s4 =	ssub.s32 $0x0, s20;
	[sflag:s22] =	ssyncset.done $0x0  }
0xa0: {  	[sflag:s22] =	ssyncadd.s32 s4;
	_ =	sdelay $0x1  }
0xa1: {  	s23 =	simm.s32 $0x1B8B  }
0xa2: {  	_ =	swait.ge [sflag:s23], $0x1  }
0xa3: {  	[sflag:s23] =	ssyncset.done $0x0  }
0xa4: {  	s25 =	simm.s32 $0x1B8E;
	s24 =	sld [smem:$0x3FFE];
	[sflag:s23] =	ssyncadd.s32 $0xFFFFFFFF  }
0xa5: {  	s26 =	simm.s32 $execute0_lowered;
	[smem:$0x3FD2] =	sst s25  }
0xa6: {  	s5 =	sshll.u32 s26, $0x1;
	_ =	strace $0x80000049;
	[dreg:$0x1] =	wrdreg $0xFFFFFFFF  }
0xa7: {  	s28 =	simm.s32 $_size_execute0_lowered;
	s3 =	sadd.s32 s3, s5;
	[dreg:$0x0] =	wrdreg $0x0  }
0xa8: {  	s5 =	sshll.u32 s28, $0x1;
	[dreg:$0x2] =	wrdreg s3  }
0xa9: {  	[dreg:$0x3] =	wrdreg s5  }
0xaa: {  	[dreg:$0x4] =	wrdreg $0xC0  }
0xab: {  	_ =	task [dreg:s7], $0x5FFFF  }
0xac: {  	[dreg:$0x1] =	wrdreg $0xFFFFFFFF  }
0xad: {  	[dreg:$0x0] =	wrdreg $0x60  }
0xae: {  	[dreg:$0x2] =	wrdreg s2  }
0xaf: {  	[dreg:$0x3] =	wrdreg s24  }
0xb0: {  	[dreg:$0x4] =	wrdreg $0x6A400  }
0xb1: {  	[dreg:$0x5] =	wrdreg $0x106800  }
0xb2: {  	[dreg:$0x6] =	wrdreg $0x9  }
0xb3: {  	_ =	task.clear_ibuf [dreg:s7], $0x7FFFF;
	_ =	strace $0x90000049  }
0xb4: {  	s29 =	simm.s32 $0x9;
	_ =	strace $0x8000004B  }
0xb5: {  	_ =	swait.ge [sflag:s29], $0x1  }
0xb6: {  	[sflag:s29] =	ssyncadd.s32 $0xFFFFFFFF  }
0xb7: {  	_ =	strace $0x9000004B  }
0xb8: {  	_ =	sfence  }
0xb9: {  	s30 =	sld [smem:$0x0];
	_ =	sdelay $0x2  }
0xba: {  	s31 =	sshll.u32 s1, $0xD;
	s1 =	sshrl.u32 s1, $0x2  }
0xbb: {  	s3 =	sand.u32 $0x4000, s31;
	s1 =	sadd.s32 s1, s30  }
0xbc: {  	s0 =	sor.u32 s3, s0;
	s1 =	sshll.u32 s1, $0x11  }
0xbd: {  	s0 =	sor.u32 s1, s0  }
0xbe: {  	s0 =	sadd.s32 $0x8F2B, s0  }
0xbf: {  	[sflag:s0] =	ssyncadd.remote.s32 $0x1  }
0xc0: {  	_ =	sfence.sel $0xFFFF  }
0xc1: {  	[dreg:$0x0] =	wrdreg $0xFFFFFFFF;
	(pc) =	sbr.abs _section_cstart, $3  }
0xc2: {  	[dreg:$0x1] =	wrdreg $0xFFFFFFFF  }
0xc3: {  	_ =	task.clear_ibuf [dreg:s7], $0x2FFFF;
	_ =	strace $0x9FFFFFFF  }
0xc4: {  	(tm) =	ssettm $0x7FFFFFFF  }
0xc5: {  	_ =	shalt  }
tec
execute0_lowered:
.L_overlay_start_1:
0x0: {  	(tag) =	ssettag $0x1  }
0x1: {  	s0 =	rddreg [dreg:$0x0]  }
0x2: {  	s3 =	rddreg [dreg:$0x1]  }
0x3: {  	s1 =	rddreg [dreg:$0x2]  }
0x4: {  	s2 =	rddreg [dreg:$0x3];
	s4 =	simm.s32 $0x0  }
0x5: {  	s5 =	srdreg.scid;
	s12 =	stileid.u32;
	s14 =	simm.s32 $0x15  }
0x6: {  	s31 =	simm.s32 $0x64F0;
	s30 =	simm.s32 $0x6540;
	s7 =	smul.u32 $0x27100, s12  }
0x7: {  	s29 =	simm.s32 $0x6950;
	[smem:$0x7FF] =	sst s4;
	s9 =	smul.u32 $0x28000, s12  }
0x8: {  	s6 =	sadd.s32 $0x3000, s3;
	s5 =	sand.u32 $0x1, s5;
	s11 =	smul.u32 $0x4E20, s12  }
0x9: {  	s8 =	sadd.s32 $0x16A00, s3;
	s17 =	smul.u32 $0x2710, s12;
	s24 =	sshll.u32 s12, $0x6  }
0xa: {  	s25 =	smul.u32 $0x9C4, s12;
	_ =	strace $0x8000004A;
	s15 =	ssub.s32 $0x2, s5  }
0xb: {  	[dreg:$0x6] =	wrdreg s8;
	s5 =	sshll.u32 s5, $0x3;
	s10 =	sshrl.u32 s15, $0x1  }
0xc: {  	s16 =	sshrl.u32 s11, $0x3;
	s0 =	sadd.s32 s5, s0;
	s11 =	sor.u32 $0x1C15, s24  }
0xd: {  	s8 =	ssub.s32 s15, s10;
	s10 =	sadd.s32 s6, s16;
	[dreg:$0x11] =	wrdreg s11  }
0xe: {  	s23 =	smul.u32 $0x2800, s12;
	s0 =	sadd.s32 s0, s17;
	[dreg:$0x7] =	wrdreg s10  }
0xf: {  	s3 =	sadd.s32 s5, s3;
	s16 =	sadd.s32 s25, s6;
	[dreg:$0x10] =	wrdreg s0  }
0x10: {  	s7 =	sshrl.u32 s7, $0x2;
	s13 =	sadd.s32 $0x9C40, s10;
	[dreg:$0x5] =	wrdreg s16  }
0x11: {  	s9 =	sshrl.u32 s9, $0x2;
	s18 =	sadd.s32 $0xA, s10;
	[dreg:$0x8] =	wrdreg s13  }
0x12: {  	s7 =	sadd.s32 s7, s1;
	s19 =	sadd.s32 $0x9C4A, s10;
	[dreg:$0x9] =	wrdreg s18  }
0x13: {  	s9 =	sadd.s32 s9, s2;
	s20 =	sadd.s32 $0x14, s10;
	[dreg:$0xa] =	wrdreg s19  }
0x14: {  	s26 =	sadd.s32 s23, s3;
	s21 =	sadd.s32 $0x9C54, s10;
	[dreg:$0xb] =	wrdreg s20  }
0x15: {  	s15 =	simm.s32 $0xD;
	s22 =	sadd.s32 $0x1E, s10;
	[dreg:$0xc] =	wrdreg s21  }
0x16: {  	s17 =	simm.s32 $0xE;
	s10 =	sadd.s32 $0x9C5E, s10;
	[dreg:$0xd] =	wrdreg s22  }
0x17: {  	s25 =	simm.s32 $0x12;
	s8 =	smax.u32 s8, $0x1;
	[dreg:$0xe] =	wrdreg s10  }
0x18: {  	s0 =	sadd.s32 $0x68600, s26;
	s28 =	sshrl.u32 s7, $0x3;
	[dreg:$0xf] =	wrdreg s8  }
0x19: {  	s26 =	simm.s32 $0x6450;
	s7 =	simm.s32 $0x50;
	[dreg:$0x12] =	wrdreg s0  }
0x1a: {  	[dreg:$0x13] =	wrdreg s28;
	s21 =	sshrl.u32 s9, $0x3;
	s13 =	simm.s32 $0x2800  }
0x1b: {  	s8 =	simm.s32 $0x69F0;
	s9 =	simm.s32 $0x0;
	[dreg:$0x14] =	wrdreg s21  }
.LBB2_1:
0x1c: {  	[dreg:$0x15] =	wrdreg s9  }
0x1d: {  	s0 =	rddreg [dreg:$0x10]  }
0x1e: {  	s6 =	rddreg [dreg:$0x13]  }
0x1f: {  	s23 =	simm.s32 $0x8;
	s22 =	simm.s32 $0x1;
	s12 =	simm.s32 $0x10  }
0x20: {  	[spmem:s6@s23], [sflag:s11] =	dma.strided [hbm:s0@s12], $0x1388, s22, $0x8   }
0x21: {  	_ =	swait.ge [sflag:s14], $0x1388  }
0x22: {  	[sflag:s14] =	ssyncset.done $0x0  }
0x23: {  	s9 =	rddreg [dreg:$0x6];
	[sflag:s14] =	ssyncadd.s32 $0xFFFFEC78  }
0x24: {  	[spmem:s21], [sflag:s11] =	dma.local [hbm:s9], $0x1400  }
0x25: {  	_ =	swait.ge [sflag:s14], $0x1400  }
0x26: {  	[sflag:s14] =	ssyncset.done $0x0  }
0x27: {  	[sflag:s14] =	ssyncadd.s32 $0xFFFFEC00  }
0x28: {  	[bflag:$0x0] =	sbarrier.arrive $0xFFFF  }
0x29: {  	s11 =	simm.s32 $0x6400;
	s10 =	rddreg [dreg:$0x7]  }
0x2a: {  	[tilespmem:s11], [sflag:$0xB] =	stream.linear.gather [hbm4b:s10+s4], $0x50, $0x38;
	[tilespmem:$0x1A680] =	vst v63  }
0x2b: {  	s24 =	rddreg [dreg:$0x8]  }
0x2c: {  	[tilespmem:s26], [sflag:$0xB] =	stream.linear.gather [hbm4b:s24+s4], $0x50, $0x38;
	[tilespmem:$0x1A680] =	vst v63  }
0x2d: {  	s3 =	simm.s32 $0x64A0;
	s28 =	rddreg [dreg:$0x9]  }
0x2e: {  	[tilespmem:s3], [sflag:$0xC] =	stream.linear.gather [hbm4b:s28+s4], $0x50, $0x38;
	[tilespmem:$0x1A680] =	vst v63  }
0x2f: {  	s6 =	rddreg [dreg:$0xa]  }
0x30: {  	[tilespmem:s31], [sflag:$0xC] =	stream.linear.gather [hbm4b:s6+s4], $0x50, $0x38;
	[tilespmem:$0x1A680] =	vst v63  }
0x31: {  	s10 =	rddreg [dreg:$0xb]  }
0x32: {  	[tilespmem:s30], [sflag:$0xD] =	stream.linear.gather [hbm4b:s10+s4], $0x50, $0x38;
	[tilespmem:$0x1A680] =	vst v63  }
0x33: {  	s21 =	simm.s32 $0x6590;
	s14 =	rddreg [dreg:$0xc]  }
0x34: {  	[tilespmem:s21], [sflag:$0xD] =	stream.linear.gather [hbm4b:s14+s4], $0x50, $0x38;
	[tilespmem:$0x1A680] =	vst v63  }
0x35: {  	s19 =	simm.s32 $0x65E0;
	s18 =	rddreg [dreg:$0xd]  }
0x36: {  	[tilespmem:s19], [sflag:$0xE] =	stream.linear.gather [hbm4b:s18+s4], $0x50, $0x38;
	[tilespmem:$0x1A680] =	vst v63  }
0x37: {  	s5 =	simm.s32 $0x6630;
	s20 =	rddreg [dreg:$0xe];
	s24 =	simm.s32 $0xB  }
0x38: {  	[tilespmem:s5], [sflag:$0xE] =	stream.linear.gather [hbm4b:s20+s4], $0x50, $0x38;
	[tilespmem:$0x1A680] =	vst v63  }
0x39: {  	_ =	swait.ge [sflag:s24], $0x50  }
0x3a: {  	[sflag:s24] =	ssyncset.done $0x0  }
0x3b: {  	[sflag:s24] =	ssyncadd.s32 $0xFFFFFFB0  }
0x3c: {  	_ =	swait.ge [sflag:s24], $0x50  }
0x3d: {  	[sflag:s24] =	ssyncset.done $0x0  }
0x3e: {  	s28 =	simm.s32 $0xC;
	[sflag:s24] =	ssyncadd.s32 $0xFFFFFFB0  }
0x3f: {  	[tilespmem:s4], [sflag:$0x1] =	stream.indirect.gather [spmem:s1], $0x40, s11, s7, $0xb8;
	[tilespmem:$0x1A680] =	vst v63  }
0x40: {  	_ =	swait.ge [sflag:s28], $0x50  }
0x41: {  	[sflag:s28] =	ssyncset.done $0x0  }
0x42: {  	[sflag:s28] =	ssyncadd.s32 $0xFFFFFFB0  }
0x43: {  	_ =	swait.ge [sflag:s28], $0x50  }
0x44: {  	[sflag:s28] =	ssyncset.done $0x0  }
0x45: {  	s9 =	simm.s32 $0x1400;
	s11 =	sadd.s32 $0x0, s16;
	[sflag:s28] =	ssyncadd.s32 $0xFFFFFFB0  }
0x46: {  	[tilespmem:s9], [sflag:$0x2] =	stream.indirect.gather [spmem:s1], $0x40, s3, s7, $0xb8;
	[tilespmem:$0x1A680] =	vst v63  }
0x47: {  	p0 =	por $0x1, $0x1;
	s0 =	simm.s32 $0x6680;
	s3 =	sadd.s32 $0x28, s11  }
0x48: {  	[tilespmem:s0], [sflag:$0xF] =	stream.linear.gather [hbm4b:s3+s4], $0x50, $0x38;
	[tilespmem:$0x1A680] =	vst v63  }
0x49: {  	s14 =	simm.s32 @!p0 $0x8;
	s6 =	sadd.s32 $0x9C68, s11;
	s28 =	simm.s32 $0x66D0  }
0x4a: {  	[tilespmem:s28], [sflag:$0xF] =	stream.linear.gather [hbm4b:s6+s4], $0x50, $0x38;
	[tilespmem:$0x1A680] =	vst v63  }
0x4b: {  	_ =	swait.ge @!p0 [sflag:s14], $0x1400  }
0x4c: {  	[sflag:s14] =	ssyncset.done @!p0 $0x0  }
0x4d: {  	[sflag:s14] =	ssyncadd.s32 @!p0 $0xFFFFEC00  }
0x4e: {  	_ =	swait.ge [sflag:s15], $0x50  }
0x4f: {  	[sflag:s15] =	ssyncset.done $0x0  }
0x50: {  	[sflag:s15] =	ssyncadd.s32 $0xFFFFFFB0  }
0x51: {  	_ =	swait.ge [sflag:s15], $0x50  }
0x52: {  	[sflag:s15] =	ssyncset.done $0x0  }
0x53: {  	[sflag:s15] =	ssyncadd.s32 $0xFFFFFFB0  }
0x54: {  	[tilespmem:s13], [sflag:$0x3] =	stream.indirect.gather [spmem:s1], $0x40, s30, s7, $0xb8;
	[tilespmem:$0x1A680] =	vst v63  }
0x55: {  	_ =	swait.ge [sflag:s22], $0x1400  }
0x56: {  	[sflag:s22] =	ssyncset.done $0x0  }
0x57: {  	[sflag:s22] =	ssyncadd.s32 $0xFFFFEC00  }
0x58: {  	[spmem:s2] =	stream.indirect.scatter.add.f32 [tilespmem:s4], [sflag:$0x6], $0x40, s26, s7, $0xb8;
	[tilespmem:$0x1A680] =	vst v63  }
0x59: {  	s16 =	simm.s32 $0x6720;
	s10 =	sadd.s32 $0x32, s11  }
0x5a: {  	[tilespmem:s16], [sflag:$0x10] =	stream.linear.gather [hbm4b:s10+s4], $0x50, $0x38;
	[tilespmem:$0x1A680] =	vst v63  }
0x5b: {  	s18 =	simm.s32 $0x6770;
	s15 =	sadd.s32 $0x9C72, s11;
	s30 =	simm.s32 @!p0 $0x9  }
0x5c: {  	[tilespmem:s18], [sflag:$0x10] =	stream.linear.gather [hbm4b:s15+s4], $0x50, $0x38;
	[tilespmem:$0x1A680] =	vst v63  }
0x5d: {  	_ =	swait.ge @!p0 [sflag:s30], $0x1400  }
0x5e: {  	[sflag:s30] =	ssyncset.done @!p0 $0x0  }
0x5f: {  	[sflag:s30] =	ssyncadd.s32 @!p0 $0xFFFFEC00  }
0x60: {  	_ =	swait.ge [sflag:s17], $0x50  }
0x61: {  	[sflag:s17] =	ssyncset.done $0x0  }
0x62: {  	[sflag:s17] =	ssyncadd.s32 $0xFFFFFFB0  }
0x63: {  	_ =	swait.ge [sflag:s17], $0x50  }
0x64: {  	[sflag:s17] =	ssyncset.done $0x0  }
0x65: {  	s20 =	simm.s32 $0x3C00;
	s24 =	simm.s32 $0x2;
	[sflag:s17] =	ssyncadd.s32 $0xFFFFFFB0  }
0x66: {  	[tilespmem:s20], [sflag:$0x4] =	stream.indirect.gather [spmem:s1], $0x40, s19, s7, $0xb8;
	[tilespmem:$0x1A680] =	vst v63  }
0x67: {  	_ =	swait.ge [sflag:s24], $0x1400  }
0x68: {  	[sflag:s24] =	ssyncset.done $0x0  }
0x69: {  	[sflag:s24] =	ssyncadd.s32 $0xFFFFEC00  }
0x6a: {  	[spmem:s2] =	stream.indirect.scatter.add.f32 [tilespmem:s9], [sflag:$0x7], $0x40, s31, s7, $0xb8;
	[tilespmem:$0x1A680] =	vst v63  }
0x6b: {  	s6 =	simm.s32 $0x67C0;
	s19 =	sadd.s32 $0x3C, s11  }
0x6c: {  	[tilespmem:s6], [sflag:$0x11] =	stream.linear.gather [hbm4b:s19+s4], $0x50, $0x38;
	[tilespmem:$0x1A680] =	vst v63  }
0x6d: {  	s15 =	simm.s32 $0x6810;
	s30 =	simm.s32 @!p0 $0xA;
	s31 =	sadd.s32 $0x9C7C, s11  }
0x6e: {  	[tilespmem:s15], [sflag:$0x11] =	stream.linear.gather [hbm4b:s31+s4], $0x50, $0x38;
	[tilespmem:$0x1A680] =	vst v63  }
0x6f: {  	_ =	swait.ge @!p0 [sflag:s30], $0x1400  }
0x70: {  	[sflag:s30] =	ssyncset.done @!p0 $0x0  }
0x71: {  	s3 =	simm.s32 $0xF;
	[sflag:s30] =	ssyncadd.s32 @!p0 $0xFFFFEC00  }
0x72: {  	_ =	swait.ge [sflag:s3], $0x50  }
0x73: {  	[sflag:s3] =	ssyncset.done $0x0  }
0x74: {  	[sflag:s3] =	ssyncadd.s32 $0xFFFFFFB0  }
0x75: {  	_ =	swait.ge [sflag:s3], $0x50  }
0x76: {  	[sflag:s3] =	ssyncset.done $0x0  }
0x77: {  	s19 =	simm.s32 $0x5000;
	[sflag:s3] =	ssyncadd.s32 $0xFFFFFFB0;
	s3 =	simm.s32 $0x3  }
0x78: {  	[tilespmem:s19], [sflag:$0x5] =	stream.indirect.gather [spmem:s1], $0x40, s0, s7, $0xb8;
	[tilespmem:$0x1A680] =	vst v63  }
0x79: {  	_ =	swait.ge [sflag:s3], $0x1400  }
0x7a: {  	[sflag:s3] =	ssyncset.done $0x0  }
0x7b: {  	[sflag:s3] =	ssyncadd.s32 $0xFFFFEC00  }
0x7c: {  	[spmem:s2] =	stream.indirect.scatter.add.f32 [tilespmem:s13], [sflag:$0x8], $0x40, s21, s7, $0xb8;
	[tilespmem:$0x1A680] =	vst v63  }
0x7d: {  	s17 =	simm.s32 $0x6860;
	s0 =	sadd.s32 $0x46, s11  }
0x7e: {  	[tilespmem:s17], [sflag:$0x12] =	stream.linear.gather [hbm4b:s0+s4], $0x50, $0x38;
	[tilespmem:$0x1A680] =	vst v63  }
0x7f: {  	s14 =	simm.s32 $0x6;
	s10 =	sadd.s32 $0x9C86, s11;
	s21 =	simm.s32 $0x68B0  }
0x80: {  	[tilespmem:s21], [sflag:$0x12] =	stream.linear.gather [hbm4b:s10+s4], $0x50, $0x38;
	[tilespmem:$0x1A680] =	vst v63  }
0x81: {  	_ =	swait.ge [sflag:s14], $0x1400  }
0x82: {  	[sflag:s14] =	ssyncset.done $0x0  }
0x83: {  	[sflag:s14] =	ssyncadd.s32 $0xFFFFEC00  }
0x84: {  	_ =	swait.ge [sflag:s12], $0x50  }
0x85: {  	[sflag:s12] =	ssyncset.done $0x0  }
0x86: {  	[sflag:s12] =	ssyncadd.s32 $0xFFFFFFB0  }
0x87: {  	_ =	swait.ge [sflag:s12], $0x50  }
0x88: {  	[sflag:s12] =	ssyncset.done $0x0  }
0x89: {  	s10 =	simm.s32 $0x4;
	[sflag:s12] =	ssyncadd.s32 $0xFFFFFFB0  }
0x8a: {  	[tilespmem:s4], [sflag:$0x1] =	stream.indirect.gather [spmem:s1], $0x40, s16, s7, $0xb8;
	[tilespmem:$0x1A680] =	vst v63  }
0x8b: {  	s16 =	rddreg [dreg:$0x5];
	_ =	swait.ge [sflag:s10], $0x1400  }
0x8c: {  	[sflag:s10] =	ssyncset.done $0x0  }
0x8d: {  	[sflag:s10] =	ssyncadd.s32 $0xFFFFEC00  }
0x8e: {  	[spmem:s2] =	stream.indirect.scatter.add.f32 [tilespmem:s20], [sflag:$0x9], $0x40, s5, s7, $0xb8;
	[tilespmem:$0x1A680] =	vst v63  }
0x8f: {  	s31 =	sadd.s32 $0x50, s11;
	s5 =	simm.s32 $0x6900  }
0x90: {  	[tilespmem:s5], [sflag:$0x13] =	stream.linear.gather [hbm4b:s31+s4], $0x50, $0x38;
	[tilespmem:$0x1A680] =	vst v63  }
0x91: {  	s0 =	sadd.s32 $0x9C90, s11;
	s12 =	simm.s32 $0x6950;
	s31 =	simm.s32 $0x7  }
0x92: {  	[tilespmem:s12], [sflag:$0x13] =	stream.linear.gather [hbm4b:s0+s4], $0x50, $0x38;
	[tilespmem:$0x1A680] =	vst v63  }
0x93: {  	_ =	swait.ge [sflag:s31], $0x1400  }
0x94: {  	[sflag:s31] =	ssyncset.done $0x0  }
0x95: {  	s14 =	simm.s32 $0x11;
	[sflag:s31] =	ssyncadd.s32 $0xFFFFEC00  }
0x96: {  	_ =	swait.ge [sflag:s14], $0x50  }
0x97: {  	[sflag:s14] =	ssyncset.done $0x0  }
0x98: {  	[sflag:s14] =	ssyncadd.s32 $0xFFFFFFB0  }
0x99: {  	_ =	swait.ge [sflag:s14], $0x50  }
0x9a: {  	[sflag:s14] =	ssyncset.done $0x0  }
0x9b: {  	s31 =	simm.s32 $0x5;
	[sflag:s14] =	ssyncadd.s32 $0xFFFFFFB0  }
0x9c: {  	[tilespmem:s9], [sflag:$0x2] =	stream.indirect.gather [spmem:s1], $0x40, s6, s7, $0xb8;
	[tilespmem:$0x1A680] =	vst v63  }
0x9d: {  	_ =	swait.ge [sflag:s31], $0x1400  }
0x9e: {  	[sflag:s31] =	ssyncset.done $0x0  }
0x9f: {  	[sflag:s31] =	ssyncadd.s32 $0xFFFFEC00  }
0xa0: {  	[spmem:s2] =	stream.indirect.scatter.add.f32 [tilespmem:s19], [sflag:$0xA], $0x40, s28, s7, $0xb8;
	[tilespmem:$0x1A680] =	vst v63  }
0xa1: {  	s0 =	sadd.s32 $0x5A, s11;
	s6 =	simm.s32 $0x69A0  }
0xa2: {  	[tilespmem:s6], [sflag:$0x14] =	stream.linear.gather [hbm4b:s0+s4], $0x50, $0x38;
	[tilespmem:$0x1A680] =	vst v63  }
0xa3: {  	s11 =	sadd.s32 $0x9C9A, s11  }
0xa4: {  	[tilespmem:s8], [sflag:$0x14] =	stream.linear.gather [hbm4b:s11+s4], $0x50, $0x38;
	[tilespmem:$0x1A680] =	vst v63  }
0xa5: {  	_ =	swait.ge [sflag:s23], $0x1400  }
0xa6: {  	[sflag:s23] =	ssyncset.done $0x0  }
0xa7: {  	[sflag:s23] =	ssyncadd.s32 $0xFFFFEC00  }
0xa8: {  	_ =	swait.ge [sflag:s25], $0x50  }
0xa9: {  	[sflag:s25] =	ssyncset.done $0x0  }
0xaa: {  	[sflag:s25] =	ssyncadd.s32 $0xFFFFFFB0  }
0xab: {  	_ =	swait.ge [sflag:s25], $0x50  }
0xac: {  	[sflag:s25] =	ssyncset.done $0x0  }
0xad: {  	[sflag:s25] =	ssyncadd.s32 $0xFFFFFFB0  }
0xae: {  	[tilespmem:s13], [sflag:$0x3] =	stream.indirect.gather [spmem:s1], $0x40, s17, s7, $0xb8;
	[tilespmem:$0x1A680] =	vst v63  }
0xaf: {  	_ =	swait.ge [sflag:s22], $0x1400  }
0xb0: {  	p0 =	por $0x0, $0x0;
	[sflag:s22] =	ssyncset.done $0x0  }
0xb1: {  	s11 =	sadd.s32 @!p0 $0x0, s16;
	[sflag:s22] =	ssyncadd.s32 $0xFFFFEC00  }
0xb2: {  	[spmem:s2] =	stream.indirect.scatter.add.f32 [tilespmem:s4], [sflag:$0x6], $0x40, s18, s7, $0xb8;
	[tilespmem:$0x1A680] =	vst v63  }
0xb3: {  	s30 =	simm.s32 @!p0 $0x0;
	s31 =	simm.s32 @!p0 $0x6400;
	s14 =	sadd.s32 @!p0 $0x64, s11  }
0xb4: {  	[tilespmem:s31], [sflag:$0xB] =	stream.linear.gather @!p0 [hbm4b:s14+s30], $0x50, $0x38;
	[tilespmem:$0x1A680] =	vst v63  }
0xb5: {  	s28 =	simm.s32 $0x9;
	s14 =	sadd.s32 @!p0 $0x9CA4, s11;
	s31 =	simm.s32 @!p0 $0x6450  }
0xb6: {  	[tilespmem:s31], [sflag:$0xB] =	stream.linear.gather @!p0 [hbm4b:s14+s30], $0x50, $0x38;
	[tilespmem:$0x1A680] =	vst v63  }
0xb7: {  	_ =	swait.ge [sflag:s28], $0x1400  }
0xb8: {  	[sflag:s28] =	ssyncset.done $0x0  }
0xb9: {  	s23 =	simm.s32 $0x13;
	[sflag:s28] =	ssyncadd.s32 $0xFFFFEC00  }
0xba: {  	_ =	swait.ge [sflag:s23], $0x50  }
0xbb: {  	[sflag:s23] =	ssyncset.done $0x0  }
0xbc: {  	[sflag:s23] =	ssyncadd.s32 $0xFFFFFFB0  }
0xbd: {  	_ =	swait.ge [sflag:s23], $0x50  }
0xbe: {  	[sflag:s23] =	ssyncset.done $0x0  }
0xbf: {  	[sflag:s23] =	ssyncadd.s32 $0xFFFFFFB0  }
0xc0: {  	[tilespmem:s20], [sflag:$0x4] =	stream.indirect.gather [spmem:s1], $0x40, s5, s7, $0xb8;
	[tilespmem:$0x1A680] =	vst v63  }
0xc1: {  	_ =	swait.ge [sflag:s24], $0x1400  }
0xc2: {  	[sflag:s24] =	ssyncset.done $0x0  }
0xc3: {  	[sflag:s24] =	ssyncadd.s32 $0xFFFFEC00  }
0xc4: {  	[spmem:s2] =	stream.indirect.scatter.add.f32 [tilespmem:s9], [sflag:$0x7], $0x40, s15, s7, $0xb8;
	[tilespmem:$0x1A680] =	vst v63  }
0xc5: {  	s14 =	sadd.s32 @!p0 $0x6E, s11;
	s31 =	simm.s32 @!p0 $0x64A0  }
0xc6: {  	[tilespmem:s31], [sflag:$0xC] =	stream.linear.gather @!p0 [hbm4b:s14+s30], $0x50, $0x38;
	[tilespmem:$0x1A680] =	vst v63  }
0xc7: {  	s11 =	sadd.s32 @!p0 $0x9CAE, s11;
	s14 =	simm.s32 @!p0 $0x64F0;
	s31 =	simm.s32 $0xA  }
0xc8: {  	[tilespmem:s14], [sflag:$0xC] =	stream.linear.gather @!p0 [hbm4b:s11+s30], $0x50, $0x38;
	[tilespmem:$0x1A680] =	vst v63  }
0xc9: {  	_ =	swait.ge [sflag:s31], $0x1400  }
0xca: {  	[sflag:s31] =	ssyncset.done $0x0  }
0xcb: {  	s15 =	simm.s32 $0x14;
	[sflag:s31] =	ssyncadd.s32 $0xFFFFEC00  }
0xcc: {  	_ =	swait.ge [sflag:s15], $0x50  }
0xcd: {  	[sflag:s15] =	ssyncset.done $0x0  }
0xce: {  	[sflag:s15] =	ssyncadd.s32 $0xFFFFFFB0  }
0xcf: {  	_ =	swait.ge [sflag:s15], $0x50  }
0xd0: {  	[sflag:s15] =	ssyncset.done $0x0  }
0xd1: {  	[sflag:s15] =	ssyncadd.s32 $0xFFFFFFB0  }
0xd2: {  	[tilespmem:s19], [sflag:$0x5] =	stream.indirect.gather [spmem:s1], $0x40, s6, s7, $0xb8;
	[tilespmem:$0x1A680] =	vst v63  }
0xd3: {  	_ =	swait.ge [sflag:s3], $0x1400  }
0xd4: {  	p1 =	por $0x1, $0x1;
	[sflag:s3] =	ssyncset.done $0x0  }
0xd5: {  	s11 =	sadd.s32 @p1 $0x0, s16;
	[sflag:s3] =	ssyncadd.s32 $0xFFFFEC00  }
0xd6: {  	[spmem:s2] =	stream.indirect.scatter.add.f32 [tilespmem:s13], [sflag:$0x8], $0x40, s21, s7, $0xb8;
	[tilespmem:$0x1A680] =	vst v63  }
0xd7: {  	s0 =	simm.s32 @p1 $0x0;
	s30 =	sadd.s32 @p1 $0x78, s11;
	s31 =	simm.s32 @p1 $0x6540  }
0xd8: {  	[tilespmem:s31], [sflag:$0xD] =	stream.linear.gather @p1 [hbm4b:s30+s0], $0x50, $0x38;
	[tilespmem:$0x1A680] =	vst v63  }
0xd9: {  	s14 =	simm.s32 @p1 $0x6;
	s30 =	sadd.s32 @p1 $0x9CB8, s11;
	s31 =	simm.s32 @p1 $0x6590  }
0xda: {  	[tilespmem:s31], [sflag:$0xD] =	stream.linear.gather @p1 [hbm4b:s30+s0], $0x50, $0x38;
	[tilespmem:$0x1A680] =	vst v63  }
0xdb: {  	_ =	swait.ge @p1 [sflag:s14], $0x1400  }
0xdc: {  	[sflag:s14] =	ssyncset.done @p1 $0x0  }
0xdd: {  	s30 =	simm.s32 @p1 $0xB;
	[sflag:s14] =	ssyncadd.s32 @p1 $0xFFFFEC00  }
0xde: {  	_ =	swait.ge @p1 [sflag:s30], $0x50  }
0xdf: {  	[sflag:s30] =	ssyncset.done @p1 $0x0  }
0xe0: {  	[sflag:s30] =	ssyncadd.s32 @p1 $0xFFFFFFB0  }
0xe1: {  	_ =	swait.ge @p1 [sflag:s30], $0x50  }
0xe2: {  	s31 =	simm.s32 @p1 $0x50;
	[sflag:s30] =	ssyncset.done @p1 $0x0  }
0xe3: {  	s14 =	simm.s32 @!p1 $0x6;
	[sflag:s30] =	ssyncadd.s32 @p1 $0xFFFFFFB0;
	s30 =	simm.s32 @p1 $0x6400  }
0xe4: {  	[tilespmem:s0], [sflag:$0x1] =	stream.indirect.gather @p1 [spmem:s1], $0x40, s30, s31, $0xb8;
	[tilespmem:$0x1A680] =	vst v63  }
0xe5: {  	_ =	swait.ge @!p1 [sflag:s14], $0x1400  }
0xe6: {  	[sflag:s14] =	ssyncset.done @!p1 $0x0  }
0xe7: {  	[sflag:s14] =	ssyncadd.s32 @!p1 $0xFFFFEC00  }
0xe8: {  	_ =	swait.ge [sflag:s10], $0x1400  }
0xe9: {  	[sflag:s10] =	ssyncset.done $0x0  }
0xea: {  	[sflag:s10] =	ssyncadd.s32 $0xFFFFEC00  }
0xeb: {  	[spmem:s2] =	stream.indirect.scatter.add.f32 [tilespmem:s20], [sflag:$0x9], $0x40, s12, s7, $0xb8;
	[tilespmem:$0x1A680] =	vst v63  }
0xec: {  	s30 =	simm.s32 @p1 $0x65E0;
	s14 =	sadd.s32 @p1 $0x82, s11  }
0xed: {  	[tilespmem:s30], [sflag:$0xE] =	stream.linear.gather @p1 [hbm4b:s14+s0], $0x50, $0x38;
	[tilespmem:$0x1A680] =	vst v63  }
0xee: {  	s11 =	sadd.s32 @p1 $0x9CC2, s11;
	s14 =	simm.s32 @p1 $0x6630  }
0xef: {  	[tilespmem:s14], [sflag:$0xE] =	stream.linear.gather @p1 [hbm4b:s11+s0], $0x50, $0x38;
	[tilespmem:$0x1A680] =	vst v63  }
0xf0: {  	s11 =	simm.s32 @p1 $0x7  }
0xf1: {  	_ =	swait.ge @p1 [sflag:s11], $0x1400  }
0xf2: {  	[sflag:s11] =	ssyncset.done @p1 $0x0  }
0xf3: {  	s14 =	simm.s32 @p1 $0xC;
	[sflag:s11] =	ssyncadd.s32 @p1 $0xFFFFEC00  }
0xf4: {  	_ =	swait.ge @p1 [sflag:s14], $0x50  }
0xf5: {  	[sflag:s14] =	ssyncset.done @p1 $0x0  }
0xf6: {  	[sflag:s14] =	ssyncadd.s32 @p1 $0xFFFFFFB0  }
0xf7: {  	_ =	swait.ge @p1 [sflag:s14], $0x50  }
0xf8: {  	[sflag:s14] =	ssyncset.done @p1 $0x0  }
0xf9: {  	s11 =	simm.s32 @p1 $0x64A0;
	[sflag:s14] =	ssyncadd.s32 @p1 $0xFFFFFFB0;
	s14 =	simm.s32 @p1 $0x1400  }
0xfa: {  	[tilespmem:s14], [sflag:$0x2] =	stream.indirect.gather @p1 [spmem:s1], $0x40, s11, s31, $0xb8;
	[tilespmem:$0x1A680] =	vst v63  }
0xfb: {  	s14 =	simm.s32 @!p1 $0x7  }
0xfc: {  	s30 =	simm.s32 $0x64;
	_ =	swait.ge @!p1 [sflag:s14], $0x1400  }
.LBB2_2:
0xfd: {  	[sflag:s14] =	ssyncset.done @!p1 $0x0  }
0xfe: {  	s25 =	simm.s32 $0x5;
	[sflag:s14] =	ssyncadd.s32 @!p1 $0xFFFFEC00  }
0xff: {  	_ =	swait.ge [sflag:s25], $0x1400  }
0x100: {  	s11 =	sadd.s32 s30, s16;
	s31 =	smov.u32 s30;
	[sflag:s25] =	ssyncset.done $0x0  }
0x101: {  	s0 =	simm.s32 $0x69F0;
	s16 =	simm.s32 $0x5000;
	[sflag:s25] =	ssyncadd.s32 $0xFFFFEC00  }
0x102: {  	[spmem:s2] =	stream.indirect.scatter.add.f32 [tilespmem:s16], [sflag:$0xA], $0x40, s0, s7, $0xb8;
	[tilespmem:$0x1A680] =	vst v63  }
0x103: {  	s19 =	simm.s32 $0x6680;
	s21 =	sadd.s32 $0x28, s11;
	p1 =	seq.s32 s31, $0x0  }
0x104: {  	[tilespmem:s19], [sflag:$0xF] =	stream.linear.gather [hbm4b:s21+s4], $0x50, $0x38;
	[tilespmem:$0x1A680] =	vst v63  }
0x105: {  	s28 =	simm.s32 $0x66D0;
	s22 =	sadd.s32 $0x9C68, s11;
	s14 =	simm.s32 @!p1 $0x8  }
0x106: {  	[tilespmem:s28], [sflag:$0xF] =	stream.linear.gather [hbm4b:s22+s4], $0x50, $0x38;
	[tilespmem:$0x1A680] =	vst v63  }
0x107: {  	_ =	swait.ge @!p1 [sflag:s14], $0x1400  }
0x108: {  	[sflag:s14] =	ssyncset.done @!p1 $0x0  }
0x109: {  	s6 =	simm.s32 $0xD;
	[sflag:s14] =	ssyncadd.s32 @!p1 $0xFFFFEC00  }
0x10a: {  	_ =	swait.ge [sflag:s6], $0x50  }
0x10b: {  	[sflag:s6] =	ssyncset.done $0x0  }
0x10c: {  	[sflag:s6] =	ssyncadd.s32 $0xFFFFFFB0  }
0x10d: {  	_ =	swait.ge [sflag:s6], $0x50  }
0x10e: {  	[sflag:s6] =	ssyncset.done $0x0  }
0x10f: {  	s8 =	simm.s32 $0x6540;
	s22 =	simm.s32 $0x1;
	[sflag:s6] =	ssyncadd.s32 $0xFFFFFFB0  }
0x110: {  	[tilespmem:s13], [sflag:$0x3] =	stream.indirect.gather [spmem:s1], $0x40, s8, s7, $0xb8;
	[tilespmem:$0x1A680] =	vst v63  }
0x111: {  	_ =	swait.ge [sflag:s22], $0x1400  }
0x112: {  	[sflag:s22] =	ssyncset.done $0x0  }
0x113: {  	[sflag:s22] =	ssyncadd.s32 $0xFFFFEC00  }
0x114: {  	[spmem:s2] =	stream.indirect.scatter.add.f32 [tilespmem:s4], [sflag:$0x6], $0x40, s26, s7, $0xb8;
	[tilespmem:$0x1A680] =	vst v63  }
0x115: {  	s24 =	sadd.s32 $0x32, s11;
	s26 =	simm.s32 $0x6720  }
0x116: {  	[tilespmem:s26], [sflag:$0x10] =	stream.linear.gather [hbm4b:s24+s4], $0x50, $0x38;
	[tilespmem:$0x1A680] =	vst v63  }
0x117: {  	s18 =	simm.s32 $0x6770;
	s3 =	sadd.s32 $0x9C72, s11;
	s21 =	simm.s32 @!p1 $0x9  }
0x118: {  	[tilespmem:s18], [sflag:$0x10] =	stream.linear.gather [hbm4b:s3+s4], $0x50, $0x38;
	[tilespmem:$0x1A680] =	vst v63  }
0x119: {  	_ =	swait.ge @!p1 [sflag:s21], $0x1400  }
0x11a: {  	[sflag:s21] =	ssyncset.done @!p1 $0x0  }
0x11b: {  	s5 =	simm.s32 $0xE;
	[sflag:s21] =	ssyncadd.s32 @!p1 $0xFFFFEC00  }
0x11c: {  	_ =	swait.ge [sflag:s5], $0x50  }
0x11d: {  	[sflag:s5] =	ssyncset.done $0x0  }
0x11e: {  	[sflag:s5] =	ssyncadd.s32 $0xFFFFFFB0  }
0x11f: {  	_ =	swait.ge [sflag:s5], $0x50  }
0x120: {  	s20 =	simm.s32 $0x3C00;
	[sflag:s5] =	ssyncset.done $0x0  }
0x121: {  	s12 =	simm.s32 $0x2;
	s6 =	simm.s32 $0x65E0;
	[sflag:s5] =	ssyncadd.s32 $0xFFFFFFB0  }
0x122: {  	[tilespmem:s20], [sflag:$0x4] =	stream.indirect.gather [spmem:s1], $0x40, s6, s7, $0xb8;
	[tilespmem:$0x1A680] =	vst v63  }
0x123: {  	_ =	swait.ge [sflag:s12], $0x1400  }
0x124: {  	[sflag:s12] =	ssyncset.done $0x0  }
0x125: {  	s13 =	simm.s32 $0x1400;
	s3 =	simm.s32 $0x64F0;
	[sflag:s12] =	ssyncadd.s32 $0xFFFFEC00  }
0x126: {  	[spmem:s2] =	stream.indirect.scatter.add.f32 [tilespmem:s13], [sflag:$0x7], $0x40, s3, s7, $0xb8;
	[tilespmem:$0x1A680] =	vst v63  }
0x127: {  	s8 =	sadd.s32 $0x3C, s11;
	s6 =	simm.s32 $0x67C0  }
0x128: {  	[tilespmem:s6], [sflag:$0x11] =	stream.linear.gather [hbm4b:s8+s4], $0x50, $0x38;
	[tilespmem:$0x1A680] =	vst v63  }
0x129: {  	s17 =	simm.s32 $0x6810;
	s10 =	sadd.s32 $0x9C7C, s11;
	s21 =	simm.s32 @!p1 $0xA  }
0x12a: {  	[tilespmem:s17], [sflag:$0x11] =	stream.linear.gather [hbm4b:s10+s4], $0x50, $0x38;
	[tilespmem:$0x1A680] =	vst v63  }
0x12b: {  	_ =	swait.ge @!p1 [sflag:s21], $0x1400  }
0x12c: {  	[sflag:s21] =	ssyncset.done @!p1 $0x0  }
0x12d: {  	s5 =	simm.s32 $0xF;
	[sflag:s21] =	ssyncadd.s32 @!p1 $0xFFFFEC00  }
0x12e: {  	_ =	swait.ge [sflag:s5], $0x50  }
0x12f: {  	[sflag:s5] =	ssyncset.done $0x0  }
0x130: {  	[sflag:s5] =	ssyncadd.s32 $0xFFFFFFB0  }
0x131: {  	_ =	swait.ge [sflag:s5], $0x50  }
0x132: {  	[sflag:s5] =	ssyncset.done $0x0  }
0x133: {  	s3 =	simm.s32 $0x3;
	[sflag:s5] =	ssyncadd.s32 $0xFFFFFFB0  }
0x134: {  	[tilespmem:s16], [sflag:$0x5] =	stream.indirect.gather [spmem:s1], $0x40, s19, s7, $0xb8;
	[tilespmem:$0x1A680] =	vst v63  }
0x135: {  	_ =	swait.ge [sflag:s3], $0x1400  }
0x136: {  	[sflag:s3] =	ssyncset.done $0x0  }
0x137: {  	s9 =	simm.s32 $0x2800;
	s24 =	simm.s32 $0x6590;
	[sflag:s3] =	ssyncadd.s32 $0xFFFFEC00  }
0x138: {  	[spmem:s2] =	stream.indirect.scatter.add.f32 [tilespmem:s9], [sflag:$0x8], $0x40, s24, s7, $0xb8;
	[tilespmem:$0x1A680] =	vst v63  }
0x139: {  	s5 =	sadd.s32 $0x46, s11;
	s19 =	simm.s32 $0x6860  }
0x13a: {  	[tilespmem:s19], [sflag:$0x12] =	stream.linear.gather [hbm4b:s5+s4], $0x50, $0x38;
	[tilespmem:$0x1A680] =	vst v63  }
0x13b: {  	s8 =	sadd.s32 $0x9C86, s11;
	s10 =	simm.s32 $0x6;
	s24 =	simm.s32 $0x68B0  }
0x13c: {  	[tilespmem:s24], [sflag:$0x12] =	stream.linear.gather [hbm4b:s8+s4], $0x50, $0x38;
	[tilespmem:$0x1A680] =	vst v63  }
0x13d: {  	_ =	swait.ge [sflag:s10], $0x1400  }
0x13e: {  	[sflag:s10] =	ssyncset.done $0x0  }
0x13f: {  	s14 =	simm.s32 $0x10;
	[sflag:s10] =	ssyncadd.s32 $0xFFFFEC00  }
0x140: {  	_ =	swait.ge [sflag:s14], $0x50  }
0x141: {  	[sflag:s14] =	ssyncset.done $0x0  }
0x142: {  	[sflag:s14] =	ssyncadd.s32 $0xFFFFFFB0  }
0x143: {  	_ =	swait.ge [sflag:s14], $0x50  }
0x144: {  	[sflag:s14] =	ssyncset.done $0x0  }
0x145: {  	s10 =	simm.s32 $0x4;
	[sflag:s14] =	ssyncadd.s32 $0xFFFFFFB0  }
0x146: {  	[tilespmem:s4], [sflag:$0x1] =	stream.indirect.gather [spmem:s1], $0x40, s26, s7, $0xb8;
	[tilespmem:$0x1A680] =	vst v63  }
0x147: {  	_ =	swait.ge [sflag:s10], $0x1400  }
0x148: {  	[sflag:s10] =	ssyncset.done $0x0  }
0x149: {  	s21 =	simm.s32 $0x6630;
	[sflag:s10] =	ssyncadd.s32 $0xFFFFEC00  }
0x14a: {  	[spmem:s2] =	stream.indirect.scatter.add.f32 [tilespmem:s20], [sflag:$0x9], $0x40, s21, s7, $0xb8;
	[tilespmem:$0x1A680] =	vst v63  }
0x14b: {  	s5 =	simm.s32 $0x6900;
	s26 =	sadd.s32 $0x50, s11  }
0x14c: {  	[tilespmem:s5], [sflag:$0x13] =	stream.linear.gather [hbm4b:s26+s4], $0x50, $0x38;
	[tilespmem:$0x1A680] =	vst v63  }
0x14d: {  	s8 =	sadd.s32 $0x9C90, s11;
	s21 =	simm.s32 $0x7  }
0x14e: {  	[tilespmem:s29], [sflag:$0x13] =	stream.linear.gather [hbm4b:s8+s4], $0x50, $0x38;
	[tilespmem:$0x1A680] =	vst v63  }
0x14f: {  	_ =	swait.ge [sflag:s21], $0x1400  }
0x150: {  	[sflag:s21] =	ssyncset.done $0x0  }
0x151: {  	s26 =	simm.s32 $0x11;
	[sflag:s21] =	ssyncadd.s32 $0xFFFFEC00  }
0x152: {  	_ =	swait.ge [sflag:s26], $0x50  }
0x153: {  	[sflag:s26] =	ssyncset.done $0x0  }
0x154: {  	[sflag:s26] =	ssyncadd.s32 $0xFFFFFFB0  }
0x155: {  	_ =	swait.ge [sflag:s26], $0x50  }
0x156: {  	[sflag:s26] =	ssyncset.done $0x0  }
0x157: {  	[sflag:s26] =	ssyncadd.s32 $0xFFFFFFB0  }
0x158: {  	[tilespmem:s13], [sflag:$0x2] =	stream.indirect.gather [spmem:s1], $0x40, s6, s7, $0xb8;
	[tilespmem:$0x1A680] =	vst v63  }
0x159: {  	_ =	swait.ge [sflag:s25], $0x1400  }
0x15a: {  	[sflag:s25] =	ssyncset.done $0x0  }
0x15b: {  	[sflag:s25] =	ssyncadd.s32 $0xFFFFEC00  }
0x15c: {  	[spmem:s2] =	stream.indirect.scatter.add.f32 [tilespmem:s16], [sflag:$0xA], $0x40, s28, s7, $0xb8;
	[tilespmem:$0x1A680] =	vst v63  }
0x15d: {  	s8 =	sadd.s32 $0x5A, s11;
	s6 =	simm.s32 $0x69A0  }
0x15e: {  	[tilespmem:s6], [sflag:$0x14] =	stream.linear.gather [hbm4b:s8+s4], $0x50, $0x38;
	[tilespmem:$0x1A680] =	vst v63  }
0x15f: {  	s14 =	simm.s32 $0x8;
	s11 =	sadd.s32 $0x9C9A, s11  }
0x160: {  	[tilespmem:s0], [sflag:$0x14] =	stream.linear.gather [hbm4b:s11+s4], $0x50, $0x38;
	[tilespmem:$0x1A680] =	vst v63  }
0x161: {  	_ =	swait.ge [sflag:s14], $0x1400  }
0x162: {  	[sflag:s14] =	ssyncset.done $0x0  }
0x163: {  	s25 =	simm.s32 $0x12;
	[sflag:s14] =	ssyncadd.s32 $0xFFFFEC00  }
0x164: {  	_ =	swait.ge [sflag:s25], $0x50  }
0x165: {  	[sflag:s25] =	ssyncset.done $0x0  }
0x166: {  	[sflag:s25] =	ssyncadd.s32 $0xFFFFFFB0  }
0x167: {  	_ =	swait.ge [sflag:s25], $0x50  }
0x168: {  	[sflag:s25] =	ssyncset.done $0x0  }
0x169: {  	[sflag:s25] =	ssyncadd.s32 $0xFFFFFFB0  }
0x16a: {  	[tilespmem:s9], [sflag:$0x3] =	stream.indirect.gather [spmem:s1], $0x40, s19, s7, $0xb8;
	[tilespmem:$0x1A680] =	vst v63  }
0x16b: {  	s0 =	rddreg [dreg:$0x5];
	_ =	swait.ge [sflag:s22], $0x1400  }
0x16c: {  	p1 =	seq.s32 s31, $0x960;
	[sflag:s22] =	ssyncset.done $0x0  }
0x16d: {  	s11 =	sadd.s32 @!p1 s31, s0;
	[sflag:s22] =	ssyncadd.s32 $0xFFFFEC00  }
0x16e: {  	[spmem:s2] =	stream.indirect.scatter.add.f32 [tilespmem:s4], [sflag:$0x6], $0x40, s18, s7, $0xb8;
	[tilespmem:$0x1A680] =	vst v63  }
0x16f: {  	s26 =	simm.s32 @!p1 $0x0;
	s0 =	simm.s32 @!p1 $0x6400;
	s14 =	sadd.s32 @!p1 $0x64, s11  }
0x170: {  	[tilespmem:s0], [sflag:$0xB] =	stream.linear.gather @!p1 [hbm4b:s14+s26], $0x50, $0x38;
	[tilespmem:$0x1A680] =	vst v63  }
0x171: {  	s21 =	sadd.s32 @!p1 $0x9CA4, s11;
	s19 =	simm.s32 @!p1 $0x6450  }
0x172: {  	[tilespmem:s19], [sflag:$0xB] =	stream.linear.gather @!p1 [hbm4b:s21+s26], $0x50, $0x38;
	[tilespmem:$0x1A680] =	vst v63  }
0x173: {  	s21 =	simm.s32 $0x9  }
0x174: {  	_ =	swait.ge [sflag:s21], $0x1400  }
0x175: {  	[sflag:s21] =	ssyncset.done $0x0  }
0x176: {  	[sflag:s21] =	ssyncadd.s32 $0xFFFFEC00  }
0x177: {  	_ =	swait.ge [sflag:s23], $0x50  }
0x178: {  	[sflag:s23] =	ssyncset.done $0x0  }
0x179: {  	[sflag:s23] =	ssyncadd.s32 $0xFFFFFFB0  }
0x17a: {  	_ =	swait.ge [sflag:s23], $0x50  }
0x17b: {  	[sflag:s23] =	ssyncset.done $0x0  }
0x17c: {  	[sflag:s23] =	ssyncadd.s32 $0xFFFFFFB0  }
0x17d: {  	[tilespmem:s20], [sflag:$0x4] =	stream.indirect.gather [spmem:s1], $0x40, s5, s7, $0xb8;
	[tilespmem:$0x1A680] =	vst v63  }
0x17e: {  	_ =	swait.ge [sflag:s12], $0x1400  }
0x17f: {  	[sflag:s12] =	ssyncset.done $0x0  }
0x180: {  	[sflag:s12] =	ssyncadd.s32 $0xFFFFEC00  }
0x181: {  	[spmem:s2] =	stream.indirect.scatter.add.f32 [tilespmem:s13], [sflag:$0x7], $0x40, s17, s7, $0xb8;
	[tilespmem:$0x1A680] =	vst v63  }
0x182: {  	s9 =	sadd.s32 @!p1 $0x6E, s11;
	s0 =	simm.s32 @!p1 $0x64A0  }
0x183: {  	[tilespmem:s0], [sflag:$0xC] =	stream.linear.gather @!p1 [hbm4b:s9+s26], $0x50, $0x38;
	[tilespmem:$0x1A680] =	vst v63  }
0x184: {  	s11 =	sadd.s32 @!p1 $0x9CAE, s11;
	s22 =	simm.s32 $0xA;
	s0 =	simm.s32 @!p1 $0x64F0  }
0x185: {  	[tilespmem:s0], [sflag:$0xC] =	stream.linear.gather @!p1 [hbm4b:s11+s26], $0x50, $0x38;
	[tilespmem:$0x1A680] =	vst v63  }
0x186: {  	_ =	swait.ge [sflag:s22], $0x1400  }
0x187: {  	[sflag:s22] =	ssyncset.done $0x0  }
0x188: {  	[sflag:s22] =	ssyncadd.s32 $0xFFFFEC00  }
0x189: {  	_ =	swait.ge [sflag:s15], $0x50  }
0x18a: {  	[sflag:s15] =	ssyncset.done $0x0  }
0x18b: {  	[sflag:s15] =	ssyncadd.s32 $0xFFFFFFB0  }
0x18c: {  	_ =	swait.ge [sflag:s15], $0x50  }
0x18d: {  	[sflag:s15] =	ssyncset.done $0x0  }
0x18e: {  	[sflag:s15] =	ssyncadd.s32 $0xFFFFFFB0  }
0x18f: {  	[tilespmem:s16], [sflag:$0x5] =	stream.indirect.gather [spmem:s1], $0x40, s6, s7, $0xb8;
	[tilespmem:$0x1A680] =	vst v63  }
0x190: {  	s16 =	rddreg [dreg:$0x5];
	_ =	swait.ge [sflag:s3], $0x1400  }
0x191: {  	p1 =	sne.s32 s31, $0x960;
	[sflag:s3] =	ssyncset.done $0x0  }
0x192: {  	s13 =	simm.s32 $0x2800;
	s31 =	sadd.s32 @p1 s31, s16;
	[sflag:s3] =	ssyncadd.s32 $0xFFFFEC00  }
0x193: {  	[spmem:s2] =	stream.indirect.scatter.add.f32 [tilespmem:s13], [sflag:$0x8], $0x40, s24, s7, $0xb8;
	[tilespmem:$0x1A680] =	vst v63  }
0x194: {  	s11 =	simm.s32 @p1 $0x0;
	s9 =	simm.s32 @p1 $0x6540;
	s0 =	sadd.s32 @p1 $0x78, s31  }
0x195: {  	[tilespmem:s9], [sflag:$0xD] =	stream.linear.gather @p1 [hbm4b:s0+s11], $0x50, $0x38;
	[tilespmem:$0x1A680] =	vst v63  }
0x196: {  	s14 =	simm.s32 @p1 $0x6;
	s0 =	sadd.s32 @p1 $0x9CB8, s31;
	s9 =	simm.s32 @p1 $0x6590  }
0x197: {  	[tilespmem:s9], [sflag:$0xD] =	stream.linear.gather @p1 [hbm4b:s0+s11], $0x50, $0x38;
	[tilespmem:$0x1A680] =	vst v63  }
0x198: {  	_ =	swait.ge @p1 [sflag:s14], $0x1400  }
0x199: {  	[sflag:s14] =	ssyncset.done @p1 $0x0  }
0x19a: {  	s0 =	simm.s32 @p1 $0xB;
	[sflag:s14] =	ssyncadd.s32 @p1 $0xFFFFEC00  }
0x19b: {  	_ =	swait.ge @p1 [sflag:s0], $0x50  }
0x19c: {  	[sflag:s0] =	ssyncset.done @p1 $0x0  }
0x19d: {  	[sflag:s0] =	ssyncadd.s32 @p1 $0xFFFFFFB0  }
0x19e: {  	_ =	swait.ge @p1 [sflag:s0], $0x50  }
0x19f: {  	s19 =	simm.s32 @p1 $0x50;
	[sflag:s0] =	ssyncset.done @p1 $0x0  }
0x1a0: {  	s9 =	simm.s32 @!p1 $0x6;
	s14 =	simm.s32 @p1 $0x6400;
	[sflag:s0] =	ssyncadd.s32 @p1 $0xFFFFFFB0  }
0x1a1: {  	[tilespmem:s11], [sflag:$0x1] =	stream.indirect.gather @p1 [spmem:s1], $0x40, s14, s19, $0xb8;
	[tilespmem:$0x1A680] =	vst v63  }
0x1a2: {  	_ =	swait.ge @!p1 [sflag:s9], $0x1400  }
0x1a3: {  	[sflag:s9] =	ssyncset.done @!p1 $0x0  }
0x1a4: {  	[sflag:s9] =	ssyncadd.s32 @!p1 $0xFFFFEC00  }
0x1a5: {  	_ =	swait.ge [sflag:s10], $0x1400  }
0x1a6: {  	[sflag:s10] =	ssyncset.done $0x0  }
0x1a7: {  	[sflag:s10] =	ssyncadd.s32 $0xFFFFEC00  }
0x1a8: {  	[spmem:s2] =	stream.indirect.scatter.add.f32 [tilespmem:s20], [sflag:$0x9], $0x40, s29, s7, $0xb8;
	[tilespmem:$0x1A680] =	vst v63  }
0x1a9: {  	s0 =	sadd.s32 @p1 $0x82, s31;
	s9 =	simm.s32 @p1 $0x65E0  }
0x1aa: {  	[tilespmem:s9], [sflag:$0xE] =	stream.linear.gather @p1 [hbm4b:s0+s11], $0x50, $0x38;
	[tilespmem:$0x1A680] =	vst v63  }
0x1ab: {  	s14 =	simm.s32 @p1 $0x7;
	s0 =	sadd.s32 @p1 $0x9CC2, s31;
	s9 =	simm.s32 @p1 $0x6630  }
0x1ac: {  	[tilespmem:s9], [sflag:$0xE] =	stream.linear.gather @p1 [hbm4b:s0+s11], $0x50, $0x38;
	[tilespmem:$0x1A680] =	vst v63  }
0x1ad: {  	_ =	swait.ge @p1 [sflag:s14], $0x1400  }
0x1ae: {  	[sflag:s14] =	ssyncset.done @p1 $0x0  }
0x1af: {  	s0 =	simm.s32 @p1 $0xC;
	[sflag:s14] =	ssyncadd.s32 @p1 $0xFFFFEC00  }
0x1b0: {  	_ =	swait.ge @p1 [sflag:s0], $0x50  }
0x1b1: {  	s30 =	sadd.s32 $0x64, s30;
	[sflag:s0] =	ssyncset.done @p1 $0x0  }
0x1b2: {  	p0 =	sne.s32 s30, $0x9C4;
	[sflag:s0] =	ssyncadd.s32 @p1 $0xFFFFFFB0  }
.Ltmp0:
0x1b3: {  	s28 =	simm.s32 $0x1;
	_ =	swait.ge @p1 [sflag:s0], $0x50;
	(pc) =	sbr.rel @p0 .LBB2_2-.Ltmp0, $4  }
0x1b4: {  	s8 =	simm.s32 $0x69F0;
	s9 =	simm.s32 @p1 $0x64A0;
	[sflag:s0] =	ssyncset.done @p1 $0x0  }
0x1b5: {  	s11 =	simm.s32 @p1 $0x1400;
	s14 =	simm.s32 @!p1 $0x7;
	[sflag:s0] =	ssyncadd.s32 @p1 $0xFFFFFFB0  }
0x1b6: {  	[tilespmem:s11], [sflag:$0x2] =	stream.indirect.gather @p1 [spmem:s1], $0x40, s9, s19, $0xb8;
	[tilespmem:$0x1A680] =	vst v63  }
0x1b7: {  	s21 =	simm.s32 $0x5000;
	s26 =	simm.s32 $0x6450;
	_ =	swait.ge @!p1 [sflag:s14], $0x1400  }
0x1b8: {  	[sflag:s14] =	ssyncset.done @!p1 $0x0  }
0x1b9: {  	s0 =	simm.s32 $0x5;
	[sflag:s14] =	ssyncadd.s32 @!p1 $0xFFFFEC00  }
0x1ba: {  	_ =	swait.ge [sflag:s0], $0x1400  }
0x1bb: {  	[sflag:s0] =	ssyncset.done $0x0  }
0x1bc: {  	s9 =	simm.s32 $0x8;
	[sflag:s0] =	ssyncadd.s32 $0xFFFFEC00  }
0x1bd: {  	[spmem:s2] =	stream.indirect.scatter.add.f32 [tilespmem:s21], [sflag:$0xA], $0x40, s8, s7, $0xb8;
	[tilespmem:$0x1A680] =	vst v63  }
0x1be: {  	_ =	swait.ge [sflag:s9], $0x1400  }
0x1bf: {  	[sflag:s9] =	ssyncset.done $0x0  }
0x1c0: {  	s21 =	simm.s32 $0x9;
	[sflag:s9] =	ssyncadd.s32 $0xFFFFEC00  }
0x1c1: {  	_ =	swait.ge [sflag:s21], $0x1400  }
0x1c2: {  	[sflag:s21] =	ssyncset.done $0x0  }
0x1c3: {  	s22 =	simm.s32 $0xA;
	[sflag:s21] =	ssyncadd.s32 $0xFFFFEC00  }
0x1c4: {  	_ =	swait.ge [sflag:s22], $0x1400  }
0x1c5: {  	[sflag:s22] =	ssyncset.done $0x0  }
0x1c6: {  	[sflag:s22] =	ssyncadd.s32 $0xFFFFEC00  }
0x1c7: {  	[bflag:$0x0] =	sbarrier.arrive $0xFFFF  }
0x1c8: {  	s11 =	rddreg [dreg:$0x11]  }
0x1c9: {  	s23 =	rddreg [dreg:$0x12]  }
0x1ca: {  	s3 =	simm.s32 $0x10;
	s14 =	simm.s32 $0x15;
	s21 =	rddreg [dreg:$0x14]  }
0x1cb: {  	[hbm:s23@s3], [sflag:s11] =	dma.strided [spmem:s21@s9], $0x1400, s28, $0x8   }
0x1cc: {  	_ =	swait.ge [sflag:s14], $0x1400  }
0x1cd: {  	s24 =	rddreg [dreg:$0x15]  }
0x1ce: {  	s28 =	rddreg [dreg:$0xf];
	s9 =	sadd.s32 $0x1, s24  }
0x1cf: {  	p0 =	sne.s32 s9, s28  }
.Ltmp1:
0x1d0: {  	_ = 	snop;
	(pc) =	sbr.rel @p0 .LBB2_1-.Ltmp1, $3  }
0x1d1: {  	_ =	sdelay $0x1  }
0x1d2: {  	s31 =	simm.s32 $0x64F0;
	s30 =	simm.s32 $0x6540;
	[sflag:s14] =	ssyncset.done $0x0  }
0x1d3: {  	s15 =	simm.s32 $0xD;
	s17 =	simm.s32 $0xE;
	[sflag:s14] =	ssyncadd.s32 $0xFFFFEC00  }
0x1d4: {  	_ =	sfence.sel $0x180000  }
0x1d5: {  	[bflag:$0x0] =	sbarrier.arrive $0xFFFF  }
0x1d6: {  	_ =	strace $0x9000004A  }
0x1d7: {  	s0 =	stileid.u32;
	[bflag:$0x2] =	sbarrier.arrive $0xFFFF  }
0x1d8: {  	p0 =	sne.s32 s0, $0x0;
	s0 =	rddreg [dreg:$0x4]  }
0x1d9: {  	s0 =	sadd.s32 @!p0 $0x100000, s0  }
0x1da: {  	[sflag:s0] =	ssyncadd.tile.s32 @!p0 $0x1;
	_ =	shalt  }
.Lfunc_end2:
_tile_overlayer_lowered:
.L_overlay_start_2:
0x1db: {  	(tag) =	ssettag $0x2  }
0x1dc: {  	s0 =	rddreg [dreg:$0x0];
	s2 =	stileid.u32  }
0x1dd: {  	s1 =	rddreg [dreg:$0x1];
	p0 =	sne.s32 s2, $0x0  }
0x1de: {  	s3 =	rddreg [dreg:$0x2];
	[bflag:$0x3] =	sbarrier.arrive $0xFFFF;
	s2 =	simm.s32 @!p0 $0x1C15  }
0x1df: {  	[timem:s3], [sflag:s2] =	dma.local @!p0 [hbm:s0], s1  }
0x1e0: {  	s0 =	simm.s32 @!p0 $0x15  }
0x1e1: {  	_ =	swait.ge @!p0 [sflag:s0], s1  }
0x1e2: {  	s1 =	ssub.s32 @!p0 $0x0, s1;
	[sflag:s0] =	ssyncset.done @!p0 $0x0  }
0x1e3: {  	[sflag:s0] =	ssyncadd.s32 @!p0 s1  }
0x1e4: {  	[bflag:$0x3] =	sbarrier.arrive $0xFFFF  }
0x1e5: {  	_ =	shalt  }

</sc_bundles>
